<compile_context>
chip_gen: v7x
topology: tpu7x:2x2x1
jax: 0.10.2.dev20260603
libtpu: 0.0.44.dev20260713+nightly
codegen_flags: <defaults>
</compile_context>

<pallas_src>
import functools

import jax
import jax.numpy as jnp
from jax import lax
from jax.experimental import pallas as pl
from jax.experimental.pallas import tpu as pltpu
from jax.experimental.pallas import tpu_sc as plsc

D = 50
V = 100000
B = 16384
K = 20
W128 = 128

NC = 2
NS = 16
NW = NC * NS

TB = B // NW
NBR = B * K // NW
CB = 8
CROWS = CB * K
NCH = NBR // CROWS
CC = 64

_RSPLIT = ((0, 128), (128, 32))


def _dot_row(buf, row, w0, w1, w2, w3):
    a0 = buf[row, pl.ds(0, 16)]
    a1 = buf[row, pl.ds(16, 16)]
    a2 = buf[row, pl.ds(32, 16)]
    a3 = buf[row, pl.ds(48, 16)]
    return a0 * w0 + a1 * w1 + a2 * w2 + a3 * w3


def _sc_scores(Wt, Wc, t, c, nf):
    mesh = plsc.VectorSubcoreMesh(core_axis_name="c", subcore_axis_name="s")

    @functools.partial(
        pl.kernel,
        mesh=mesh,
        compiler_params=pltpu.CompilerParams(use_tc_tiling_on_sc=False,
                                             needs_layout_passes=False),
        out_type=(
            jax.ShapeDtypeStruct((B,), jnp.float32),
            jax.ShapeDtypeStruct((B * K,), jnp.float32),
        ),
        scratch_types=[
            pltpu.VMEM((TB,), jnp.int32),
            pltpu.VMEM((TB,), jnp.int32),
            pltpu.VMEM((TB, W128), jnp.float32),
            pltpu.VMEM((CC, W128), jnp.float32),
            pltpu.VMEM((CROWS, W128), jnp.float32),
            pltpu.VMEM((CROWS, W128), jnp.float32),
            pltpu.VMEM((CROWS,), jnp.int32),
            pltpu.VMEM((CROWS,), jnp.int32),
            pltpu.VMEM((TB,), jnp.float32),
            pltpu.VMEM((NBR,), jnp.float32),
            pltpu.VMEM((80 * 17,), jnp.float32),
            pltpu.SemaphoreType.DMA,
            pltpu.SemaphoreType.DMA,
            pltpu.SemaphoreType.DMA,
            pltpu.SemaphoreType.DMA,
            pltpu.SemaphoreType.DMA,
        ],
    )
    def k(wt_hbm, wc_hbm, t_hbm, c_hbm, n_hbm, pos_hbm, neg_hbm,
          tix, cix, vt_v, cbuf, nb0, nb1, nix0, nix1, pos_v, neg_v, stage,
          sem0, semA, semB, semIA, semIB):
        wid = lax.axis_index("s") * NC + lax.axis_index("c")
        tb = wid * TB
        nbase = wid * NBR
        lanes = lax.iota(jnp.int32, 16)
        last = lanes == 15

        bfly = [lanes ^ 1, lanes ^ 2, lanes ^ 4, lanes ^ 8]
        low4 = lanes < 4

        _dnums = lax.GatherDimensionNumbers(
            offset_dims=(), collapsed_slice_dims=(0,), start_index_map=(0,))

        def _dyng(v, idx):
            return lax.gather(v, idx[:, None], _dnums, (1,),
                              mode=lax.GatherScatterMode.PROMISE_IN_BOUNDS)

        def allsum(v):
            for bx in bfly:
                v = v + _dyng(v, bx)
            return v

        def fetch_rows(ixref, buf, sem):
            for off, ln in _RSPLIT:
                pltpu.async_copy(wc_hbm.at[ixref.at[pl.ds(off, ln)]],
                                 buf.at[pl.ds(off, ln)], sem)

        def drain_rows(buf, sem):
            for off, ln in _RSPLIT:
                pltpu.make_async_copy(wc_hbm.at[pl.ds(0, ln)],
                                      buf.at[pl.ds(off, ln)], sem).wait()

        def drain_idx(nix, sem):
            pltpu.make_async_copy(n_hbm.at[pl.ds(0, CROWS)], nix, sem).wait()

        pltpu.sync_copy(t_hbm.at[pl.ds(tb, TB)], tix)
        hvt = [pltpu.async_copy(wt_hbm.at[tix.at[pl.ds(j * 128, 128)]],
                                vt_v.at[pl.ds(j * 128, 128)], sem0)
               for j in range(TB // 128)]
        pltpu.sync_copy(c_hbm.at[pl.ds(tb, TB)], cix)
        hia = pltpu.async_copy(n_hbm.at[pl.ds(nbase, CROWS)], nix0, semIA)
        pltpu.async_copy(n_hbm.at[pl.ds(nbase + CROWS, CROWS)], nix1, semIB)
        for h in hvt:
            h.wait()
        hia.wait()
        fetch_rows(nix0, nb0, semA)

        cbufs = (cbuf, nb1)
        hc = pltpu.async_copy(wc_hbm.at[cix.at[pl.ds(0, CC)]],
                              cbufs[0].at[pl.ds(0, CC)], sem0)
        for j in range(TB // CC):
            if j + 1 < TB // CC:
                hc_next = pltpu.async_copy(
                    wc_hbm.at[cix.at[pl.ds((j + 1) * CC, CC)]],
                    cbufs[(j + 1) % 2].at[pl.ds(0, CC)], sem0)
            hc.wait()
            cb = cbufs[j % 2]

            def pos_body(bi, carry, _j=j, _cb=cb):
                vb = _j * CC + bi
                w0 = vt_v[vb, pl.ds(0, 16)]
                w1 = vt_v[vb, pl.ds(16, 16)]
                w2 = vt_v[vb, pl.ds(32, 16)]
                w3 = vt_v[vb, pl.ds(48, 16)]
                s = _dot_row(_cb, bi, w0, w1, w2, w3)
                cs = lax.cumsum(s, axis=0)
                plsc.store_scatter(pos_v, [jnp.full((16,), vb, jnp.int32)],
                                   cs, mask=last)
                return carry

            lax.fori_loop(0, CC, pos_body, 0)
            if j + 1 < TB // CC:
                hc = hc_next

        def compute(cidx, buf):
            cb0 = cidx * CB

            def bbody(bi, carry):
                vb = cb0 + bi
                w0 = vt_v[vb, pl.ds(0, 16)]
                w1 = vt_v[vb, pl.ds(16, 16)]
                w2 = vt_v[vb, pl.ds(32, 16)]
                w3 = vt_v[vb, pl.ds(48, 16)]
                base = cidx * CROWS + bi * K
                res0 = jnp.zeros((16,), jnp.float32)
                res1 = jnp.zeros((16,), jnp.float32)
                for kk in range(K):
                    s = allsum(_dot_row(buf, bi * K + kk, w0, w1, w2, w3))
                    if kk < 16:
                        res0 = jnp.where(lanes == kk, s, res0)
                    else:
                        res1 = jnp.where(lanes == kk - 16, s, res1)
                plsc.store_scatter(neg_v, [lanes + base], res0)
                plsc.store_scatter(neg_v, [lanes + (base + 16)], res1,
                                   mask=low4)
                return carry

            lax.fori_loop(0, CB, bbody, 0)

        def pair_body(p, carry):
            a = 2 * p
            bchunk = a + 1
            more = p < NCH // 2 - 1

            drain_idx(nix1, semIB)
            fetch_rows(nix1, nb1, semB)
            drain_rows(nb0, semA)

            @pl.when(more)
            def _():
                pltpu.async_copy(n_hbm.at[pl.ds(nbase + (a + 2) * CROWS,
                                                CROWS)], nix0, semIA)

            compute(a, nb0)

            @pl.when(more)
            def _():
                drain_idx(nix0, semIA)
                fetch_rows(nix0, nb0, semA)

            drain_rows(nb1, semB)

            @pl.when(more)
            def _():
                pltpu.async_copy(n_hbm.at[pl.ds(nbase + (bchunk + 2) * CROWS,
                                                CROWS)], nix1, semIB)

            compute(bchunk, nb1)
            return carry

        lax.fori_loop(0, NCH // 2, pair_body, 0)

        pltpu.sync_copy(pos_v, pos_hbm.at[pl.ds(tb, TB)])
        pltpu.sync_copy(neg_v, neg_hbm.at[pl.ds(nbase, NBR)])

    return k(Wt, Wc, t, c, nf)


_RB = 1024


def _repack_body(xt_ref, sel_ref, out_ref):
    xt = xt_ref[...]
    sel = sel_ref[...]
    out_ref[...] = lax.dot_general(xt, sel, (((0,), (0,)), ((), ())),
                                   preferred_element_type=jnp.float32)


def _repack(Wx, sel):
    return pl.pallas_call(
        _repack_body,
        grid=(pl.cdiv(V, _RB),),
        in_specs=[
            pl.BlockSpec((D, _RB), lambda i: (0, i)),
            pl.BlockSpec((D, W128), lambda i: (0, 0)),
        ],
        out_specs=pl.BlockSpec((_RB, W128), lambda i: (i, 0)),
        out_shape=jax.ShapeDtypeStruct((V, W128), jnp.float32),
    )(Wx.T, sel)


def _tc_loss_body(pos_ref, neg_ref, out_ref):
    pos = pos_ref[...]
    neg = neg_ref[...]
    pos_l = -jnp.log(1.0 / (1.0 + jnp.exp(-pos)) + 1e-10)
    neg_l = -jnp.log(1.0 / (1.0 + jnp.exp(neg)) + 1e-10)
    out_ref[0, 0] = (jnp.sum(pos_l) + jnp.sum(neg_l)) * (1.0 / B)


def _tc_loss(pos, neg):
    return pl.pallas_call(
        _tc_loss_body,
        out_specs=pl.BlockSpec(memory_space=pltpu.SMEM),
        out_shape=jax.ShapeDtypeStruct((1, 1), jnp.float32),
    )(pos.reshape(B // 128, 128), neg.reshape(B * K // 128, 128))


def kernel(t, c, n, Wt, Wc):
    t = t.astype(jnp.int32)
    c = c.astype(jnp.int32)
    nf = n.reshape(-1).astype(jnp.int32)
    Wt128 = jnp.pad(Wt, ((0, 0), (0, W128 - D)))
    Wc128 = jnp.pad(Wc, ((0, 0), (0, W128 - D)))
    pos, neg = _sc_scores(Wt128, Wc128, t, c, nf)
    return _tc_loss(pos, neg)[0, 0]

# --- scband reference (transcript-rebuilt; emitter-appended) ---
"""Pipeline reference for scband-sgns-30777735643425 (READ-ONLY COPY).

The authoritative reference and input builder live on the scoring server;
editing this copy changes nothing except your own understanding.
"""

import jax, jax.numpy as jnp
import numpy as np

EMBED_DIM = 50
VOCAB = 100000
BATCH = 16384
NEG = 20

def setup_inputs(seed: int = 0) -> dict:
    key = jax.random.key(seed)
    k1, k2, k3, k4, k5 = jax.random.split(key, 5)
    t = jax.random.randint(k1, (BATCH,), 0, VOCAB)
    c = jax.random.randint(k2, (BATCH,), 0, VOCAB)
    n = jax.random.randint(k3, (BATCH, NEG), 0, VOCAB)
    init = 0.5 / EMBED_DIM
    Wt = jax.random.uniform(k4, (VOCAB, EMBED_DIM), minval=-init, maxval=init, dtype=jnp.float32)
    Wc = jax.random.uniform(k5, (VOCAB, EMBED_DIM), minval=-init, maxval=init, dtype=jnp.float32)
    return {"t": t, "c": c, "n": n, "Wt": Wt, "Wc": Wc}


def reference(t, c, n, Wt, Wc):
    # Embedding lookups (gather)
    vt = jnp.take(Wt, t, axis=0)            # [B, D]
    vc = jnp.take(Wc, c, axis=0)            # [B, D]
    vn = jnp.take(Wc, n, axis=0)            # [B, K, D]
    # Positive loss
    pos_scores = (vt * vc).sum(axis=1)      # [B]
    pos_loss = -jnp.log(jax.nn.sigmoid(pos_scores) + 1e-10).mean()
    # Negative loss: bmm(vn, vt.unsqueeze(2)).squeeze() -> [B, K]
    neg_scores = jnp.einsum("bkd,bd->bk", vn, vt)
    neg_loss = -jnp.log(jax.nn.sigmoid(-neg_scores) + 1e-10).sum(axis=1).mean()
    return pos_loss + neg_loss

if __name__ == "__main__":
    import jax
    _d = setup_inputs()
    print(jax.jit(kernel)(*tuple(_d.values())))

</pallas_src>

<mosaic_0001>
#map = affine_map<(d0, d1) -> (0, 0)>
#map1 = affine_map<(d0, d1) -> (0)>
module attributes {stable_mosaic.version = 14 : i64} {
  func.func @k(%arg0: i32, %arg1: i32, %arg2: memref<100000x128xf32, #tpu.memory_space<hbm>>, %arg3: memref<100000x128xf32, #tpu.memory_space<hbm>>, %arg4: memref<16384xi32, #tpu.memory_space<hbm>>, %arg5: memref<16384xi32, #tpu.memory_space<hbm>>, %arg6: memref<327680xi32, #tpu.memory_space<hbm>>, %arg7: memref<16384xf32, #tpu.memory_space<hbm>>, %arg8: memref<327680xf32, #tpu.memory_space<hbm>>, %arg9: memref<512xi32, #tpu.memory_space<vmem>>, %arg10: memref<512xi32, #tpu.memory_space<vmem>>, %arg11: memref<512x128xf32, #tpu.memory_space<vmem>>, %arg12: memref<64x128xf32, #tpu.memory_space<vmem>>, %arg13: memref<160x128xf32, #tpu.memory_space<vmem>>, %arg14: memref<160x128xf32, #tpu.memory_space<vmem>>, %arg15: memref<160xi32, #tpu.memory_space<vmem>>, %arg16: memref<160xi32, #tpu.memory_space<vmem>>, %arg17: memref<512xf32, #tpu.memory_space<vmem>>, %arg18: memref<10240xf32, #tpu.memory_space<vmem>>, %arg19: memref<1360xf32, #tpu.memory_space<vmem>>, %arg20: memref<!tpu.dma_semaphore, #tpu.memory_space<semaphore_mem>>, %arg21: memref<!tpu.dma_semaphore, #tpu.memory_space<semaphore_mem>>, %arg22: memref<!tpu.dma_semaphore, #tpu.memory_space<semaphore_mem>>, %arg23: memref<!tpu.dma_semaphore, #tpu.memory_space<semaphore_mem>>, %arg24: memref<!tpu.dma_semaphore, #tpu.memory_space<semaphore_mem>>) attributes {dimension_semantics = [#tpu.dimension_semantics<core_parallel>, #tpu.dimension_semantics<subcore_parallel>], iteration_bounds = array<i64: 2, 16>, scalar_prefetch = 0 : i64, scratch_operands = 16 : i64, tpu.core_type = #tpu.core_type<sc_vector_subcore>, window_params = [{transform_indices = #map}, {transform_indices = #map}, {transform_indices = #map1}, {transform_indices = #map1}, {transform_indices = #map1}, {transform_indices = #map1}, {transform_indices = #map1}]} {
    %mul3A = arith.constant 2 : i32
    %mul3A_0 = arith.muli %arg1, %mul3A : i32
    %add3A = arith.addi %mul3A_0, %arg0 : i32
    %mul3A_1 = arith.constant 512 : i32
    %mul3A_2 = arith.muli %add3A, %mul3A_1 : i32
    %mul3A_3 = arith.constant 10240 : i32
    %mul3A_4 = arith.muli %add3A, %mul3A_3 : i32
    %iota3A = tpu.iota {dimensions = array<i32: 0>} : vector<16xi32>
    %eq3A = arith.constant 15 : i32
    %eq3A_5 = vector.broadcast %eq3A : i32 to vector<16xi32>
    %eq3A_6 = arith.cmpi eq, %iota3A, %eq3A_5 : vector<16xi32>
    %xor3A = arith.constant 1 : i32
    %xor3A_7 = vector.broadcast %xor3A : i32 to vector<16xi32>
    %xor3A_8 = arith.xori %iota3A, %xor3A_7 : vector<16xi32>
    %xor3A_9 = arith.constant 2 : i32
    %xor3A_10 = vector.broadcast %xor3A_9 : i32 to vector<16xi32>
    %xor3A_11 = arith.xori %iota3A, %xor3A_10 : vector<16xi32>
    %xor3A_12 = arith.constant 4 : i32
    %xor3A_13 = vector.broadcast %xor3A_12 : i32 to vector<16xi32>
    %xor3A_14 = arith.xori %iota3A, %xor3A_13 : vector<16xi32>
    %xor3A_15 = arith.constant 8 : i32
    %xor3A_16 = vector.broadcast %xor3A_15 : i32 to vector<16xi32>
    %xor3A_17 = arith.xori %iota3A, %xor3A_16 : vector<16xi32>
    %lt3A = arith.constant 4 : i32
    %lt3A_18 = vector.broadcast %lt3A : i32 to vector<16xi32>
    %lt3A_19 = arith.cmpi slt, %iota3A, %lt3A_18 : vector<16xi32>
    "tpu.region"() ({
      %run_scoped3A = tpu.sem_alloc : memref<!tpu.dma_semaphore, #tpu.memory_space<semaphore_mem>>
      %dma_start3A_287 = tpu.memref_slice %arg4[%mul3A_2] : memref<16384xi32, #tpu.memory_space<hbm>> -> memref<512xi32, #tpu.memory_space<hbm>>
      %dma_start3A_288 = tpu.memref_slice %arg4[%mul3A_2] : memref<16384xi32, #tpu.memory_space<hbm>> -> memref<512xi32, #tpu.memory_space<hbm>>
      tpu.enqueue_dma source(%dma_start3A_288 : memref<512xi32, #tpu.memory_space<hbm>>) target(%arg9 : memref<512xi32, #tpu.memory_space<vmem>>) target_semaphore(%run_scoped3A : memref<!tpu.dma_semaphore, #tpu.memory_space<semaphore_mem>>)
      %dma_wait3A_289 = tpu.memref_slice %arg4[%mul3A_2] : memref<16384xi32, #tpu.memory_space<hbm>> -> memref<512xi32, #tpu.memory_space<hbm>>
      %dma_wait3A_290 = tpu.memref_slice %arg4[%mul3A_2] : memref<16384xi32, #tpu.memory_space<hbm>> -> memref<512xi32, #tpu.memory_space<hbm>>
      tpu.wait_dma2 semaphore(%run_scoped3A : memref<!tpu.dma_semaphore, #tpu.memory_space<semaphore_mem>>) src(%dma_wait3A_290 : memref<512xi32, #tpu.memory_space<hbm>>) dst(%arg9 : memref<512xi32, #tpu.memory_space<vmem>>)
      tpu.yield
    }) : () -> ()
    %dma_start3A = arith.constant 0 : i32
    %dma_start3A_20 = arith.constant 0 : i32
    %dma_start3A_21 = tpu.memref_slice %arg11[%dma_start3A, %dma_start3A_20] : memref<512x128xf32, #tpu.memory_space<vmem>> -> memref<128x128xf32, #tpu.memory_space<vmem>>
    %dma_start3A_22 = arith.constant 0 : i32
    %dma_start3A_23 = tpu.memref_slice %arg9[%dma_start3A_22] : memref<512xi32, #tpu.memory_space<vmem>> -> memref<128xi32, #tpu.memory_space<vmem>>
    %dma_start3A_24 = arith.constant 0 : i32
    %dma_start3A_25 = arith.constant 0 : i32
    %dma_start3A_26 = tpu.memref_slice %arg2[%dma_start3A_24, %dma_start3A_25] : memref<100000x128xf32, #tpu.memory_space<hbm>> -> memref<100000x128xf32, #tpu.memory_space<hbm>>
    tpu.enqueue_indirect_dma source(%dma_start3A_26 : memref<100000x128xf32, #tpu.memory_space<hbm>>) target(%dma_start3A_21 : memref<128x128xf32, #tpu.memory_space<vmem>>) offsets(%dma_start3A_23 : memref<128xi32, #tpu.memory_space<vmem>>) semaphore(%arg20 : memref<!tpu.dma_semaphore, #tpu.memory_space<semaphore_mem>>)
    %dma_start3A_27 = arith.constant 128 : i32
    %dma_start3A_28 = arith.constant 0 : i32
    %dma_start3A_29 = tpu.memref_slice %arg11[%dma_start3A_27, %dma_start3A_28] : memref<512x128xf32, #tpu.memory_space<vmem>> -> memref<128x128xf32, #tpu.memory_space<vmem>>
    %dma_start3A_30 = arith.constant 128 : i32
    %dma_start3A_31 = tpu.memref_slice %arg9[%dma_start3A_30] : memref<512xi32, #tpu.memory_space<vmem>> -> memref<128xi32, #tpu.memory_space<vmem>>
    %dma_start3A_32 = arith.constant 0 : i32
    %dma_start3A_33 = arith.constant 0 : i32
    %dma_start3A_34 = tpu.memref_slice %arg2[%dma_start3A_32, %dma_start3A_33] : memref<100000x128xf32, #tpu.memory_space<hbm>> -> memref<100000x128xf32, #tpu.memory_space<hbm>>
    tpu.enqueue_indirect_dma source(%dma_start3A_34 : memref<100000x128xf32, #tpu.memory_space<hbm>>) target(%dma_start3A_29 : memref<128x128xf32, #tpu.memory_space<vmem>>) offsets(%dma_start3A_31 : memref<128xi32, #tpu.memory_space<vmem>>) semaphore(%arg20 : memref<!tpu.dma_semaphore, #tpu.memory_space<semaphore_mem>>)
    %dma_start3A_35 = arith.constant 256 : i32
    %dma_start3A_36 = arith.constant 0 : i32
    %dma_start3A_37 = tpu.memref_slice %arg11[%dma_start3A_35, %dma_start3A_36] : memref<512x128xf32, #tpu.memory_space<vmem>> -> memref<128x128xf32, #tpu.memory_space<vmem>>
    %dma_start3A_38 = arith.constant 256 : i32
    %dma_start3A_39 = tpu.memref_slice %arg9[%dma_start3A_38] : memref<512xi32, #tpu.memory_space<vmem>> -> memref<128xi32, #tpu.memory_space<vmem>>
    %dma_start3A_40 = arith.constant 0 : i32
    %dma_start3A_41 = arith.constant 0 : i32
    %dma_start3A_42 = tpu.memref_slice %arg2[%dma_start3A_40, %dma_start3A_41] : memref<100000x128xf32, #tpu.memory_space<hbm>> -> memref<100000x128xf32, #tpu.memory_space<hbm>>
    tpu.enqueue_indirect_dma source(%dma_start3A_42 : memref<100000x128xf32, #tpu.memory_space<hbm>>) target(%dma_start3A_37 : memref<128x128xf32, #tpu.memory_space<vmem>>) offsets(%dma_start3A_39 : memref<128xi32, #tpu.memory_space<vmem>>) semaphore(%arg20 : memref<!tpu.dma_semaphore, #tpu.memory_space<semaphore_mem>>)
    %dma_start3A_43 = arith.constant 384 : i32
    %dma_start3A_44 = arith.constant 0 : i32
    %dma_start3A_45 = tpu.memref_slice %arg11[%dma_start3A_43, %dma_start3A_44] : memref<512x128xf32, #tpu.memory_space<vmem>> -> memref<128x128xf32, #tpu.memory_space<vmem>>
    %dma_start3A_46 = arith.constant 384 : i32
    %dma_start3A_47 = tpu.memref_slice %arg9[%dma_start3A_46] : memref<512xi32, #tpu.memory_space<vmem>> -> memref<128xi32, #tpu.memory_space<vmem>>
    %dma_start3A_48 = arith.constant 0 : i32
    %dma_start3A_49 = arith.constant 0 : i32
    %dma_start3A_50 = tpu.memref_slice %arg2[%dma_start3A_48, %dma_start3A_49] : memref<100000x128xf32, #tpu.memory_space<hbm>> -> memref<100000x128xf32, #tpu.memory_space<hbm>>
    tpu.enqueue_indirect_dma source(%dma_start3A_50 : memref<100000x128xf32, #tpu.memory_space<hbm>>) target(%dma_start3A_45 : memref<128x128xf32, #tpu.memory_space<vmem>>) offsets(%dma_start3A_47 : memref<128xi32, #tpu.memory_space<vmem>>) semaphore(%arg20 : memref<!tpu.dma_semaphore, #tpu.memory_space<semaphore_mem>>)
    "tpu.region"() ({
      %run_scoped3A = tpu.sem_alloc : memref<!tpu.dma_semaphore, #tpu.memory_space<semaphore_mem>>
      %dma_start3A_287 = tpu.memref_slice %arg5[%mul3A_2] : memref<16384xi32, #tpu.memory_space<hbm>> -> memref<512xi32, #tpu.memory_space<hbm>>
      %dma_start3A_288 = tpu.memref_slice %arg5[%mul3A_2] : memref<16384xi32, #tpu.memory_space<hbm>> -> memref<512xi32, #tpu.memory_space<hbm>>
      tpu.enqueue_dma source(%dma_start3A_288 : memref<512xi32, #tpu.memory_space<hbm>>) target(%arg10 : memref<512xi32, #tpu.memory_space<vmem>>) target_semaphore(%run_scoped3A : memref<!tpu.dma_semaphore, #tpu.memory_space<semaphore_mem>>)
      %dma_wait3A_289 = tpu.memref_slice %arg5[%mul3A_2] : memref<16384xi32, #tpu.memory_space<hbm>> -> memref<512xi32, #tpu.memory_space<hbm>>
      %dma_wait3A_290 = tpu.memref_slice %arg5[%mul3A_2] : memref<16384xi32, #tpu.memory_space<hbm>> -> memref<512xi32, #tpu.memory_space<hbm>>
      tpu.wait_dma2 semaphore(%run_scoped3A : memref<!tpu.dma_semaphore, #tpu.memory_space<semaphore_mem>>) src(%dma_wait3A_290 : memref<512xi32, #tpu.memory_space<hbm>>) dst(%arg10 : memref<512xi32, #tpu.memory_space<vmem>>)
      tpu.yield
    }) : () -> ()
    %dma_start3A_51 = tpu.memref_slice %arg6[%mul3A_4] : memref<327680xi32, #tpu.memory_space<hbm>> -> memref<160xi32, #tpu.memory_space<hbm>>
    %dma_start3A_52 = tpu.memref_slice %arg6[%mul3A_4] : memref<327680xi32, #tpu.memory_space<hbm>> -> memref<160xi32, #tpu.memory_space<hbm>>
    tpu.enqueue_dma source(%dma_start3A_52 : memref<160xi32, #tpu.memory_space<hbm>>) target(%arg15 : memref<160xi32, #tpu.memory_space<vmem>>) target_semaphore(%arg23 : memref<!tpu.dma_semaphore, #tpu.memory_space<semaphore_mem>>)
    %add3A_53 = arith.constant 160 : i32
    %add3A_54 = arith.addi %mul3A_4, %add3A_53 : i32
    %dma_start3A_55 = tpu.memref_slice %arg6[%add3A_54] : memref<327680xi32, #tpu.memory_space<hbm>> -> memref<160xi32, #tpu.memory_space<hbm>>
    %dma_start3A_56 = tpu.memref_slice %arg6[%add3A_54] : memref<327680xi32, #tpu.memory_space<hbm>> -> memref<160xi32, #tpu.memory_space<hbm>>
    tpu.enqueue_dma source(%dma_start3A_56 : memref<160xi32, #tpu.memory_space<hbm>>) target(%arg16 : memref<160xi32, #tpu.memory_space<vmem>>) target_semaphore(%arg24 : memref<!tpu.dma_semaphore, #tpu.memory_space<semaphore_mem>>)
    %dma_wait3A = arith.constant 0 : i32
    %dma_wait3A_57 = arith.constant 0 : i32
    %dma_wait3A_58 = tpu.memref_slice %arg11[%dma_wait3A, %dma_wait3A_57] : memref<512x128xf32, #tpu.memory_space<vmem>> -> memref<128x128xf32, #tpu.memory_space<vmem>>
    %dma_wait3A_59 = arith.constant 0 : i32
    %dma_wait3A_60 = tpu.memref_slice %arg9[%dma_wait3A_59] : memref<512xi32, #tpu.memory_space<vmem>> -> memref<128xi32, #tpu.memory_space<vmem>>
    %dma_wait3A_61 = arith.constant 0 : i32
    %dma_wait3A_62 = arith.constant 0 : i32
    %dma_wait3A_63 = tpu.memref_slice %arg2[%dma_wait3A_61, %dma_wait3A_62] : memref<100000x128xf32, #tpu.memory_space<hbm>> -> memref<100000x128xf32, #tpu.memory_space<hbm>>
    tpu.wait_indirect_dma semaphore(%arg20 : memref<!tpu.dma_semaphore, #tpu.memory_space<semaphore_mem>>) src(%dma_wait3A_63 : memref<100000x128xf32, #tpu.memory_space<hbm>>) dst(%dma_wait3A_58 : memref<128x128xf32, #tpu.memory_space<vmem>>)
    %dma_wait3A_64 = arith.constant 128 : i32
    %dma_wait3A_65 = arith.constant 0 : i32
    %dma_wait3A_66 = tpu.memref_slice %arg11[%dma_wait3A_64, %dma_wait3A_65] : memref<512x128xf32, #tpu.memory_space<vmem>> -> memref<128x128xf32, #tpu.memory_space<vmem>>
    %dma_wait3A_67 = arith.constant 128 : i32
    %dma_wait3A_68 = tpu.memref_slice %arg9[%dma_wait3A_67] : memref<512xi32, #tpu.memory_space<vmem>> -> memref<128xi32, #tpu.memory_space<vmem>>
    %dma_wait3A_69 = arith.constant 0 : i32
    %dma_wait3A_70 = arith.constant 0 : i32
    %dma_wait3A_71 = tpu.memref_slice %arg2[%dma_wait3A_69, %dma_wait3A_70] : memref<100000x128xf32, #tpu.memory_space<hbm>> -> memref<100000x128xf32, #tpu.memory_space<hbm>>
    tpu.wait_indirect_dma semaphore(%arg20 : memref<!tpu.dma_semaphore, #tpu.memory_space<semaphore_mem>>) src(%dma_wait3A_71 : memref<100000x128xf32, #tpu.memory_space<hbm>>) dst(%dma_wait3A_66 : memref<128x128xf32, #tpu.memory_space<vmem>>)
    %dma_wait3A_72 = arith.constant 256 : i32
    %dma_wait3A_73 = arith.constant 0 : i32
    %dma_wait3A_74 = tpu.memref_slice %arg11[%dma_wait3A_72, %dma_wait3A_73] : memref<512x128xf32, #tpu.memory_space<vmem>> -> memref<128x128xf32, #tpu.memory_space<vmem>>
    %dma_wait3A_75 = arith.constant 256 : i32
    %dma_wait3A_76 = tpu.memref_slice %arg9[%dma_wait3A_75] : memref<512xi32, #tpu.memory_space<vmem>> -> memref<128xi32, #tpu.memory_space<vmem>>
    %dma_wait3A_77 = arith.constant 0 : i32
    %dma_wait3A_78 = arith.constant 0 : i32
    %dma_wait3A_79 = tpu.memref_slice %arg2[%dma_wait3A_77, %dma_wait3A_78] : memref<100000x128xf32, #tpu.memory_space<hbm>> -> memref<100000x128xf32, #tpu.memory_space<hbm>>
    tpu.wait_indirect_dma semaphore(%arg20 : memref<!tpu.dma_semaphore, #tpu.memory_space<semaphore_mem>>) src(%dma_wait3A_79 : memref<100000x128xf32, #tpu.memory_space<hbm>>) dst(%dma_wait3A_74 : memref<128x128xf32, #tpu.memory_space<vmem>>)
    %dma_wait3A_80 = arith.constant 384 : i32
    %dma_wait3A_81 = arith.constant 0 : i32
    %dma_wait3A_82 = tpu.memref_slice %arg11[%dma_wait3A_80, %dma_wait3A_81] : memref<512x128xf32, #tpu.memory_space<vmem>> -> memref<128x128xf32, #tpu.memory_space<vmem>>
    %dma_wait3A_83 = arith.constant 384 : i32
    %dma_wait3A_84 = tpu.memref_slice %arg9[%dma_wait3A_83] : memref<512xi32, #tpu.memory_space<vmem>> -> memref<128xi32, #tpu.memory_space<vmem>>
    %dma_wait3A_85 = arith.constant 0 : i32
    %dma_wait3A_86 = arith.constant 0 : i32
    %dma_wait3A_87 = tpu.memref_slice %arg2[%dma_wait3A_85, %dma_wait3A_86] : memref<100000x128xf32, #tpu.memory_space<hbm>> -> memref<100000x128xf32, #tpu.memory_space<hbm>>
    tpu.wait_indirect_dma semaphore(%arg20 : memref<!tpu.dma_semaphore, #tpu.memory_space<semaphore_mem>>) src(%dma_wait3A_87 : memref<100000x128xf32, #tpu.memory_space<hbm>>) dst(%dma_wait3A_82 : memref<128x128xf32, #tpu.memory_space<vmem>>)
    %dma_wait3A_88 = tpu.memref_slice %arg6[%mul3A_4] : memref<327680xi32, #tpu.memory_space<hbm>> -> memref<160xi32, #tpu.memory_space<hbm>>
    %dma_wait3A_89 = tpu.memref_slice %arg6[%mul3A_4] : memref<327680xi32, #tpu.memory_space<hbm>> -> memref<160xi32, #tpu.memory_space<hbm>>
    tpu.wait_dma2 semaphore(%arg23 : memref<!tpu.dma_semaphore, #tpu.memory_space<semaphore_mem>>) src(%dma_wait3A_89 : memref<160xi32, #tpu.memory_space<hbm>>) dst(%arg15 : memref<160xi32, #tpu.memory_space<vmem>>)
    %dma_start3A_90 = arith.constant 0 : i32
    %dma_start3A_91 = arith.constant 0 : i32
    %dma_start3A_92 = tpu.memref_slice %arg13[%dma_start3A_90, %dma_start3A_91] : memref<160x128xf32, #tpu.memory_space<vmem>> -> memref<128x128xf32, #tpu.memory_space<vmem>>
    %dma_start3A_93 = arith.constant 0 : i32
    %dma_start3A_94 = tpu.memref_slice %arg15[%dma_start3A_93] : memref<160xi32, #tpu.memory_space<vmem>> -> memref<128xi32, #tpu.memory_space<vmem>>
    %dma_start3A_95 = arith.constant 0 : i32
    %dma_start3A_96 = arith.constant 0 : i32
    %dma_start3A_97 = tpu.memref_slice %arg3[%dma_start3A_95, %dma_start3A_96] : memref<100000x128xf32, #tpu.memory_space<hbm>> -> memref<100000x128xf32, #tpu.memory_space<hbm>>
    tpu.enqueue_indirect_dma source(%dma_start3A_97 : memref<100000x128xf32, #tpu.memory_space<hbm>>) target(%dma_start3A_92 : memref<128x128xf32, #tpu.memory_space<vmem>>) offsets(%dma_start3A_94 : memref<128xi32, #tpu.memory_space<vmem>>) semaphore(%arg21 : memref<!tpu.dma_semaphore, #tpu.memory_space<semaphore_mem>>)
    %dma_start3A_98 = arith.constant 128 : i32
    %dma_start3A_99 = arith.constant 0 : i32
    %dma_start3A_100 = tpu.memref_slice %arg13[%dma_start3A_98, %dma_start3A_99] : memref<160x128xf32, #tpu.memory_space<vmem>> -> memref<32x128xf32, #tpu.memory_space<vmem>>
    %dma_start3A_101 = arith.constant 128 : i32
    %dma_start3A_102 = tpu.memref_slice %arg15[%dma_start3A_101] : memref<160xi32, #tpu.memory_space<vmem>> -> memref<32xi32, #tpu.memory_space<vmem>>
    %dma_start3A_103 = arith.constant 0 : i32
    %dma_start3A_104 = arith.constant 0 : i32
    %dma_start3A_105 = tpu.memref_slice %arg3[%dma_start3A_103, %dma_start3A_104] : memref<100000x128xf32, #tpu.memory_space<hbm>> -> memref<100000x128xf32, #tpu.memory_space<hbm>>
    tpu.enqueue_indirect_dma source(%dma_start3A_105 : memref<100000x128xf32, #tpu.memory_space<hbm>>) target(%dma_start3A_100 : memref<32x128xf32, #tpu.memory_space<vmem>>) offsets(%dma_start3A_102 : memref<32xi32, #tpu.memory_space<vmem>>) semaphore(%arg21 : memref<!tpu.dma_semaphore, #tpu.memory_space<semaphore_mem>>)
    %dma_start3A_106 = arith.constant 0 : i32
    %dma_start3A_107 = arith.constant 0 : i32
    %dma_start3A_108 = tpu.memref_slice %arg12[%dma_start3A_106, %dma_start3A_107] : memref<64x128xf32, #tpu.memory_space<vmem>> -> memref<64x128xf32, #tpu.memory_space<vmem>>
    %dma_start3A_109 = arith.constant 0 : i32
    %dma_start3A_110 = tpu.memref_slice %arg10[%dma_start3A_109] : memref<512xi32, #tpu.memory_space<vmem>> -> memref<64xi32, #tpu.memory_space<vmem>>
    %dma_start3A_111 = arith.constant 0 : i32
    %dma_start3A_112 = arith.constant 0 : i32
    %dma_start3A_113 = tpu.memref_slice %arg3[%dma_start3A_111, %dma_start3A_112] : memref<100000x128xf32, #tpu.memory_space<hbm>> -> memref<100000x128xf32, #tpu.memory_space<hbm>>
    tpu.enqueue_indirect_dma source(%dma_start3A_113 : memref<100000x128xf32, #tpu.memory_space<hbm>>) target(%dma_start3A_108 : memref<64x128xf32, #tpu.memory_space<vmem>>) offsets(%dma_start3A_110 : memref<64xi32, #tpu.memory_space<vmem>>) semaphore(%arg20 : memref<!tpu.dma_semaphore, #tpu.memory_space<semaphore_mem>>)
    %dma_start3A_114 = arith.constant 0 : i32
    %dma_start3A_115 = arith.constant 0 : i32
    %dma_start3A_116 = tpu.memref_slice %arg14[%dma_start3A_114, %dma_start3A_115] : memref<160x128xf32, #tpu.memory_space<vmem>> -> memref<64x128xf32, #tpu.memory_space<vmem>>
    %dma_start3A_117 = arith.constant 64 : i32
    %dma_start3A_118 = tpu.memref_slice %arg10[%dma_start3A_117] : memref<512xi32, #tpu.memory_space<vmem>> -> memref<64xi32, #tpu.memory_space<vmem>>
    %dma_start3A_119 = arith.constant 0 : i32
    %dma_start3A_120 = arith.constant 0 : i32
    %dma_start3A_121 = tpu.memref_slice %arg3[%dma_start3A_119, %dma_start3A_120] : memref<100000x128xf32, #tpu.memory_space<hbm>> -> memref<100000x128xf32, #tpu.memory_space<hbm>>
    tpu.enqueue_indirect_dma source(%dma_start3A_121 : memref<100000x128xf32, #tpu.memory_space<hbm>>) target(%dma_start3A_116 : memref<64x128xf32, #tpu.memory_space<vmem>>) offsets(%dma_start3A_118 : memref<64xi32, #tpu.memory_space<vmem>>) semaphore(%arg20 : memref<!tpu.dma_semaphore, #tpu.memory_space<semaphore_mem>>)
    %dma_wait3A_122 = arith.constant 0 : i32
    %dma_wait3A_123 = arith.constant 0 : i32
    %dma_wait3A_124 = tpu.memref_slice %arg12[%dma_wait3A_122, %dma_wait3A_123] : memref<64x128xf32, #tpu.memory_space<vmem>> -> memref<64x128xf32, #tpu.memory_space<vmem>>
    %dma_wait3A_125 = arith.constant 0 : i32
    %dma_wait3A_126 = tpu.memref_slice %arg10[%dma_wait3A_125] : memref<512xi32, #tpu.memory_space<vmem>> -> memref<64xi32, #tpu.memory_space<vmem>>
    %dma_wait3A_127 = arith.constant 0 : i32
    %dma_wait3A_128 = arith.constant 0 : i32
    %dma_wait3A_129 = tpu.memref_slice %arg3[%dma_wait3A_127, %dma_wait3A_128] : memref<100000x128xf32, #tpu.memory_space<hbm>> -> memref<100000x128xf32, #tpu.memory_space<hbm>>
    tpu.wait_indirect_dma semaphore(%arg20 : memref<!tpu.dma_semaphore, #tpu.memory_space<semaphore_mem>>) src(%dma_wait3A_129 : memref<100000x128xf32, #tpu.memory_space<hbm>>) dst(%dma_wait3A_124 : memref<64x128xf32, #tpu.memory_space<vmem>>)
    %scan3A = arith.constant 0 : i32
    %scan3A_130 = arith.constant 0 : i32
    %scan3A_131 = arith.constant 64 : i32
    %scan3A_132 = arith.addi %scan3A_130, %scan3A_131 : i32
    %scan3A_133 = arith.constant 1 : i32
    scf.for %scan3A_287 = %scan3A_130 to %scan3A_132 step %scan3A_133  : i32 {
      %add3A_288 = arith.constant 0 : i32
      %add3A_289 = arith.addi %add3A_288, %scan3A_287 : i32
      %get3A = arith.index_cast %add3A_289 : i32 to index
      %get3A_290 = arith.constant 0 : index
      %get3A_291 = tpu.vector_load %arg11[%get3A, %get3A_290] {strides = array<i32>} : memref<512x128xf32, #tpu.memory_space<vmem>>, vector<16xf32>,
      %get3A_292 = arith.index_cast %add3A_289 : i32 to index
      %get3A_293 = arith.constant 16 : index
      %get3A_294 = tpu.vector_load %arg11[%get3A_292, %get3A_293] {strides = array<i32>} : memref<512x128xf32, #tpu.memory_space<vmem>>, vector<16xf32>,
      %get3A_295 = arith.index_cast %add3A_289 : i32 to index
      %get3A_296 = arith.constant 32 : index
      %get3A_297 = tpu.vector_load %arg11[%get3A_295, %get3A_296] {strides = array<i32>} : memref<512x128xf32, #tpu.memory_space<vmem>>, vector<16xf32>,
      %get3A_298 = arith.index_cast %add3A_289 : i32 to index
      %get3A_299 = arith.constant 48 : index
      %get3A_300 = tpu.vector_load %arg11[%get3A_298, %get3A_299] {strides = array<i32>} : memref<512x128xf32, #tpu.memory_space<vmem>>, vector<16xf32>,
      %get3A_301 = arith.index_cast %scan3A_287 : i32 to index
      %get3A_302 = arith.constant 0 : index
      %get3A_303 = tpu.vector_load %arg12[%get3A_301, %get3A_302] {strides = array<i32>} : memref<64x128xf32, #tpu.memory_space<vmem>>, vector<16xf32>,
      %get3A_304 = arith.index_cast %scan3A_287 : i32 to index
      %get3A_305 = arith.constant 16 : index
      %get3A_306 = tpu.vector_load %arg12[%get3A_304, %get3A_305] {strides = array<i32>} : memref<64x128xf32, #tpu.memory_space<vmem>>, vector<16xf32>,
      %get3A_307 = arith.index_cast %scan3A_287 : i32 to index
      %get3A_308 = arith.constant 32 : index
      %get3A_309 = tpu.vector_load %arg12[%get3A_307, %get3A_308] {strides = array<i32>} : memref<64x128xf32, #tpu.memory_space<vmem>>, vector<16xf32>,
      %get3A_310 = arith.index_cast %scan3A_287 : i32 to index
      %get3A_311 = arith.constant 48 : index
      %get3A_312 = tpu.vector_load %arg12[%get3A_310, %get3A_311] {strides = array<i32>} : memref<64x128xf32, #tpu.memory_space<vmem>>, vector<16xf32>,
      %mul3A_313 = arith.mulf %get3A_303, %get3A_291 : vector<16xf32>
      %mul3A_314 = arith.mulf %get3A_306, %get3A_294 : vector<16xf32>
      %add3A_315 = arith.addf %mul3A_313, %mul3A_314 : vector<16xf32>
      %mul3A_316 = arith.mulf %get3A_309, %get3A_297 : vector<16xf32>
      %add3A_317 = arith.addf %add3A_315, %mul3A_316 : vector<16xf32>
      %mul3A_318 = arith.mulf %get3A_312, %get3A_300 : vector<16xf32>
      %add3A_319 = arith.addf %add3A_317, %mul3A_318 : vector<16xf32>
      %cumsum3A = arith.constant true
      %cumsum3A_320 = vector.broadcast %cumsum3A : i1 to vector<16xi1>
      %cumsum3A_321 = tpu.scan <sum>, %add3A_319 masked %cumsum3A_320 : vector<16xf32>, vector<16xi1> -> vector<16xf32>
      %broadcast_in_dim3A = vector.broadcast %add3A_289 : i32 to vector<16xi32>
      tpu.vector_store_idx %arg17[%broadcast_in_dim3A], %cumsum3A_321 masked %eq3A_6 : memref<512xf32, #tpu.memory_space<vmem>>[vector<16xi32>], vector<16xf32>, vector<16xi1>
    }
    %scan3A_134 = arith.constant 64 : i32
    %dma_start3A_135 = arith.constant 0 : i32
    %dma_start3A_136 = arith.constant 0 : i32
    %dma_start3A_137 = tpu.memref_slice %arg12[%dma_start3A_135, %dma_start3A_136] : memref<64x128xf32, #tpu.memory_space<vmem>> -> memref<64x128xf32, #tpu.memory_space<vmem>>
    %dma_start3A_138 = arith.constant 128 : i32
    %dma_start3A_139 = tpu.memref_slice %arg10[%dma_start3A_138] : memref<512xi32, #tpu.memory_space<vmem>> -> memref<64xi32, #tpu.memory_space<vmem>>
    %dma_start3A_140 = arith.constant 0 : i32
    %dma_start3A_141 = arith.constant 0 : i32
    %dma_start3A_142 = tpu.memref_slice %arg3[%dma_start3A_140, %dma_start3A_141] : memref<100000x128xf32, #tpu.memory_space<hbm>> -> memref<100000x128xf32, #tpu.memory_space<hbm>>
    tpu.enqueue_indirect_dma source(%dma_start3A_142 : memref<100000x128xf32, #tpu.memory_space<hbm>>) target(%dma_start3A_137 : memref<64x128xf32, #tpu.memory_space<vmem>>) offsets(%dma_start3A_139 : memref<64xi32, #tpu.memory_space<vmem>>) semaphore(%arg20 : memref<!tpu.dma_semaphore, #tpu.memory_space<semaphore_mem>>)
    %dma_wait3A_143 = arith.constant 0 : i32
    %dma_wait3A_144 = arith.constant 0 : i32
    %dma_wait3A_145 = tpu.memref_slice %arg14[%dma_wait3A_143, %dma_wait3A_144] : memref<160x128xf32, #tpu.memory_space<vmem>> -> memref<64x128xf32, #tpu.memory_space<vmem>>
    %dma_wait3A_146 = arith.constant 64 : i32
    %dma_wait3A_147 = tpu.memref_slice %arg10[%dma_wait3A_146] : memref<512xi32, #tpu.memory_space<vmem>> -> memref<64xi32, #tpu.memory_space<vmem>>
    %dma_wait3A_148 = arith.constant 0 : i32
    %dma_wait3A_149 = arith.constant 0 : i32
    %dma_wait3A_150 = tpu.memref_slice %arg3[%dma_wait3A_148, %dma_wait3A_149] : memref<100000x128xf32, #tpu.memory_space<hbm>> -> memref<100000x128xf32, #tpu.memory_space<hbm>>
    tpu.wait_indirect_dma semaphore(%arg20 : memref<!tpu.dma_semaphore, #tpu.memory_space<semaphore_mem>>) src(%dma_wait3A_150 : memref<100000x128xf32, #tpu.memory_space<hbm>>) dst(%dma_wait3A_145 : memref<64x128xf32, #tpu.memory_space<vmem>>)
    %scan3A_151 = arith.constant 0 : i32
    %scan3A_152 = arith.constant 0 : i32
    %scan3A_153 = arith.constant 64 : i32
    %scan3A_154 = arith.addi %scan3A_152, %scan3A_153 : i32
    %scan3A_155 = arith.constant 1 : i32
    scf.for %scan3A_287 = %scan3A_152 to %scan3A_154 step %scan3A_155  : i32 {
      %add3A_288 = arith.constant 64 : i32
      %add3A_289 = arith.addi %add3A_288, %scan3A_287 : i32
      %get3A = arith.index_cast %add3A_289 : i32 to index
      %get3A_290 = arith.constant 0 : index
      %get3A_291 = tpu.vector_load %arg11[%get3A, %get3A_290] {strides = array<i32>} : memref<512x128xf32, #tpu.memory_space<vmem>>, vector<16xf32>,
      %get3A_292 = arith.index_cast %add3A_289 : i32 to index
      %get3A_293 = arith.constant 16 : index
      %get3A_294 = tpu.vector_load %arg11[%get3A_292, %get3A_293] {strides = array<i32>} : memref<512x128xf32, #tpu.memory_space<vmem>>, vector<16xf32>,
      %get3A_295 = arith.index_cast %add3A_289 : i32 to index
      %get3A_296 = arith.constant 32 : index
      %get3A_297 = tpu.vector_load %arg11[%get3A_295, %get3A_296] {strides = array<i32>} : memref<512x128xf32, #tpu.memory_space<vmem>>, vector<16xf32>,
      %get3A_298 = arith.index_cast %add3A_289 : i32 to index
      %get3A_299 = arith.constant 48 : index
      %get3A_300 = tpu.vector_load %arg11[%get3A_298, %get3A_299] {strides = array<i32>} : memref<512x128xf32, #tpu.memory_space<vmem>>, vector<16xf32>,
      %get3A_301 = arith.index_cast %scan3A_287 : i32 to index
      %get3A_302 = arith.constant 0 : index
      %get3A_303 = tpu.vector_load %arg14[%get3A_301, %get3A_302] {strides = array<i32>} : memref<160x128xf32, #tpu.memory_space<vmem>>, vector<16xf32>,
      %get3A_304 = arith.index_cast %scan3A_287 : i32 to index
      %get3A_305 = arith.constant 16 : index
      %get3A_306 = tpu.vector_load %arg14[%get3A_304, %get3A_305] {strides = array<i32>} : memref<160x128xf32, #tpu.memory_space<vmem>>, vector<16xf32>,
      %get3A_307 = arith.index_cast %scan3A_287 : i32 to index
      %get3A_308 = arith.constant 32 : index
      %get3A_309 = tpu.vector_load %arg14[%get3A_307, %get3A_308] {strides = array<i32>} : memref<160x128xf32, #tpu.memory_space<vmem>>, vector<16xf32>,
      %get3A_310 = arith.index_cast %scan3A_287 : i32 to index
      %get3A_311 = arith.constant 48 : index
      %get3A_312 = tpu.vector_load %arg14[%get3A_310, %get3A_311] {strides = array<i32>} : memref<160x128xf32, #tpu.memory_space<vmem>>, vector<16xf32>,
      %mul3A_313 = arith.mulf %get3A_303, %get3A_291 : vector<16xf32>
      %mul3A_314 = arith.mulf %get3A_306, %get3A_294 : vector<16xf32>
      %add3A_315 = arith.addf %mul3A_313, %mul3A_314 : vector<16xf32>
      %mul3A_316 = arith.mulf %get3A_309, %get3A_297 : vector<16xf32>
      %add3A_317 = arith.addf %add3A_315, %mul3A_316 : vector<16xf32>
      %mul3A_318 = arith.mulf %get3A_312, %get3A_300 : vector<16xf32>
      %add3A_319 = arith.addf %add3A_317, %mul3A_318 : vector<16xf32>
      %cumsum3A = arith.constant true
      %cumsum3A_320 = vector.broadcast %cumsum3A : i1 to vector<16xi1>
      %cumsum3A_321 = tpu.scan <sum>, %add3A_319 masked %cumsum3A_320 : vector<16xf32>, vector<16xi1> -> vector<16xf32>
      %broadcast_in_dim3A = vector.broadcast %add3A_289 : i32 to vector<16xi32>
      tpu.vector_store_idx %arg17[%broadcast_in_dim3A], %cumsum3A_321 masked %eq3A_6 : memref<512xf32, #tpu.memory_space<vmem>>[vector<16xi32>], vector<16xf32>, vector<16xi1>
    }
    %scan3A_156 = arith.constant 64 : i32
    %dma_start3A_157 = arith.constant 0 : i32
    %dma_start3A_158 = arith.constant 0 : i32
    %dma_start3A_159 = tpu.memref_slice %arg14[%dma_start3A_157, %dma_start3A_158] : memref<160x128xf32, #tpu.memory_space<vmem>> -> memref<64x128xf32, #tpu.memory_space<vmem>>
    %dma_start3A_160 = arith.constant 192 : i32
    %dma_start3A_161 = tpu.memref_slice %arg10[%dma_start3A_160] : memref<512xi32, #tpu.memory_space<vmem>> -> memref<64xi32, #tpu.memory_space<vmem>>
    %dma_start3A_162 = arith.constant 0 : i32
    %dma_start3A_163 = arith.constant 0 : i32
    %dma_start3A_164 = tpu.memref_slice %arg3[%dma_start3A_162, %dma_start3A_163] : memref<100000x128xf32, #tpu.memory_space<hbm>> -> memref<100000x128xf32, #tpu.memory_space<hbm>>
    tpu.enqueue_indirect_dma source(%dma_start3A_164 : memref<100000x128xf32, #tpu.memory_space<hbm>>) target(%dma_start3A_159 : memref<64x128xf32, #tpu.memory_space<vmem>>) offsets(%dma_start3A_161 : memref<64xi32, #tpu.memory_space<vmem>>) semaphore(%arg20 : memref<!tpu.dma_semaphore, #tpu.memory_space<semaphore_mem>>)
    %dma_wait3A_165 = arith.constant 0 : i32
    %dma_wait3A_166 = arith.constant 0 : i32
    %dma_wait3A_167 = tpu.memref_slice %arg12[%dma_wait3A_165, %dma_wait3A_166] : memref<64x128xf32, #tpu.memory_space<vmem>> -> memref<64x128xf32, #tpu.memory_space<vmem>>
    %dma_wait3A_168 = arith.constant 128 : i32
    %dma_wait3A_169 = tpu.memref_slice %arg10[%dma_wait3A_168] : memref<512xi32, #tpu.memory_space<vmem>> -> memref<64xi32, #tpu.memory_space<vmem>>
    %dma_wait3A_170 = arith.constant 0 : i32
    %dma_wait3A_171 = arith.constant 0 : i32
    %dma_wait3A_172 = tpu.memref_slice %arg3[%dma_wait3A_170, %dma_wait3A_171] : memref<100000x128xf32, #tpu.memory_space<hbm>> -> memref<100000x128xf32, #tpu.memory_space<hbm>>
    tpu.wait_indirect_dma semaphore(%arg20 : memref<!tpu.dma_semaphore, #tpu.memory_space<semaphore_mem>>) src(%dma_wait3A_172 : memref<100000x128xf32, #tpu.memory_space<hbm>>) dst(%dma_wait3A_167 : memref<64x128xf32, #tpu.memory_space<vmem>>)
    %scan3A_173 = arith.constant 0 : i32
    %scan3A_174 = arith.constant 0 : i32
    %scan3A_175 = arith.constant 64 : i32
    %scan3A_176 = arith.addi %scan3A_174, %scan3A_175 : i32
    %scan3A_177 = arith.constant 1 : i32
    scf.for %scan3A_287 = %scan3A_174 to %scan3A_176 step %scan3A_177  : i32 {
      %add3A_288 = arith.constant 128 : i32
      %add3A_289 = arith.addi %add3A_288, %scan3A_287 : i32
      %get3A = arith.index_cast %add3A_289 : i32 to index
      %get3A_290 = arith.constant 0 : index
      %get3A_291 = tpu.vector_load %arg11[%get3A, %get3A_290] {strides = array<i32>} : memref<512x128xf32, #tpu.memory_space<vmem>>, vector<16xf32>,
      %get3A_292 = arith.index_cast %add3A_289 : i32 to index
      %get3A_293 = arith.constant 16 : index
      %get3A_294 = tpu.vector_load %arg11[%get3A_292, %get3A_293] {strides = array<i32>} : memref<512x128xf32, #tpu.memory_space<vmem>>, vector<16xf32>,
      %get3A_295 = arith.index_cast %add3A_289 : i32 to index
      %get3A_296 = arith.constant 32 : index
      %get3A_297 = tpu.vector_load %arg11[%get3A_295, %get3A_296] {strides = array<i32>} : memref<512x128xf32, #tpu.memory_space<vmem>>, vector<16xf32>,
      %get3A_298 = arith.index_cast %add3A_289 : i32 to index
      %get3A_299 = arith.constant 48 : index
      %get3A_300 = tpu.vector_load %arg11[%get3A_298, %get3A_299] {strides = array<i32>} : memref<512x128xf32, #tpu.memory_space<vmem>>, vector<16xf32>,
      %get3A_301 = arith.index_cast %scan3A_287 : i32 to index
      %get3A_302 = arith.constant 0 : index
      %get3A_303 = tpu.vector_load %arg12[%get3A_301, %get3A_302] {strides = array<i32>} : memref<64x128xf32, #tpu.memory_space<vmem>>, vector<16xf32>,
      %get3A_304 = arith.index_cast %scan3A_287 : i32 to index
      %get3A_305 = arith.constant 16 : index
      %get3A_306 = tpu.vector_load %arg12[%get3A_304, %get3A_305] {strides = array<i32>} : memref<64x128xf32, #tpu.memory_space<vmem>>, vector<16xf32>,
      %get3A_307 = arith.index_cast %scan3A_287 : i32 to index
      %get3A_308 = arith.constant 32 : index
      %get3A_309 = tpu.vector_load %arg12[%get3A_307, %get3A_308] {strides = array<i32>} : memref<64x128xf32, #tpu.memory_space<vmem>>, vector<16xf32>,
      %get3A_310 = arith.index_cast %scan3A_287 : i32 to index
      %get3A_311 = arith.constant 48 : index
      %get3A_312 = tpu.vector_load %arg12[%get3A_310, %get3A_311] {strides = array<i32>} : memref<64x128xf32, #tpu.memory_space<vmem>>, vector<16xf32>,
      %mul3A_313 = arith.mulf %get3A_303, %get3A_291 : vector<16xf32>
      %mul3A_314 = arith.mulf %get3A_306, %get3A_294 : vector<16xf32>
      %add3A_315 = arith.addf %mul3A_313, %mul3A_314 : vector<16xf32>
      %mul3A_316 = arith.mulf %get3A_309, %get3A_297 : vector<16xf32>
      %add3A_317 = arith.addf %add3A_315, %mul3A_316 : vector<16xf32>
      %mul3A_318 = arith.mulf %get3A_312, %get3A_300 : vector<16xf32>
      %add3A_319 = arith.addf %add3A_317, %mul3A_318 : vector<16xf32>
      %cumsum3A = arith.constant true
      %cumsum3A_320 = vector.broadcast %cumsum3A : i1 to vector<16xi1>
      %cumsum3A_321 = tpu.scan <sum>, %add3A_319 masked %cumsum3A_320 : vector<16xf32>, vector<16xi1> -> vector<16xf32>
      %broadcast_in_dim3A = vector.broadcast %add3A_289 : i32 to vector<16xi32>
      tpu.vector_store_idx %arg17[%broadcast_in_dim3A], %cumsum3A_321 masked %eq3A_6 : memref<512xf32, #tpu.memory_space<vmem>>[vector<16xi32>], vector<16xf32>, vector<16xi1>
    }
    %scan3A_178 = arith.constant 64 : i32
    %dma_start3A_179 = arith.constant 0 : i32
    %dma_start3A_180 = arith.constant 0 : i32
    %dma_start3A_181 = tpu.memref_slice %arg12[%dma_start3A_179, %dma_start3A_180] : memref<64x128xf32, #tpu.memory_space<vmem>> -> memref<64x128xf32, #tpu.memory_space<vmem>>
    %dma_start3A_182 = arith.constant 256 : i32
    %dma_start3A_183 = tpu.memref_slice %arg10[%dma_start3A_182] : memref<512xi32, #tpu.memory_space<vmem>> -> memref<64xi32, #tpu.memory_space<vmem>>
    %dma_start3A_184 = arith.constant 0 : i32
    %dma_start3A_185 = arith.constant 0 : i32
    %dma_start3A_186 = tpu.memref_slice %arg3[%dma_start3A_184, %dma_start3A_185] : memref<100000x128xf32, #tpu.memory_space<hbm>> -> memref<100000x128xf32, #tpu.memory_space<hbm>>
    tpu.enqueue_indirect_dma source(%dma_start3A_186 : memref<100000x128xf32, #tpu.memory_space<hbm>>) target(%dma_start3A_181 : memref<64x128xf32, #tpu.memory_space<vmem>>) offsets(%dma_start3A_183 : memref<64xi32, #tpu.memory_space<vmem>>) semaphore(%arg20 : memref<!tpu.dma_semaphore, #tpu.memory_space<semaphore_mem>>)
    %dma_wait3A_187 = arith.constant 0 : i32
    %dma_wait3A_188 = arith.constant 0 : i32
    %dma_wait3A_189 = tpu.memref_slice %arg14[%dma_wait3A_187, %dma_wait3A_188] : memref<160x128xf32, #tpu.memory_space<vmem>> -> memref<64x128xf32, #tpu.memory_space<vmem>>
    %dma_wait3A_190 = arith.constant 192 : i32
    %dma_wait3A_191 = tpu.memref_slice %arg10[%dma_wait3A_190] : memref<512xi32, #tpu.memory_space<vmem>> -> memref<64xi32, #tpu.memory_space<vmem>>
    %dma_wait3A_192 = arith.constant 0 : i32
    %dma_wait3A_193 = arith.constant 0 : i32
    %dma_wait3A_194 = tpu.memref_slice %arg3[%dma_wait3A_192, %dma_wait3A_193] : memref<100000x128xf32, #tpu.memory_space<hbm>> -> memref<100000x128xf32, #tpu.memory_space<hbm>>
    tpu.wait_indirect_dma semaphore(%arg20 : memref<!tpu.dma_semaphore, #tpu.memory_space<semaphore_mem>>) src(%dma_wait3A_194 : memref<100000x128xf32, #tpu.memory_space<hbm>>) dst(%dma_wait3A_189 : memref<64x128xf32, #tpu.memory_space<vmem>>)
    %scan3A_195 = arith.constant 0 : i32
    %scan3A_196 = arith.constant 0 : i32
    %scan3A_197 = arith.constant 64 : i32
    %scan3A_198 = arith.addi %scan3A_196, %scan3A_197 : i32
    %scan3A_199 = arith.constant 1 : i32
    scf.for %scan3A_287 = %scan3A_196 to %scan3A_198 step %scan3A_199  : i32 {
      %add3A_288 = arith.constant 192 : i32
      %add3A_289 = arith.addi %add3A_288, %scan3A_287 : i32
      %get3A = arith.index_cast %add3A_289 : i32 to index
      %get3A_290 = arith.constant 0 : index
      %get3A_291 = tpu.vector_load %arg11[%get3A, %get3A_290] {strides = array<i32>} : memref<512x128xf32, #tpu.memory_space<vmem>>, vector<16xf32>,
      %get3A_292 = arith.index_cast %add3A_289 : i32 to index
      %get3A_293 = arith.constant 16 : index
      %get3A_294 = tpu.vector_load %arg11[%get3A_292, %get3A_293] {strides = array<i32>} : memref<512x128xf32, #tpu.memory_space<vmem>>, vector<16xf32>,
      %get3A_295 = arith.index_cast %add3A_289 : i32 to index
      %get3A_296 = arith.constant 32 : index
      %get3A_297 = tpu.vector_load %arg11[%get3A_295, %get3A_296] {strides = array<i32>} : memref<512x128xf32, #tpu.memory_space<vmem>>, vector<16xf32>,
      %get3A_298 = arith.index_cast %add3A_289 : i32 to index
      %get3A_299 = arith.constant 48 : index
      %get3A_300 = tpu.vector_load %arg11[%get3A_298, %get3A_299] {strides = array<i32>} : memref<512x128xf32, #tpu.memory_space<vmem>>, vector<16xf32>,
      %get3A_301 = arith.index_cast %scan3A_287 : i32 to index
      %get3A_302 = arith.constant 0 : index
      %get3A_303 = tpu.vector_load %arg14[%get3A_301, %get3A_302] {strides = array<i32>} : memref<160x128xf32, #tpu.memory_space<vmem>>, vector<16xf32>,
      %get3A_304 = arith.index_cast %scan3A_287 : i32 to index
      %get3A_305 = arith.constant 16 : index
      %get3A_306 = tpu.vector_load %arg14[%get3A_304, %get3A_305] {strides = array<i32>} : memref<160x128xf32, #tpu.memory_space<vmem>>, vector<16xf32>,
      %get3A_307 = arith.index_cast %scan3A_287 : i32 to index
      %get3A_308 = arith.constant 32 : index
      %get3A_309 = tpu.vector_load %arg14[%get3A_307, %get3A_308] {strides = array<i32>} : memref<160x128xf32, #tpu.memory_space<vmem>>, vector<16xf32>,
      %get3A_310 = arith.index_cast %scan3A_287 : i32 to index
      %get3A_311 = arith.constant 48 : index
      %get3A_312 = tpu.vector_load %arg14[%get3A_310, %get3A_311] {strides = array<i32>} : memref<160x128xf32, #tpu.memory_space<vmem>>, vector<16xf32>,
      %mul3A_313 = arith.mulf %get3A_303, %get3A_291 : vector<16xf32>
      %mul3A_314 = arith.mulf %get3A_306, %get3A_294 : vector<16xf32>
      %add3A_315 = arith.addf %mul3A_313, %mul3A_314 : vector<16xf32>
      %mul3A_316 = arith.mulf %get3A_309, %get3A_297 : vector<16xf32>
      %add3A_317 = arith.addf %add3A_315, %mul3A_316 : vector<16xf32>
      %mul3A_318 = arith.mulf %get3A_312, %get3A_300 : vector<16xf32>
      %add3A_319 = arith.addf %add3A_317, %mul3A_318 : vector<16xf32>
      %cumsum3A = arith.constant true
      %cumsum3A_320 = vector.broadcast %cumsum3A : i1 to vector<16xi1>
      %cumsum3A_321 = tpu.scan <sum>, %add3A_319 masked %cumsum3A_320 : vector<16xf32>, vector<16xi1> -> vector<16xf32>
      %broadcast_in_dim3A = vector.broadcast %add3A_289 : i32 to vector<16xi32>
      tpu.vector_store_idx %arg17[%broadcast_in_dim3A], %cumsum3A_321 masked %eq3A_6 : memref<512xf32, #tpu.memory_space<vmem>>[vector<16xi32>], vector<16xf32>, vector<16xi1>
    }
    %scan3A_200 = arith.constant 64 : i32
    %dma_start3A_201 = arith.constant 0 : i32
    %dma_start3A_202 = arith.constant 0 : i32
    %dma_start3A_203 = tpu.memref_slice %arg14[%dma_start3A_201, %dma_start3A_202] : memref<160x128xf32, #tpu.memory_space<vmem>> -> memref<64x128xf32, #tpu.memory_space<vmem>>
    %dma_start3A_204 = arith.constant 320 : i32
    %dma_start3A_205 = tpu.memref_slice %arg10[%dma_start3A_204] : memref<512xi32, #tpu.memory_space<vmem>> -> memref<64xi32, #tpu.memory_space<vmem>>
    %dma_start3A_206 = arith.constant 0 : i32
    %dma_start3A_207 = arith.constant 0 : i32
    %dma_start3A_208 = tpu.memref_slice %arg3[%dma_start3A_206, %dma_start3A_207] : memref<100000x128xf32, #tpu.memory_space<hbm>> -> memref<100000x128xf32, #tpu.memory_space<hbm>>
    tpu.enqueue_indirect_dma source(%dma_start3A_208 : memref<100000x128xf32, #tpu.memory_space<hbm>>) target(%dma_start3A_203 : memref<64x128xf32, #tpu.memory_space<vmem>>) offsets(%dma_start3A_205 : memref<64xi32, #tpu.memory_space<vmem>>) semaphore(%arg20 : memref<!tpu.dma_semaphore, #tpu.memory_space<semaphore_mem>>)
    %dma_wait3A_209 = arith.constant 0 : i32
    %dma_wait3A_210 = arith.constant 0 : i32
    %dma_wait3A_211 = tpu.memref_slice %arg12[%dma_wait3A_209, %dma_wait3A_210] : memref<64x128xf32, #tpu.memory_space<vmem>> -> memref<64x128xf32, #tpu.memory_space<vmem>>
    %dma_wait3A_212 = arith.constant 256 : i32
    %dma_wait3A_213 = tpu.memref_slice %arg10[%dma_wait3A_212] : memref<512xi32, #tpu.memory_space<vmem>> -> memref<64xi32, #tpu.memory_space<vmem>>
    %dma_wait3A_214 = arith.constant 0 : i32
    %dma_wait3A_215 = arith.constant 0 : i32
    %dma_wait3A_216 = tpu.memref_slice %arg3[%dma_wait3A_214, %dma_wait3A_215] : memref<100000x128xf32, #tpu.memory_space<hbm>> -> memref<100000x128xf32, #tpu.memory_space<hbm>>
    tpu.wait_indirect_dma semaphore(%arg20 : memref<!tpu.dma_semaphore, #tpu.memory_space<semaphore_mem>>) src(%dma_wait3A_216 : memref<100000x128xf32, #tpu.memory_space<hbm>>) dst(%dma_wait3A_211 : memref<64x128xf32, #tpu.memory_space<vmem>>)
    %scan3A_217 = arith.constant 0 : i32
    %scan3A_218 = arith.constant 0 : i32
    %scan3A_219 = arith.constant 64 : i32
    %scan3A_220 = arith.addi %scan3A_218, %scan3A_219 : i32
    %scan3A_221 = arith.constant 1 : i32
    scf.for %scan3A_287 = %scan3A_218 to %scan3A_220 step %scan3A_221  : i32 {
      %add3A_288 = arith.constant 256 : i32
      %add3A_289 = arith.addi %add3A_288, %scan3A_287 : i32
      %get3A = arith.index_cast %add3A_289 : i32 to index
      %get3A_290 = arith.constant 0 : index
      %get3A_291 = tpu.vector_load %arg11[%get3A, %get3A_290] {strides = array<i32>} : memref<512x128xf32, #tpu.memory_space<vmem>>, vector<16xf32>,
      %get3A_292 = arith.index_cast %add3A_289 : i32 to index
      %get3A_293 = arith.constant 16 : index
      %get3A_294 = tpu.vector_load %arg11[%get3A_292, %get3A_293] {strides = array<i32>} : memref<512x128xf32, #tpu.memory_space<vmem>>, vector<16xf32>,
      %get3A_295 = arith.index_cast %add3A_289 : i32 to index
      %get3A_296 = arith.constant 32 : index
      %get3A_297 = tpu.vector_load %arg11[%get3A_295, %get3A_296] {strides = array<i32>} : memref<512x128xf32, #tpu.memory_space<vmem>>, vector<16xf32>,
      %get3A_298 = arith.index_cast %add3A_289 : i32 to index
      %get3A_299 = arith.constant 48 : index
      %get3A_300 = tpu.vector_load %arg11[%get3A_298, %get3A_299] {strides = array<i32>} : memref<512x128xf32, #tpu.memory_space<vmem>>, vector<16xf32>,
      %get3A_301 = arith.index_cast %scan3A_287 : i32 to index
      %get3A_302 = arith.constant 0 : index
      %get3A_303 = tpu.vector_load %arg12[%get3A_301, %get3A_302] {strides = array<i32>} : memref<64x128xf32, #tpu.memory_space<vmem>>, vector<16xf32>,
      %get3A_304 = arith.index_cast %scan3A_287 : i32 to index
      %get3A_305 = arith.constant 16 : index
      %get3A_306 = tpu.vector_load %arg12[%get3A_304, %get3A_305] {strides = array<i32>} : memref<64x128xf32, #tpu.memory_space<vmem>>, vector<16xf32>,
      %get3A_307 = arith.index_cast %scan3A_287 : i32 to index
      %get3A_308 = arith.constant 32 : index
      %get3A_309 = tpu.vector_load %arg12[%get3A_307, %get3A_308] {strides = array<i32>} : memref<64x128xf32, #tpu.memory_space<vmem>>, vector<16xf32>,
      %get3A_310 = arith.index_cast %scan3A_287 : i32 to index
      %get3A_311 = arith.constant 48 : index
      %get3A_312 = tpu.vector_load %arg12[%get3A_310, %get3A_311] {strides = array<i32>} : memref<64x128xf32, #tpu.memory_space<vmem>>, vector<16xf32>,
      %mul3A_313 = arith.mulf %get3A_303, %get3A_291 : vector<16xf32>
      %mul3A_314 = arith.mulf %get3A_306, %get3A_294 : vector<16xf32>
      %add3A_315 = arith.addf %mul3A_313, %mul3A_314 : vector<16xf32>
      %mul3A_316 = arith.mulf %get3A_309, %get3A_297 : vector<16xf32>
      %add3A_317 = arith.addf %add3A_315, %mul3A_316 : vector<16xf32>
      %mul3A_318 = arith.mulf %get3A_312, %get3A_300 : vector<16xf32>
      %add3A_319 = arith.addf %add3A_317, %mul3A_318 : vector<16xf32>
      %cumsum3A = arith.constant true
      %cumsum3A_320 = vector.broadcast %cumsum3A : i1 to vector<16xi1>
      %cumsum3A_321 = tpu.scan <sum>, %add3A_319 masked %cumsum3A_320 : vector<16xf32>, vector<16xi1> -> vector<16xf32>
      %broadcast_in_dim3A = vector.broadcast %add3A_289 : i32 to vector<16xi32>
      tpu.vector_store_idx %arg17[%broadcast_in_dim3A], %cumsum3A_321 masked %eq3A_6 : memref<512xf32, #tpu.memory_space<vmem>>[vector<16xi32>], vector<16xf32>, vector<16xi1>
    }
    %scan3A_222 = arith.constant 64 : i32
    %dma_start3A_223 = arith.constant 0 : i32
    %dma_start3A_224 = arith.constant 0 : i32
    %dma_start3A_225 = tpu.memref_slice %arg12[%dma_start3A_223, %dma_start3A_224] : memref<64x128xf32, #tpu.memory_space<vmem>> -> memref<64x128xf32, #tpu.memory_space<vmem>>
    %dma_start3A_226 = arith.constant 384 : i32
    %dma_start3A_227 = tpu.memref_slice %arg10[%dma_start3A_226] : memref<512xi32, #tpu.memory_space<vmem>> -> memref<64xi32, #tpu.memory_space<vmem>>
    %dma_start3A_228 = arith.constant 0 : i32
    %dma_start3A_229 = arith.constant 0 : i32
    %dma_start3A_230 = tpu.memref_slice %arg3[%dma_start3A_228, %dma_start3A_229] : memref<100000x128xf32, #tpu.memory_space<hbm>> -> memref<100000x128xf32, #tpu.memory_space<hbm>>
    tpu.enqueue_indirect_dma source(%dma_start3A_230 : memref<100000x128xf32, #tpu.memory_space<hbm>>) target(%dma_start3A_225 : memref<64x128xf32, #tpu.memory_space<vmem>>) offsets(%dma_start3A_227 : memref<64xi32, #tpu.memory_space<vmem>>) semaphore(%arg20 : memref<!tpu.dma_semaphore, #tpu.memory_space<semaphore_mem>>)
    %dma_wait3A_231 = arith.constant 0 : i32
    %dma_wait3A_232 = arith.constant 0 : i32
    %dma_wait3A_233 = tpu.memref_slice %arg14[%dma_wait3A_231, %dma_wait3A_232] : memref<160x128xf32, #tpu.memory_space<vmem>> -> memref<64x128xf32, #tpu.memory_space<vmem>>
    %dma_wait3A_234 = arith.constant 320 : i32
    %dma_wait3A_235 = tpu.memref_slice %arg10[%dma_wait3A_234] : memref<512xi32, #tpu.memory_space<vmem>> -> memref<64xi32, #tpu.memory_space<vmem>>
    %dma_wait3A_236 = arith.constant 0 : i32
    %dma_wait3A_237 = arith.constant 0 : i32
    %dma_wait3A_238 = tpu.memref_slice %arg3[%dma_wait3A_236, %dma_wait3A_237] : memref<100000x128xf32, #tpu.memory_space<hbm>> -> memref<100000x128xf32, #tpu.memory_space<hbm>>
    tpu.wait_indirect_dma semaphore(%arg20 : memref<!tpu.dma_semaphore, #tpu.memory_space<semaphore_mem>>) src(%dma_wait3A_238 : memref<100000x128xf32, #tpu.memory_space<hbm>>) dst(%dma_wait3A_233 : memref<64x128xf32, #tpu.memory_space<vmem>>)
    %scan3A_239 = arith.constant 0 : i32
    %scan3A_240 = arith.constant 0 : i32
    %scan3A_241 = arith.constant 64 : i32
    %scan3A_242 = arith.addi %scan3A_240, %scan3A_241 : i32
    %scan3A_243 = arith.constant 1 : i32
    scf.for %scan3A_287 = %scan3A_240 to %scan3A_242 step %scan3A_243  : i32 {
      %add3A_288 = arith.constant 320 : i32
      %add3A_289 = arith.addi %add3A_288, %scan3A_287 : i32
      %get3A = arith.index_cast %add3A_289 : i32 to index
      %get3A_290 = arith.constant 0 : index
      %get3A_291 = tpu.vector_load %arg11[%get3A, %get3A_290] {strides = array<i32>} : memref<512x128xf32, #tpu.memory_space<vmem>>, vector<16xf32>,
      %get3A_292 = arith.index_cast %add3A_289 : i32 to index
      %get3A_293 = arith.constant 16 : index
      %get3A_294 = tpu.vector_load %arg11[%get3A_292, %get3A_293] {strides = array<i32>} : memref<512x128xf32, #tpu.memory_space<vmem>>, vector<16xf32>,
      %get3A_295 = arith.index_cast %add3A_289 : i32 to index
      %get3A_296 = arith.constant 32 : index
      %get3A_297 = tpu.vector_load %arg11[%get3A_295, %get3A_296] {strides = array<i32>} : memref<512x128xf32, #tpu.memory_space<vmem>>, vector<16xf32>,
      %get3A_298 = arith.index_cast %add3A_289 : i32 to index
      %get3A_299 = arith.constant 48 : index
      %get3A_300 = tpu.vector_load %arg11[%get3A_298, %get3A_299] {strides = array<i32>} : memref<512x128xf32, #tpu.memory_space<vmem>>, vector<16xf32>,
      %get3A_301 = arith.index_cast %scan3A_287 : i32 to index
      %get3A_302 = arith.constant 0 : index
      %get3A_303 = tpu.vector_load %arg14[%get3A_301, %get3A_302] {strides = array<i32>} : memref<160x128xf32, #tpu.memory_space<vmem>>, vector<16xf32>,
      %get3A_304 = arith.index_cast %scan3A_287 : i32 to index
      %get3A_305 = arith.constant 16 : index
      %get3A_306 = tpu.vector_load %arg14[%get3A_304, %get3A_305] {strides = array<i32>} : memref<160x128xf32, #tpu.memory_space<vmem>>, vector<16xf32>,
      %get3A_307 = arith.index_cast %scan3A_287 : i32 to index
      %get3A_308 = arith.constant 32 : index
      %get3A_309 = tpu.vector_load %arg14[%get3A_307, %get3A_308] {strides = array<i32>} : memref<160x128xf32, #tpu.memory_space<vmem>>, vector<16xf32>,
      %get3A_310 = arith.index_cast %scan3A_287 : i32 to index
      %get3A_311 = arith.constant 48 : index
      %get3A_312 = tpu.vector_load %arg14[%get3A_310, %get3A_311] {strides = array<i32>} : memref<160x128xf32, #tpu.memory_space<vmem>>, vector<16xf32>,
      %mul3A_313 = arith.mulf %get3A_303, %get3A_291 : vector<16xf32>
      %mul3A_314 = arith.mulf %get3A_306, %get3A_294 : vector<16xf32>
      %add3A_315 = arith.addf %mul3A_313, %mul3A_314 : vector<16xf32>
      %mul3A_316 = arith.mulf %get3A_309, %get3A_297 : vector<16xf32>
      %add3A_317 = arith.addf %add3A_315, %mul3A_316 : vector<16xf32>
      %mul3A_318 = arith.mulf %get3A_312, %get3A_300 : vector<16xf32>
      %add3A_319 = arith.addf %add3A_317, %mul3A_318 : vector<16xf32>
      %cumsum3A = arith.constant true
      %cumsum3A_320 = vector.broadcast %cumsum3A : i1 to vector<16xi1>
      %cumsum3A_321 = tpu.scan <sum>, %add3A_319 masked %cumsum3A_320 : vector<16xf32>, vector<16xi1> -> vector<16xf32>
      %broadcast_in_dim3A = vector.broadcast %add3A_289 : i32 to vector<16xi32>
      tpu.vector_store_idx %arg17[%broadcast_in_dim3A], %cumsum3A_321 masked %eq3A_6 : memref<512xf32, #tpu.memory_space<vmem>>[vector<16xi32>], vector<16xf32>, vector<16xi1>
    }
    %scan3A_244 = arith.constant 64 : i32
    %dma_start3A_245 = arith.constant 0 : i32
    %dma_start3A_246 = arith.constant 0 : i32
    %dma_start3A_247 = tpu.memref_slice %arg14[%dma_start3A_245, %dma_start3A_246] : memref<160x128xf32, #tpu.memory_space<vmem>> -> memref<64x128xf32, #tpu.memory_space<vmem>>
    %dma_start3A_248 = arith.constant 448 : i32
    %dma_start3A_249 = tpu.memref_slice %arg10[%dma_start3A_248] : memref<512xi32, #tpu.memory_space<vmem>> -> memref<64xi32, #tpu.memory_space<vmem>>
    %dma_start3A_250 = arith.constant 0 : i32
    %dma_start3A_251 = arith.constant 0 : i32
    %dma_start3A_252 = tpu.memref_slice %arg3[%dma_start3A_250, %dma_start3A_251] : memref<100000x128xf32, #tpu.memory_space<hbm>> -> memref<100000x128xf32, #tpu.memory_space<hbm>>
    tpu.enqueue_indirect_dma source(%dma_start3A_252 : memref<100000x128xf32, #tpu.memory_space<hbm>>) target(%dma_start3A_247 : memref<64x128xf32, #tpu.memory_space<vmem>>) offsets(%dma_start3A_249 : memref<64xi32, #tpu.memory_space<vmem>>) semaphore(%arg20 : memref<!tpu.dma_semaphore, #tpu.memory_space<semaphore_mem>>)
    %dma_wait3A_253 = arith.constant 0 : i32
    %dma_wait3A_254 = arith.constant 0 : i32
    %dma_wait3A_255 = tpu.memref_slice %arg12[%dma_wait3A_253, %dma_wait3A_254] : memref<64x128xf32, #tpu.memory_space<vmem>> -> memref<64x128xf32, #tpu.memory_space<vmem>>
    %dma_wait3A_256 = arith.constant 384 : i32
    %dma_wait3A_257 = tpu.memref_slice %arg10[%dma_wait3A_256] : memref<512xi32, #tpu.memory_space<vmem>> -> memref<64xi32, #tpu.memory_space<vmem>>
    %dma_wait3A_258 = arith.constant 0 : i32
    %dma_wait3A_259 = arith.constant 0 : i32
    %dma_wait3A_260 = tpu.memref_slice %arg3[%dma_wait3A_258, %dma_wait3A_259] : memref<100000x128xf32, #tpu.memory_space<hbm>> -> memref<100000x128xf32, #tpu.memory_space<hbm>>
    tpu.wait_indirect_dma semaphore(%arg20 : memref<!tpu.dma_semaphore, #tpu.memory_space<semaphore_mem>>) src(%dma_wait3A_260 : memref<100000x128xf32, #tpu.memory_space<hbm>>) dst(%dma_wait3A_255 : memref<64x128xf32, #tpu.memory_space<vmem>>)
    %scan3A_261 = arith.constant 0 : i32
    %scan3A_262 = arith.constant 0 : i32
    %scan3A_263 = arith.constant 64 : i32
    %scan3A_264 = arith.addi %scan3A_262, %scan3A_263 : i32
    %scan3A_265 = arith.constant 1 : i32
    scf.for %scan3A_287 = %scan3A_262 to %scan3A_264 step %scan3A_265  : i32 {
      %add3A_288 = arith.constant 384 : i32
      %add3A_289 = arith.addi %add3A_288, %scan3A_287 : i32
      %get3A = arith.index_cast %add3A_289 : i32 to index
      %get3A_290 = arith.constant 0 : index
      %get3A_291 = tpu.vector_load %arg11[%get3A, %get3A_290] {strides = array<i32>} : memref<512x128xf32, #tpu.memory_space<vmem>>, vector<16xf32>,
      %get3A_292 = arith.index_cast %add3A_289 : i32 to index
      %get3A_293 = arith.constant 16 : index
      %get3A_294 = tpu.vector_load %arg11[%get3A_292, %get3A_293] {strides = array<i32>} : memref<512x128xf32, #tpu.memory_space<vmem>>, vector<16xf32>,
      %get3A_295 = arith.index_cast %add3A_289 : i32 to index
      %get3A_296 = arith.constant 32 : index
      %get3A_297 = tpu.vector_load %arg11[%get3A_295, %get3A_296] {strides = array<i32>} : memref<512x128xf32, #tpu.memory_space<vmem>>, vector<16xf32>,
      %get3A_298 = arith.index_cast %add3A_289 : i32 to index
      %get3A_299 = arith.constant 48 : index
      %get3A_300 = tpu.vector_load %arg11[%get3A_298, %get3A_299] {strides = array<i32>} : memref<512x128xf32, #tpu.memory_space<vmem>>, vector<16xf32>,
      %get3A_301 = arith.index_cast %scan3A_287 : i32 to index
      %get3A_302 = arith.constant 0 : index
      %get3A_303 = tpu.vector_load %arg12[%get3A_301, %get3A_302] {strides = array<i32>} : memref<64x128xf32, #tpu.memory_space<vmem>>, vector<16xf32>,
      %get3A_304 = arith.index_cast %scan3A_287 : i32 to index
      %get3A_305 = arith.constant 16 : index
      %get3A_306 = tpu.vector_load %arg12[%get3A_304, %get3A_305] {strides = array<i32>} : memref<64x128xf32, #tpu.memory_space<vmem>>, vector<16xf32>,
      %get3A_307 = arith.index_cast %scan3A_287 : i32 to index
      %get3A_308 = arith.constant 32 : index
      %get3A_309 = tpu.vector_load %arg12[%get3A_307, %get3A_308] {strides = array<i32>} : memref<64x128xf32, #tpu.memory_space<vmem>>, vector<16xf32>,
      %get3A_310 = arith.index_cast %scan3A_287 : i32 to index
      %get3A_311 = arith.constant 48 : index
      %get3A_312 = tpu.vector_load %arg12[%get3A_310, %get3A_311] {strides = array<i32>} : memref<64x128xf32, #tpu.memory_space<vmem>>, vector<16xf32>,
      %mul3A_313 = arith.mulf %get3A_303, %get3A_291 : vector<16xf32>
      %mul3A_314 = arith.mulf %get3A_306, %get3A_294 : vector<16xf32>
      %add3A_315 = arith.addf %mul3A_313, %mul3A_314 : vector<16xf32>
      %mul3A_316 = arith.mulf %get3A_309, %get3A_297 : vector<16xf32>
      %add3A_317 = arith.addf %add3A_315, %mul3A_316 : vector<16xf32>
      %mul3A_318 = arith.mulf %get3A_312, %get3A_300 : vector<16xf32>
      %add3A_319 = arith.addf %add3A_317, %mul3A_318 : vector<16xf32>
      %cumsum3A = arith.constant true
      %cumsum3A_320 = vector.broadcast %cumsum3A : i1 to vector<16xi1>
      %cumsum3A_321 = tpu.scan <sum>, %add3A_319 masked %cumsum3A_320 : vector<16xf32>, vector<16xi1> -> vector<16xf32>
      %broadcast_in_dim3A = vector.broadcast %add3A_289 : i32 to vector<16xi32>
      tpu.vector_store_idx %arg17[%broadcast_in_dim3A], %cumsum3A_321 masked %eq3A_6 : memref<512xf32, #tpu.memory_space<vmem>>[vector<16xi32>], vector<16xf32>, vector<16xi1>
    }
    %scan3A_266 = arith.constant 64 : i32
    %dma_wait3A_267 = arith.constant 0 : i32
    %dma_wait3A_268 = arith.constant 0 : i32
    %dma_wait3A_269 = tpu.memref_slice %arg14[%dma_wait3A_267, %dma_wait3A_268] : memref<160x128xf32, #tpu.memory_space<vmem>> -> memref<64x128xf32, #tpu.memory_space<vmem>>
    %dma_wait3A_270 = arith.constant 448 : i32
    %dma_wait3A_271 = tpu.memref_slice %arg10[%dma_wait3A_270] : memref<512xi32, #tpu.memory_space<vmem>> -> memref<64xi32, #tpu.memory_space<vmem>>
    %dma_wait3A_272 = arith.constant 0 : i32
    %dma_wait3A_273 = arith.constant 0 : i32
    %dma_wait3A_274 = tpu.memref_slice %arg3[%dma_wait3A_272, %dma_wait3A_273] : memref<100000x128xf32, #tpu.memory_space<hbm>> -> memref<100000x128xf32, #tpu.memory_space<hbm>>
    tpu.wait_indirect_dma semaphore(%arg20 : memref<!tpu.dma_semaphore, #tpu.memory_space<semaphore_mem>>) src(%dma_wait3A_274 : memref<100000x128xf32, #tpu.memory_space<hbm>>) dst(%dma_wait3A_269 : memref<64x128xf32, #tpu.memory_space<vmem>>)
    %scan3A_275 = arith.constant 0 : i32
    %scan3A_276 = arith.constant 0 : i32
    %scan3A_277 = arith.constant 64 : i32
    %scan3A_278 = arith.addi %scan3A_276, %scan3A_277 : i32
    %scan3A_279 = arith.constant 1 : i32
    scf.for %scan3A_287 = %scan3A_276 to %scan3A_278 step %scan3A_279  : i32 {
      %add3A_288 = arith.constant 448 : i32
      %add3A_289 = arith.addi %add3A_288, %scan3A_287 : i32
      %get3A = arith.index_cast %add3A_289 : i32 to index
      %get3A_290 = arith.constant 0 : index
      %get3A_291 = tpu.vector_load %arg11[%get3A, %get3A_290] {strides = array<i32>} : memref<512x128xf32, #tpu.memory_space<vmem>>, vector<16xf32>,
      %get3A_292 = arith.index_cast %add3A_289 : i32 to index
      %get3A_293 = arith.constant 16 : index
      %get3A_294 = tpu.vector_load %arg11[%get3A_292, %get3A_293] {strides = array<i32>} : memref<512x128xf32, #tpu.memory_space<vmem>>, vector<16xf32>,
      %get3A_295 = arith.index_cast %add3A_289 : i32 to index
      %get3A_296 = arith.constant 32 : index
      %get3A_297 = tpu.vector_load %arg11[%get3A_295, %get3A_296] {strides = array<i32>} : memref<512x128xf32, #tpu.memory_space<vmem>>, vector<16xf32>,
      %get3A_298 = arith.index_cast %add3A_289 : i32 to index
      %get3A_299 = arith.constant 48 : index
      %get3A_300 = tpu.vector_load %arg11[%get3A_298, %get3A_299] {strides = array<i32>} : memref<512x128xf32, #tpu.memory_space<vmem>>, vector<16xf32>,
      %get3A_301 = arith.index_cast %scan3A_287 : i32 to index
      %get3A_302 = arith.constant 0 : index
      %get3A_303 = tpu.vector_load %arg14[%get3A_301, %get3A_302] {strides = array<i32>} : memref<160x128xf32, #tpu.memory_space<vmem>>, vector<16xf32>,
      %get3A_304 = arith.index_cast %scan3A_287 : i32 to index
      %get3A_305 = arith.constant 16 : index
      %get3A_306 = tpu.vector_load %arg14[%get3A_304, %get3A_305] {strides = array<i32>} : memref<160x128xf32, #tpu.memory_space<vmem>>, vector<16xf32>,
      %get3A_307 = arith.index_cast %scan3A_287 : i32 to index
      %get3A_308 = arith.constant 32 : index
      %get3A_309 = tpu.vector_load %arg14[%get3A_307, %get3A_308] {strides = array<i32>} : memref<160x128xf32, #tpu.memory_space<vmem>>, vector<16xf32>,
      %get3A_310 = arith.index_cast %scan3A_287 : i32 to index
      %get3A_311 = arith.constant 48 : index
      %get3A_312 = tpu.vector_load %arg14[%get3A_310, %get3A_311] {strides = array<i32>} : memref<160x128xf32, #tpu.memory_space<vmem>>, vector<16xf32>,
      %mul3A_313 = arith.mulf %get3A_303, %get3A_291 : vector<16xf32>
      %mul3A_314 = arith.mulf %get3A_306, %get3A_294 : vector<16xf32>
      %add3A_315 = arith.addf %mul3A_313, %mul3A_314 : vector<16xf32>
      %mul3A_316 = arith.mulf %get3A_309, %get3A_297 : vector<16xf32>
      %add3A_317 = arith.addf %add3A_315, %mul3A_316 : vector<16xf32>
      %mul3A_318 = arith.mulf %get3A_312, %get3A_300 : vector<16xf32>
      %add3A_319 = arith.addf %add3A_317, %mul3A_318 : vector<16xf32>
      %cumsum3A = arith.constant true
      %cumsum3A_320 = vector.broadcast %cumsum3A : i1 to vector<16xi1>
      %cumsum3A_321 = tpu.scan <sum>, %add3A_319 masked %cumsum3A_320 : vector<16xf32>, vector<16xi1> -> vector<16xf32>
      %broadcast_in_dim3A = vector.broadcast %add3A_289 : i32 to vector<16xi32>
      tpu.vector_store_idx %arg17[%broadcast_in_dim3A], %cumsum3A_321 masked %eq3A_6 : memref<512xf32, #tpu.memory_space<vmem>>[vector<16xi32>], vector<16xf32>, vector<16xi1>
    }
    %scan3A_280 = arith.constant 64 : i32
    %scan3A_281 = arith.constant 0 : i32
    %scan3A_282 = arith.constant 0 : i32
    %scan3A_283 = arith.constant 32 : i32
    %scan3A_284 = arith.addi %scan3A_282, %scan3A_283 : i32
    %scan3A_285 = arith.constant 1 : i32
    scf.for %scan3A_287 = %scan3A_282 to %scan3A_284 step %scan3A_285  : i32 {
      %mul3A_288 = arith.constant 2 : i32
      %mul3A_289 = arith.muli %mul3A_288, %scan3A_287 : i32
      %add3A_290 = arith.constant 1 : i32
      %add3A_291 = arith.addi %mul3A_289, %add3A_290 : i32
      %lt3A_292 = arith.constant 31 : i32
      %lt3A_293 = arith.cmpi slt, %scan3A_287, %lt3A_292 : i32
      %dma_wait3A_294 = arith.constant 0 : i32
      %dma_wait3A_295 = tpu.memref_slice %arg6[%dma_wait3A_294] : memref<327680xi32, #tpu.memory_space<hbm>> -> memref<160xi32, #tpu.memory_space<hbm>>
      %dma_wait3A_296 = arith.constant 0 : i32
      %dma_wait3A_297 = tpu.memref_slice %arg6[%dma_wait3A_296] : memref<327680xi32, #tpu.memory_space<hbm>> -> memref<160xi32, #tpu.memory_space<hbm>>
      tpu.wait_dma2 semaphore(%arg24 : memref<!tpu.dma_semaphore, #tpu.memory_space<semaphore_mem>>) src(%dma_wait3A_297 : memref<160xi32, #tpu.memory_space<hbm>>) dst(%arg16 : memref<160xi32, #tpu.memory_space<vmem>>)
      %dma_start3A_298 = arith.constant 0 : i32
      %dma_start3A_299 = arith.constant 0 : i32
      %dma_start3A_300 = tpu.memref_slice %arg14[%dma_start3A_298, %dma_start3A_299] : memref<160x128xf32, #tpu.memory_space<vmem>> -> memref<128x128xf32, #tpu.memory_space<vmem>>
      %dma_start3A_301 = arith.constant 0 : i32
      %dma_start3A_302 = tpu.memref_slice %arg16[%dma_start3A_301] : memref<160xi32, #tpu.memory_space<vmem>> -> memref<128xi32, #tpu.memory_space<vmem>>
      %dma_start3A_303 = arith.constant 0 : i32
      %dma_start3A_304 = arith.constant 0 : i32
      %dma_start3A_305 = tpu.memref_slice %arg3[%dma_start3A_303, %dma_start3A_304] : memref<100000x128xf32, #tpu.memory_space<hbm>> -> memref<100000x128xf32, #tpu.memory_space<hbm>>
      tpu.enqueue_indirect_dma source(%dma_start3A_305 : memref<100000x128xf32, #tpu.memory_space<hbm>>) target(%dma_start3A_300 : memref<128x128xf32, #tpu.memory_space<vmem>>) offsets(%dma_start3A_302 : memref<128xi32, #tpu.memory_space<vmem>>) semaphore(%arg22 : memref<!tpu.dma_semaphore, #tpu.memory_space<semaphore_mem>>)
      %dma_start3A_306 = arith.constant 128 : i32
      %dma_start3A_307 = arith.constant 0 : i32
      %dma_start3A_308 = tpu.memref_slice %arg14[%dma_start3A_306, %dma_start3A_307] : memref<160x128xf32, #tpu.memory_space<vmem>> -> memref<32x128xf32, #tpu.memory_space<vmem>>
      %dma_start3A_309 = arith.constant 128 : i32
      %dma_start3A_310 = tpu.memref_slice %arg16[%dma_start3A_309] : memref<160xi32, #tpu.memory_space<vmem>> -> memref<32xi32, #tpu.memory_space<vmem>>
      %dma_start3A_311 = arith.constant 0 : i32
      %dma_start3A_312 = arith.constant 0 : i32
      %dma_start3A_313 = tpu.memref_slice %arg3[%dma_start3A_311, %dma_start3A_312] : memref<100000x128xf32, #tpu.memory_space<hbm>> -> memref<100000x128xf32, #tpu.memory_space<hbm>>
      tpu.enqueue_indirect_dma source(%dma_start3A_313 : memref<100000x128xf32, #tpu.memory_space<hbm>>) target(%dma_start3A_308 : memref<32x128xf32, #tpu.memory_space<vmem>>) offsets(%dma_start3A_310 : memref<32xi32, #tpu.memory_space<vmem>>) semaphore(%arg22 : memref<!tpu.dma_semaphore, #tpu.memory_space<semaphore_mem>>)
      %dma_wait3A_314 = arith.constant 0 : i32
      %dma_wait3A_315 = arith.constant 0 : i32
      %dma_wait3A_316 = tpu.memref_slice %arg13[%dma_wait3A_314, %dma_wait3A_315] : memref<160x128xf32, #tpu.memory_space<vmem>> -> memref<128x128xf32, #tpu.memory_space<vmem>>
      %dma_wait3A_317 = arith.constant 0 : i32
      %dma_wait3A_318 = arith.constant 0 : i32
      %dma_wait3A_319 = tpu.memref_slice %arg3[%dma_wait3A_317, %dma_wait3A_318] : memref<100000x128xf32, #tpu.memory_space<hbm>> -> memref<128x128xf32, #tpu.memory_space<hbm>>
      %dma_wait3A_320 = arith.constant 0 : i32
      %dma_wait3A_321 = arith.constant 0 : i32
      %dma_wait3A_322 = tpu.memref_slice %arg13[%dma_wait3A_320, %dma_wait3A_321] : memref<160x128xf32, #tpu.memory_space<vmem>> -> memref<128x128xf32, #tpu.memory_space<vmem>>
      %dma_wait3A_323 = arith.constant 0 : i32
      %dma_wait3A_324 = arith.constant 0 : i32
      %dma_wait3A_325 = tpu.memref_slice %arg3[%dma_wait3A_323, %dma_wait3A_324] : memref<100000x128xf32, #tpu.memory_space<hbm>> -> memref<128x128xf32, #tpu.memory_space<hbm>>
      tpu.wait_dma2 semaphore(%arg21 : memref<!tpu.dma_semaphore, #tpu.memory_space<semaphore_mem>>) src(%dma_wait3A_325 : memref<128x128xf32, #tpu.memory_space<hbm>>) dst(%dma_wait3A_322 : memref<128x128xf32, #tpu.memory_space<vmem>>)
      %dma_wait3A_326 = arith.constant 128 : i32
      %dma_wait3A_327 = arith.constant 0 : i32
      %dma_wait3A_328 = tpu.memref_slice %arg13[%dma_wait3A_326, %dma_wait3A_327] : memref<160x128xf32, #tpu.memory_space<vmem>> -> memref<32x128xf32, #tpu.memory_space<vmem>>
      %dma_wait3A_329 = arith.constant 0 : i32
      %dma_wait3A_330 = arith.constant 0 : i32
      %dma_wait3A_331 = tpu.memref_slice %arg3[%dma_wait3A_329, %dma_wait3A_330] : memref<100000x128xf32, #tpu.memory_space<hbm>> -> memref<32x128xf32, #tpu.memory_space<hbm>>
      %dma_wait3A_332 = arith.constant 128 : i32
      %dma_wait3A_333 = arith.constant 0 : i32
      %dma_wait3A_334 = tpu.memref_slice %arg13[%dma_wait3A_332, %dma_wait3A_333] : memref<160x128xf32, #tpu.memory_space<vmem>> -> memref<32x128xf32, #tpu.memory_space<vmem>>
      %dma_wait3A_335 = arith.constant 0 : i32
      %dma_wait3A_336 = arith.constant 0 : i32
      %dma_wait3A_337 = tpu.memref_slice %arg3[%dma_wait3A_335, %dma_wait3A_336] : memref<100000x128xf32, #tpu.memory_space<hbm>> -> memref<32x128xf32, #tpu.memory_space<hbm>>
      tpu.wait_dma2 semaphore(%arg21 : memref<!tpu.dma_semaphore, #tpu.memory_space<semaphore_mem>>) src(%dma_wait3A_337 : memref<32x128xf32, #tpu.memory_space<hbm>>) dst(%dma_wait3A_334 : memref<32x128xf32, #tpu.memory_space<vmem>>)
      %convert_element_type3A = arith.extui %lt3A_293 : i1 to i32
      %cond3A = arith.constant 0 : i32
      %cond3A_338 = arith.cmpi ne, %convert_element_type3A, %cond3A : i32
      scf.if %cond3A_338 {
        %add3A_385 = arith.constant 2 : i32
        %add3A_386 = arith.addi %mul3A_289, %add3A_385 : i32
        %mul3A_387 = arith.constant 160 : i32
        %mul3A_388 = arith.muli %add3A_386, %mul3A_387 : i32
        %add3A_389 = arith.addi %mul3A_4, %mul3A_388 : i32
        %dma_start3A_390 = tpu.memref_slice %arg6[%add3A_389] : memref<327680xi32, #tpu.memory_space<hbm>> -> memref<160xi32, #tpu.memory_space<hbm>>
        %dma_start3A_391 = tpu.memref_slice %arg6[%add3A_389] : memref<327680xi32, #tpu.memory_space<hbm>> -> memref<160xi32, #tpu.memory_space<hbm>>
        tpu.enqueue_dma source(%dma_start3A_391 : memref<160xi32, #tpu.memory_space<hbm>>) target(%arg15 : memref<160xi32, #tpu.memory_space<vmem>>) target_semaphore(%arg23 : memref<!tpu.dma_semaphore, #tpu.memory_space<semaphore_mem>>)
      } else {
      }
      %mul3A_339 = arith.constant 8 : i32
      %mul3A_340 = arith.muli %mul3A_289, %mul3A_339 : i32
      %scan3A_341 = arith.constant 0 : i32
      %scan3A_342 = arith.constant 0 : i32
      %scan3A_343 = arith.constant 8 : i32
      %scan3A_344 = arith.addi %scan3A_342, %scan3A_343 : i32
      %scan3A_345 = arith.constant 1 : i32
      scf.for %scan3A_385 = %scan3A_342 to %scan3A_344 step %scan3A_345  : i32 {
        %add3A_386 = arith.addi %mul3A_340, %scan3A_385 : i32
        %get3A = arith.index_cast %add3A_386 : i32 to index
        %get3A_387 = arith.constant 0 : index
        %get3A_388 = tpu.vector_load %arg11[%get3A, %get3A_387] {strides = array<i32>} : memref<512x128xf32, #tpu.memory_space<vmem>>, vector<16xf32>,
        %get3A_389 = arith.index_cast %add3A_386 : i32 to index
        %get3A_390 = arith.constant 16 : index
        %get3A_391 = tpu.vector_load %arg11[%get3A_389, %get3A_390] {strides = array<i32>} : memref<512x128xf32, #tpu.memory_space<vmem>>, vector<16xf32>,
        %get3A_392 = arith.index_cast %add3A_386 : i32 to index
        %get3A_393 = arith.constant 32 : index
        %get3A_394 = tpu.vector_load %arg11[%get3A_392, %get3A_393] {strides = array<i32>} : memref<512x128xf32, #tpu.memory_space<vmem>>, vector<16xf32>,
        %get3A_395 = arith.index_cast %add3A_386 : i32 to index
        %get3A_396 = arith.constant 48 : index
        %get3A_397 = tpu.vector_load %arg11[%get3A_395, %get3A_396] {strides = array<i32>} : memref<512x128xf32, #tpu.memory_space<vmem>>, vector<16xf32>,
        %mul3A_398 = arith.constant 160 : i32
        %mul3A_399 = arith.muli %mul3A_289, %mul3A_398 : i32
        %mul3A_400 = arith.constant 20 : i32
        %mul3A_401 = arith.muli %scan3A_385, %mul3A_400 : i32
        %add3A_402 = arith.addi %mul3A_399, %mul3A_401 : i32
        %broadcast_in_dim3A = arith.constant 0.000000e+00 : f32
        %broadcast_in_dim3A_403 = vector.broadcast %broadcast_in_dim3A : f32 to vector<16xf32>
        %broadcast_in_dim3A_404 = arith.constant 0.000000e+00 : f32
        %broadcast_in_dim3A_405 = vector.broadcast %broadcast_in_dim3A_404 : f32 to vector<16xf32>
        %mul3A_406 = arith.constant 20 : i32
        %mul3A_407 = arith.muli %scan3A_385, %mul3A_406 : i32
        %add3A_408 = arith.constant 0 : i32
        %add3A_409 = arith.addi %mul3A_407, %add3A_408 : i32
        %get3A_410 = arith.index_cast %add3A_409 : i32 to index
        %get3A_411 = arith.constant 0 : index
        %get3A_412 = tpu.vector_load %arg13[%get3A_410, %get3A_411] {strides = array<i32>} : memref<160x128xf32, #tpu.memory_space<vmem>>, vector<16xf32>,
        %get3A_413 = arith.index_cast %add3A_409 : i32 to index
        %get3A_414 = arith.constant 16 : index
        %get3A_415 = tpu.vector_load %arg13[%get3A_413, %get3A_414] {strides = array<i32>} : memref<160x128xf32, #tpu.memory_space<vmem>>, vector<16xf32>,
        %get3A_416 = arith.index_cast %add3A_409 : i32 to index
        %get3A_417 = arith.constant 32 : index
        %get3A_418 = tpu.vector_load %arg13[%get3A_416, %get3A_417] {strides = array<i32>} : memref<160x128xf32, #tpu.memory_space<vmem>>, vector<16xf32>,
        %get3A_419 = arith.index_cast %add3A_409 : i32 to index
        %get3A_420 = arith.constant 48 : index
        %get3A_421 = tpu.vector_load %arg13[%get3A_419, %get3A_420] {strides = array<i32>} : memref<160x128xf32, #tpu.memory_space<vmem>>, vector<16xf32>,
        %mul3A_422 = arith.mulf %get3A_412, %get3A_388 : vector<16xf32>
        %mul3A_423 = arith.mulf %get3A_415, %get3A_391 : vector<16xf32>
        %add3A_424 = arith.addf %mul3A_422, %mul3A_423 : vector<16xf32>
        %mul3A_425 = arith.mulf %get3A_418, %get3A_394 : vector<16xf32>
        %add3A_426 = arith.addf %add3A_424, %mul3A_425 : vector<16xf32>
        %mul3A_427 = arith.mulf %get3A_421, %get3A_397 : vector<16xf32>
        %add3A_428 = arith.addf %add3A_426, %mul3A_427 : vector<16xf32>
        %broadcast_in_dim3A_429 = vector.shape_cast %xor3A_8 : vector<16xi32> to vector<16x1xi32>
        %gather3A = vector.shape_cast %broadcast_in_dim3A_429 : vector<16x1xi32> to vector<16xi32>
        %gather3A_430 = tpu.dynamic_gather %add3A_428[%gather3A] in [0] : vector<16xf32>, vector<16xi32> -> vector<16xf32>
        %add3A_431 = arith.addf %add3A_428, %gather3A_430 : vector<16xf32>
        %broadcast_in_dim3A_432 = vector.shape_cast %xor3A_11 : vector<16xi32> to vector<16x1xi32>
        %gather3A_433 = vector.shape_cast %broadcast_in_dim3A_432 : vector<16x1xi32> to vector<16xi32>
        %gather3A_434 = tpu.dynamic_gather %add3A_431[%gather3A_433] in [0] : vector<16xf32>, vector<16xi32> -> vector<16xf32>
        %add3A_435 = arith.addf %add3A_431, %gather3A_434 : vector<16xf32>
        %broadcast_in_dim3A_436 = vector.shape_cast %xor3A_14 : vector<16xi32> to vector<16x1xi32>
        %gather3A_437 = vector.shape_cast %broadcast_in_dim3A_436 : vector<16x1xi32> to vector<16xi32>
        %gather3A_438 = tpu.dynamic_gather %add3A_435[%gather3A_437] in [0] : vector<16xf32>, vector<16xi32> -> vector<16xf32>
        %add3A_439 = arith.addf %add3A_435, %gather3A_438 : vector<16xf32>
        %broadcast_in_dim3A_440 = vector.shape_cast %xor3A_17 : vector<16xi32> to vector<16x1xi32>
        %gather3A_441 = vector.shape_cast %broadcast_in_dim3A_440 : vector<16x1xi32> to vector<16xi32>
        %gather3A_442 = tpu.dynamic_gather %add3A_439[%gather3A_441] in [0] : vector<16xf32>, vector<16xi32> -> vector<16xf32>
        %add3A_443 = arith.addf %add3A_439, %gather3A_442 : vector<16xf32>
        %eq3A_444 = arith.constant 0 : i32
        %eq3A_445 = vector.broadcast %eq3A_444 : i32 to vector<16xi32>
        %eq3A_446 = arith.cmpi eq, %iota3A, %eq3A_445 : vector<16xi32>
        %select_n3A = arith.select %eq3A_446, %add3A_443, %broadcast_in_dim3A_403 : vector<16xi1>, vector<16xf32>
        %mul3A_447 = arith.constant 20 : i32
        %mul3A_448 = arith.muli %scan3A_385, %mul3A_447 : i32
        %add3A_449 = arith.constant 1 : i32
        %add3A_450 = arith.addi %mul3A_448, %add3A_449 : i32
        %get3A_451 = arith.index_cast %add3A_450 : i32 to index
        %get3A_452 = arith.constant 0 : index
        %get3A_453 = tpu.vector_load %arg13[%get3A_451, %get3A_452] {strides = array<i32>} : memref<160x128xf32, #tpu.memory_space<vmem>>, vector<16xf32>,
        %get3A_454 = arith.index_cast %add3A_450 : i32 to index
        %get3A_455 = arith.constant 16 : index
        %get3A_456 = tpu.vector_load %arg13[%get3A_454, %get3A_455] {strides = array<i32>} : memref<160x128xf32, #tpu.memory_space<vmem>>, vector<16xf32>,
        %get3A_457 = arith.index_cast %add3A_450 : i32 to index
        %get3A_458 = arith.constant 32 : index
        %get3A_459 = tpu.vector_load %arg13[%get3A_457, %get3A_458] {strides = array<i32>} : memref<160x128xf32, #tpu.memory_space<vmem>>, vector<16xf32>,
        %get3A_460 = arith.index_cast %add3A_450 : i32 to index
        %get3A_461 = arith.constant 48 : index
        %get3A_462 = tpu.vector_load %arg13[%get3A_460, %get3A_461] {strides = array<i32>} : memref<160x128xf32, #tpu.memory_space<vmem>>, vector<16xf32>,
        %mul3A_463 = arith.mulf %get3A_453, %get3A_388 : vector<16xf32>
        %mul3A_464 = arith.mulf %get3A_456, %get3A_391 : vector<16xf32>
        %add3A_465 = arith.addf %mul3A_463, %mul3A_464 : vector<16xf32>
        %mul3A_466 = arith.mulf %get3A_459, %get3A_394 : vector<16xf32>
        %add3A_467 = arith.addf %add3A_465, %mul3A_466 : vector<16xf32>
        %mul3A_468 = arith.mulf %get3A_462, %get3A_397 : vector<16xf32>
        %add3A_469 = arith.addf %add3A_467, %mul3A_468 : vector<16xf32>
        %broadcast_in_dim3A_470 = vector.shape_cast %xor3A_8 : vector<16xi32> to vector<16x1xi32>
        %gather3A_471 = vector.shape_cast %broadcast_in_dim3A_470 : vector<16x1xi32> to vector<16xi32>
        %gather3A_472 = tpu.dynamic_gather %add3A_469[%gather3A_471] in [0] : vector<16xf32>, vector<16xi32> -> vector<16xf32>
        %add3A_473 = arith.addf %add3A_469, %gather3A_472 : vector<16xf32>
        %broadcast_in_dim3A_474 = vector.shape_cast %xor3A_11 : vector<16xi32> to vector<16x1xi32>
        %gather3A_475 = vector.shape_cast %broadcast_in_dim3A_474 : vector<16x1xi32> to vector<16xi32>
        %gather3A_476 = tpu.dynamic_gather %add3A_473[%gather3A_475] in [0] : vector<16xf32>, vector<16xi32> -> vector<16xf32>
        %add3A_477 = arith.addf %add3A_473, %gather3A_476 : vector<16xf32>
        %broadcast_in_dim3A_478 = vector.shape_cast %xor3A_14 : vector<16xi32> to vector<16x1xi32>
        %gather3A_479 = vector.shape_cast %broadcast_in_dim3A_478 : vector<16x1xi32> to vector<16xi32>
        %gather3A_480 = tpu.dynamic_gather %add3A_477[%gather3A_479] in [0] : vector<16xf32>, vector<16xi32> -> vector<16xf32>
        %add3A_481 = arith.addf %add3A_477, %gather3A_480 : vector<16xf32>
        %broadcast_in_dim3A_482 = vector.shape_cast %xor3A_17 : vector<16xi32> to vector<16x1xi32>
        %gather3A_483 = vector.shape_cast %broadcast_in_dim3A_482 : vector<16x1xi32> to vector<16xi32>
        %gather3A_484 = tpu.dynamic_gather %add3A_481[%gather3A_483] in [0] : vector<16xf32>, vector<16xi32> -> vector<16xf32>
        %add3A_485 = arith.addf %add3A_481, %gather3A_484 : vector<16xf32>
        %eq3A_486 = arith.constant 1 : i32
        %eq3A_487 = vector.broadcast %eq3A_486 : i32 to vector<16xi32>
        %eq3A_488 = arith.cmpi eq, %iota3A, %eq3A_487 : vector<16xi32>
        %select_n3A_489 = arith.select %eq3A_488, %add3A_485, %select_n3A : vector<16xi1>, vector<16xf32>
        %mul3A_490 = arith.constant 20 : i32
        %mul3A_491 = arith.muli %scan3A_385, %mul3A_490 : i32
        %add3A_492 = arith.constant 2 : i32
        %add3A_493 = arith.addi %mul3A_491, %add3A_492 : i32
        %get3A_494 = arith.index_cast %add3A_493 : i32 to index
        %get3A_495 = arith.constant 0 : index
        %get3A_496 = tpu.vector_load %arg13[%get3A_494, %get3A_495] {strides = array<i32>} : memref<160x128xf32, #tpu.memory_space<vmem>>, vector<16xf32>,
        %get3A_497 = arith.index_cast %add3A_493 : i32 to index
        %get3A_498 = arith.constant 16 : index
        %get3A_499 = tpu.vector_load %arg13[%get3A_497, %get3A_498] {strides = array<i32>} : memref<160x128xf32, #tpu.memory_space<vmem>>, vector<16xf32>,
        %get3A_500 = arith.index_cast %add3A_493 : i32 to index
        %get3A_501 = arith.constant 32 : index
        %get3A_502 = tpu.vector_load %arg13[%get3A_500, %get3A_501] {strides = array<i32>} : memref<160x128xf32, #tpu.memory_space<vmem>>, vector<16xf32>,
        %get3A_503 = arith.index_cast %add3A_493 : i32 to index
        %get3A_504 = arith.constant 48 : index
        %get3A_505 = tpu.vector_load %arg13[%get3A_503, %get3A_504] {strides = array<i32>} : memref<160x128xf32, #tpu.memory_space<vmem>>, vector<16xf32>,
        %mul3A_506 = arith.mulf %get3A_496, %get3A_388 : vector<16xf32>
        %mul3A_507 = arith.mulf %get3A_499, %get3A_391 : vector<16xf32>
        %add3A_508 = arith.addf %mul3A_506, %mul3A_507 : vector<16xf32>
        %mul3A_509 = arith.mulf %get3A_502, %get3A_394 : vector<16xf32>
        %add3A_510 = arith.addf %add3A_508, %mul3A_509 : vector<16xf32>
        %mul3A_511 = arith.mulf %get3A_505, %get3A_397 : vector<16xf32>
        %add3A_512 = arith.addf %add3A_510, %mul3A_511 : vector<16xf32>
        %broadcast_in_dim3A_513 = vector.shape_cast %xor3A_8 : vector<16xi32> to vector<16x1xi32>
        %gather3A_514 = vector.shape_cast %broadcast_in_dim3A_513 : vector<16x1xi32> to vector<16xi32>
        %gather3A_515 = tpu.dynamic_gather %add3A_512[%gather3A_514] in [0] : vector<16xf32>, vector<16xi32> -> vector<16xf32>
        %add3A_516 = arith.addf %add3A_512, %gather3A_515 : vector<16xf32>
        %broadcast_in_dim3A_517 = vector.shape_cast %xor3A_11 : vector<16xi32> to vector<16x1xi32>
        %gather3A_518 = vector.shape_cast %broadcast_in_dim3A_517 : vector<16x1xi32> to vector<16xi32>
        %gather3A_519 = tpu.dynamic_gather %add3A_516[%gather3A_518] in [0] : vector<16xf32>, vector<16xi32> -> vector<16xf32>
        %add3A_520 = arith.addf %add3A_516, %gather3A_519 : vector<16xf32>
        %broadcast_in_dim3A_521 = vector.shape_cast %xor3A_14 : vector<16xi32> to vector<16x1xi32>
        %gather3A_522 = vector.shape_cast %broadcast_in_dim3A_521 : vector<16x1xi32> to vector<16xi32>
        %gather3A_523 = tpu.dynamic_gather %add3A_520[%gather3A_522] in [0] : vector<16xf32>, vector<16xi32> -> vector<16xf32>
        %add3A_524 = arith.addf %add3A_520, %gather3A_523 : vector<16xf32>
        %broadcast_in_dim3A_525 = vector.shape_cast %xor3A_17 : vector<16xi32> to vector<16x1xi32>
        %gather3A_526 = vector.shape_cast %broadcast_in_dim3A_525 : vector<16x1xi32> to vector<16xi32>
        %gather3A_527 = tpu.dynamic_gather %add3A_524[%gather3A_526] in [0] : vector<16xf32>, vector<16xi32> -> vector<16xf32>
        %add3A_528 = arith.addf %add3A_524, %gather3A_527 : vector<16xf32>
        %eq3A_529 = arith.constant 2 : i32
        %eq3A_530 = vector.broadcast %eq3A_529 : i32 to vector<16xi32>
        %eq3A_531 = arith.cmpi eq, %iota3A, %eq3A_530 : vector<16xi32>
        %select_n3A_532 = arith.select %eq3A_531, %add3A_528, %select_n3A_489 : vector<16xi1>, vector<16xf32>
        %mul3A_533 = arith.constant 20 : i32
        %mul3A_534 = arith.muli %scan3A_385, %mul3A_533 : i32
        %add3A_535 = arith.constant 3 : i32
        %add3A_536 = arith.addi %mul3A_534, %add3A_535 : i32
        %get3A_537 = arith.index_cast %add3A_536 : i32 to index
        %get3A_538 = arith.constant 0 : index
        %get3A_539 = tpu.vector_load %arg13[%get3A_537, %get3A_538] {strides = array<i32>} : memref<160x128xf32, #tpu.memory_space<vmem>>, vector<16xf32>,
        %get3A_540 = arith.index_cast %add3A_536 : i32 to index
        %get3A_541 = arith.constant 16 : index
        %get3A_542 = tpu.vector_load %arg13[%get3A_540, %get3A_541] {strides = array<i32>} : memref<160x128xf32, #tpu.memory_space<vmem>>, vector<16xf32>,
        %get3A_543 = arith.index_cast %add3A_536 : i32 to index
        %get3A_544 = arith.constant 32 : index
        %get3A_545 = tpu.vector_load %arg13[%get3A_543, %get3A_544] {strides = array<i32>} : memref<160x128xf32, #tpu.memory_space<vmem>>, vector<16xf32>,
        %get3A_546 = arith.index_cast %add3A_536 : i32 to index
        %get3A_547 = arith.constant 48 : index
        %get3A_548 = tpu.vector_load %arg13[%get3A_546, %get3A_547] {strides = array<i32>} : memref<160x128xf32, #tpu.memory_space<vmem>>, vector<16xf32>,
        %mul3A_549 = arith.mulf %get3A_539, %get3A_388 : vector<16xf32>
        %mul3A_550 = arith.mulf %get3A_542, %get3A_391 : vector<16xf32>
        %add3A_551 = arith.addf %mul3A_549, %mul3A_550 : vector<16xf32>
        %mul3A_552 = arith.mulf %get3A_545, %get3A_394 : vector<16xf32>
        %add3A_553 = arith.addf %add3A_551, %mul3A_552 : vector<16xf32>
        %mul3A_554 = arith.mulf %get3A_548, %get3A_397 : vector<16xf32>
        %add3A_555 = arith.addf %add3A_553, %mul3A_554 : vector<16xf32>
        %broadcast_in_dim3A_556 = vector.shape_cast %xor3A_8 : vector<16xi32> to vector<16x1xi32>
        %gather3A_557 = vector.shape_cast %broadcast_in_dim3A_556 : vector<16x1xi32> to vector<16xi32>
        %gather3A_558 = tpu.dynamic_gather %add3A_555[%gather3A_557] in [0] : vector<16xf32>, vector<16xi32> -> vector<16xf32>
        %add3A_559 = arith.addf %add3A_555, %gather3A_558 : vector<16xf32>
        %broadcast_in_dim3A_560 = vector.shape_cast %xor3A_11 : vector<16xi32> to vector<16x1xi32>
        %gather3A_561 = vector.shape_cast %broadcast_in_dim3A_560 : vector<16x1xi32> to vector<16xi32>
        %gather3A_562 = tpu.dynamic_gather %add3A_559[%gather3A_561] in [0] : vector<16xf32>, vector<16xi32> -> vector<16xf32>
        %add3A_563 = arith.addf %add3A_559, %gather3A_562 : vector<16xf32>
        %broadcast_in_dim3A_564 = vector.shape_cast %xor3A_14 : vector<16xi32> to vector<16x1xi32>
        %gather3A_565 = vector.shape_cast %broadcast_in_dim3A_564 : vector<16x1xi32> to vector<16xi32>
        %gather3A_566 = tpu.dynamic_gather %add3A_563[%gather3A_565] in [0] : vector<16xf32>, vector<16xi32> -> vector<16xf32>
        %add3A_567 = arith.addf %add3A_563, %gather3A_566 : vector<16xf32>
        %broadcast_in_dim3A_568 = vector.shape_cast %xor3A_17 : vector<16xi32> to vector<16x1xi32>
        %gather3A_569 = vector.shape_cast %broadcast_in_dim3A_568 : vector<16x1xi32> to vector<16xi32>
        %gather3A_570 = tpu.dynamic_gather %add3A_567[%gather3A_569] in [0] : vector<16xf32>, vector<16xi32> -> vector<16xf32>
        %add3A_571 = arith.addf %add3A_567, %gather3A_570 : vector<16xf32>
        %eq3A_572 = arith.constant 3 : i32
        %eq3A_573 = vector.broadcast %eq3A_572 : i32 to vector<16xi32>
        %eq3A_574 = arith.cmpi eq, %iota3A, %eq3A_573 : vector<16xi32>
        %select_n3A_575 = arith.select %eq3A_574, %add3A_571, %select_n3A_532 : vector<16xi1>, vector<16xf32>
        %mul3A_576 = arith.constant 20 : i32
        %mul3A_577 = arith.muli %scan3A_385, %mul3A_576 : i32
        %add3A_578 = arith.constant 4 : i32
        %add3A_579 = arith.addi %mul3A_577, %add3A_578 : i32
        %get3A_580 = arith.index_cast %add3A_579 : i32 to index
        %get3A_581 = arith.constant 0 : index
        %get3A_582 = tpu.vector_load %arg13[%get3A_580, %get3A_581] {strides = array<i32>} : memref<160x128xf32, #tpu.memory_space<vmem>>, vector<16xf32>,
        %get3A_583 = arith.index_cast %add3A_579 : i32 to index
        %get3A_584 = arith.constant 16 : index
        %get3A_585 = tpu.vector_load %arg13[%get3A_583, %get3A_584] {strides = array<i32>} : memref<160x128xf32, #tpu.memory_space<vmem>>, vector<16xf32>,
        %get3A_586 = arith.index_cast %add3A_579 : i32 to index
        %get3A_587 = arith.constant 32 : index
        %get3A_588 = tpu.vector_load %arg13[%get3A_586, %get3A_587] {strides = array<i32>} : memref<160x128xf32, #tpu.memory_space<vmem>>, vector<16xf32>,
        %get3A_589 = arith.index_cast %add3A_579 : i32 to index
        %get3A_590 = arith.constant 48 : index
        %get3A_591 = tpu.vector_load %arg13[%get3A_589, %get3A_590] {strides = array<i32>} : memref<160x128xf32, #tpu.memory_space<vmem>>, vector<16xf32>,
        %mul3A_592 = arith.mulf %get3A_582, %get3A_388 : vector<16xf32>
        %mul3A_593 = arith.mulf %get3A_585, %get3A_391 : vector<16xf32>
        %add3A_594 = arith.addf %mul3A_592, %mul3A_593 : vector<16xf32>
        %mul3A_595 = arith.mulf %get3A_588, %get3A_394 : vector<16xf32>
        %add3A_596 = arith.addf %add3A_594, %mul3A_595 : vector<16xf32>
        %mul3A_597 = arith.mulf %get3A_591, %get3A_397 : vector<16xf32>
        %add3A_598 = arith.addf %add3A_596, %mul3A_597 : vector<16xf32>
        %broadcast_in_dim3A_599 = vector.shape_cast %xor3A_8 : vector<16xi32> to vector<16x1xi32>
        %gather3A_600 = vector.shape_cast %broadcast_in_dim3A_599 : vector<16x1xi32> to vector<16xi32>
        %gather3A_601 = tpu.dynamic_gather %add3A_598[%gather3A_600] in [0] : vector<16xf32>, vector<16xi32> -> vector<16xf32>
        %add3A_602 = arith.addf %add3A_598, %gather3A_601 : vector<16xf32>
        %broadcast_in_dim3A_603 = vector.shape_cast %xor3A_11 : vector<16xi32> to vector<16x1xi32>
        %gather3A_604 = vector.shape_cast %broadcast_in_dim3A_603 : vector<16x1xi32> to vector<16xi32>
        %gather3A_605 = tpu.dynamic_gather %add3A_602[%gather3A_604] in [0] : vector<16xf32>, vector<16xi32> -> vector<16xf32>
        %add3A_606 = arith.addf %add3A_602, %gather3A_605 : vector<16xf32>
        %broadcast_in_dim3A_607 = vector.shape_cast %xor3A_14 : vector<16xi32> to vector<16x1xi32>
        %gather3A_608 = vector.shape_cast %broadcast_in_dim3A_607 : vector<16x1xi32> to vector<16xi32>
        %gather3A_609 = tpu.dynamic_gather %add3A_606[%gather3A_608] in [0] : vector<16xf32>, vector<16xi32> -> vector<16xf32>
        %add3A_610 = arith.addf %add3A_606, %gather3A_609 : vector<16xf32>
        %broadcast_in_dim3A_611 = vector.shape_cast %xor3A_17 : vector<16xi32> to vector<16x1xi32>
        %gather3A_612 = vector.shape_cast %broadcast_in_dim3A_611 : vector<16x1xi32> to vector<16xi32>
        %gather3A_613 = tpu.dynamic_gather %add3A_610[%gather3A_612] in [0] : vector<16xf32>, vector<16xi32> -> vector<16xf32>
        %add3A_614 = arith.addf %add3A_610, %gather3A_613 : vector<16xf32>
        %eq3A_615 = arith.constant 4 : i32
        %eq3A_616 = vector.broadcast %eq3A_615 : i32 to vector<16xi32>
        %eq3A_617 = arith.cmpi eq, %iota3A, %eq3A_616 : vector<16xi32>
        %select_n3A_618 = arith.select %eq3A_617, %add3A_614, %select_n3A_575 : vector<16xi1>, vector<16xf32>
        %mul3A_619 = arith.constant 20 : i32
        %mul3A_620 = arith.muli %scan3A_385, %mul3A_619 : i32
        %add3A_621 = arith.constant 5 : i32
        %add3A_622 = arith.addi %mul3A_620, %add3A_621 : i32
        %get3A_623 = arith.index_cast %add3A_622 : i32 to index
        %get3A_624 = arith.constant 0 : index
        %get3A_625 = tpu.vector_load %arg13[%get3A_623, %get3A_624] {strides = array<i32>} : memref<160x128xf32, #tpu.memory_space<vmem>>, vector<16xf32>,
        %get3A_626 = arith.index_cast %add3A_622 : i32 to index
        %get3A_627 = arith.constant 16 : index
        %get3A_628 = tpu.vector_load %arg13[%get3A_626, %get3A_627] {strides = array<i32>} : memref<160x128xf32, #tpu.memory_space<vmem>>, vector<16xf32>,
        %get3A_629 = arith.index_cast %add3A_622 : i32 to index
        %get3A_630 = arith.constant 32 : index
        %get3A_631 = tpu.vector_load %arg13[%get3A_629, %get3A_630] {strides = array<i32>} : memref<160x128xf32, #tpu.memory_space<vmem>>, vector<16xf32>,
        %get3A_632 = arith.index_cast %add3A_622 : i32 to index
        %get3A_633 = arith.constant 48 : index
        %get3A_634 = tpu.vector_load %arg13[%get3A_632, %get3A_633] {strides = array<i32>} : memref<160x128xf32, #tpu.memory_space<vmem>>, vector<16xf32>,
        %mul3A_635 = arith.mulf %get3A_625, %get3A_388 : vector<16xf32>
        %mul3A_636 = arith.mulf %get3A_628, %get3A_391 : vector<16xf32>
        %add3A_637 = arith.addf %mul3A_635, %mul3A_636 : vector<16xf32>
        %mul3A_638 = arith.mulf %get3A_631, %get3A_394 : vector<16xf32>
        %add3A_639 = arith.addf %add3A_637, %mul3A_638 : vector<16xf32>
        %mul3A_640 = arith.mulf %get3A_634, %get3A_397 : vector<16xf32>
        %add3A_641 = arith.addf %add3A_639, %mul3A_640 : vector<16xf32>
        %broadcast_in_dim3A_642 = vector.shape_cast %xor3A_8 : vector<16xi32> to vector<16x1xi32>
        %gather3A_643 = vector.shape_cast %broadcast_in_dim3A_642 : vector<16x1xi32> to vector<16xi32>
        %gather3A_644 = tpu.dynamic_gather %add3A_641[%gather3A_643] in [0] : vector<16xf32>, vector<16xi32> -> vector<16xf32>
        %add3A_645 = arith.addf %add3A_641, %gather3A_644 : vector<16xf32>
        %broadcast_in_dim3A_646 = vector.shape_cast %xor3A_11 : vector<16xi32> to vector<16x1xi32>
        %gather3A_647 = vector.shape_cast %broadcast_in_dim3A_646 : vector<16x1xi32> to vector<16xi32>
        %gather3A_648 = tpu.dynamic_gather %add3A_645[%gather3A_647] in [0] : vector<16xf32>, vector<16xi32> -> vector<16xf32>
        %add3A_649 = arith.addf %add3A_645, %gather3A_648 : vector<16xf32>
        %broadcast_in_dim3A_650 = vector.shape_cast %xor3A_14 : vector<16xi32> to vector<16x1xi32>
        %gather3A_651 = vector.shape_cast %broadcast_in_dim3A_650 : vector<16x1xi32> to vector<16xi32>
        %gather3A_652 = tpu.dynamic_gather %add3A_649[%gather3A_651] in [0] : vector<16xf32>, vector<16xi32> -> vector<16xf32>
        %add3A_653 = arith.addf %add3A_649, %gather3A_652 : vector<16xf32>
        %broadcast_in_dim3A_654 = vector.shape_cast %xor3A_17 : vector<16xi32> to vector<16x1xi32>
        %gather3A_655 = vector.shape_cast %broadcast_in_dim3A_654 : vector<16x1xi32> to vector<16xi32>
        %gather3A_656 = tpu.dynamic_gather %add3A_653[%gather3A_655] in [0] : vector<16xf32>, vector<16xi32> -> vector<16xf32>
        %add3A_657 = arith.addf %add3A_653, %gather3A_656 : vector<16xf32>
        %eq3A_658 = arith.constant 5 : i32
        %eq3A_659 = vector.broadcast %eq3A_658 : i32 to vector<16xi32>
        %eq3A_660 = arith.cmpi eq, %iota3A, %eq3A_659 : vector<16xi32>
        %select_n3A_661 = arith.select %eq3A_660, %add3A_657, %select_n3A_618 : vector<16xi1>, vector<16xf32>
        %mul3A_662 = arith.constant 20 : i32
        %mul3A_663 = arith.muli %scan3A_385, %mul3A_662 : i32
        %add3A_664 = arith.constant 6 : i32
        %add3A_665 = arith.addi %mul3A_663, %add3A_664 : i32
        %get3A_666 = arith.index_cast %add3A_665 : i32 to index
        %get3A_667 = arith.constant 0 : index
        %get3A_668 = tpu.vector_load %arg13[%get3A_666, %get3A_667] {strides = array<i32>} : memref<160x128xf32, #tpu.memory_space<vmem>>, vector<16xf32>,
        %get3A_669 = arith.index_cast %add3A_665 : i32 to index
        %get3A_670 = arith.constant 16 : index
        %get3A_671 = tpu.vector_load %arg13[%get3A_669, %get3A_670] {strides = array<i32>} : memref<160x128xf32, #tpu.memory_space<vmem>>, vector<16xf32>,
        %get3A_672 = arith.index_cast %add3A_665 : i32 to index
        %get3A_673 = arith.constant 32 : index
        %get3A_674 = tpu.vector_load %arg13[%get3A_672, %get3A_673] {strides = array<i32>} : memref<160x128xf32, #tpu.memory_space<vmem>>, vector<16xf32>,
        %get3A_675 = arith.index_cast %add3A_665 : i32 to index
        %get3A_676 = arith.constant 48 : index
        %get3A_677 = tpu.vector_load %arg13[%get3A_675, %get3A_676] {strides = array<i32>} : memref<160x128xf32, #tpu.memory_space<vmem>>, vector<16xf32>,
        %mul3A_678 = arith.mulf %get3A_668, %get3A_388 : vector<16xf32>
        %mul3A_679 = arith.mulf %get3A_671, %get3A_391 : vector<16xf32>
        %add3A_680 = arith.addf %mul3A_678, %mul3A_679 : vector<16xf32>
        %mul3A_681 = arith.mulf %get3A_674, %get3A_394 : vector<16xf32>
        %add3A_682 = arith.addf %add3A_680, %mul3A_681 : vector<16xf32>
        %mul3A_683 = arith.mulf %get3A_677, %get3A_397 : vector<16xf32>
        %add3A_684 = arith.addf %add3A_682, %mul3A_683 : vector<16xf32>
        %broadcast_in_dim3A_685 = vector.shape_cast %xor3A_8 : vector<16xi32> to vector<16x1xi32>
        %gather3A_686 = vector.shape_cast %broadcast_in_dim3A_685 : vector<16x1xi32> to vector<16xi32>
        %gather3A_687 = tpu.dynamic_gather %add3A_684[%gather3A_686] in [0] : vector<16xf32>, vector<16xi32> -> vector<16xf32>
        %add3A_688 = arith.addf %add3A_684, %gather3A_687 : vector<16xf32>
        %broadcast_in_dim3A_689 = vector.shape_cast %xor3A_11 : vector<16xi32> to vector<16x1xi32>
        %gather3A_690 = vector.shape_cast %broadcast_in_dim3A_689 : vector<16x1xi32> to vector<16xi32>
        %gather3A_691 = tpu.dynamic_gather %add3A_688[%gather3A_690] in [0] : vector<16xf32>, vector<16xi32> -> vector<16xf32>
        %add3A_692 = arith.addf %add3A_688, %gather3A_691 : vector<16xf32>
        %broadcast_in_dim3A_693 = vector.shape_cast %xor3A_14 : vector<16xi32> to vector<16x1xi32>
        %gather3A_694 = vector.shape_cast %broadcast_in_dim3A_693 : vector<16x1xi32> to vector<16xi32>
        %gather3A_695 = tpu.dynamic_gather %add3A_692[%gather3A_694] in [0] : vector<16xf32>, vector<16xi32> -> vector<16xf32>
        %add3A_696 = arith.addf %add3A_692, %gather3A_695 : vector<16xf32>
        %broadcast_in_dim3A_697 = vector.shape_cast %xor3A_17 : vector<16xi32> to vector<16x1xi32>
        %gather3A_698 = vector.shape_cast %broadcast_in_dim3A_697 : vector<16x1xi32> to vector<16xi32>
        %gather3A_699 = tpu.dynamic_gather %add3A_696[%gather3A_698] in [0] : vector<16xf32>, vector<16xi32> -> vector<16xf32>
        %add3A_700 = arith.addf %add3A_696, %gather3A_699 : vector<16xf32>
        %eq3A_701 = arith.constant 6 : i32
        %eq3A_702 = vector.broadcast %eq3A_701 : i32 to vector<16xi32>
        %eq3A_703 = arith.cmpi eq, %iota3A, %eq3A_702 : vector<16xi32>
        %select_n3A_704 = arith.select %eq3A_703, %add3A_700, %select_n3A_661 : vector<16xi1>, vector<16xf32>
        %mul3A_705 = arith.constant 20 : i32
        %mul3A_706 = arith.muli %scan3A_385, %mul3A_705 : i32
        %add3A_707 = arith.constant 7 : i32
        %add3A_708 = arith.addi %mul3A_706, %add3A_707 : i32
        %get3A_709 = arith.index_cast %add3A_708 : i32 to index
        %get3A_710 = arith.constant 0 : index
        %get3A_711 = tpu.vector_load %arg13[%get3A_709, %get3A_710] {strides = array<i32>} : memref<160x128xf32, #tpu.memory_space<vmem>>, vector<16xf32>,
        %get3A_712 = arith.index_cast %add3A_708 : i32 to index
        %get3A_713 = arith.constant 16 : index
        %get3A_714 = tpu.vector_load %arg13[%get3A_712, %get3A_713] {strides = array<i32>} : memref<160x128xf32, #tpu.memory_space<vmem>>, vector<16xf32>,
        %get3A_715 = arith.index_cast %add3A_708 : i32 to index
        %get3A_716 = arith.constant 32 : index
        %get3A_717 = tpu.vector_load %arg13[%get3A_715, %get3A_716] {strides = array<i32>} : memref<160x128xf32, #tpu.memory_space<vmem>>, vector<16xf32>,
        %get3A_718 = arith.index_cast %add3A_708 : i32 to index
        %get3A_719 = arith.constant 48 : index
        %get3A_720 = tpu.vector_load %arg13[%get3A_718, %get3A_719] {strides = array<i32>} : memref<160x128xf32, #tpu.memory_space<vmem>>, vector<16xf32>,
        %mul3A_721 = arith.mulf %get3A_711, %get3A_388 : vector<16xf32>
        %mul3A_722 = arith.mulf %get3A_714, %get3A_391 : vector<16xf32>
        %add3A_723 = arith.addf %mul3A_721, %mul3A_722 : vector<16xf32>
        %mul3A_724 = arith.mulf %get3A_717, %get3A_394 : vector<16xf32>
        %add3A_725 = arith.addf %add3A_723, %mul3A_724 : vector<16xf32>
        %mul3A_726 = arith.mulf %get3A_720, %get3A_397 : vector<16xf32>
        %add3A_727 = arith.addf %add3A_725, %mul3A_726 : vector<16xf32>
        %broadcast_in_dim3A_728 = vector.shape_cast %xor3A_8 : vector<16xi32> to vector<16x1xi32>
        %gather3A_729 = vector.shape_cast %broadcast_in_dim3A_728 : vector<16x1xi32> to vector<16xi32>
        %gather3A_730 = tpu.dynamic_gather %add3A_727[%gather3A_729] in [0] : vector<16xf32>, vector<16xi32> -> vector<16xf32>
        %add3A_731 = arith.addf %add3A_727, %gather3A_730 : vector<16xf32>
        %broadcast_in_dim3A_732 = vector.shape_cast %xor3A_11 : vector<16xi32> to vector<16x1xi32>
        %gather3A_733 = vector.shape_cast %broadcast_in_dim3A_732 : vector<16x1xi32> to vector<16xi32>
        %gather3A_734 = tpu.dynamic_gather %add3A_731[%gather3A_733] in [0] : vector<16xf32>, vector<16xi32> -> vector<16xf32>
        %add3A_735 = arith.addf %add3A_731, %gather3A_734 : vector<16xf32>
        %broadcast_in_dim3A_736 = vector.shape_cast %xor3A_14 : vector<16xi32> to vector<16x1xi32>
        %gather3A_737 = vector.shape_cast %broadcast_in_dim3A_736 : vector<16x1xi32> to vector<16xi32>
        %gather3A_738 = tpu.dynamic_gather %add3A_735[%gather3A_737] in [0] : vector<16xf32>, vector<16xi32> -> vector<16xf32>
        %add3A_739 = arith.addf %add3A_735, %gather3A_738 : vector<16xf32>
        %broadcast_in_dim3A_740 = vector.shape_cast %xor3A_17 : vector<16xi32> to vector<16x1xi32>
        %gather3A_741 = vector.shape_cast %broadcast_in_dim3A_740 : vector<16x1xi32> to vector<16xi32>
        %gather3A_742 = tpu.dynamic_gather %add3A_739[%gather3A_741] in [0] : vector<16xf32>, vector<16xi32> -> vector<16xf32>
        %add3A_743 = arith.addf %add3A_739, %gather3A_742 : vector<16xf32>
        %eq3A_744 = arith.constant 7 : i32
        %eq3A_745 = vector.broadcast %eq3A_744 : i32 to vector<16xi32>
        %eq3A_746 = arith.cmpi eq, %iota3A, %eq3A_745 : vector<16xi32>
        %select_n3A_747 = arith.select %eq3A_746, %add3A_743, %select_n3A_704 : vector<16xi1>, vector<16xf32>
        %mul3A_748 = arith.constant 20 : i32
        %mul3A_749 = arith.muli %scan3A_385, %mul3A_748 : i32
        %add3A_750 = arith.constant 8 : i32
        %add3A_751 = arith.addi %mul3A_749, %add3A_750 : i32
        %get3A_752 = arith.index_cast %add3A_751 : i32 to index
        %get3A_753 = arith.constant 0 : index
        %get3A_754 = tpu.vector_load %arg13[%get3A_752, %get3A_753] {strides = array<i32>} : memref<160x128xf32, #tpu.memory_space<vmem>>, vector<16xf32>,
        %get3A_755 = arith.index_cast %add3A_751 : i32 to index
        %get3A_756 = arith.constant 16 : index
        %get3A_757 = tpu.vector_load %arg13[%get3A_755, %get3A_756] {strides = array<i32>} : memref<160x128xf32, #tpu.memory_space<vmem>>, vector<16xf32>,
        %get3A_758 = arith.index_cast %add3A_751 : i32 to index
        %get3A_759 = arith.constant 32 : index
        %get3A_760 = tpu.vector_load %arg13[%get3A_758, %get3A_759] {strides = array<i32>} : memref<160x128xf32, #tpu.memory_space<vmem>>, vector<16xf32>,
        %get3A_761 = arith.index_cast %add3A_751 : i32 to index
        %get3A_762 = arith.constant 48 : index
        %get3A_763 = tpu.vector_load %arg13[%get3A_761, %get3A_762] {strides = array<i32>} : memref<160x128xf32, #tpu.memory_space<vmem>>, vector<16xf32>,
        %mul3A_764 = arith.mulf %get3A_754, %get3A_388 : vector<16xf32>
        %mul3A_765 = arith.mulf %get3A_757, %get3A_391 : vector<16xf32>
        %add3A_766 = arith.addf %mul3A_764, %mul3A_765 : vector<16xf32>
        %mul3A_767 = arith.mulf %get3A_760, %get3A_394 : vector<16xf32>
        %add3A_768 = arith.addf %add3A_766, %mul3A_767 : vector<16xf32>
        %mul3A_769 = arith.mulf %get3A_763, %get3A_397 : vector<16xf32>
        %add3A_770 = arith.addf %add3A_768, %mul3A_769 : vector<16xf32>
        %broadcast_in_dim3A_771 = vector.shape_cast %xor3A_8 : vector<16xi32> to vector<16x1xi32>
        %gather3A_772 = vector.shape_cast %broadcast_in_dim3A_771 : vector<16x1xi32> to vector<16xi32>
        %gather3A_773 = tpu.dynamic_gather %add3A_770[%gather3A_772] in [0] : vector<16xf32>, vector<16xi32> -> vector<16xf32>
        %add3A_774 = arith.addf %add3A_770, %gather3A_773 : vector<16xf32>
        %broadcast_in_dim3A_775 = vector.shape_cast %xor3A_11 : vector<16xi32> to vector<16x1xi32>
        %gather3A_776 = vector.shape_cast %broadcast_in_dim3A_775 : vector<16x1xi32> to vector<16xi32>
        %gather3A_777 = tpu.dynamic_gather %add3A_774[%gather3A_776] in [0] : vector<16xf32>, vector<16xi32> -> vector<16xf32>
        %add3A_778 = arith.addf %add3A_774, %gather3A_777 : vector<16xf32>
        %broadcast_in_dim3A_779 = vector.shape_cast %xor3A_14 : vector<16xi32> to vector<16x1xi32>
        %gather3A_780 = vector.shape_cast %broadcast_in_dim3A_779 : vector<16x1xi32> to vector<16xi32>
        %gather3A_781 = tpu.dynamic_gather %add3A_778[%gather3A_780] in [0] : vector<16xf32>, vector<16xi32> -> vector<16xf32>
        %add3A_782 = arith.addf %add3A_778, %gather3A_781 : vector<16xf32>
        %broadcast_in_dim3A_783 = vector.shape_cast %xor3A_17 : vector<16xi32> to vector<16x1xi32>
        %gather3A_784 = vector.shape_cast %broadcast_in_dim3A_783 : vector<16x1xi32> to vector<16xi32>
        %gather3A_785 = tpu.dynamic_gather %add3A_782[%gather3A_784] in [0] : vector<16xf32>, vector<16xi32> -> vector<16xf32>
        %add3A_786 = arith.addf %add3A_782, %gather3A_785 : vector<16xf32>
        %eq3A_787 = arith.constant 8 : i32
        %eq3A_788 = vector.broadcast %eq3A_787 : i32 to vector<16xi32>
        %eq3A_789 = arith.cmpi eq, %iota3A, %eq3A_788 : vector<16xi32>
        %select_n3A_790 = arith.select %eq3A_789, %add3A_786, %select_n3A_747 : vector<16xi1>, vector<16xf32>
        %mul3A_791 = arith.constant 20 : i32
        %mul3A_792 = arith.muli %scan3A_385, %mul3A_791 : i32
        %add3A_793 = arith.constant 9 : i32
        %add3A_794 = arith.addi %mul3A_792, %add3A_793 : i32
        %get3A_795 = arith.index_cast %add3A_794 : i32 to index
        %get3A_796 = arith.constant 0 : index
        %get3A_797 = tpu.vector_load %arg13[%get3A_795, %get3A_796] {strides = array<i32>} : memref<160x128xf32, #tpu.memory_space<vmem>>, vector<16xf32>,
        %get3A_798 = arith.index_cast %add3A_794 : i32 to index
        %get3A_799 = arith.constant 16 : index
        %get3A_800 = tpu.vector_load %arg13[%get3A_798, %get3A_799] {strides = array<i32>} : memref<160x128xf32, #tpu.memory_space<vmem>>, vector<16xf32>,
        %get3A_801 = arith.index_cast %add3A_794 : i32 to index
        %get3A_802 = arith.constant 32 : index
        %get3A_803 = tpu.vector_load %arg13[%get3A_801, %get3A_802] {strides = array<i32>} : memref<160x128xf32, #tpu.memory_space<vmem>>, vector<16xf32>,
        %get3A_804 = arith.index_cast %add3A_794 : i32 to index
        %get3A_805 = arith.constant 48 : index
        %get3A_806 = tpu.vector_load %arg13[%get3A_804, %get3A_805] {strides = array<i32>} : memref<160x128xf32, #tpu.memory_space<vmem>>, vector<16xf32>,
        %mul3A_807 = arith.mulf %get3A_797, %get3A_388 : vector<16xf32>
        %mul3A_808 = arith.mulf %get3A_800, %get3A_391 : vector<16xf32>
        %add3A_809 = arith.addf %mul3A_807, %mul3A_808 : vector<16xf32>
        %mul3A_810 = arith.mulf %get3A_803, %get3A_394 : vector<16xf32>
        %add3A_811 = arith.addf %add3A_809, %mul3A_810 : vector<16xf32>
        %mul3A_812 = arith.mulf %get3A_806, %get3A_397 : vector<16xf32>
        %add3A_813 = arith.addf %add3A_811, %mul3A_812 : vector<16xf32>
        %broadcast_in_dim3A_814 = vector.shape_cast %xor3A_8 : vector<16xi32> to vector<16x1xi32>
        %gather3A_815 = vector.shape_cast %broadcast_in_dim3A_814 : vector<16x1xi32> to vector<16xi32>
        %gather3A_816 = tpu.dynamic_gather %add3A_813[%gather3A_815] in [0] : vector<16xf32>, vector<16xi32> -> vector<16xf32>
        %add3A_817 = arith.addf %add3A_813, %gather3A_816 : vector<16xf32>
        %broadcast_in_dim3A_818 = vector.shape_cast %xor3A_11 : vector<16xi32> to vector<16x1xi32>
        %gather3A_819 = vector.shape_cast %broadcast_in_dim3A_818 : vector<16x1xi32> to vector<16xi32>
        %gather3A_820 = tpu.dynamic_gather %add3A_817[%gather3A_819] in [0] : vector<16xf32>, vector<16xi32> -> vector<16xf32>
        %add3A_821 = arith.addf %add3A_817, %gather3A_820 : vector<16xf32>
        %broadcast_in_dim3A_822 = vector.shape_cast %xor3A_14 : vector<16xi32> to vector<16x1xi32>
        %gather3A_823 = vector.shape_cast %broadcast_in_dim3A_822 : vector<16x1xi32> to vector<16xi32>
        %gather3A_824 = tpu.dynamic_gather %add3A_821[%gather3A_823] in [0] : vector<16xf32>, vector<16xi32> -> vector<16xf32>
        %add3A_825 = arith.addf %add3A_821, %gather3A_824 : vector<16xf32>
        %broadcast_in_dim3A_826 = vector.shape_cast %xor3A_17 : vector<16xi32> to vector<16x1xi32>
        %gather3A_827 = vector.shape_cast %broadcast_in_dim3A_826 : vector<16x1xi32> to vector<16xi32>
        %gather3A_828 = tpu.dynamic_gather %add3A_825[%gather3A_827] in [0] : vector<16xf32>, vector<16xi32> -> vector<16xf32>
        %add3A_829 = arith.addf %add3A_825, %gather3A_828 : vector<16xf32>
        %eq3A_830 = arith.constant 9 : i32
        %eq3A_831 = vector.broadcast %eq3A_830 : i32 to vector<16xi32>
        %eq3A_832 = arith.cmpi eq, %iota3A, %eq3A_831 : vector<16xi32>
        %select_n3A_833 = arith.select %eq3A_832, %add3A_829, %select_n3A_790 : vector<16xi1>, vector<16xf32>
        %mul3A_834 = arith.constant 20 : i32
        %mul3A_835 = arith.muli %scan3A_385, %mul3A_834 : i32
        %add3A_836 = arith.constant 10 : i32
        %add3A_837 = arith.addi %mul3A_835, %add3A_836 : i32
        %get3A_838 = arith.index_cast %add3A_837 : i32 to index
        %get3A_839 = arith.constant 0 : index
        %get3A_840 = tpu.vector_load %arg13[%get3A_838, %get3A_839] {strides = array<i32>} : memref<160x128xf32, #tpu.memory_space<vmem>>, vector<16xf32>,
        %get3A_841 = arith.index_cast %add3A_837 : i32 to index
        %get3A_842 = arith.constant 16 : index
        %get3A_843 = tpu.vector_load %arg13[%get3A_841, %get3A_842] {strides = array<i32>} : memref<160x128xf32, #tpu.memory_space<vmem>>, vector<16xf32>,
        %get3A_844 = arith.index_cast %add3A_837 : i32 to index
        %get3A_845 = arith.constant 32 : index
        %get3A_846 = tpu.vector_load %arg13[%get3A_844, %get3A_845] {strides = array<i32>} : memref<160x128xf32, #tpu.memory_space<vmem>>, vector<16xf32>,
        %get3A_847 = arith.index_cast %add3A_837 : i32 to index
        %get3A_848 = arith.constant 48 : index
        %get3A_849 = tpu.vector_load %arg13[%get3A_847, %get3A_848] {strides = array<i32>} : memref<160x128xf32, #tpu.memory_space<vmem>>, vector<16xf32>,
        %mul3A_850 = arith.mulf %get3A_840, %get3A_388 : vector<16xf32>
        %mul3A_851 = arith.mulf %get3A_843, %get3A_391 : vector<16xf32>
        %add3A_852 = arith.addf %mul3A_850, %mul3A_851 : vector<16xf32>
        %mul3A_853 = arith.mulf %get3A_846, %get3A_394 : vector<16xf32>
        %add3A_854 = arith.addf %add3A_852, %mul3A_853 : vector<16xf32>
        %mul3A_855 = arith.mulf %get3A_849, %get3A_397 : vector<16xf32>
        %add3A_856 = arith.addf %add3A_854, %mul3A_855 : vector<16xf32>
        %broadcast_in_dim3A_857 = vector.shape_cast %xor3A_8 : vector<16xi32> to vector<16x1xi32>
        %gather3A_858 = vector.shape_cast %broadcast_in_dim3A_857 : vector<16x1xi32> to vector<16xi32>
        %gather3A_859 = tpu.dynamic_gather %add3A_856[%gather3A_858] in [0] : vector<16xf32>, vector<16xi32> -> vector<16xf32>
        %add3A_860 = arith.addf %add3A_856, %gather3A_859 : vector<16xf32>
        %broadcast_in_dim3A_861 = vector.shape_cast %xor3A_11 : vector<16xi32> to vector<16x1xi32>
        %gather3A_862 = vector.shape_cast %broadcast_in_dim3A_861 : vector<16x1xi32> to vector<16xi32>
        %gather3A_863 = tpu.dynamic_gather %add3A_860[%gather3A_862] in [0] : vector<16xf32>, vector<16xi32> -> vector<16xf32>
        %add3A_864 = arith.addf %add3A_860, %gather3A_863 : vector<16xf32>
        %broadcast_in_dim3A_865 = vector.shape_cast %xor3A_14 : vector<16xi32> to vector<16x1xi32>
        %gather3A_866 = vector.shape_cast %broadcast_in_dim3A_865 : vector<16x1xi32> to vector<16xi32>
        %gather3A_867 = tpu.dynamic_gather %add3A_864[%gather3A_866] in [0] : vector<16xf32>, vector<16xi32> -> vector<16xf32>
        %add3A_868 = arith.addf %add3A_864, %gather3A_867 : vector<16xf32>
        %broadcast_in_dim3A_869 = vector.shape_cast %xor3A_17 : vector<16xi32> to vector<16x1xi32>
        %gather3A_870 = vector.shape_cast %broadcast_in_dim3A_869 : vector<16x1xi32> to vector<16xi32>
        %gather3A_871 = tpu.dynamic_gather %add3A_868[%gather3A_870] in [0] : vector<16xf32>, vector<16xi32> -> vector<16xf32>
        %add3A_872 = arith.addf %add3A_868, %gather3A_871 : vector<16xf32>
        %eq3A_873 = arith.constant 10 : i32
        %eq3A_874 = vector.broadcast %eq3A_873 : i32 to vector<16xi32>
        %eq3A_875 = arith.cmpi eq, %iota3A, %eq3A_874 : vector<16xi32>
        %select_n3A_876 = arith.select %eq3A_875, %add3A_872, %select_n3A_833 : vector<16xi1>, vector<16xf32>
        %mul3A_877 = arith.constant 20 : i32
        %mul3A_878 = arith.muli %scan3A_385, %mul3A_877 : i32
        %add3A_879 = arith.constant 11 : i32
        %add3A_880 = arith.addi %mul3A_878, %add3A_879 : i32
        %get3A_881 = arith.index_cast %add3A_880 : i32 to index
        %get3A_882 = arith.constant 0 : index
        %get3A_883 = tpu.vector_load %arg13[%get3A_881, %get3A_882] {strides = array<i32>} : memref<160x128xf32, #tpu.memory_space<vmem>>, vector<16xf32>,
        %get3A_884 = arith.index_cast %add3A_880 : i32 to index
        %get3A_885 = arith.constant 16 : index
        %get3A_886 = tpu.vector_load %arg13[%get3A_884, %get3A_885] {strides = array<i32>} : memref<160x128xf32, #tpu.memory_space<vmem>>, vector<16xf32>,
        %get3A_887 = arith.index_cast %add3A_880 : i32 to index
        %get3A_888 = arith.constant 32 : index
        %get3A_889 = tpu.vector_load %arg13[%get3A_887, %get3A_888] {strides = array<i32>} : memref<160x128xf32, #tpu.memory_space<vmem>>, vector<16xf32>,
        %get3A_890 = arith.index_cast %add3A_880 : i32 to index
        %get3A_891 = arith.constant 48 : index
        %get3A_892 = tpu.vector_load %arg13[%get3A_890, %get3A_891] {strides = array<i32>} : memref<160x128xf32, #tpu.memory_space<vmem>>, vector<16xf32>,
        %mul3A_893 = arith.mulf %get3A_883, %get3A_388 : vector<16xf32>
        %mul3A_894 = arith.mulf %get3A_886, %get3A_391 : vector<16xf32>
        %add3A_895 = arith.addf %mul3A_893, %mul3A_894 : vector<16xf32>
        %mul3A_896 = arith.mulf %get3A_889, %get3A_394 : vector<16xf32>
        %add3A_897 = arith.addf %add3A_895, %mul3A_896 : vector<16xf32>
        %mul3A_898 = arith.mulf %get3A_892, %get3A_397 : vector<16xf32>
        %add3A_899 = arith.addf %add3A_897, %mul3A_898 : vector<16xf32>
        %broadcast_in_dim3A_900 = vector.shape_cast %xor3A_8 : vector<16xi32> to vector<16x1xi32>
        %gather3A_901 = vector.shape_cast %broadcast_in_dim3A_900 : vector<16x1xi32> to vector<16xi32>
        %gather3A_902 = tpu.dynamic_gather %add3A_899[%gather3A_901] in [0] : vector<16xf32>, vector<16xi32> -> vector<16xf32>
        %add3A_903 = arith.addf %add3A_899, %gather3A_902 : vector<16xf32>
        %broadcast_in_dim3A_904 = vector.shape_cast %xor3A_11 : vector<16xi32> to vector<16x1xi32>
        %gather3A_905 = vector.shape_cast %broadcast_in_dim3A_904 : vector<16x1xi32> to vector<16xi32>
        %gather3A_906 = tpu.dynamic_gather %add3A_903[%gather3A_905] in [0] : vector<16xf32>, vector<16xi32> -> vector<16xf32>
        %add3A_907 = arith.addf %add3A_903, %gather3A_906 : vector<16xf32>
        %broadcast_in_dim3A_908 = vector.shape_cast %xor3A_14 : vector<16xi32> to vector<16x1xi32>
        %gather3A_909 = vector.shape_cast %broadcast_in_dim3A_908 : vector<16x1xi32> to vector<16xi32>
        %gather3A_910 = tpu.dynamic_gather %add3A_907[%gather3A_909] in [0] : vector<16xf32>, vector<16xi32> -> vector<16xf32>
        %add3A_911 = arith.addf %add3A_907, %gather3A_910 : vector<16xf32>
        %broadcast_in_dim3A_912 = vector.shape_cast %xor3A_17 : vector<16xi32> to vector<16x1xi32>
        %gather3A_913 = vector.shape_cast %broadcast_in_dim3A_912 : vector<16x1xi32> to vector<16xi32>
        %gather3A_914 = tpu.dynamic_gather %add3A_911[%gather3A_913] in [0] : vector<16xf32>, vector<16xi32> -> vector<16xf32>
        %add3A_915 = arith.addf %add3A_911, %gather3A_914 : vector<16xf32>
        %eq3A_916 = arith.constant 11 : i32
        %eq3A_917 = vector.broadcast %eq3A_916 : i32 to vector<16xi32>
        %eq3A_918 = arith.cmpi eq, %iota3A, %eq3A_917 : vector<16xi32>
        %select_n3A_919 = arith.select %eq3A_918, %add3A_915, %select_n3A_876 : vector<16xi1>, vector<16xf32>
        %mul3A_920 = arith.constant 20 : i32
        %mul3A_921 = arith.muli %scan3A_385, %mul3A_920 : i32
        %add3A_922 = arith.constant 12 : i32
        %add3A_923 = arith.addi %mul3A_921, %add3A_922 : i32
        %get3A_924 = arith.index_cast %add3A_923 : i32 to index
        %get3A_925 = arith.constant 0 : index
        %get3A_926 = tpu.vector_load %arg13[%get3A_924, %get3A_925] {strides = array<i32>} : memref<160x128xf32, #tpu.memory_space<vmem>>, vector<16xf32>,
        %get3A_927 = arith.index_cast %add3A_923 : i32 to index
        %get3A_928 = arith.constant 16 : index
        %get3A_929 = tpu.vector_load %arg13[%get3A_927, %get3A_928] {strides = array<i32>} : memref<160x128xf32, #tpu.memory_space<vmem>>, vector<16xf32>,
        %get3A_930 = arith.index_cast %add3A_923 : i32 to index
        %get3A_931 = arith.constant 32 : index
        %get3A_932 = tpu.vector_load %arg13[%get3A_930, %get3A_931] {strides = array<i32>} : memref<160x128xf32, #tpu.memory_space<vmem>>, vector<16xf32>,
        %get3A_933 = arith.index_cast %add3A_923 : i32 to index
        %get3A_934 = arith.constant 48 : index
        %get3A_935 = tpu.vector_load %arg13[%get3A_933, %get3A_934] {strides = array<i32>} : memref<160x128xf32, #tpu.memory_space<vmem>>, vector<16xf32>,
        %mul3A_936 = arith.mulf %get3A_926, %get3A_388 : vector<16xf32>
        %mul3A_937 = arith.mulf %get3A_929, %get3A_391 : vector<16xf32>
        %add3A_938 = arith.addf %mul3A_936, %mul3A_937 : vector<16xf32>
        %mul3A_939 = arith.mulf %get3A_932, %get3A_394 : vector<16xf32>
        %add3A_940 = arith.addf %add3A_938, %mul3A_939 : vector<16xf32>
        %mul3A_941 = arith.mulf %get3A_935, %get3A_397 : vector<16xf32>
        %add3A_942 = arith.addf %add3A_940, %mul3A_941 : vector<16xf32>
        %broadcast_in_dim3A_943 = vector.shape_cast %xor3A_8 : vector<16xi32> to vector<16x1xi32>
        %gather3A_944 = vector.shape_cast %broadcast_in_dim3A_943 : vector<16x1xi32> to vector<16xi32>
        %gather3A_945 = tpu.dynamic_gather %add3A_942[%gather3A_944] in [0] : vector<16xf32>, vector<16xi32> -> vector<16xf32>
        %add3A_946 = arith.addf %add3A_942, %gather3A_945 : vector<16xf32>
        %broadcast_in_dim3A_947 = vector.shape_cast %xor3A_11 : vector<16xi32> to vector<16x1xi32>
        %gather3A_948 = vector.shape_cast %broadcast_in_dim3A_947 : vector<16x1xi32> to vector<16xi32>
        %gather3A_949 = tpu.dynamic_gather %add3A_946[%gather3A_948] in [0] : vector<16xf32>, vector<16xi32> -> vector<16xf32>
        %add3A_950 = arith.addf %add3A_946, %gather3A_949 : vector<16xf32>
        %broadcast_in_dim3A_951 = vector.shape_cast %xor3A_14 : vector<16xi32> to vector<16x1xi32>
        %gather3A_952 = vector.shape_cast %broadcast_in_dim3A_951 : vector<16x1xi32> to vector<16xi32>
        %gather3A_953 = tpu.dynamic_gather %add3A_950[%gather3A_952] in [0] : vector<16xf32>, vector<16xi32> -> vector<16xf32>
        %add3A_954 = arith.addf %add3A_950, %gather3A_953 : vector<16xf32>
        %broadcast_in_dim3A_955 = vector.shape_cast %xor3A_17 : vector<16xi32> to vector<16x1xi32>
        %gather3A_956 = vector.shape_cast %broadcast_in_dim3A_955 : vector<16x1xi32> to vector<16xi32>
        %gather3A_957 = tpu.dynamic_gather %add3A_954[%gather3A_956] in [0] : vector<16xf32>, vector<16xi32> -> vector<16xf32>
        %add3A_958 = arith.addf %add3A_954, %gather3A_957 : vector<16xf32>
        %eq3A_959 = arith.constant 12 : i32
        %eq3A_960 = vector.broadcast %eq3A_959 : i32 to vector<16xi32>
        %eq3A_961 = arith.cmpi eq, %iota3A, %eq3A_960 : vector<16xi32>
        %select_n3A_962 = arith.select %eq3A_961, %add3A_958, %select_n3A_919 : vector<16xi1>, vector<16xf32>
        %mul3A_963 = arith.constant 20 : i32
        %mul3A_964 = arith.muli %scan3A_385, %mul3A_963 : i32
        %add3A_965 = arith.constant 13 : i32
        %add3A_966 = arith.addi %mul3A_964, %add3A_965 : i32
        %get3A_967 = arith.index_cast %add3A_966 : i32 to index
        %get3A_968 = arith.constant 0 : index
        %get3A_969 = tpu.vector_load %arg13[%get3A_967, %get3A_968] {strides = array<i32>} : memref<160x128xf32, #tpu.memory_space<vmem>>, vector<16xf32>,
        %get3A_970 = arith.index_cast %add3A_966 : i32 to index
        %get3A_971 = arith.constant 16 : index
        %get3A_972 = tpu.vector_load %arg13[%get3A_970, %get3A_971] {strides = array<i32>} : memref<160x128xf32, #tpu.memory_space<vmem>>, vector<16xf32>,
        %get3A_973 = arith.index_cast %add3A_966 : i32 to index
        %get3A_974 = arith.constant 32 : index
        %get3A_975 = tpu.vector_load %arg13[%get3A_973, %get3A_974] {strides = array<i32>} : memref<160x128xf32, #tpu.memory_space<vmem>>, vector<16xf32>,
        %get3A_976 = arith.index_cast %add3A_966 : i32 to index
        %get3A_977 = arith.constant 48 : index
        %get3A_978 = tpu.vector_load %arg13[%get3A_976, %get3A_977] {strides = array<i32>} : memref<160x128xf32, #tpu.memory_space<vmem>>, vector<16xf32>,
        %mul3A_979 = arith.mulf %get3A_969, %get3A_388 : vector<16xf32>
        %mul3A_980 = arith.mulf %get3A_972, %get3A_391 : vector<16xf32>
        %add3A_981 = arith.addf %mul3A_979, %mul3A_980 : vector<16xf32>
        %mul3A_982 = arith.mulf %get3A_975, %get3A_394 : vector<16xf32>
        %add3A_983 = arith.addf %add3A_981, %mul3A_982 : vector<16xf32>
        %mul3A_984 = arith.mulf %get3A_978, %get3A_397 : vector<16xf32>
        %add3A_985 = arith.addf %add3A_983, %mul3A_984 : vector<16xf32>
        %broadcast_in_dim3A_986 = vector.shape_cast %xor3A_8 : vector<16xi32> to vector<16x1xi32>
        %gather3A_987 = vector.shape_cast %broadcast_in_dim3A_986 : vector<16x1xi32> to vector<16xi32>
        %gather3A_988 = tpu.dynamic_gather %add3A_985[%gather3A_987] in [0] : vector<16xf32>, vector<16xi32> -> vector<16xf32>
        %add3A_989 = arith.addf %add3A_985, %gather3A_988 : vector<16xf32>
        %broadcast_in_dim3A_990 = vector.shape_cast %xor3A_11 : vector<16xi32> to vector<16x1xi32>
        %gather3A_991 = vector.shape_cast %broadcast_in_dim3A_990 : vector<16x1xi32> to vector<16xi32>
        %gather3A_992 = tpu.dynamic_gather %add3A_989[%gather3A_991] in [0] : vector<16xf32>, vector<16xi32> -> vector<16xf32>
        %add3A_993 = arith.addf %add3A_989, %gather3A_992 : vector<16xf32>
        %broadcast_in_dim3A_994 = vector.shape_cast %xor3A_14 : vector<16xi32> to vector<16x1xi32>
        %gather3A_995 = vector.shape_cast %broadcast_in_dim3A_994 : vector<16x1xi32> to vector<16xi32>
        %gather3A_996 = tpu.dynamic_gather %add3A_993[%gather3A_995] in [0] : vector<16xf32>, vector<16xi32> -> vector<16xf32>
        %add3A_997 = arith.addf %add3A_993, %gather3A_996 : vector<16xf32>
        %broadcast_in_dim3A_998 = vector.shape_cast %xor3A_17 : vector<16xi32> to vector<16x1xi32>
        %gather3A_999 = vector.shape_cast %broadcast_in_dim3A_998 : vector<16x1xi32> to vector<16xi32>
        %gather3A_1000 = tpu.dynamic_gather %add3A_997[%gather3A_999] in [0] : vector<16xf32>, vector<16xi32> -> vector<16xf32>
        %add3A_1001 = arith.addf %add3A_997, %gather3A_1000 : vector<16xf32>
        %eq3A_1002 = arith.constant 13 : i32
        %eq3A_1003 = vector.broadcast %eq3A_1002 : i32 to vector<16xi32>
        %eq3A_1004 = arith.cmpi eq, %iota3A, %eq3A_1003 : vector<16xi32>
        %select_n3A_1005 = arith.select %eq3A_1004, %add3A_1001, %select_n3A_962 : vector<16xi1>, vector<16xf32>
        %mul3A_1006 = arith.constant 20 : i32
        %mul3A_1007 = arith.muli %scan3A_385, %mul3A_1006 : i32
        %add3A_1008 = arith.constant 14 : i32
        %add3A_1009 = arith.addi %mul3A_1007, %add3A_1008 : i32
        %get3A_1010 = arith.index_cast %add3A_1009 : i32 to index
        %get3A_1011 = arith.constant 0 : index
        %get3A_1012 = tpu.vector_load %arg13[%get3A_1010, %get3A_1011] {strides = array<i32>} : memref<160x128xf32, #tpu.memory_space<vmem>>, vector<16xf32>,
        %get3A_1013 = arith.index_cast %add3A_1009 : i32 to index
        %get3A_1014 = arith.constant 16 : index
        %get3A_1015 = tpu.vector_load %arg13[%get3A_1013, %get3A_1014] {strides = array<i32>} : memref<160x128xf32, #tpu.memory_space<vmem>>, vector<16xf32>,
        %get3A_1016 = arith.index_cast %add3A_1009 : i32 to index
        %get3A_1017 = arith.constant 32 : index
        %get3A_1018 = tpu.vector_load %arg13[%get3A_1016, %get3A_1017] {strides = array<i32>} : memref<160x128xf32, #tpu.memory_space<vmem>>, vector<16xf32>,
        %get3A_1019 = arith.index_cast %add3A_1009 : i32 to index
        %get3A_1020 = arith.constant 48 : index
        %get3A_1021 = tpu.vector_load %arg13[%get3A_1019, %get3A_1020] {strides = array<i32>} : memref<160x128xf32, #tpu.memory_space<vmem>>, vector<16xf32>,
        %mul3A_1022 = arith.mulf %get3A_1012, %get3A_388 : vector<16xf32>
        %mul3A_1023 = arith.mulf %get3A_1015, %get3A_391 : vector<16xf32>
        %add3A_1024 = arith.addf %mul3A_1022, %mul3A_1023 : vector<16xf32>
        %mul3A_1025 = arith.mulf %get3A_1018, %get3A_394 : vector<16xf32>
        %add3A_1026 = arith.addf %add3A_1024, %mul3A_1025 : vector<16xf32>
        %mul3A_1027 = arith.mulf %get3A_1021, %get3A_397 : vector<16xf32>
        %add3A_1028 = arith.addf %add3A_1026, %mul3A_1027 : vector<16xf32>
        %broadcast_in_dim3A_1029 = vector.shape_cast %xor3A_8 : vector<16xi32> to vector<16x1xi32>
        %gather3A_1030 = vector.shape_cast %broadcast_in_dim3A_1029 : vector<16x1xi32> to vector<16xi32>
        %gather3A_1031 = tpu.dynamic_gather %add3A_1028[%gather3A_1030] in [0] : vector<16xf32>, vector<16xi32> -> vector<16xf32>
        %add3A_1032 = arith.addf %add3A_1028, %gather3A_1031 : vector<16xf32>
        %broadcast_in_dim3A_1033 = vector.shape_cast %xor3A_11 : vector<16xi32> to vector<16x1xi32>
        %gather3A_1034 = vector.shape_cast %broadcast_in_dim3A_1033 : vector<16x1xi32> to vector<16xi32>
        %gather3A_1035 = tpu.dynamic_gather %add3A_1032[%gather3A_1034] in [0] : vector<16xf32>, vector<16xi32> -> vector<16xf32>
        %add3A_1036 = arith.addf %add3A_1032, %gather3A_1035 : vector<16xf32>
        %broadcast_in_dim3A_1037 = vector.shape_cast %xor3A_14 : vector<16xi32> to vector<16x1xi32>
        %gather3A_1038 = vector.shape_cast %broadcast_in_dim3A_1037 : vector<16x1xi32> to vector<16xi32>
        %gather3A_1039 = tpu.dynamic_gather %add3A_1036[%gather3A_1038] in [0] : vector<16xf32>, vector<16xi32> -> vector<16xf32>
        %add3A_1040 = arith.addf %add3A_1036, %gather3A_1039 : vector<16xf32>
        %broadcast_in_dim3A_1041 = vector.shape_cast %xor3A_17 : vector<16xi32> to vector<16x1xi32>
        %gather3A_1042 = vector.shape_cast %broadcast_in_dim3A_1041 : vector<16x1xi32> to vector<16xi32>
        %gather3A_1043 = tpu.dynamic_gather %add3A_1040[%gather3A_1042] in [0] : vector<16xf32>, vector<16xi32> -> vector<16xf32>
        %add3A_1044 = arith.addf %add3A_1040, %gather3A_1043 : vector<16xf32>
        %eq3A_1045 = arith.constant 14 : i32
        %eq3A_1046 = vector.broadcast %eq3A_1045 : i32 to vector<16xi32>
        %eq3A_1047 = arith.cmpi eq, %iota3A, %eq3A_1046 : vector<16xi32>
        %select_n3A_1048 = arith.select %eq3A_1047, %add3A_1044, %select_n3A_1005 : vector<16xi1>, vector<16xf32>
        %mul3A_1049 = arith.constant 20 : i32
        %mul3A_1050 = arith.muli %scan3A_385, %mul3A_1049 : i32
        %add3A_1051 = arith.constant 15 : i32
        %add3A_1052 = arith.addi %mul3A_1050, %add3A_1051 : i32
        %get3A_1053 = arith.index_cast %add3A_1052 : i32 to index
        %get3A_1054 = arith.constant 0 : index
        %get3A_1055 = tpu.vector_load %arg13[%get3A_1053, %get3A_1054] {strides = array<i32>} : memref<160x128xf32, #tpu.memory_space<vmem>>, vector<16xf32>,
        %get3A_1056 = arith.index_cast %add3A_1052 : i32 to index
        %get3A_1057 = arith.constant 16 : index
        %get3A_1058 = tpu.vector_load %arg13[%get3A_1056, %get3A_1057] {strides = array<i32>} : memref<160x128xf32, #tpu.memory_space<vmem>>, vector<16xf32>,
        %get3A_1059 = arith.index_cast %add3A_1052 : i32 to index
        %get3A_1060 = arith.constant 32 : index
        %get3A_1061 = tpu.vector_load %arg13[%get3A_1059, %get3A_1060] {strides = array<i32>} : memref<160x128xf32, #tpu.memory_space<vmem>>, vector<16xf32>,
        %get3A_1062 = arith.index_cast %add3A_1052 : i32 to index
        %get3A_1063 = arith.constant 48 : index
        %get3A_1064 = tpu.vector_load %arg13[%get3A_1062, %get3A_1063] {strides = array<i32>} : memref<160x128xf32, #tpu.memory_space<vmem>>, vector<16xf32>,
        %mul3A_1065 = arith.mulf %get3A_1055, %get3A_388 : vector<16xf32>
        %mul3A_1066 = arith.mulf %get3A_1058, %get3A_391 : vector<16xf32>
        %add3A_1067 = arith.addf %mul3A_1065, %mul3A_1066 : vector<16xf32>
        %mul3A_1068 = arith.mulf %get3A_1061, %get3A_394 : vector<16xf32>
        %add3A_1069 = arith.addf %add3A_1067, %mul3A_1068 : vector<16xf32>
        %mul3A_1070 = arith.mulf %get3A_1064, %get3A_397 : vector<16xf32>
        %add3A_1071 = arith.addf %add3A_1069, %mul3A_1070 : vector<16xf32>
        %broadcast_in_dim3A_1072 = vector.shape_cast %xor3A_8 : vector<16xi32> to vector<16x1xi32>
        %gather3A_1073 = vector.shape_cast %broadcast_in_dim3A_1072 : vector<16x1xi32> to vector<16xi32>
        %gather3A_1074 = tpu.dynamic_gather %add3A_1071[%gather3A_1073] in [0] : vector<16xf32>, vector<16xi32> -> vector<16xf32>
        %add3A_1075 = arith.addf %add3A_1071, %gather3A_1074 : vector<16xf32>
        %broadcast_in_dim3A_1076 = vector.shape_cast %xor3A_11 : vector<16xi32> to vector<16x1xi32>
        %gather3A_1077 = vector.shape_cast %broadcast_in_dim3A_1076 : vector<16x1xi32> to vector<16xi32>
        %gather3A_1078 = tpu.dynamic_gather %add3A_1075[%gather3A_1077] in [0] : vector<16xf32>, vector<16xi32> -> vector<16xf32>
        %add3A_1079 = arith.addf %add3A_1075, %gather3A_1078 : vector<16xf32>
        %broadcast_in_dim3A_1080 = vector.shape_cast %xor3A_14 : vector<16xi32> to vector<16x1xi32>
        %gather3A_1081 = vector.shape_cast %broadcast_in_dim3A_1080 : vector<16x1xi32> to vector<16xi32>
        %gather3A_1082 = tpu.dynamic_gather %add3A_1079[%gather3A_1081] in [0] : vector<16xf32>, vector<16xi32> -> vector<16xf32>
        %add3A_1083 = arith.addf %add3A_1079, %gather3A_1082 : vector<16xf32>
        %broadcast_in_dim3A_1084 = vector.shape_cast %xor3A_17 : vector<16xi32> to vector<16x1xi32>
        %gather3A_1085 = vector.shape_cast %broadcast_in_dim3A_1084 : vector<16x1xi32> to vector<16xi32>
        %gather3A_1086 = tpu.dynamic_gather %add3A_1083[%gather3A_1085] in [0] : vector<16xf32>, vector<16xi32> -> vector<16xf32>
        %add3A_1087 = arith.addf %add3A_1083, %gather3A_1086 : vector<16xf32>
        %eq3A_1088 = arith.constant 15 : i32
        %eq3A_1089 = vector.broadcast %eq3A_1088 : i32 to vector<16xi32>
        %eq3A_1090 = arith.cmpi eq, %iota3A, %eq3A_1089 : vector<16xi32>
        %select_n3A_1091 = arith.select %eq3A_1090, %add3A_1087, %select_n3A_1048 : vector<16xi1>, vector<16xf32>
        %mul3A_1092 = arith.constant 20 : i32
        %mul3A_1093 = arith.muli %scan3A_385, %mul3A_1092 : i32
        %add3A_1094 = arith.constant 16 : i32
        %add3A_1095 = arith.addi %mul3A_1093, %add3A_1094 : i32
        %get3A_1096 = arith.index_cast %add3A_1095 : i32 to index
        %get3A_1097 = arith.constant 0 : index
        %get3A_1098 = tpu.vector_load %arg13[%get3A_1096, %get3A_1097] {strides = array<i32>} : memref<160x128xf32, #tpu.memory_space<vmem>>, vector<16xf32>,
        %get3A_1099 = arith.index_cast %add3A_1095 : i32 to index
        %get3A_1100 = arith.constant 16 : index
        %get3A_1101 = tpu.vector_load %arg13[%get3A_1099, %get3A_1100] {strides = array<i32>} : memref<160x128xf32, #tpu.memory_space<vmem>>, vector<16xf32>,
        %get3A_1102 = arith.index_cast %add3A_1095 : i32 to index
        %get3A_1103 = arith.constant 32 : index
        %get3A_1104 = tpu.vector_load %arg13[%get3A_1102, %get3A_1103] {strides = array<i32>} : memref<160x128xf32, #tpu.memory_space<vmem>>, vector<16xf32>,
        %get3A_1105 = arith.index_cast %add3A_1095 : i32 to index
        %get3A_1106 = arith.constant 48 : index
        %get3A_1107 = tpu.vector_load %arg13[%get3A_1105, %get3A_1106] {strides = array<i32>} : memref<160x128xf32, #tpu.memory_space<vmem>>, vector<16xf32>,
        %mul3A_1108 = arith.mulf %get3A_1098, %get3A_388 : vector<16xf32>
        %mul3A_1109 = arith.mulf %get3A_1101, %get3A_391 : vector<16xf32>
        %add3A_1110 = arith.addf %mul3A_1108, %mul3A_1109 : vector<16xf32>
        %mul3A_1111 = arith.mulf %get3A_1104, %get3A_394 : vector<16xf32>
        %add3A_1112 = arith.addf %add3A_1110, %mul3A_1111 : vector<16xf32>
        %mul3A_1113 = arith.mulf %get3A_1107, %get3A_397 : vector<16xf32>
        %add3A_1114 = arith.addf %add3A_1112, %mul3A_1113 : vector<16xf32>
        %broadcast_in_dim3A_1115 = vector.shape_cast %xor3A_8 : vector<16xi32> to vector<16x1xi32>
        %gather3A_1116 = vector.shape_cast %broadcast_in_dim3A_1115 : vector<16x1xi32> to vector<16xi32>
        %gather3A_1117 = tpu.dynamic_gather %add3A_1114[%gather3A_1116] in [0] : vector<16xf32>, vector<16xi32> -> vector<16xf32>
        %add3A_1118 = arith.addf %add3A_1114, %gather3A_1117 : vector<16xf32>
        %broadcast_in_dim3A_1119 = vector.shape_cast %xor3A_11 : vector<16xi32> to vector<16x1xi32>
        %gather3A_1120 = vector.shape_cast %broadcast_in_dim3A_1119 : vector<16x1xi32> to vector<16xi32>
        %gather3A_1121 = tpu.dynamic_gather %add3A_1118[%gather3A_1120] in [0] : vector<16xf32>, vector<16xi32> -> vector<16xf32>
        %add3A_1122 = arith.addf %add3A_1118, %gather3A_1121 : vector<16xf32>
        %broadcast_in_dim3A_1123 = vector.shape_cast %xor3A_14 : vector<16xi32> to vector<16x1xi32>
        %gather3A_1124 = vector.shape_cast %broadcast_in_dim3A_1123 : vector<16x1xi32> to vector<16xi32>
        %gather3A_1125 = tpu.dynamic_gather %add3A_1122[%gather3A_1124] in [0] : vector<16xf32>, vector<16xi32> -> vector<16xf32>
        %add3A_1126 = arith.addf %add3A_1122, %gather3A_1125 : vector<16xf32>
        %broadcast_in_dim3A_1127 = vector.shape_cast %xor3A_17 : vector<16xi32> to vector<16x1xi32>
        %gather3A_1128 = vector.shape_cast %broadcast_in_dim3A_1127 : vector<16x1xi32> to vector<16xi32>
        %gather3A_1129 = tpu.dynamic_gather %add3A_1126[%gather3A_1128] in [0] : vector<16xf32>, vector<16xi32> -> vector<16xf32>
        %add3A_1130 = arith.addf %add3A_1126, %gather3A_1129 : vector<16xf32>
        %eq3A_1131 = arith.constant 0 : i32
        %eq3A_1132 = vector.broadcast %eq3A_1131 : i32 to vector<16xi32>
        %eq3A_1133 = arith.cmpi eq, %iota3A, %eq3A_1132 : vector<16xi32>
        %select_n3A_1134 = arith.select %eq3A_1133, %add3A_1130, %broadcast_in_dim3A_405 : vector<16xi1>, vector<16xf32>
        %mul3A_1135 = arith.constant 20 : i32
        %mul3A_1136 = arith.muli %scan3A_385, %mul3A_1135 : i32
        %add3A_1137 = arith.constant 17 : i32
        %add3A_1138 = arith.addi %mul3A_1136, %add3A_1137 : i32
        %get3A_1139 = arith.index_cast %add3A_1138 : i32 to index
        %get3A_1140 = arith.constant 0 : index
        %get3A_1141 = tpu.vector_load %arg13[%get3A_1139, %get3A_1140] {strides = array<i32>} : memref<160x128xf32, #tpu.memory_space<vmem>>, vector<16xf32>,
        %get3A_1142 = arith.index_cast %add3A_1138 : i32 to index
        %get3A_1143 = arith.constant 16 : index
        %get3A_1144 = tpu.vector_load %arg13[%get3A_1142, %get3A_1143] {strides = array<i32>} : memref<160x128xf32, #tpu.memory_space<vmem>>, vector<16xf32>,
        %get3A_1145 = arith.index_cast %add3A_1138 : i32 to index
        %get3A_1146 = arith.constant 32 : index
        %get3A_1147 = tpu.vector_load %arg13[%get3A_1145, %get3A_1146] {strides = array<i32>} : memref<160x128xf32, #tpu.memory_space<vmem>>, vector<16xf32>,
        %get3A_1148 = arith.index_cast %add3A_1138 : i32 to index
        %get3A_1149 = arith.constant 48 : index
        %get3A_1150 = tpu.vector_load %arg13[%get3A_1148, %get3A_1149] {strides = array<i32>} : memref<160x128xf32, #tpu.memory_space<vmem>>, vector<16xf32>,
        %mul3A_1151 = arith.mulf %get3A_1141, %get3A_388 : vector<16xf32>
        %mul3A_1152 = arith.mulf %get3A_1144, %get3A_391 : vector<16xf32>
        %add3A_1153 = arith.addf %mul3A_1151, %mul3A_1152 : vector<16xf32>
        %mul3A_1154 = arith.mulf %get3A_1147, %get3A_394 : vector<16xf32>
        %add3A_1155 = arith.addf %add3A_1153, %mul3A_1154 : vector<16xf32>
        %mul3A_1156 = arith.mulf %get3A_1150, %get3A_397 : vector<16xf32>
        %add3A_1157 = arith.addf %add3A_1155, %mul3A_1156 : vector<16xf32>
        %broadcast_in_dim3A_1158 = vector.shape_cast %xor3A_8 : vector<16xi32> to vector<16x1xi32>
        %gather3A_1159 = vector.shape_cast %broadcast_in_dim3A_1158 : vector<16x1xi32> to vector<16xi32>
        %gather3A_1160 = tpu.dynamic_gather %add3A_1157[%gather3A_1159] in [0] : vector<16xf32>, vector<16xi32> -> vector<16xf32>
        %add3A_1161 = arith.addf %add3A_1157, %gather3A_1160 : vector<16xf32>
        %broadcast_in_dim3A_1162 = vector.shape_cast %xor3A_11 : vector<16xi32> to vector<16x1xi32>
        %gather3A_1163 = vector.shape_cast %broadcast_in_dim3A_1162 : vector<16x1xi32> to vector<16xi32>
        %gather3A_1164 = tpu.dynamic_gather %add3A_1161[%gather3A_1163] in [0] : vector<16xf32>, vector<16xi32> -> vector<16xf32>
        %add3A_1165 = arith.addf %add3A_1161, %gather3A_1164 : vector<16xf32>
        %broadcast_in_dim3A_1166 = vector.shape_cast %xor3A_14 : vector<16xi32> to vector<16x1xi32>
        %gather3A_1167 = vector.shape_cast %broadcast_in_dim3A_1166 : vector<16x1xi32> to vector<16xi32>
        %gather3A_1168 = tpu.dynamic_gather %add3A_1165[%gather3A_1167] in [0] : vector<16xf32>, vector<16xi32> -> vector<16xf32>
        %add3A_1169 = arith.addf %add3A_1165, %gather3A_1168 : vector<16xf32>
        %broadcast_in_dim3A_1170 = vector.shape_cast %xor3A_17 : vector<16xi32> to vector<16x1xi32>
        %gather3A_1171 = vector.shape_cast %broadcast_in_dim3A_1170 : vector<16x1xi32> to vector<16xi32>
        %gather3A_1172 = tpu.dynamic_gather %add3A_1169[%gather3A_1171] in [0] : vector<16xf32>, vector<16xi32> -> vector<16xf32>
        %add3A_1173 = arith.addf %add3A_1169, %gather3A_1172 : vector<16xf32>
        %eq3A_1174 = arith.constant 1 : i32
        %eq3A_1175 = vector.broadcast %eq3A_1174 : i32 to vector<16xi32>
        %eq3A_1176 = arith.cmpi eq, %iota3A, %eq3A_1175 : vector<16xi32>
        %select_n3A_1177 = arith.select %eq3A_1176, %add3A_1173, %select_n3A_1134 : vector<16xi1>, vector<16xf32>
        %mul3A_1178 = arith.constant 20 : i32
        %mul3A_1179 = arith.muli %scan3A_385, %mul3A_1178 : i32
        %add3A_1180 = arith.constant 18 : i32
        %add3A_1181 = arith.addi %mul3A_1179, %add3A_1180 : i32
        %get3A_1182 = arith.index_cast %add3A_1181 : i32 to index
        %get3A_1183 = arith.constant 0 : index
        %get3A_1184 = tpu.vector_load %arg13[%get3A_1182, %get3A_1183] {strides = array<i32>} : memref<160x128xf32, #tpu.memory_space<vmem>>, vector<16xf32>,
        %get3A_1185 = arith.index_cast %add3A_1181 : i32 to index
        %get3A_1186 = arith.constant 16 : index
        %get3A_1187 = tpu.vector_load %arg13[%get3A_1185, %get3A_1186] {strides = array<i32>} : memref<160x128xf32, #tpu.memory_space<vmem>>, vector<16xf32>,
        %get3A_1188 = arith.index_cast %add3A_1181 : i32 to index
        %get3A_1189 = arith.constant 32 : index
        %get3A_1190 = tpu.vector_load %arg13[%get3A_1188, %get3A_1189] {strides = array<i32>} : memref<160x128xf32, #tpu.memory_space<vmem>>, vector<16xf32>,
        %get3A_1191 = arith.index_cast %add3A_1181 : i32 to index
        %get3A_1192 = arith.constant 48 : index
        %get3A_1193 = tpu.vector_load %arg13[%get3A_1191, %get3A_1192] {strides = array<i32>} : memref<160x128xf32, #tpu.memory_space<vmem>>, vector<16xf32>,
        %mul3A_1194 = arith.mulf %get3A_1184, %get3A_388 : vector<16xf32>
        %mul3A_1195 = arith.mulf %get3A_1187, %get3A_391 : vector<16xf32>
        %add3A_1196 = arith.addf %mul3A_1194, %mul3A_1195 : vector<16xf32>
        %mul3A_1197 = arith.mulf %get3A_1190, %get3A_394 : vector<16xf32>
        %add3A_1198 = arith.addf %add3A_1196, %mul3A_1197 : vector<16xf32>
        %mul3A_1199 = arith.mulf %get3A_1193, %get3A_397 : vector<16xf32>
        %add3A_1200 = arith.addf %add3A_1198, %mul3A_1199 : vector<16xf32>
        %broadcast_in_dim3A_1201 = vector.shape_cast %xor3A_8 : vector<16xi32> to vector<16x1xi32>
        %gather3A_1202 = vector.shape_cast %broadcast_in_dim3A_1201 : vector<16x1xi32> to vector<16xi32>
        %gather3A_1203 = tpu.dynamic_gather %add3A_1200[%gather3A_1202] in [0] : vector<16xf32>, vector<16xi32> -> vector<16xf32>
        %add3A_1204 = arith.addf %add3A_1200, %gather3A_1203 : vector<16xf32>
        %broadcast_in_dim3A_1205 = vector.shape_cast %xor3A_11 : vector<16xi32> to vector<16x1xi32>
        %gather3A_1206 = vector.shape_cast %broadcast_in_dim3A_1205 : vector<16x1xi32> to vector<16xi32>
        %gather3A_1207 = tpu.dynamic_gather %add3A_1204[%gather3A_1206] in [0] : vector<16xf32>, vector<16xi32> -> vector<16xf32>
        %add3A_1208 = arith.addf %add3A_1204, %gather3A_1207 : vector<16xf32>
        %broadcast_in_dim3A_1209 = vector.shape_cast %xor3A_14 : vector<16xi32> to vector<16x1xi32>
        %gather3A_1210 = vector.shape_cast %broadcast_in_dim3A_1209 : vector<16x1xi32> to vector<16xi32>
        %gather3A_1211 = tpu.dynamic_gather %add3A_1208[%gather3A_1210] in [0] : vector<16xf32>, vector<16xi32> -> vector<16xf32>
        %add3A_1212 = arith.addf %add3A_1208, %gather3A_1211 : vector<16xf32>
        %broadcast_in_dim3A_1213 = vector.shape_cast %xor3A_17 : vector<16xi32> to vector<16x1xi32>
        %gather3A_1214 = vector.shape_cast %broadcast_in_dim3A_1213 : vector<16x1xi32> to vector<16xi32>
        %gather3A_1215 = tpu.dynamic_gather %add3A_1212[%gather3A_1214] in [0] : vector<16xf32>, vector<16xi32> -> vector<16xf32>
        %add3A_1216 = arith.addf %add3A_1212, %gather3A_1215 : vector<16xf32>
        %eq3A_1217 = arith.constant 2 : i32
        %eq3A_1218 = vector.broadcast %eq3A_1217 : i32 to vector<16xi32>
        %eq3A_1219 = arith.cmpi eq, %iota3A, %eq3A_1218 : vector<16xi32>
        %select_n3A_1220 = arith.select %eq3A_1219, %add3A_1216, %select_n3A_1177 : vector<16xi1>, vector<16xf32>
        %mul3A_1221 = arith.constant 20 : i32
        %mul3A_1222 = arith.muli %scan3A_385, %mul3A_1221 : i32
        %add3A_1223 = arith.constant 19 : i32
        %add3A_1224 = arith.addi %mul3A_1222, %add3A_1223 : i32
        %get3A_1225 = arith.index_cast %add3A_1224 : i32 to index
        %get3A_1226 = arith.constant 0 : index
        %get3A_1227 = tpu.vector_load %arg13[%get3A_1225, %get3A_1226] {strides = array<i32>} : memref<160x128xf32, #tpu.memory_space<vmem>>, vector<16xf32>,
        %get3A_1228 = arith.index_cast %add3A_1224 : i32 to index
        %get3A_1229 = arith.constant 16 : index
        %get3A_1230 = tpu.vector_load %arg13[%get3A_1228, %get3A_1229] {strides = array<i32>} : memref<160x128xf32, #tpu.memory_space<vmem>>, vector<16xf32>,
        %get3A_1231 = arith.index_cast %add3A_1224 : i32 to index
        %get3A_1232 = arith.constant 32 : index
        %get3A_1233 = tpu.vector_load %arg13[%get3A_1231, %get3A_1232] {strides = array<i32>} : memref<160x128xf32, #tpu.memory_space<vmem>>, vector<16xf32>,
        %get3A_1234 = arith.index_cast %add3A_1224 : i32 to index
        %get3A_1235 = arith.constant 48 : index
        %get3A_1236 = tpu.vector_load %arg13[%get3A_1234, %get3A_1235] {strides = array<i32>} : memref<160x128xf32, #tpu.memory_space<vmem>>, vector<16xf32>,
        %mul3A_1237 = arith.mulf %get3A_1227, %get3A_388 : vector<16xf32>
        %mul3A_1238 = arith.mulf %get3A_1230, %get3A_391 : vector<16xf32>
        %add3A_1239 = arith.addf %mul3A_1237, %mul3A_1238 : vector<16xf32>
        %mul3A_1240 = arith.mulf %get3A_1233, %get3A_394 : vector<16xf32>
        %add3A_1241 = arith.addf %add3A_1239, %mul3A_1240 : vector<16xf32>
        %mul3A_1242 = arith.mulf %get3A_1236, %get3A_397 : vector<16xf32>
        %add3A_1243 = arith.addf %add3A_1241, %mul3A_1242 : vector<16xf32>
        %broadcast_in_dim3A_1244 = vector.shape_cast %xor3A_8 : vector<16xi32> to vector<16x1xi32>
        %gather3A_1245 = vector.shape_cast %broadcast_in_dim3A_1244 : vector<16x1xi32> to vector<16xi32>
        %gather3A_1246 = tpu.dynamic_gather %add3A_1243[%gather3A_1245] in [0] : vector<16xf32>, vector<16xi32> -> vector<16xf32>
        %add3A_1247 = arith.addf %add3A_1243, %gather3A_1246 : vector<16xf32>
        %broadcast_in_dim3A_1248 = vector.shape_cast %xor3A_11 : vector<16xi32> to vector<16x1xi32>
        %gather3A_1249 = vector.shape_cast %broadcast_in_dim3A_1248 : vector<16x1xi32> to vector<16xi32>
        %gather3A_1250 = tpu.dynamic_gather %add3A_1247[%gather3A_1249] in [0] : vector<16xf32>, vector<16xi32> -> vector<16xf32>
        %add3A_1251 = arith.addf %add3A_1247, %gather3A_1250 : vector<16xf32>
        %broadcast_in_dim3A_1252 = vector.shape_cast %xor3A_14 : vector<16xi32> to vector<16x1xi32>
        %gather3A_1253 = vector.shape_cast %broadcast_in_dim3A_1252 : vector<16x1xi32> to vector<16xi32>
        %gather3A_1254 = tpu.dynamic_gather %add3A_1251[%gather3A_1253] in [0] : vector<16xf32>, vector<16xi32> -> vector<16xf32>
        %add3A_1255 = arith.addf %add3A_1251, %gather3A_1254 : vector<16xf32>
        %broadcast_in_dim3A_1256 = vector.shape_cast %xor3A_17 : vector<16xi32> to vector<16x1xi32>
        %gather3A_1257 = vector.shape_cast %broadcast_in_dim3A_1256 : vector<16x1xi32> to vector<16xi32>
        %gather3A_1258 = tpu.dynamic_gather %add3A_1255[%gather3A_1257] in [0] : vector<16xf32>, vector<16xi32> -> vector<16xf32>
        %add3A_1259 = arith.addf %add3A_1255, %gather3A_1258 : vector<16xf32>
        %eq3A_1260 = arith.constant 3 : i32
        %eq3A_1261 = vector.broadcast %eq3A_1260 : i32 to vector<16xi32>
        %eq3A_1262 = arith.cmpi eq, %iota3A, %eq3A_1261 : vector<16xi32>
        %select_n3A_1263 = arith.select %eq3A_1262, %add3A_1259, %select_n3A_1220 : vector<16xi1>, vector<16xf32>
        %add3A_1264 = vector.broadcast %add3A_402 : i32 to vector<16xi32>
        %add3A_1265 = arith.addi %iota3A, %add3A_1264 : vector<16xi32>
        tpu.vector_store_idx %arg18[%add3A_1265], %select_n3A_1091 : memref<10240xf32, #tpu.memory_space<vmem>>[vector<16xi32>], vector<16xf32>,
        %add3A_1266 = arith.constant 16 : i32
        %add3A_1267 = arith.addi %add3A_402, %add3A_1266 : i32
        %add3A_1268 = vector.broadcast %add3A_1267 : i32 to vector<16xi32>
        %add3A_1269 = arith.addi %iota3A, %add3A_1268 : vector<16xi32>
        tpu.vector_store_idx %arg18[%add3A_1269], %select_n3A_1263 masked %lt3A_19 : memref<10240xf32, #tpu.memory_space<vmem>>[vector<16xi32>], vector<16xf32>, vector<16xi1>
      }
      %scan3A_346 = arith.constant 8 : i32
      %convert_element_type3A_347 = arith.extui %lt3A_293 : i1 to i32
      %cond3A_348 = arith.constant 0 : i32
      %cond3A_349 = arith.cmpi ne, %convert_element_type3A_347, %cond3A_348 : i32
      scf.if %cond3A_349 {
        %dma_wait3A_385 = arith.constant 0 : i32
        %dma_wait3A_386 = tpu.memref_slice %arg6[%dma_wait3A_385] : memref<327680xi32, #tpu.memory_space<hbm>> -> memref<160xi32, #tpu.memory_space<hbm>>
        %dma_wait3A_387 = arith.constant 0 : i32
        %dma_wait3A_388 = tpu.memref_slice %arg6[%dma_wait3A_387] : memref<327680xi32, #tpu.memory_space<hbm>> -> memref<160xi32, #tpu.memory_space<hbm>>
        tpu.wait_dma2 semaphore(%arg23 : memref<!tpu.dma_semaphore, #tpu.memory_space<semaphore_mem>>) src(%dma_wait3A_388 : memref<160xi32, #tpu.memory_space<hbm>>) dst(%arg15 : memref<160xi32, #tpu.memory_space<vmem>>)
        %dma_start3A_389 = arith.constant 0 : i32
        %dma_start3A_390 = arith.constant 0 : i32
        %dma_start3A_391 = tpu.memref_slice %arg13[%dma_start3A_389, %dma_start3A_390] : memref<160x128xf32, #tpu.memory_space<vmem>> -> memref<128x128xf32, #tpu.memory_space<vmem>>
        %dma_start3A_392 = arith.constant 0 : i32
        %dma_start3A_393 = tpu.memref_slice %arg15[%dma_start3A_392] : memref<160xi32, #tpu.memory_space<vmem>> -> memref<128xi32, #tpu.memory_space<vmem>>
        %dma_start3A_394 = arith.constant 0 : i32
        %dma_start3A_395 = arith.constant 0 : i32
        %dma_start3A_396 = tpu.memref_slice %arg3[%dma_start3A_394, %dma_start3A_395] : memref<100000x128xf32, #tpu.memory_space<hbm>> -> memref<100000x128xf32, #tpu.memory_space<hbm>>
        tpu.enqueue_indirect_dma source(%dma_start3A_396 : memref<100000x128xf32, #tpu.memory_space<hbm>>) target(%dma_start3A_391 : memref<128x128xf32, #tpu.memory_space<vmem>>) offsets(%dma_start3A_393 : memref<128xi32, #tpu.memory_space<vmem>>) semaphore(%arg21 : memref<!tpu.dma_semaphore, #tpu.memory_space<semaphore_mem>>)
        %dma_start3A_397 = arith.constant 128 : i32
        %dma_start3A_398 = arith.constant 0 : i32
        %dma_start3A_399 = tpu.memref_slice %arg13[%dma_start3A_397, %dma_start3A_398] : memref<160x128xf32, #tpu.memory_space<vmem>> -> memref<32x128xf32, #tpu.memory_space<vmem>>
        %dma_start3A_400 = arith.constant 128 : i32
        %dma_start3A_401 = tpu.memref_slice %arg15[%dma_start3A_400] : memref<160xi32, #tpu.memory_space<vmem>> -> memref<32xi32, #tpu.memory_space<vmem>>
        %dma_start3A_402 = arith.constant 0 : i32
        %dma_start3A_403 = arith.constant 0 : i32
        %dma_start3A_404 = tpu.memref_slice %arg3[%dma_start3A_402, %dma_start3A_403] : memref<100000x128xf32, #tpu.memory_space<hbm>> -> memref<100000x128xf32, #tpu.memory_space<hbm>>
        tpu.enqueue_indirect_dma source(%dma_start3A_404 : memref<100000x128xf32, #tpu.memory_space<hbm>>) target(%dma_start3A_399 : memref<32x128xf32, #tpu.memory_space<vmem>>) offsets(%dma_start3A_401 : memref<32xi32, #tpu.memory_space<vmem>>) semaphore(%arg21 : memref<!tpu.dma_semaphore, #tpu.memory_space<semaphore_mem>>)
      } else {
      }
      %dma_wait3A_350 = arith.constant 0 : i32
      %dma_wait3A_351 = arith.constant 0 : i32
      %dma_wait3A_352 = tpu.memref_slice %arg14[%dma_wait3A_350, %dma_wait3A_351] : memref<160x128xf32, #tpu.memory_space<vmem>> -> memref<128x128xf32, #tpu.memory_space<vmem>>
      %dma_wait3A_353 = arith.constant 0 : i32
      %dma_wait3A_354 = arith.constant 0 : i32
      %dma_wait3A_355 = tpu.memref_slice %arg3[%dma_wait3A_353, %dma_wait3A_354] : memref<100000x128xf32, #tpu.memory_space<hbm>> -> memref<128x128xf32, #tpu.memory_space<hbm>>
      %dma_wait3A_356 = arith.constant 0 : i32
      %dma_wait3A_357 = arith.constant 0 : i32
      %dma_wait3A_358 = tpu.memref_slice %arg14[%dma_wait3A_356, %dma_wait3A_357] : memref<160x128xf32, #tpu.memory_space<vmem>> -> memref<128x128xf32, #tpu.memory_space<vmem>>
      %dma_wait3A_359 = arith.constant 0 : i32
      %dma_wait3A_360 = arith.constant 0 : i32
      %dma_wait3A_361 = tpu.memref_slice %arg3[%dma_wait3A_359, %dma_wait3A_360] : memref<100000x128xf32, #tpu.memory_space<hbm>> -> memref<128x128xf32, #tpu.memory_space<hbm>>
      tpu.wait_dma2 semaphore(%arg22 : memref<!tpu.dma_semaphore, #tpu.memory_space<semaphore_mem>>) src(%dma_wait3A_361 : memref<128x128xf32, #tpu.memory_space<hbm>>) dst(%dma_wait3A_358 : memref<128x128xf32, #tpu.memory_space<vmem>>)
      %dma_wait3A_362 = arith.constant 128 : i32
      %dma_wait3A_363 = arith.constant 0 : i32
      %dma_wait3A_364 = tpu.memref_slice %arg14[%dma_wait3A_362, %dma_wait3A_363] : memref<160x128xf32, #tpu.memory_space<vmem>> -> memref<32x128xf32, #tpu.memory_space<vmem>>
      %dma_wait3A_365 = arith.constant 0 : i32
      %dma_wait3A_366 = arith.constant 0 : i32
      %dma_wait3A_367 = tpu.memref_slice %arg3[%dma_wait3A_365, %dma_wait3A_366] : memref<100000x128xf32, #tpu.memory_space<hbm>> -> memref<32x128xf32, #tpu.memory_space<hbm>>
      %dma_wait3A_368 = arith.constant 128 : i32
      %dma_wait3A_369 = arith.constant 0 : i32
      %dma_wait3A_370 = tpu.memref_slice %arg14[%dma_wait3A_368, %dma_wait3A_369] : memref<160x128xf32, #tpu.memory_space<vmem>> -> memref<32x128xf32, #tpu.memory_space<vmem>>
      %dma_wait3A_371 = arith.constant 0 : i32
      %dma_wait3A_372 = arith.constant 0 : i32
      %dma_wait3A_373 = tpu.memref_slice %arg3[%dma_wait3A_371, %dma_wait3A_372] : memref<100000x128xf32, #tpu.memory_space<hbm>> -> memref<32x128xf32, #tpu.memory_space<hbm>>
      tpu.wait_dma2 semaphore(%arg22 : memref<!tpu.dma_semaphore, #tpu.memory_space<semaphore_mem>>) src(%dma_wait3A_373 : memref<32x128xf32, #tpu.memory_space<hbm>>) dst(%dma_wait3A_370 : memref<32x128xf32, #tpu.memory_space<vmem>>)
      %convert_element_type3A_374 = arith.extui %lt3A_293 : i1 to i32
      %cond3A_375 = arith.constant 0 : i32
      %cond3A_376 = arith.cmpi ne, %convert_element_type3A_374, %cond3A_375 : i32
      scf.if %cond3A_376 {
        %add3A_385 = arith.constant 2 : i32
        %add3A_386 = arith.addi %add3A_291, %add3A_385 : i32
        %mul3A_387 = arith.constant 160 : i32
        %mul3A_388 = arith.muli %add3A_386, %mul3A_387 : i32
        %add3A_389 = arith.addi %mul3A_4, %mul3A_388 : i32
        %dma_start3A_390 = tpu.memref_slice %arg6[%add3A_389] : memref<327680xi32, #tpu.memory_space<hbm>> -> memref<160xi32, #tpu.memory_space<hbm>>
        %dma_start3A_391 = tpu.memref_slice %arg6[%add3A_389] : memref<327680xi32, #tpu.memory_space<hbm>> -> memref<160xi32, #tpu.memory_space<hbm>>
        tpu.enqueue_dma source(%dma_start3A_391 : memref<160xi32, #tpu.memory_space<hbm>>) target(%arg16 : memref<160xi32, #tpu.memory_space<vmem>>) target_semaphore(%arg24 : memref<!tpu.dma_semaphore, #tpu.memory_space<semaphore_mem>>)
      } else {
      }
      %mul3A_377 = arith.constant 8 : i32
      %mul3A_378 = arith.muli %add3A_291, %mul3A_377 : i32
      %scan3A_379 = arith.constant 0 : i32
      %scan3A_380 = arith.constant 0 : i32
      %scan3A_381 = arith.constant 8 : i32
      %scan3A_382 = arith.addi %scan3A_380, %scan3A_381 : i32
      %scan3A_383 = arith.constant 1 : i32
      scf.for %scan3A_385 = %scan3A_380 to %scan3A_382 step %scan3A_383  : i32 {
        %add3A_386 = arith.addi %mul3A_378, %scan3A_385 : i32
        %get3A = arith.index_cast %add3A_386 : i32 to index
        %get3A_387 = arith.constant 0 : index
        %get3A_388 = tpu.vector_load %arg11[%get3A, %get3A_387] {strides = array<i32>} : memref<512x128xf32, #tpu.memory_space<vmem>>, vector<16xf32>,
        %get3A_389 = arith.index_cast %add3A_386 : i32 to index
        %get3A_390 = arith.constant 16 : index
        %get3A_391 = tpu.vector_load %arg11[%get3A_389, %get3A_390] {strides = array<i32>} : memref<512x128xf32, #tpu.memory_space<vmem>>, vector<16xf32>,
        %get3A_392 = arith.index_cast %add3A_386 : i32 to index
        %get3A_393 = arith.constant 32 : index
        %get3A_394 = tpu.vector_load %arg11[%get3A_392, %get3A_393] {strides = array<i32>} : memref<512x128xf32, #tpu.memory_space<vmem>>, vector<16xf32>,
        %get3A_395 = arith.index_cast %add3A_386 : i32 to index
        %get3A_396 = arith.constant 48 : index
        %get3A_397 = tpu.vector_load %arg11[%get3A_395, %get3A_396] {strides = array<i32>} : memref<512x128xf32, #tpu.memory_space<vmem>>, vector<16xf32>,
        %mul3A_398 = arith.constant 160 : i32
        %mul3A_399 = arith.muli %add3A_291, %mul3A_398 : i32
        %mul3A_400 = arith.constant 20 : i32
        %mul3A_401 = arith.muli %scan3A_385, %mul3A_400 : i32
        %add3A_402 = arith.addi %mul3A_399, %mul3A_401 : i32
        %broadcast_in_dim3A = arith.constant 0.000000e+00 : f32
        %broadcast_in_dim3A_403 = vector.broadcast %broadcast_in_dim3A : f32 to vector<16xf32>
        %broadcast_in_dim3A_404 = arith.constant 0.000000e+00 : f32
        %broadcast_in_dim3A_405 = vector.broadcast %broadcast_in_dim3A_404 : f32 to vector<16xf32>
        %mul3A_406 = arith.constant 20 : i32
        %mul3A_407 = arith.muli %scan3A_385, %mul3A_406 : i32
        %add3A_408 = arith.constant 0 : i32
        %add3A_409 = arith.addi %mul3A_407, %add3A_408 : i32
        %get3A_410 = arith.index_cast %add3A_409 : i32 to index
        %get3A_411 = arith.constant 0 : index
        %get3A_412 = tpu.vector_load %arg14[%get3A_410, %get3A_411] {strides = array<i32>} : memref<160x128xf32, #tpu.memory_space<vmem>>, vector<16xf32>,
        %get3A_413 = arith.index_cast %add3A_409 : i32 to index
        %get3A_414 = arith.constant 16 : index
        %get3A_415 = tpu.vector_load %arg14[%get3A_413, %get3A_414] {strides = array<i32>} : memref<160x128xf32, #tpu.memory_space<vmem>>, vector<16xf32>,
        %get3A_416 = arith.index_cast %add3A_409 : i32 to index
        %get3A_417 = arith.constant 32 : index
        %get3A_418 = tpu.vector_load %arg14[%get3A_416, %get3A_417] {strides = array<i32>} : memref<160x128xf32, #tpu.memory_space<vmem>>, vector<16xf32>,
        %get3A_419 = arith.index_cast %add3A_409 : i32 to index
        %get3A_420 = arith.constant 48 : index
        %get3A_421 = tpu.vector_load %arg14[%get3A_419, %get3A_420] {strides = array<i32>} : memref<160x128xf32, #tpu.memory_space<vmem>>, vector<16xf32>,
        %mul3A_422 = arith.mulf %get3A_412, %get3A_388 : vector<16xf32>
        %mul3A_423 = arith.mulf %get3A_415, %get3A_391 : vector<16xf32>
        %add3A_424 = arith.addf %mul3A_422, %mul3A_423 : vector<16xf32>
        %mul3A_425 = arith.mulf %get3A_418, %get3A_394 : vector<16xf32>
        %add3A_426 = arith.addf %add3A_424, %mul3A_425 : vector<16xf32>
        %mul3A_427 = arith.mulf %get3A_421, %get3A_397 : vector<16xf32>
        %add3A_428 = arith.addf %add3A_426, %mul3A_427 : vector<16xf32>
        %broadcast_in_dim3A_429 = vector.shape_cast %xor3A_8 : vector<16xi32> to vector<16x1xi32>
        %gather3A = vector.shape_cast %broadcast_in_dim3A_429 : vector<16x1xi32> to vector<16xi32>
        %gather3A_430 = tpu.dynamic_gather %add3A_428[%gather3A] in [0] : vector<16xf32>, vector<16xi32> -> vector<16xf32>
        %add3A_431 = arith.addf %add3A_428, %gather3A_430 : vector<16xf32>
        %broadcast_in_dim3A_432 = vector.shape_cast %xor3A_11 : vector<16xi32> to vector<16x1xi32>
        %gather3A_433 = vector.shape_cast %broadcast_in_dim3A_432 : vector<16x1xi32> to vector<16xi32>
        %gather3A_434 = tpu.dynamic_gather %add3A_431[%gather3A_433] in [0] : vector<16xf32>, vector<16xi32> -> vector<16xf32>
        %add3A_435 = arith.addf %add3A_431, %gather3A_434 : vector<16xf32>
        %broadcast_in_dim3A_436 = vector.shape_cast %xor3A_14 : vector<16xi32> to vector<16x1xi32>
        %gather3A_437 = vector.shape_cast %broadcast_in_dim3A_436 : vector<16x1xi32> to vector<16xi32>
        %gather3A_438 = tpu.dynamic_gather %add3A_435[%gather3A_437] in [0] : vector<16xf32>, vector<16xi32> -> vector<16xf32>
        %add3A_439 = arith.addf %add3A_435, %gather3A_438 : vector<16xf32>
        %broadcast_in_dim3A_440 = vector.shape_cast %xor3A_17 : vector<16xi32> to vector<16x1xi32>
        %gather3A_441 = vector.shape_cast %broadcast_in_dim3A_440 : vector<16x1xi32> to vector<16xi32>
        %gather3A_442 = tpu.dynamic_gather %add3A_439[%gather3A_441] in [0] : vector<16xf32>, vector<16xi32> -> vector<16xf32>
        %add3A_443 = arith.addf %add3A_439, %gather3A_442 : vector<16xf32>
        %eq3A_444 = arith.constant 0 : i32
        %eq3A_445 = vector.broadcast %eq3A_444 : i32 to vector<16xi32>
        %eq3A_446 = arith.cmpi eq, %iota3A, %eq3A_445 : vector<16xi32>
        %select_n3A = arith.select %eq3A_446, %add3A_443, %broadcast_in_dim3A_403 : vector<16xi1>, vector<16xf32>
        %mul3A_447 = arith.constant 20 : i32
        %mul3A_448 = arith.muli %scan3A_385, %mul3A_447 : i32
        %add3A_449 = arith.constant 1 : i32
        %add3A_450 = arith.addi %mul3A_448, %add3A_449 : i32
        %get3A_451 = arith.index_cast %add3A_450 : i32 to index
        %get3A_452 = arith.constant 0 : index
        %get3A_453 = tpu.vector_load %arg14[%get3A_451, %get3A_452] {strides = array<i32>} : memref<160x128xf32, #tpu.memory_space<vmem>>, vector<16xf32>,
        %get3A_454 = arith.index_cast %add3A_450 : i32 to index
        %get3A_455 = arith.constant 16 : index
        %get3A_456 = tpu.vector_load %arg14[%get3A_454, %get3A_455] {strides = array<i32>} : memref<160x128xf32, #tpu.memory_space<vmem>>, vector<16xf32>,
        %get3A_457 = arith.index_cast %add3A_450 : i32 to index
        %get3A_458 = arith.constant 32 : index
        %get3A_459 = tpu.vector_load %arg14[%get3A_457, %get3A_458] {strides = array<i32>} : memref<160x128xf32, #tpu.memory_space<vmem>>, vector<16xf32>,
        %get3A_460 = arith.index_cast %add3A_450 : i32 to index
        %get3A_461 = arith.constant 48 : index
        %get3A_462 = tpu.vector_load %arg14[%get3A_460, %get3A_461] {strides = array<i32>} : memref<160x128xf32, #tpu.memory_space<vmem>>, vector<16xf32>,
        %mul3A_463 = arith.mulf %get3A_453, %get3A_388 : vector<16xf32>
        %mul3A_464 = arith.mulf %get3A_456, %get3A_391 : vector<16xf32>
        %add3A_465 = arith.addf %mul3A_463, %mul3A_464 : vector<16xf32>
        %mul3A_466 = arith.mulf %get3A_459, %get3A_394 : vector<16xf32>
        %add3A_467 = arith.addf %add3A_465, %mul3A_466 : vector<16xf32>
        %mul3A_468 = arith.mulf %get3A_462, %get3A_397 : vector<16xf32>
        %add3A_469 = arith.addf %add3A_467, %mul3A_468 : vector<16xf32>
        %broadcast_in_dim3A_470 = vector.shape_cast %xor3A_8 : vector<16xi32> to vector<16x1xi32>
        %gather3A_471 = vector.shape_cast %broadcast_in_dim3A_470 : vector<16x1xi32> to vector<16xi32>
        %gather3A_472 = tpu.dynamic_gather %add3A_469[%gather3A_471] in [0] : vector<16xf32>, vector<16xi32> -> vector<16xf32>
        %add3A_473 = arith.addf %add3A_469, %gather3A_472 : vector<16xf32>
        %broadcast_in_dim3A_474 = vector.shape_cast %xor3A_11 : vector<16xi32> to vector<16x1xi32>
        %gather3A_475 = vector.shape_cast %broadcast_in_dim3A_474 : vector<16x1xi32> to vector<16xi32>
        %gather3A_476 = tpu.dynamic_gather %add3A_473[%gather3A_475] in [0] : vector<16xf32>, vector<16xi32> -> vector<16xf32>
        %add3A_477 = arith.addf %add3A_473, %gather3A_476 : vector<16xf32>
        %broadcast_in_dim3A_478 = vector.shape_cast %xor3A_14 : vector<16xi32> to vector<16x1xi32>
        %gather3A_479 = vector.shape_cast %broadcast_in_dim3A_478 : vector<16x1xi32> to vector<16xi32>
        %gather3A_480 = tpu.dynamic_gather %add3A_477[%gather3A_479] in [0] : vector<16xf32>, vector<16xi32> -> vector<16xf32>
        %add3A_481 = arith.addf %add3A_477, %gather3A_480 : vector<16xf32>
        %broadcast_in_dim3A_482 = vector.shape_cast %xor3A_17 : vector<16xi32> to vector<16x1xi32>
        %gather3A_483 = vector.shape_cast %broadcast_in_dim3A_482 : vector<16x1xi32> to vector<16xi32>
        %gather3A_484 = tpu.dynamic_gather %add3A_481[%gather3A_483] in [0] : vector<16xf32>, vector<16xi32> -> vector<16xf32>
        %add3A_485 = arith.addf %add3A_481, %gather3A_484 : vector<16xf32>
        %eq3A_486 = arith.constant 1 : i32
        %eq3A_487 = vector.broadcast %eq3A_486 : i32 to vector<16xi32>
        %eq3A_488 = arith.cmpi eq, %iota3A, %eq3A_487 : vector<16xi32>
        %select_n3A_489 = arith.select %eq3A_488, %add3A_485, %select_n3A : vector<16xi1>, vector<16xf32>
        %mul3A_490 = arith.constant 20 : i32
        %mul3A_491 = arith.muli %scan3A_385, %mul3A_490 : i32
        %add3A_492 = arith.constant 2 : i32
        %add3A_493 = arith.addi %mul3A_491, %add3A_492 : i32
        %get3A_494 = arith.index_cast %add3A_493 : i32 to index
        %get3A_495 = arith.constant 0 : index
        %get3A_496 = tpu.vector_load %arg14[%get3A_494, %get3A_495] {strides = array<i32>} : memref<160x128xf32, #tpu.memory_space<vmem>>, vector<16xf32>,
        %get3A_497 = arith.index_cast %add3A_493 : i32 to index
        %get3A_498 = arith.constant 16 : index
        %get3A_499 = tpu.vector_load %arg14[%get3A_497, %get3A_498] {strides = array<i32>} : memref<160x128xf32, #tpu.memory_space<vmem>>, vector<16xf32>,
        %get3A_500 = arith.index_cast %add3A_493 : i32 to index
        %get3A_501 = arith.constant 32 : index
        %get3A_502 = tpu.vector_load %arg14[%get3A_500, %get3A_501] {strides = array<i32>} : memref<160x128xf32, #tpu.memory_space<vmem>>, vector<16xf32>,
        %get3A_503 = arith.index_cast %add3A_493 : i32 to index
        %get3A_504 = arith.constant 48 : index
        %get3A_505 = tpu.vector_load %arg14[%get3A_503, %get3A_504] {strides = array<i32>} : memref<160x128xf32, #tpu.memory_space<vmem>>, vector<16xf32>,
        %mul3A_506 = arith.mulf %get3A_496, %get3A_388 : vector<16xf32>
        %mul3A_507 = arith.mulf %get3A_499, %get3A_391 : vector<16xf32>
        %add3A_508 = arith.addf %mul3A_506, %mul3A_507 : vector<16xf32>
        %mul3A_509 = arith.mulf %get3A_502, %get3A_394 : vector<16xf32>
        %add3A_510 = arith.addf %add3A_508, %mul3A_509 : vector<16xf32>
        %mul3A_511 = arith.mulf %get3A_505, %get3A_397 : vector<16xf32>
        %add3A_512 = arith.addf %add3A_510, %mul3A_511 : vector<16xf32>
        %broadcast_in_dim3A_513 = vector.shape_cast %xor3A_8 : vector<16xi32> to vector<16x1xi32>
        %gather3A_514 = vector.shape_cast %broadcast_in_dim3A_513 : vector<16x1xi32> to vector<16xi32>
        %gather3A_515 = tpu.dynamic_gather %add3A_512[%gather3A_514] in [0] : vector<16xf32>, vector<16xi32> -> vector<16xf32>
        %add3A_516 = arith.addf %add3A_512, %gather3A_515 : vector<16xf32>
        %broadcast_in_dim3A_517 = vector.shape_cast %xor3A_11 : vector<16xi32> to vector<16x1xi32>
        %gather3A_518 = vector.shape_cast %broadcast_in_dim3A_517 : vector<16x1xi32> to vector<16xi32>
        %gather3A_519 = tpu.dynamic_gather %add3A_516[%gather3A_518] in [0] : vector<16xf32>, vector<16xi32> -> vector<16xf32>
        %add3A_520 = arith.addf %add3A_516, %gather3A_519 : vector<16xf32>
        %broadcast_in_dim3A_521 = vector.shape_cast %xor3A_14 : vector<16xi32> to vector<16x1xi32>
        %gather3A_522 = vector.shape_cast %broadcast_in_dim3A_521 : vector<16x1xi32> to vector<16xi32>
        %gather3A_523 = tpu.dynamic_gather %add3A_520[%gather3A_522] in [0] : vector<16xf32>, vector<16xi32> -> vector<16xf32>
        %add3A_524 = arith.addf %add3A_520, %gather3A_523 : vector<16xf32>
        %broadcast_in_dim3A_525 = vector.shape_cast %xor3A_17 : vector<16xi32> to vector<16x1xi32>
        %gather3A_526 = vector.shape_cast %broadcast_in_dim3A_525 : vector<16x1xi32> to vector<16xi32>
        %gather3A_527 = tpu.dynamic_gather %add3A_524[%gather3A_526] in [0] : vector<16xf32>, vector<16xi32> -> vector<16xf32>
        %add3A_528 = arith.addf %add3A_524, %gather3A_527 : vector<16xf32>
        %eq3A_529 = arith.constant 2 : i32
        %eq3A_530 = vector.broadcast %eq3A_529 : i32 to vector<16xi32>
        %eq3A_531 = arith.cmpi eq, %iota3A, %eq3A_530 : vector<16xi32>
        %select_n3A_532 = arith.select %eq3A_531, %add3A_528, %select_n3A_489 : vector<16xi1>, vector<16xf32>
        %mul3A_533 = arith.constant 20 : i32
        %mul3A_534 = arith.muli %scan3A_385, %mul3A_533 : i32
        %add3A_535 = arith.constant 3 : i32
        %add3A_536 = arith.addi %mul3A_534, %add3A_535 : i32
        %get3A_537 = arith.index_cast %add3A_536 : i32 to index
        %get3A_538 = arith.constant 0 : index
        %get3A_539 = tpu.vector_load %arg14[%get3A_537, %get3A_538] {strides = array<i32>} : memref<160x128xf32, #tpu.memory_space<vmem>>, vector<16xf32>,
        %get3A_540 = arith.index_cast %add3A_536 : i32 to index
        %get3A_541 = arith.constant 16 : index
        %get3A_542 = tpu.vector_load %arg14[%get3A_540, %get3A_541] {strides = array<i32>} : memref<160x128xf32, #tpu.memory_space<vmem>>, vector<16xf32>,
        %get3A_543 = arith.index_cast %add3A_536 : i32 to index
        %get3A_544 = arith.constant 32 : index
        %get3A_545 = tpu.vector_load %arg14[%get3A_543, %get3A_544] {strides = array<i32>} : memref<160x128xf32, #tpu.memory_space<vmem>>, vector<16xf32>,
        %get3A_546 = arith.index_cast %add3A_536 : i32 to index
        %get3A_547 = arith.constant 48 : index
        %get3A_548 = tpu.vector_load %arg14[%get3A_546, %get3A_547] {strides = array<i32>} : memref<160x128xf32, #tpu.memory_space<vmem>>, vector<16xf32>,
        %mul3A_549 = arith.mulf %get3A_539, %get3A_388 : vector<16xf32>
        %mul3A_550 = arith.mulf %get3A_542, %get3A_391 : vector<16xf32>
        %add3A_551 = arith.addf %mul3A_549, %mul3A_550 : vector<16xf32>
        %mul3A_552 = arith.mulf %get3A_545, %get3A_394 : vector<16xf32>
        %add3A_553 = arith.addf %add3A_551, %mul3A_552 : vector<16xf32>
        %mul3A_554 = arith.mulf %get3A_548, %get3A_397 : vector<16xf32>
        %add3A_555 = arith.addf %add3A_553, %mul3A_554 : vector<16xf32>
        %broadcast_in_dim3A_556 = vector.shape_cast %xor3A_8 : vector<16xi32> to vector<16x1xi32>
        %gather3A_557 = vector.shape_cast %broadcast_in_dim3A_556 : vector<16x1xi32> to vector<16xi32>
        %gather3A_558 = tpu.dynamic_gather %add3A_555[%gather3A_557] in [0] : vector<16xf32>, vector<16xi32> -> vector<16xf32>
        %add3A_559 = arith.addf %add3A_555, %gather3A_558 : vector<16xf32>
        %broadcast_in_dim3A_560 = vector.shape_cast %xor3A_11 : vector<16xi32> to vector<16x1xi32>
        %gather3A_561 = vector.shape_cast %broadcast_in_dim3A_560 : vector<16x1xi32> to vector<16xi32>
        %gather3A_562 = tpu.dynamic_gather %add3A_559[%gather3A_561] in [0] : vector<16xf32>, vector<16xi32> -> vector<16xf32>
        %add3A_563 = arith.addf %add3A_559, %gather3A_562 : vector<16xf32>
        %broadcast_in_dim3A_564 = vector.shape_cast %xor3A_14 : vector<16xi32> to vector<16x1xi32>
        %gather3A_565 = vector.shape_cast %broadcast_in_dim3A_564 : vector<16x1xi32> to vector<16xi32>
        %gather3A_566 = tpu.dynamic_gather %add3A_563[%gather3A_565] in [0] : vector<16xf32>, vector<16xi32> -> vector<16xf32>
        %add3A_567 = arith.addf %add3A_563, %gather3A_566 : vector<16xf32>
        %broadcast_in_dim3A_568 = vector.shape_cast %xor3A_17 : vector<16xi32> to vector<16x1xi32>
        %gather3A_569 = vector.shape_cast %broadcast_in_dim3A_568 : vector<16x1xi32> to vector<16xi32>
        %gather3A_570 = tpu.dynamic_gather %add3A_567[%gather3A_569] in [0] : vector<16xf32>, vector<16xi32> -> vector<16xf32>
        %add3A_571 = arith.addf %add3A_567, %gather3A_570 : vector<16xf32>
        %eq3A_572 = arith.constant 3 : i32
        %eq3A_573 = vector.broadcast %eq3A_572 : i32 to vector<16xi32>
        %eq3A_574 = arith.cmpi eq, %iota3A, %eq3A_573 : vector<16xi32>
        %select_n3A_575 = arith.select %eq3A_574, %add3A_571, %select_n3A_532 : vector<16xi1>, vector<16xf32>
        %mul3A_576 = arith.constant 20 : i32
        %mul3A_577 = arith.muli %scan3A_385, %mul3A_576 : i32
        %add3A_578 = arith.constant 4 : i32
        %add3A_579 = arith.addi %mul3A_577, %add3A_578 : i32
        %get3A_580 = arith.index_cast %add3A_579 : i32 to index
        %get3A_581 = arith.constant 0 : index
        %get3A_582 = tpu.vector_load %arg14[%get3A_580, %get3A_581] {strides = array<i32>} : memref<160x128xf32, #tpu.memory_space<vmem>>, vector<16xf32>,
        %get3A_583 = arith.index_cast %add3A_579 : i32 to index
        %get3A_584 = arith.constant 16 : index
        %get3A_585 = tpu.vector_load %arg14[%get3A_583, %get3A_584] {strides = array<i32>} : memref<160x128xf32, #tpu.memory_space<vmem>>, vector<16xf32>,
        %get3A_586 = arith.index_cast %add3A_579 : i32 to index
        %get3A_587 = arith.constant 32 : index
        %get3A_588 = tpu.vector_load %arg14[%get3A_586, %get3A_587] {strides = array<i32>} : memref<160x128xf32, #tpu.memory_space<vmem>>, vector<16xf32>,
        %get3A_589 = arith.index_cast %add3A_579 : i32 to index
        %get3A_590 = arith.constant 48 : index
        %get3A_591 = tpu.vector_load %arg14[%get3A_589, %get3A_590] {strides = array<i32>} : memref<160x128xf32, #tpu.memory_space<vmem>>, vector<16xf32>,
        %mul3A_592 = arith.mulf %get3A_582, %get3A_388 : vector<16xf32>
        %mul3A_593 = arith.mulf %get3A_585, %get3A_391 : vector<16xf32>
        %add3A_594 = arith.addf %mul3A_592, %mul3A_593 : vector<16xf32>
        %mul3A_595 = arith.mulf %get3A_588, %get3A_394 : vector<16xf32>
        %add3A_596 = arith.addf %add3A_594, %mul3A_595 : vector<16xf32>
        %mul3A_597 = arith.mulf %get3A_591, %get3A_397 : vector<16xf32>
        %add3A_598 = arith.addf %add3A_596, %mul3A_597 : vector<16xf32>
        %broadcast_in_dim3A_599 = vector.shape_cast %xor3A_8 : vector<16xi32> to vector<16x1xi32>
        %gather3A_600 = vector.shape_cast %broadcast_in_dim3A_599 : vector<16x1xi32> to vector<16xi32>
        %gather3A_601 = tpu.dynamic_gather %add3A_598[%gather3A_600] in [0] : vector<16xf32>, vector<16xi32> -> vector<16xf32>
        %add3A_602 = arith.addf %add3A_598, %gather3A_601 : vector<16xf32>
        %broadcast_in_dim3A_603 = vector.shape_cast %xor3A_11 : vector<16xi32> to vector<16x1xi32>
        %gather3A_604 = vector.shape_cast %broadcast_in_dim3A_603 : vector<16x1xi32> to vector<16xi32>
        %gather3A_605 = tpu.dynamic_gather %add3A_602[%gather3A_604] in [0] : vector<16xf32>, vector<16xi32> -> vector<16xf32>
        %add3A_606 = arith.addf %add3A_602, %gather3A_605 : vector<16xf32>
        %broadcast_in_dim3A_607 = vector.shape_cast %xor3A_14 : vector<16xi32> to vector<16x1xi32>
        %gather3A_608 = vector.shape_cast %broadcast_in_dim3A_607 : vector<16x1xi32> to vector<16xi32>
        %gather3A_609 = tpu.dynamic_gather %add3A_606[%gather3A_608] in [0] : vector<16xf32>, vector<16xi32> -> vector<16xf32>
        %add3A_610 = arith.addf %add3A_606, %gather3A_609 : vector<16xf32>
        %broadcast_in_dim3A_611 = vector.shape_cast %xor3A_17 : vector<16xi32> to vector<16x1xi32>
        %gather3A_612 = vector.shape_cast %broadcast_in_dim3A_611 : vector<16x1xi32> to vector<16xi32>
        %gather3A_613 = tpu.dynamic_gather %add3A_610[%gather3A_612] in [0] : vector<16xf32>, vector<16xi32> -> vector<16xf32>
        %add3A_614 = arith.addf %add3A_610, %gather3A_613 : vector<16xf32>
        %eq3A_615 = arith.constant 4 : i32
        %eq3A_616 = vector.broadcast %eq3A_615 : i32 to vector<16xi32>
        %eq3A_617 = arith.cmpi eq, %iota3A, %eq3A_616 : vector<16xi32>
        %select_n3A_618 = arith.select %eq3A_617, %add3A_614, %select_n3A_575 : vector<16xi1>, vector<16xf32>
        %mul3A_619 = arith.constant 20 : i32
        %mul3A_620 = arith.muli %scan3A_385, %mul3A_619 : i32
        %add3A_621 = arith.constant 5 : i32
        %add3A_622 = arith.addi %mul3A_620, %add3A_621 : i32
        %get3A_623 = arith.index_cast %add3A_622 : i32 to index
        %get3A_624 = arith.constant 0 : index
        %get3A_625 = tpu.vector_load %arg14[%get3A_623, %get3A_624] {strides = array<i32>} : memref<160x128xf32, #tpu.memory_space<vmem>>, vector<16xf32>,
        %get3A_626 = arith.index_cast %add3A_622 : i32 to index
        %get3A_627 = arith.constant 16 : index
        %get3A_628 = tpu.vector_load %arg14[%get3A_626, %get3A_627] {strides = array<i32>} : memref<160x128xf32, #tpu.memory_space<vmem>>, vector<16xf32>,
        %get3A_629 = arith.index_cast %add3A_622 : i32 to index
        %get3A_630 = arith.constant 32 : index
        %get3A_631 = tpu.vector_load %arg14[%get3A_629, %get3A_630] {strides = array<i32>} : memref<160x128xf32, #tpu.memory_space<vmem>>, vector<16xf32>,
        %get3A_632 = arith.index_cast %add3A_622 : i32 to index
        %get3A_633 = arith.constant 48 : index
        %get3A_634 = tpu.vector_load %arg14[%get3A_632, %get3A_633] {strides = array<i32>} : memref<160x128xf32, #tpu.memory_space<vmem>>, vector<16xf32>,
        %mul3A_635 = arith.mulf %get3A_625, %get3A_388 : vector<16xf32>
        %mul3A_636 = arith.mulf %get3A_628, %get3A_391 : vector<16xf32>
        %add3A_637 = arith.addf %mul3A_635, %mul3A_636 : vector<16xf32>
        %mul3A_638 = arith.mulf %get3A_631, %get3A_394 : vector<16xf32>
        %add3A_639 = arith.addf %add3A_637, %mul3A_638 : vector<16xf32>
        %mul3A_640 = arith.mulf %get3A_634, %get3A_397 : vector<16xf32>
        %add3A_641 = arith.addf %add3A_639, %mul3A_640 : vector<16xf32>
        %broadcast_in_dim3A_642 = vector.shape_cast %xor3A_8 : vector<16xi32> to vector<16x1xi32>
        %gather3A_643 = vector.shape_cast %broadcast_in_dim3A_642 : vector<16x1xi32> to vector<16xi32>
        %gather3A_644 = tpu.dynamic_gather %add3A_641[%gather3A_643] in [0] : vector<16xf32>, vector<16xi32> -> vector<16xf32>
        %add3A_645 = arith.addf %add3A_641, %gather3A_644 : vector<16xf32>
        %broadcast_in_dim3A_646 = vector.shape_cast %xor3A_11 : vector<16xi32> to vector<16x1xi32>
        %gather3A_647 = vector.shape_cast %broadcast_in_dim3A_646 : vector<16x1xi32> to vector<16xi32>
        %gather3A_648 = tpu.dynamic_gather %add3A_645[%gather3A_647] in [0] : vector<16xf32>, vector<16xi32> -> vector<16xf32>
        %add3A_649 = arith.addf %add3A_645, %gather3A_648 : vector<16xf32>
        %broadcast_in_dim3A_650 = vector.shape_cast %xor3A_14 : vector<16xi32> to vector<16x1xi32>
        %gather3A_651 = vector.shape_cast %broadcast_in_dim3A_650 : vector<16x1xi32> to vector<16xi32>
        %gather3A_652 = tpu.dynamic_gather %add3A_649[%gather3A_651] in [0] : vector<16xf32>, vector<16xi32> -> vector<16xf32>
        %add3A_653 = arith.addf %add3A_649, %gather3A_652 : vector<16xf32>
        %broadcast_in_dim3A_654 = vector.shape_cast %xor3A_17 : vector<16xi32> to vector<16x1xi32>
        %gather3A_655 = vector.shape_cast %broadcast_in_dim3A_654 : vector<16x1xi32> to vector<16xi32>
        %gather3A_656 = tpu.dynamic_gather %add3A_653[%gather3A_655] in [0] : vector<16xf32>, vector<16xi32> -> vector<16xf32>
        %add3A_657 = arith.addf %add3A_653, %gather3A_656 : vector<16xf32>
        %eq3A_658 = arith.constant 5 : i32
        %eq3A_659 = vector.broadcast %eq3A_658 : i32 to vector<16xi32>
        %eq3A_660 = arith.cmpi eq, %iota3A, %eq3A_659 : vector<16xi32>
        %select_n3A_661 = arith.select %eq3A_660, %add3A_657, %select_n3A_618 : vector<16xi1>, vector<16xf32>
        %mul3A_662 = arith.constant 20 : i32
        %mul3A_663 = arith.muli %scan3A_385, %mul3A_662 : i32
        %add3A_664 = arith.constant 6 : i32
        %add3A_665 = arith.addi %mul3A_663, %add3A_664 : i32
        %get3A_666 = arith.index_cast %add3A_665 : i32 to index
        %get3A_667 = arith.constant 0 : index
        %get3A_668 = tpu.vector_load %arg14[%get3A_666, %get3A_667] {strides = array<i32>} : memref<160x128xf32, #tpu.memory_space<vmem>>, vector<16xf32>,
        %get3A_669 = arith.index_cast %add3A_665 : i32 to index
        %get3A_670 = arith.constant 16 : index
        %get3A_671 = tpu.vector_load %arg14[%get3A_669, %get3A_670] {strides = array<i32>} : memref<160x128xf32, #tpu.memory_space<vmem>>, vector<16xf32>,
        %get3A_672 = arith.index_cast %add3A_665 : i32 to index
        %get3A_673 = arith.constant 32 : index
        %get3A_674 = tpu.vector_load %arg14[%get3A_672, %get3A_673] {strides = array<i32>} : memref<160x128xf32, #tpu.memory_space<vmem>>, vector<16xf32>,
        %get3A_675 = arith.index_cast %add3A_665 : i32 to index
        %get3A_676 = arith.constant 48 : index
        %get3A_677 = tpu.vector_load %arg14[%get3A_675, %get3A_676] {strides = array<i32>} : memref<160x128xf32, #tpu.memory_space<vmem>>, vector<16xf32>,
        %mul3A_678 = arith.mulf %get3A_668, %get3A_388 : vector<16xf32>
        %mul3A_679 = arith.mulf %get3A_671, %get3A_391 : vector<16xf32>
        %add3A_680 = arith.addf %mul3A_678, %mul3A_679 : vector<16xf32>
        %mul3A_681 = arith.mulf %get3A_674, %get3A_394 : vector<16xf32>
        %add3A_682 = arith.addf %add3A_680, %mul3A_681 : vector<16xf32>
        %mul3A_683 = arith.mulf %get3A_677, %get3A_397 : vector<16xf32>
        %add3A_684 = arith.addf %add3A_682, %mul3A_683 : vector<16xf32>
        %broadcast_in_dim3A_685 = vector.shape_cast %xor3A_8 : vector<16xi32> to vector<16x1xi32>
        %gather3A_686 = vector.shape_cast %broadcast_in_dim3A_685 : vector<16x1xi32> to vector<16xi32>
        %gather3A_687 = tpu.dynamic_gather %add3A_684[%gather3A_686] in [0] : vector<16xf32>, vector<16xi32> -> vector<16xf32>
        %add3A_688 = arith.addf %add3A_684, %gather3A_687 : vector<16xf32>
        %broadcast_in_dim3A_689 = vector.shape_cast %xor3A_11 : vector<16xi32> to vector<16x1xi32>
        %gather3A_690 = vector.shape_cast %broadcast_in_dim3A_689 : vector<16x1xi32> to vector<16xi32>
        %gather3A_691 = tpu.dynamic_gather %add3A_688[%gather3A_690] in [0] : vector<16xf32>, vector<16xi32> -> vector<16xf32>
        %add3A_692 = arith.addf %add3A_688, %gather3A_691 : vector<16xf32>
        %broadcast_in_dim3A_693 = vector.shape_cast %xor3A_14 : vector<16xi32> to vector<16x1xi32>
        %gather3A_694 = vector.shape_cast %broadcast_in_dim3A_693 : vector<16x1xi32> to vector<16xi32>
        %gather3A_695 = tpu.dynamic_gather %add3A_692[%gather3A_694] in [0] : vector<16xf32>, vector<16xi32> -> vector<16xf32>
        %add3A_696 = arith.addf %add3A_692, %gather3A_695 : vector<16xf32>
        %broadcast_in_dim3A_697 = vector.shape_cast %xor3A_17 : vector<16xi32> to vector<16x1xi32>
        %gather3A_698 = vector.shape_cast %broadcast_in_dim3A_697 : vector<16x1xi32> to vector<16xi32>
        %gather3A_699 = tpu.dynamic_gather %add3A_696[%gather3A_698] in [0] : vector<16xf32>, vector<16xi32> -> vector<16xf32>
        %add3A_700 = arith.addf %add3A_696, %gather3A_699 : vector<16xf32>
        %eq3A_701 = arith.constant 6 : i32
        %eq3A_702 = vector.broadcast %eq3A_701 : i32 to vector<16xi32>
        %eq3A_703 = arith.cmpi eq, %iota3A, %eq3A_702 : vector<16xi32>
        %select_n3A_704 = arith.select %eq3A_703, %add3A_700, %select_n3A_661 : vector<16xi1>, vector<16xf32>
        %mul3A_705 = arith.constant 20 : i32
        %mul3A_706 = arith.muli %scan3A_385, %mul3A_705 : i32
        %add3A_707 = arith.constant 7 : i32
        %add3A_708 = arith.addi %mul3A_706, %add3A_707 : i32
        %get3A_709 = arith.index_cast %add3A_708 : i32 to index
        %get3A_710 = arith.constant 0 : index
        %get3A_711 = tpu.vector_load %arg14[%get3A_709, %get3A_710] {strides = array<i32>} : memref<160x128xf32, #tpu.memory_space<vmem>>, vector<16xf32>,
        %get3A_712 = arith.index_cast %add3A_708 : i32 to index
        %get3A_713 = arith.constant 16 : index
        %get3A_714 = tpu.vector_load %arg14[%get3A_712, %get3A_713] {strides = array<i32>} : memref<160x128xf32, #tpu.memory_space<vmem>>, vector<16xf32>,
        %get3A_715 = arith.index_cast %add3A_708 : i32 to index
        %get3A_716 = arith.constant 32 : index
        %get3A_717 = tpu.vector_load %arg14[%get3A_715, %get3A_716] {strides = array<i32>} : memref<160x128xf32, #tpu.memory_space<vmem>>, vector<16xf32>,
        %get3A_718 = arith.index_cast %add3A_708 : i32 to index
        %get3A_719 = arith.constant 48 : index
        %get3A_720 = tpu.vector_load %arg14[%get3A_718, %get3A_719] {strides = array<i32>} : memref<160x128xf32, #tpu.memory_space<vmem>>, vector<16xf32>,
        %mul3A_721 = arith.mulf %get3A_711, %get3A_388 : vector<16xf32>
        %mul3A_722 = arith.mulf %get3A_714, %get3A_391 : vector<16xf32>
        %add3A_723 = arith.addf %mul3A_721, %mul3A_722 : vector<16xf32>
        %mul3A_724 = arith.mulf %get3A_717, %get3A_394 : vector<16xf32>
        %add3A_725 = arith.addf %add3A_723, %mul3A_724 : vector<16xf32>
        %mul3A_726 = arith.mulf %get3A_720, %get3A_397 : vector<16xf32>
        %add3A_727 = arith.addf %add3A_725, %mul3A_726 : vector<16xf32>
        %broadcast_in_dim3A_728 = vector.shape_cast %xor3A_8 : vector<16xi32> to vector<16x1xi32>
        %gather3A_729 = vector.shape_cast %broadcast_in_dim3A_728 : vector<16x1xi32> to vector<16xi32>
        %gather3A_730 = tpu.dynamic_gather %add3A_727[%gather3A_729] in [0] : vector<16xf32>, vector<16xi32> -> vector<16xf32>
        %add3A_731 = arith.addf %add3A_727, %gather3A_730 : vector<16xf32>
        %broadcast_in_dim3A_732 = vector.shape_cast %xor3A_11 : vector<16xi32> to vector<16x1xi32>
        %gather3A_733 = vector.shape_cast %broadcast_in_dim3A_732 : vector<16x1xi32> to vector<16xi32>
        %gather3A_734 = tpu.dynamic_gather %add3A_731[%gather3A_733] in [0] : vector<16xf32>, vector<16xi32> -> vector<16xf32>
        %add3A_735 = arith.addf %add3A_731, %gather3A_734 : vector<16xf32>
        %broadcast_in_dim3A_736 = vector.shape_cast %xor3A_14 : vector<16xi32> to vector<16x1xi32>
        %gather3A_737 = vector.shape_cast %broadcast_in_dim3A_736 : vector<16x1xi32> to vector<16xi32>
        %gather3A_738 = tpu.dynamic_gather %add3A_735[%gather3A_737] in [0] : vector<16xf32>, vector<16xi32> -> vector<16xf32>
        %add3A_739 = arith.addf %add3A_735, %gather3A_738 : vector<16xf32>
        %broadcast_in_dim3A_740 = vector.shape_cast %xor3A_17 : vector<16xi32> to vector<16x1xi32>
        %gather3A_741 = vector.shape_cast %broadcast_in_dim3A_740 : vector<16x1xi32> to vector<16xi32>
        %gather3A_742 = tpu.dynamic_gather %add3A_739[%gather3A_741] in [0] : vector<16xf32>, vector<16xi32> -> vector<16xf32>
        %add3A_743 = arith.addf %add3A_739, %gather3A_742 : vector<16xf32>
        %eq3A_744 = arith.constant 7 : i32
        %eq3A_745 = vector.broadcast %eq3A_744 : i32 to vector<16xi32>
        %eq3A_746 = arith.cmpi eq, %iota3A, %eq3A_745 : vector<16xi32>
        %select_n3A_747 = arith.select %eq3A_746, %add3A_743, %select_n3A_704 : vector<16xi1>, vector<16xf32>
        %mul3A_748 = arith.constant 20 : i32
        %mul3A_749 = arith.muli %scan3A_385, %mul3A_748 : i32
        %add3A_750 = arith.constant 8 : i32
        %add3A_751 = arith.addi %mul3A_749, %add3A_750 : i32
        %get3A_752 = arith.index_cast %add3A_751 : i32 to index
        %get3A_753 = arith.constant 0 : index
        %get3A_754 = tpu.vector_load %arg14[%get3A_752, %get3A_753] {strides = array<i32>} : memref<160x128xf32, #tpu.memory_space<vmem>>, vector<16xf32>,
        %get3A_755 = arith.index_cast %add3A_751 : i32 to index
        %get3A_756 = arith.constant 16 : index
        %get3A_757 = tpu.vector_load %arg14[%get3A_755, %get3A_756] {strides = array<i32>} : memref<160x128xf32, #tpu.memory_space<vmem>>, vector<16xf32>,
        %get3A_758 = arith.index_cast %add3A_751 : i32 to index
        %get3A_759 = arith.constant 32 : index
        %get3A_760 = tpu.vector_load %arg14[%get3A_758, %get3A_759] {strides = array<i32>} : memref<160x128xf32, #tpu.memory_space<vmem>>, vector<16xf32>,
        %get3A_761 = arith.index_cast %add3A_751 : i32 to index
        %get3A_762 = arith.constant 48 : index
        %get3A_763 = tpu.vector_load %arg14[%get3A_761, %get3A_762] {strides = array<i32>} : memref<160x128xf32, #tpu.memory_space<vmem>>, vector<16xf32>,
        %mul3A_764 = arith.mulf %get3A_754, %get3A_388 : vector<16xf32>
        %mul3A_765 = arith.mulf %get3A_757, %get3A_391 : vector<16xf32>
        %add3A_766 = arith.addf %mul3A_764, %mul3A_765 : vector<16xf32>
        %mul3A_767 = arith.mulf %get3A_760, %get3A_394 : vector<16xf32>
        %add3A_768 = arith.addf %add3A_766, %mul3A_767 : vector<16xf32>
        %mul3A_769 = arith.mulf %get3A_763, %get3A_397 : vector<16xf32>
        %add3A_770 = arith.addf %add3A_768, %mul3A_769 : vector<16xf32>
        %broadcast_in_dim3A_771 = vector.shape_cast %xor3A_8 : vector<16xi32> to vector<16x1xi32>
        %gather3A_772 = vector.shape_cast %broadcast_in_dim3A_771 : vector<16x1xi32> to vector<16xi32>
        %gather3A_773 = tpu.dynamic_gather %add3A_770[%gather3A_772] in [0] : vector<16xf32>, vector<16xi32> -> vector<16xf32>
        %add3A_774 = arith.addf %add3A_770, %gather3A_773 : vector<16xf32>
        %broadcast_in_dim3A_775 = vector.shape_cast %xor3A_11 : vector<16xi32> to vector<16x1xi32>
        %gather3A_776 = vector.shape_cast %broadcast_in_dim3A_775 : vector<16x1xi32> to vector<16xi32>
        %gather3A_777 = tpu.dynamic_gather %add3A_774[%gather3A_776] in [0] : vector<16xf32>, vector<16xi32> -> vector<16xf32>
        %add3A_778 = arith.addf %add3A_774, %gather3A_777 : vector<16xf32>
        %broadcast_in_dim3A_779 = vector.shape_cast %xor3A_14 : vector<16xi32> to vector<16x1xi32>
        %gather3A_780 = vector.shape_cast %broadcast_in_dim3A_779 : vector<16x1xi32> to vector<16xi32>
        %gather3A_781 = tpu.dynamic_gather %add3A_778[%gather3A_780] in [0] : vector<16xf32>, vector<16xi32> -> vector<16xf32>
        %add3A_782 = arith.addf %add3A_778, %gather3A_781 : vector<16xf32>
        %broadcast_in_dim3A_783 = vector.shape_cast %xor3A_17 : vector<16xi32> to vector<16x1xi32>
        %gather3A_784 = vector.shape_cast %broadcast_in_dim3A_783 : vector<16x1xi32> to vector<16xi32>
        %gather3A_785 = tpu.dynamic_gather %add3A_782[%gather3A_784] in [0] : vector<16xf32>, vector<16xi32> -> vector<16xf32>
        %add3A_786 = arith.addf %add3A_782, %gather3A_785 : vector<16xf32>
        %eq3A_787 = arith.constant 8 : i32
        %eq3A_788 = vector.broadcast %eq3A_787 : i32 to vector<16xi32>
        %eq3A_789 = arith.cmpi eq, %iota3A, %eq3A_788 : vector<16xi32>
        %select_n3A_790 = arith.select %eq3A_789, %add3A_786, %select_n3A_747 : vector<16xi1>, vector<16xf32>
        %mul3A_791 = arith.constant 20 : i32
        %mul3A_792 = arith.muli %scan3A_385, %mul3A_791 : i32
        %add3A_793 = arith.constant 9 : i32
        %add3A_794 = arith.addi %mul3A_792, %add3A_793 : i32
        %get3A_795 = arith.index_cast %add3A_794 : i32 to index
        %get3A_796 = arith.constant 0 : index
        %get3A_797 = tpu.vector_load %arg14[%get3A_795, %get3A_796] {strides = array<i32>} : memref<160x128xf32, #tpu.memory_space<vmem>>, vector<16xf32>,
        %get3A_798 = arith.index_cast %add3A_794 : i32 to index
        %get3A_799 = arith.constant 16 : index
        %get3A_800 = tpu.vector_load %arg14[%get3A_798, %get3A_799] {strides = array<i32>} : memref<160x128xf32, #tpu.memory_space<vmem>>, vector<16xf32>,
        %get3A_801 = arith.index_cast %add3A_794 : i32 to index
        %get3A_802 = arith.constant 32 : index
        %get3A_803 = tpu.vector_load %arg14[%get3A_801, %get3A_802] {strides = array<i32>} : memref<160x128xf32, #tpu.memory_space<vmem>>, vector<16xf32>,
        %get3A_804 = arith.index_cast %add3A_794 : i32 to index
        %get3A_805 = arith.constant 48 : index
        %get3A_806 = tpu.vector_load %arg14[%get3A_804, %get3A_805] {strides = array<i32>} : memref<160x128xf32, #tpu.memory_space<vmem>>, vector<16xf32>,
        %mul3A_807 = arith.mulf %get3A_797, %get3A_388 : vector<16xf32>
        %mul3A_808 = arith.mulf %get3A_800, %get3A_391 : vector<16xf32>
        %add3A_809 = arith.addf %mul3A_807, %mul3A_808 : vector<16xf32>
        %mul3A_810 = arith.mulf %get3A_803, %get3A_394 : vector<16xf32>
        %add3A_811 = arith.addf %add3A_809, %mul3A_810 : vector<16xf32>
        %mul3A_812 = arith.mulf %get3A_806, %get3A_397 : vector<16xf32>
        %add3A_813 = arith.addf %add3A_811, %mul3A_812 : vector<16xf32>
        %broadcast_in_dim3A_814 = vector.shape_cast %xor3A_8 : vector<16xi32> to vector<16x1xi32>
        %gather3A_815 = vector.shape_cast %broadcast_in_dim3A_814 : vector<16x1xi32> to vector<16xi32>
        %gather3A_816 = tpu.dynamic_gather %add3A_813[%gather3A_815] in [0] : vector<16xf32>, vector<16xi32> -> vector<16xf32>
        %add3A_817 = arith.addf %add3A_813, %gather3A_816 : vector<16xf32>
        %broadcast_in_dim3A_818 = vector.shape_cast %xor3A_11 : vector<16xi32> to vector<16x1xi32>
        %gather3A_819 = vector.shape_cast %broadcast_in_dim3A_818 : vector<16x1xi32> to vector<16xi32>
        %gather3A_820 = tpu.dynamic_gather %add3A_817[%gather3A_819] in [0] : vector<16xf32>, vector<16xi32> -> vector<16xf32>
        %add3A_821 = arith.addf %add3A_817, %gather3A_820 : vector<16xf32>
        %broadcast_in_dim3A_822 = vector.shape_cast %xor3A_14 : vector<16xi32> to vector<16x1xi32>
        %gather3A_823 = vector.shape_cast %broadcast_in_dim3A_822 : vector<16x1xi32> to vector<16xi32>
        %gather3A_824 = tpu.dynamic_gather %add3A_821[%gather3A_823] in [0] : vector<16xf32>, vector<16xi32> -> vector<16xf32>
        %add3A_825 = arith.addf %add3A_821, %gather3A_824 : vector<16xf32>
        %broadcast_in_dim3A_826 = vector.shape_cast %xor3A_17 : vector<16xi32> to vector<16x1xi32>
        %gather3A_827 = vector.shape_cast %broadcast_in_dim3A_826 : vector<16x1xi32> to vector<16xi32>
        %gather3A_828 = tpu.dynamic_gather %add3A_825[%gather3A_827] in [0] : vector<16xf32>, vector<16xi32> -> vector<16xf32>
        %add3A_829 = arith.addf %add3A_825, %gather3A_828 : vector<16xf32>
        %eq3A_830 = arith.constant 9 : i32
        %eq3A_831 = vector.broadcast %eq3A_830 : i32 to vector<16xi32>
        %eq3A_832 = arith.cmpi eq, %iota3A, %eq3A_831 : vector<16xi32>
        %select_n3A_833 = arith.select %eq3A_832, %add3A_829, %select_n3A_790 : vector<16xi1>, vector<16xf32>
        %mul3A_834 = arith.constant 20 : i32
        %mul3A_835 = arith.muli %scan3A_385, %mul3A_834 : i32
        %add3A_836 = arith.constant 10 : i32
        %add3A_837 = arith.addi %mul3A_835, %add3A_836 : i32
        %get3A_838 = arith.index_cast %add3A_837 : i32 to index
        %get3A_839 = arith.constant 0 : index
        %get3A_840 = tpu.vector_load %arg14[%get3A_838, %get3A_839] {strides = array<i32>} : memref<160x128xf32, #tpu.memory_space<vmem>>, vector<16xf32>,
        %get3A_841 = arith.index_cast %add3A_837 : i32 to index
        %get3A_842 = arith.constant 16 : index
        %get3A_843 = tpu.vector_load %arg14[%get3A_841, %get3A_842] {strides = array<i32>} : memref<160x128xf32, #tpu.memory_space<vmem>>, vector<16xf32>,
        %get3A_844 = arith.index_cast %add3A_837 : i32 to index
        %get3A_845 = arith.constant 32 : index
        %get3A_846 = tpu.vector_load %arg14[%get3A_844, %get3A_845] {strides = array<i32>} : memref<160x128xf32, #tpu.memory_space<vmem>>, vector<16xf32>,
        %get3A_847 = arith.index_cast %add3A_837 : i32 to index
        %get3A_848 = arith.constant 48 : index
        %get3A_849 = tpu.vector_load %arg14[%get3A_847, %get3A_848] {strides = array<i32>} : memref<160x128xf32, #tpu.memory_space<vmem>>, vector<16xf32>,
        %mul3A_850 = arith.mulf %get3A_840, %get3A_388 : vector<16xf32>
        %mul3A_851 = arith.mulf %get3A_843, %get3A_391 : vector<16xf32>
        %add3A_852 = arith.addf %mul3A_850, %mul3A_851 : vector<16xf32>
        %mul3A_853 = arith.mulf %get3A_846, %get3A_394 : vector<16xf32>
        %add3A_854 = arith.addf %add3A_852, %mul3A_853 : vector<16xf32>
        %mul3A_855 = arith.mulf %get3A_849, %get3A_397 : vector<16xf32>
        %add3A_856 = arith.addf %add3A_854, %mul3A_855 : vector<16xf32>
        %broadcast_in_dim3A_857 = vector.shape_cast %xor3A_8 : vector<16xi32> to vector<16x1xi32>
        %gather3A_858 = vector.shape_cast %broadcast_in_dim3A_857 : vector<16x1xi32> to vector<16xi32>
        %gather3A_859 = tpu.dynamic_gather %add3A_856[%gather3A_858] in [0] : vector<16xf32>, vector<16xi32> -> vector<16xf32>
        %add3A_860 = arith.addf %add3A_856, %gather3A_859 : vector<16xf32>
        %broadcast_in_dim3A_861 = vector.shape_cast %xor3A_11 : vector<16xi32> to vector<16x1xi32>
        %gather3A_862 = vector.shape_cast %broadcast_in_dim3A_861 : vector<16x1xi32> to vector<16xi32>
        %gather3A_863 = tpu.dynamic_gather %add3A_860[%gather3A_862] in [0] : vector<16xf32>, vector<16xi32> -> vector<16xf32>
        %add3A_864 = arith.addf %add3A_860, %gather3A_863 : vector<16xf32>
        %broadcast_in_dim3A_865 = vector.shape_cast %xor3A_14 : vector<16xi32> to vector<16x1xi32>
        %gather3A_866 = vector.shape_cast %broadcast_in_dim3A_865 : vector<16x1xi32> to vector<16xi32>
        %gather3A_867 = tpu.dynamic_gather %add3A_864[%gather3A_866] in [0] : vector<16xf32>, vector<16xi32> -> vector<16xf32>
        %add3A_868 = arith.addf %add3A_864, %gather3A_867 : vector<16xf32>
        %broadcast_in_dim3A_869 = vector.shape_cast %xor3A_17 : vector<16xi32> to vector<16x1xi32>
        %gather3A_870 = vector.shape_cast %broadcast_in_dim3A_869 : vector<16x1xi32> to vector<16xi32>
        %gather3A_871 = tpu.dynamic_gather %add3A_868[%gather3A_870] in [0] : vector<16xf32>, vector<16xi32> -> vector<16xf32>
        %add3A_872 = arith.addf %add3A_868, %gather3A_871 : vector<16xf32>
        %eq3A_873 = arith.constant 10 : i32
        %eq3A_874 = vector.broadcast %eq3A_873 : i32 to vector<16xi32>
        %eq3A_875 = arith.cmpi eq, %iota3A, %eq3A_874 : vector<16xi32>
        %select_n3A_876 = arith.select %eq3A_875, %add3A_872, %select_n3A_833 : vector<16xi1>, vector<16xf32>
        %mul3A_877 = arith.constant 20 : i32
        %mul3A_878 = arith.muli %scan3A_385, %mul3A_877 : i32
        %add3A_879 = arith.constant 11 : i32
        %add3A_880 = arith.addi %mul3A_878, %add3A_879 : i32
        %get3A_881 = arith.index_cast %add3A_880 : i32 to index
        %get3A_882 = arith.constant 0 : index
        %get3A_883 = tpu.vector_load %arg14[%get3A_881, %get3A_882] {strides = array<i32>} : memref<160x128xf32, #tpu.memory_space<vmem>>, vector<16xf32>,
        %get3A_884 = arith.index_cast %add3A_880 : i32 to index
        %get3A_885 = arith.constant 16 : index
        %get3A_886 = tpu.vector_load %arg14[%get3A_884, %get3A_885] {strides = array<i32>} : memref<160x128xf32, #tpu.memory_space<vmem>>, vector<16xf32>,
        %get3A_887 = arith.index_cast %add3A_880 : i32 to index
        %get3A_888 = arith.constant 32 : index
        %get3A_889 = tpu.vector_load %arg14[%get3A_887, %get3A_888] {strides = array<i32>} : memref<160x128xf32, #tpu.memory_space<vmem>>, vector<16xf32>,
        %get3A_890 = arith.index_cast %add3A_880 : i32 to index
        %get3A_891 = arith.constant 48 : index
        %get3A_892 = tpu.vector_load %arg14[%get3A_890, %get3A_891] {strides = array<i32>} : memref<160x128xf32, #tpu.memory_space<vmem>>, vector<16xf32>,
        %mul3A_893 = arith.mulf %get3A_883, %get3A_388 : vector<16xf32>
        %mul3A_894 = arith.mulf %get3A_886, %get3A_391 : vector<16xf32>
        %add3A_895 = arith.addf %mul3A_893, %mul3A_894 : vector<16xf32>
        %mul3A_896 = arith.mulf %get3A_889, %get3A_394 : vector<16xf32>
        %add3A_897 = arith.addf %add3A_895, %mul3A_896 : vector<16xf32>
        %mul3A_898 = arith.mulf %get3A_892, %get3A_397 : vector<16xf32>
        %add3A_899 = arith.addf %add3A_897, %mul3A_898 : vector<16xf32>
        %broadcast_in_dim3A_900 = vector.shape_cast %xor3A_8 : vector<16xi32> to vector<16x1xi32>
        %gather3A_901 = vector.shape_cast %broadcast_in_dim3A_900 : vector<16x1xi32> to vector<16xi32>
        %gather3A_902 = tpu.dynamic_gather %add3A_899[%gather3A_901] in [0] : vector<16xf32>, vector<16xi32> -> vector<16xf32>
        %add3A_903 = arith.addf %add3A_899, %gather3A_902 : vector<16xf32>
        %broadcast_in_dim3A_904 = vector.shape_cast %xor3A_11 : vector<16xi32> to vector<16x1xi32>
        %gather3A_905 = vector.shape_cast %broadcast_in_dim3A_904 : vector<16x1xi32> to vector<16xi32>
        %gather3A_906 = tpu.dynamic_gather %add3A_903[%gather3A_905] in [0] : vector<16xf32>, vector<16xi32> -> vector<16xf32>
        %add3A_907 = arith.addf %add3A_903, %gather3A_906 : vector<16xf32>
        %broadcast_in_dim3A_908 = vector.shape_cast %xor3A_14 : vector<16xi32> to vector<16x1xi32>
        %gather3A_909 = vector.shape_cast %broadcast_in_dim3A_908 : vector<16x1xi32> to vector<16xi32>
        %gather3A_910 = tpu.dynamic_gather %add3A_907[%gather3A_909] in [0] : vector<16xf32>, vector<16xi32> -> vector<16xf32>
        %add3A_911 = arith.addf %add3A_907, %gather3A_910 : vector<16xf32>
        %broadcast_in_dim3A_912 = vector.shape_cast %xor3A_17 : vector<16xi32> to vector<16x1xi32>
        %gather3A_913 = vector.shape_cast %broadcast_in_dim3A_912 : vector<16x1xi32> to vector<16xi32>
        %gather3A_914 = tpu.dynamic_gather %add3A_911[%gather3A_913] in [0] : vector<16xf32>, vector<16xi32> -> vector<16xf32>
        %add3A_915 = arith.addf %add3A_911, %gather3A_914 : vector<16xf32>
        %eq3A_916 = arith.constant 11 : i32
        %eq3A_917 = vector.broadcast %eq3A_916 : i32 to vector<16xi32>
        %eq3A_918 = arith.cmpi eq, %iota3A, %eq3A_917 : vector<16xi32>
        %select_n3A_919 = arith.select %eq3A_918, %add3A_915, %select_n3A_876 : vector<16xi1>, vector<16xf32>
        %mul3A_920 = arith.constant 20 : i32
        %mul3A_921 = arith.muli %scan3A_385, %mul3A_920 : i32
        %add3A_922 = arith.constant 12 : i32
        %add3A_923 = arith.addi %mul3A_921, %add3A_922 : i32
        %get3A_924 = arith.index_cast %add3A_923 : i32 to index
        %get3A_925 = arith.constant 0 : index
        %get3A_926 = tpu.vector_load %arg14[%get3A_924, %get3A_925] {strides = array<i32>} : memref<160x128xf32, #tpu.memory_space<vmem>>, vector<16xf32>,
        %get3A_927 = arith.index_cast %add3A_923 : i32 to index
        %get3A_928 = arith.constant 16 : index
        %get3A_929 = tpu.vector_load %arg14[%get3A_927, %get3A_928] {strides = array<i32>} : memref<160x128xf32, #tpu.memory_space<vmem>>, vector<16xf32>,
        %get3A_930 = arith.index_cast %add3A_923 : i32 to index
        %get3A_931 = arith.constant 32 : index
        %get3A_932 = tpu.vector_load %arg14[%get3A_930, %get3A_931] {strides = array<i32>} : memref<160x128xf32, #tpu.memory_space<vmem>>, vector<16xf32>,
        %get3A_933 = arith.index_cast %add3A_923 : i32 to index
        %get3A_934 = arith.constant 48 : index
        %get3A_935 = tpu.vector_load %arg14[%get3A_933, %get3A_934] {strides = array<i32>} : memref<160x128xf32, #tpu.memory_space<vmem>>, vector<16xf32>,
        %mul3A_936 = arith.mulf %get3A_926, %get3A_388 : vector<16xf32>
        %mul3A_937 = arith.mulf %get3A_929, %get3A_391 : vector<16xf32>
        %add3A_938 = arith.addf %mul3A_936, %mul3A_937 : vector<16xf32>
        %mul3A_939 = arith.mulf %get3A_932, %get3A_394 : vector<16xf32>
        %add3A_940 = arith.addf %add3A_938, %mul3A_939 : vector<16xf32>
        %mul3A_941 = arith.mulf %get3A_935, %get3A_397 : vector<16xf32>
        %add3A_942 = arith.addf %add3A_940, %mul3A_941 : vector<16xf32>
        %broadcast_in_dim3A_943 = vector.shape_cast %xor3A_8 : vector<16xi32> to vector<16x1xi32>
        %gather3A_944 = vector.shape_cast %broadcast_in_dim3A_943 : vector<16x1xi32> to vector<16xi32>
        %gather3A_945 = tpu.dynamic_gather %add3A_942[%gather3A_944] in [0] : vector<16xf32>, vector<16xi32> -> vector<16xf32>
        %add3A_946 = arith.addf %add3A_942, %gather3A_945 : vector<16xf32>
        %broadcast_in_dim3A_947 = vector.shape_cast %xor3A_11 : vector<16xi32> to vector<16x1xi32>
        %gather3A_948 = vector.shape_cast %broadcast_in_dim3A_947 : vector<16x1xi32> to vector<16xi32>
        %gather3A_949 = tpu.dynamic_gather %add3A_946[%gather3A_948] in [0] : vector<16xf32>, vector<16xi32> -> vector<16xf32>
        %add3A_950 = arith.addf %add3A_946, %gather3A_949 : vector<16xf32>
        %broadcast_in_dim3A_951 = vector.shape_cast %xor3A_14 : vector<16xi32> to vector<16x1xi32>
        %gather3A_952 = vector.shape_cast %broadcast_in_dim3A_951 : vector<16x1xi32> to vector<16xi32>
        %gather3A_953 = tpu.dynamic_gather %add3A_950[%gather3A_952] in [0] : vector<16xf32>, vector<16xi32> -> vector<16xf32>
        %add3A_954 = arith.addf %add3A_950, %gather3A_953 : vector<16xf32>
        %broadcast_in_dim3A_955 = vector.shape_cast %xor3A_17 : vector<16xi32> to vector<16x1xi32>
        %gather3A_956 = vector.shape_cast %broadcast_in_dim3A_955 : vector<16x1xi32> to vector<16xi32>
        %gather3A_957 = tpu.dynamic_gather %add3A_954[%gather3A_956] in [0] : vector<16xf32>, vector<16xi32> -> vector<16xf32>
        %add3A_958 = arith.addf %add3A_954, %gather3A_957 : vector<16xf32>
        %eq3A_959 = arith.constant 12 : i32
        %eq3A_960 = vector.broadcast %eq3A_959 : i32 to vector<16xi32>
        %eq3A_961 = arith.cmpi eq, %iota3A, %eq3A_960 : vector<16xi32>
        %select_n3A_962 = arith.select %eq3A_961, %add3A_958, %select_n3A_919 : vector<16xi1>, vector<16xf32>
        %mul3A_963 = arith.constant 20 : i32
        %mul3A_964 = arith.muli %scan3A_385, %mul3A_963 : i32
        %add3A_965 = arith.constant 13 : i32
        %add3A_966 = arith.addi %mul3A_964, %add3A_965 : i32
        %get3A_967 = arith.index_cast %add3A_966 : i32 to index
        %get3A_968 = arith.constant 0 : index
        %get3A_969 = tpu.vector_load %arg14[%get3A_967, %get3A_968] {strides = array<i32>} : memref<160x128xf32, #tpu.memory_space<vmem>>, vector<16xf32>,
        %get3A_970 = arith.index_cast %add3A_966 : i32 to index
        %get3A_971 = arith.constant 16 : index
        %get3A_972 = tpu.vector_load %arg14[%get3A_970, %get3A_971] {strides = array<i32>} : memref<160x128xf32, #tpu.memory_space<vmem>>, vector<16xf32>,
        %get3A_973 = arith.index_cast %add3A_966 : i32 to index
        %get3A_974 = arith.constant 32 : index
        %get3A_975 = tpu.vector_load %arg14[%get3A_973, %get3A_974] {strides = array<i32>} : memref<160x128xf32, #tpu.memory_space<vmem>>, vector<16xf32>,
        %get3A_976 = arith.index_cast %add3A_966 : i32 to index
        %get3A_977 = arith.constant 48 : index
        %get3A_978 = tpu.vector_load %arg14[%get3A_976, %get3A_977] {strides = array<i32>} : memref<160x128xf32, #tpu.memory_space<vmem>>, vector<16xf32>,
        %mul3A_979 = arith.mulf %get3A_969, %get3A_388 : vector<16xf32>
        %mul3A_980 = arith.mulf %get3A_972, %get3A_391 : vector<16xf32>
        %add3A_981 = arith.addf %mul3A_979, %mul3A_980 : vector<16xf32>
        %mul3A_982 = arith.mulf %get3A_975, %get3A_394 : vector<16xf32>
        %add3A_983 = arith.addf %add3A_981, %mul3A_982 : vector<16xf32>
        %mul3A_984 = arith.mulf %get3A_978, %get3A_397 : vector<16xf32>
        %add3A_985 = arith.addf %add3A_983, %mul3A_984 : vector<16xf32>
        %broadcast_in_dim3A_986 = vector.shape_cast %xor3A_8 : vector<16xi32> to vector<16x1xi32>
        %gather3A_987 = vector.shape_cast %broadcast_in_dim3A_986 : vector<16x1xi32> to vector<16xi32>
        %gather3A_988 = tpu.dynamic_gather %add3A_985[%gather3A_987] in [0] : vector<16xf32>, vector<16xi32> -> vector<16xf32>
        %add3A_989 = arith.addf %add3A_985, %gather3A_988 : vector<16xf32>
        %broadcast_in_dim3A_990 = vector.shape_cast %xor3A_11 : vector<16xi32> to vector<16x1xi32>
        %gather3A_991 = vector.shape_cast %broadcast_in_dim3A_990 : vector<16x1xi32> to vector<16xi32>
        %gather3A_992 = tpu.dynamic_gather %add3A_989[%gather3A_991] in [0] : vector<16xf32>, vector<16xi32> -> vector<16xf32>
        %add3A_993 = arith.addf %add3A_989, %gather3A_992 : vector<16xf32>
        %broadcast_in_dim3A_994 = vector.shape_cast %xor3A_14 : vector<16xi32> to vector<16x1xi32>
        %gather3A_995 = vector.shape_cast %broadcast_in_dim3A_994 : vector<16x1xi32> to vector<16xi32>
        %gather3A_996 = tpu.dynamic_gather %add3A_993[%gather3A_995] in [0] : vector<16xf32>, vector<16xi32> -> vector<16xf32>
        %add3A_997 = arith.addf %add3A_993, %gather3A_996 : vector<16xf32>
        %broadcast_in_dim3A_998 = vector.shape_cast %xor3A_17 : vector<16xi32> to vector<16x1xi32>
        %gather3A_999 = vector.shape_cast %broadcast_in_dim3A_998 : vector<16x1xi32> to vector<16xi32>
        %gather3A_1000 = tpu.dynamic_gather %add3A_997[%gather3A_999] in [0] : vector<16xf32>, vector<16xi32> -> vector<16xf32>
        %add3A_1001 = arith.addf %add3A_997, %gather3A_1000 : vector<16xf32>
        %eq3A_1002 = arith.constant 13 : i32
        %eq3A_1003 = vector.broadcast %eq3A_1002 : i32 to vector<16xi32>
        %eq3A_1004 = arith.cmpi eq, %iota3A, %eq3A_1003 : vector<16xi32>
        %select_n3A_1005 = arith.select %eq3A_1004, %add3A_1001, %select_n3A_962 : vector<16xi1>, vector<16xf32>
        %mul3A_1006 = arith.constant 20 : i32
        %mul3A_1007 = arith.muli %scan3A_385, %mul3A_1006 : i32
        %add3A_1008 = arith.constant 14 : i32
        %add3A_1009 = arith.addi %mul3A_1007, %add3A_1008 : i32
        %get3A_1010 = arith.index_cast %add3A_1009 : i32 to index
        %get3A_1011 = arith.constant 0 : index
        %get3A_1012 = tpu.vector_load %arg14[%get3A_1010, %get3A_1011] {strides = array<i32>} : memref<160x128xf32, #tpu.memory_space<vmem>>, vector<16xf32>,
        %get3A_1013 = arith.index_cast %add3A_1009 : i32 to index
        %get3A_1014 = arith.constant 16 : index
        %get3A_1015 = tpu.vector_load %arg14[%get3A_1013, %get3A_1014] {strides = array<i32>} : memref<160x128xf32, #tpu.memory_space<vmem>>, vector<16xf32>,
        %get3A_1016 = arith.index_cast %add3A_1009 : i32 to index
        %get3A_1017 = arith.constant 32 : index
        %get3A_1018 = tpu.vector_load %arg14[%get3A_1016, %get3A_1017] {strides = array<i32>} : memref<160x128xf32, #tpu.memory_space<vmem>>, vector<16xf32>,
        %get3A_1019 = arith.index_cast %add3A_1009 : i32 to index
        %get3A_1020 = arith.constant 48 : index
        %get3A_1021 = tpu.vector_load %arg14[%get3A_1019, %get3A_1020] {strides = array<i32>} : memref<160x128xf32, #tpu.memory_space<vmem>>, vector<16xf32>,
        %mul3A_1022 = arith.mulf %get3A_1012, %get3A_388 : vector<16xf32>
        %mul3A_1023 = arith.mulf %get3A_1015, %get3A_391 : vector<16xf32>
        %add3A_1024 = arith.addf %mul3A_1022, %mul3A_1023 : vector<16xf32>
        %mul3A_1025 = arith.mulf %get3A_1018, %get3A_394 : vector<16xf32>
        %add3A_1026 = arith.addf %add3A_1024, %mul3A_1025 : vector<16xf32>
        %mul3A_1027 = arith.mulf %get3A_1021, %get3A_397 : vector<16xf32>
        %add3A_1028 = arith.addf %add3A_1026, %mul3A_1027 : vector<16xf32>
        %broadcast_in_dim3A_1029 = vector.shape_cast %xor3A_8 : vector<16xi32> to vector<16x1xi32>
        %gather3A_1030 = vector.shape_cast %broadcast_in_dim3A_1029 : vector<16x1xi32> to vector<16xi32>
        %gather3A_1031 = tpu.dynamic_gather %add3A_1028[%gather3A_1030] in [0] : vector<16xf32>, vector<16xi32> -> vector<16xf32>
        %add3A_1032 = arith.addf %add3A_1028, %gather3A_1031 : vector<16xf32>
        %broadcast_in_dim3A_1033 = vector.shape_cast %xor3A_11 : vector<16xi32> to vector<16x1xi32>
        %gather3A_1034 = vector.shape_cast %broadcast_in_dim3A_1033 : vector<16x1xi32> to vector<16xi32>
        %gather3A_1035 = tpu.dynamic_gather %add3A_1032[%gather3A_1034] in [0] : vector<16xf32>, vector<16xi32> -> vector<16xf32>
        %add3A_1036 = arith.addf %add3A_1032, %gather3A_1035 : vector<16xf32>
        %broadcast_in_dim3A_1037 = vector.shape_cast %xor3A_14 : vector<16xi32> to vector<16x1xi32>
        %gather3A_1038 = vector.shape_cast %broadcast_in_dim3A_1037 : vector<16x1xi32> to vector<16xi32>
        %gather3A_1039 = tpu.dynamic_gather %add3A_1036[%gather3A_1038] in [0] : vector<16xf32>, vector<16xi32> -> vector<16xf32>
        %add3A_1040 = arith.addf %add3A_1036, %gather3A_1039 : vector<16xf32>
        %broadcast_in_dim3A_1041 = vector.shape_cast %xor3A_17 : vector<16xi32> to vector<16x1xi32>
        %gather3A_1042 = vector.shape_cast %broadcast_in_dim3A_1041 : vector<16x1xi32> to vector<16xi32>
        %gather3A_1043 = tpu.dynamic_gather %add3A_1040[%gather3A_1042] in [0] : vector<16xf32>, vector<16xi32> -> vector<16xf32>
        %add3A_1044 = arith.addf %add3A_1040, %gather3A_1043 : vector<16xf32>
        %eq3A_1045 = arith.constant 14 : i32
        %eq3A_1046 = vector.broadcast %eq3A_1045 : i32 to vector<16xi32>
        %eq3A_1047 = arith.cmpi eq, %iota3A, %eq3A_1046 : vector<16xi32>
        %select_n3A_1048 = arith.select %eq3A_1047, %add3A_1044, %select_n3A_1005 : vector<16xi1>, vector<16xf32>
        %mul3A_1049 = arith.constant 20 : i32
        %mul3A_1050 = arith.muli %scan3A_385, %mul3A_1049 : i32
        %add3A_1051 = arith.constant 15 : i32
        %add3A_1052 = arith.addi %mul3A_1050, %add3A_1051 : i32
        %get3A_1053 = arith.index_cast %add3A_1052 : i32 to index
        %get3A_1054 = arith.constant 0 : index
        %get3A_1055 = tpu.vector_load %arg14[%get3A_1053, %get3A_1054] {strides = array<i32>} : memref<160x128xf32, #tpu.memory_space<vmem>>, vector<16xf32>,
        %get3A_1056 = arith.index_cast %add3A_1052 : i32 to index
        %get3A_1057 = arith.constant 16 : index
        %get3A_1058 = tpu.vector_load %arg14[%get3A_1056, %get3A_1057] {strides = array<i32>} : memref<160x128xf32, #tpu.memory_space<vmem>>, vector<16xf32>,
        %get3A_1059 = arith.index_cast %add3A_1052 : i32 to index
        %get3A_1060 = arith.constant 32 : index
        %get3A_1061 = tpu.vector_load %arg14[%get3A_1059, %get3A_1060] {strides = array<i32>} : memref<160x128xf32, #tpu.memory_space<vmem>>, vector<16xf32>,
        %get3A_1062 = arith.index_cast %add3A_1052 : i32 to index
        %get3A_1063 = arith.constant 48 : index
        %get3A_1064 = tpu.vector_load %arg14[%get3A_1062, %get3A_1063] {strides = array<i32>} : memref<160x128xf32, #tpu.memory_space<vmem>>, vector<16xf32>,
        %mul3A_1065 = arith.mulf %get3A_1055, %get3A_388 : vector<16xf32>
        %mul3A_1066 = arith.mulf %get3A_1058, %get3A_391 : vector<16xf32>
        %add3A_1067 = arith.addf %mul3A_1065, %mul3A_1066 : vector<16xf32>
        %mul3A_1068 = arith.mulf %get3A_1061, %get3A_394 : vector<16xf32>
        %add3A_1069 = arith.addf %add3A_1067, %mul3A_1068 : vector<16xf32>
        %mul3A_1070 = arith.mulf %get3A_1064, %get3A_397 : vector<16xf32>
        %add3A_1071 = arith.addf %add3A_1069, %mul3A_1070 : vector<16xf32>
        %broadcast_in_dim3A_1072 = vector.shape_cast %xor3A_8 : vector<16xi32> to vector<16x1xi32>
        %gather3A_1073 = vector.shape_cast %broadcast_in_dim3A_1072 : vector<16x1xi32> to vector<16xi32>
        %gather3A_1074 = tpu.dynamic_gather %add3A_1071[%gather3A_1073] in [0] : vector<16xf32>, vector<16xi32> -> vector<16xf32>
        %add3A_1075 = arith.addf %add3A_1071, %gather3A_1074 : vector<16xf32>
        %broadcast_in_dim3A_1076 = vector.shape_cast %xor3A_11 : vector<16xi32> to vector<16x1xi32>
        %gather3A_1077 = vector.shape_cast %broadcast_in_dim3A_1076 : vector<16x1xi32> to vector<16xi32>
        %gather3A_1078 = tpu.dynamic_gather %add3A_1075[%gather3A_1077] in [0] : vector<16xf32>, vector<16xi32> -> vector<16xf32>
        %add3A_1079 = arith.addf %add3A_1075, %gather3A_1078 : vector<16xf32>
        %broadcast_in_dim3A_1080 = vector.shape_cast %xor3A_14 : vector<16xi32> to vector<16x1xi32>
        %gather3A_1081 = vector.shape_cast %broadcast_in_dim3A_1080 : vector<16x1xi32> to vector<16xi32>
        %gather3A_1082 = tpu.dynamic_gather %add3A_1079[%gather3A_1081] in [0] : vector<16xf32>, vector<16xi32> -> vector<16xf32>
        %add3A_1083 = arith.addf %add3A_1079, %gather3A_1082 : vector<16xf32>
        %broadcast_in_dim3A_1084 = vector.shape_cast %xor3A_17 : vector<16xi32> to vector<16x1xi32>
        %gather3A_1085 = vector.shape_cast %broadcast_in_dim3A_1084 : vector<16x1xi32> to vector<16xi32>
        %gather3A_1086 = tpu.dynamic_gather %add3A_1083[%gather3A_1085] in [0] : vector<16xf32>, vector<16xi32> -> vector<16xf32>
        %add3A_1087 = arith.addf %add3A_1083, %gather3A_1086 : vector<16xf32>
        %eq3A_1088 = arith.constant 15 : i32
        %eq3A_1089 = vector.broadcast %eq3A_1088 : i32 to vector<16xi32>
        %eq3A_1090 = arith.cmpi eq, %iota3A, %eq3A_1089 : vector<16xi32>
        %select_n3A_1091 = arith.select %eq3A_1090, %add3A_1087, %select_n3A_1048 : vector<16xi1>, vector<16xf32>
        %mul3A_1092 = arith.constant 20 : i32
        %mul3A_1093 = arith.muli %scan3A_385, %mul3A_1092 : i32
        %add3A_1094 = arith.constant 16 : i32
        %add3A_1095 = arith.addi %mul3A_1093, %add3A_1094 : i32
        %get3A_1096 = arith.index_cast %add3A_1095 : i32 to index
        %get3A_1097 = arith.constant 0 : index
        %get3A_1098 = tpu.vector_load %arg14[%get3A_1096, %get3A_1097] {strides = array<i32>} : memref<160x128xf32, #tpu.memory_space<vmem>>, vector<16xf32>,
        %get3A_1099 = arith.index_cast %add3A_1095 : i32 to index
        %get3A_1100 = arith.constant 16 : index
        %get3A_1101 = tpu.vector_load %arg14[%get3A_1099, %get3A_1100] {strides = array<i32>} : memref<160x128xf32, #tpu.memory_space<vmem>>, vector<16xf32>,
        %get3A_1102 = arith.index_cast %add3A_1095 : i32 to index
        %get3A_1103 = arith.constant 32 : index
        %get3A_1104 = tpu.vector_load %arg14[%get3A_1102, %get3A_1103] {strides = array<i32>} : memref<160x128xf32, #tpu.memory_space<vmem>>, vector<16xf32>,
        %get3A_1105 = arith.index_cast %add3A_1095 : i32 to index
        %get3A_1106 = arith.constant 48 : index
        %get3A_1107 = tpu.vector_load %arg14[%get3A_1105, %get3A_1106] {strides = array<i32>} : memref<160x128xf32, #tpu.memory_space<vmem>>, vector<16xf32>,
        %mul3A_1108 = arith.mulf %get3A_1098, %get3A_388 : vector<16xf32>
        %mul3A_1109 = arith.mulf %get3A_1101, %get3A_391 : vector<16xf32>
        %add3A_1110 = arith.addf %mul3A_1108, %mul3A_1109 : vector<16xf32>
        %mul3A_1111 = arith.mulf %get3A_1104, %get3A_394 : vector<16xf32>
        %add3A_1112 = arith.addf %add3A_1110, %mul3A_1111 : vector<16xf32>
        %mul3A_1113 = arith.mulf %get3A_1107, %get3A_397 : vector<16xf32>
        %add3A_1114 = arith.addf %add3A_1112, %mul3A_1113 : vector<16xf32>
        %broadcast_in_dim3A_1115 = vector.shape_cast %xor3A_8 : vector<16xi32> to vector<16x1xi32>
        %gather3A_1116 = vector.shape_cast %broadcast_in_dim3A_1115 : vector<16x1xi32> to vector<16xi32>
        %gather3A_1117 = tpu.dynamic_gather %add3A_1114[%gather3A_1116] in [0] : vector<16xf32>, vector<16xi32> -> vector<16xf32>
        %add3A_1118 = arith.addf %add3A_1114, %gather3A_1117 : vector<16xf32>
        %broadcast_in_dim3A_1119 = vector.shape_cast %xor3A_11 : vector<16xi32> to vector<16x1xi32>
        %gather3A_1120 = vector.shape_cast %broadcast_in_dim3A_1119 : vector<16x1xi32> to vector<16xi32>
        %gather3A_1121 = tpu.dynamic_gather %add3A_1118[%gather3A_1120] in [0] : vector<16xf32>, vector<16xi32> -> vector<16xf32>
        %add3A_1122 = arith.addf %add3A_1118, %gather3A_1121 : vector<16xf32>
        %broadcast_in_dim3A_1123 = vector.shape_cast %xor3A_14 : vector<16xi32> to vector<16x1xi32>
        %gather3A_1124 = vector.shape_cast %broadcast_in_dim3A_1123 : vector<16x1xi32> to vector<16xi32>
        %gather3A_1125 = tpu.dynamic_gather %add3A_1122[%gather3A_1124] in [0] : vector<16xf32>, vector<16xi32> -> vector<16xf32>
        %add3A_1126 = arith.addf %add3A_1122, %gather3A_1125 : vector<16xf32>
        %broadcast_in_dim3A_1127 = vector.shape_cast %xor3A_17 : vector<16xi32> to vector<16x1xi32>
        %gather3A_1128 = vector.shape_cast %broadcast_in_dim3A_1127 : vector<16x1xi32> to vector<16xi32>
        %gather3A_1129 = tpu.dynamic_gather %add3A_1126[%gather3A_1128] in [0] : vector<16xf32>, vector<16xi32> -> vector<16xf32>
        %add3A_1130 = arith.addf %add3A_1126, %gather3A_1129 : vector<16xf32>
        %eq3A_1131 = arith.constant 0 : i32
        %eq3A_1132 = vector.broadcast %eq3A_1131 : i32 to vector<16xi32>
        %eq3A_1133 = arith.cmpi eq, %iota3A, %eq3A_1132 : vector<16xi32>
        %select_n3A_1134 = arith.select %eq3A_1133, %add3A_1130, %broadcast_in_dim3A_405 : vector<16xi1>, vector<16xf32>
        %mul3A_1135 = arith.constant 20 : i32
        %mul3A_1136 = arith.muli %scan3A_385, %mul3A_1135 : i32
        %add3A_1137 = arith.constant 17 : i32
        %add3A_1138 = arith.addi %mul3A_1136, %add3A_1137 : i32
        %get3A_1139 = arith.index_cast %add3A_1138 : i32 to index
        %get3A_1140 = arith.constant 0 : index
        %get3A_1141 = tpu.vector_load %arg14[%get3A_1139, %get3A_1140] {strides = array<i32>} : memref<160x128xf32, #tpu.memory_space<vmem>>, vector<16xf32>,
        %get3A_1142 = arith.index_cast %add3A_1138 : i32 to index
        %get3A_1143 = arith.constant 16 : index
        %get3A_1144 = tpu.vector_load %arg14[%get3A_1142, %get3A_1143] {strides = array<i32>} : memref<160x128xf32, #tpu.memory_space<vmem>>, vector<16xf32>,
        %get3A_1145 = arith.index_cast %add3A_1138 : i32 to index
        %get3A_1146 = arith.constant 32 : index
        %get3A_1147 = tpu.vector_load %arg14[%get3A_1145, %get3A_1146] {strides = array<i32>} : memref<160x128xf32, #tpu.memory_space<vmem>>, vector<16xf32>,
        %get3A_1148 = arith.index_cast %add3A_1138 : i32 to index
        %get3A_1149 = arith.constant 48 : index
        %get3A_1150 = tpu.vector_load %arg14[%get3A_1148, %get3A_1149] {strides = array<i32>} : memref<160x128xf32, #tpu.memory_space<vmem>>, vector<16xf32>,
        %mul3A_1151 = arith.mulf %get3A_1141, %get3A_388 : vector<16xf32>
        %mul3A_1152 = arith.mulf %get3A_1144, %get3A_391 : vector<16xf32>
        %add3A_1153 = arith.addf %mul3A_1151, %mul3A_1152 : vector<16xf32>
        %mul3A_1154 = arith.mulf %get3A_1147, %get3A_394 : vector<16xf32>
        %add3A_1155 = arith.addf %add3A_1153, %mul3A_1154 : vector<16xf32>
        %mul3A_1156 = arith.mulf %get3A_1150, %get3A_397 : vector<16xf32>
        %add3A_1157 = arith.addf %add3A_1155, %mul3A_1156 : vector<16xf32>
        %broadcast_in_dim3A_1158 = vector.shape_cast %xor3A_8 : vector<16xi32> to vector<16x1xi32>
        %gather3A_1159 = vector.shape_cast %broadcast_in_dim3A_1158 : vector<16x1xi32> to vector<16xi32>
        %gather3A_1160 = tpu.dynamic_gather %add3A_1157[%gather3A_1159] in [0] : vector<16xf32>, vector<16xi32> -> vector<16xf32>
        %add3A_1161 = arith.addf %add3A_1157, %gather3A_1160 : vector<16xf32>
        %broadcast_in_dim3A_1162 = vector.shape_cast %xor3A_11 : vector<16xi32> to vector<16x1xi32>
        %gather3A_1163 = vector.shape_cast %broadcast_in_dim3A_1162 : vector<16x1xi32> to vector<16xi32>
        %gather3A_1164 = tpu.dynamic_gather %add3A_1161[%gather3A_1163] in [0] : vector<16xf32>, vector<16xi32> -> vector<16xf32>
        %add3A_1165 = arith.addf %add3A_1161, %gather3A_1164 : vector<16xf32>
        %broadcast_in_dim3A_1166 = vector.shape_cast %xor3A_14 : vector<16xi32> to vector<16x1xi32>
        %gather3A_1167 = vector.shape_cast %broadcast_in_dim3A_1166 : vector<16x1xi32> to vector<16xi32>
        %gather3A_1168 = tpu.dynamic_gather %add3A_1165[%gather3A_1167] in [0] : vector<16xf32>, vector<16xi32> -> vector<16xf32>
        %add3A_1169 = arith.addf %add3A_1165, %gather3A_1168 : vector<16xf32>
        %broadcast_in_dim3A_1170 = vector.shape_cast %xor3A_17 : vector<16xi32> to vector<16x1xi32>
        %gather3A_1171 = vector.shape_cast %broadcast_in_dim3A_1170 : vector<16x1xi32> to vector<16xi32>
        %gather3A_1172 = tpu.dynamic_gather %add3A_1169[%gather3A_1171] in [0] : vector<16xf32>, vector<16xi32> -> vector<16xf32>
        %add3A_1173 = arith.addf %add3A_1169, %gather3A_1172 : vector<16xf32>
        %eq3A_1174 = arith.constant 1 : i32
        %eq3A_1175 = vector.broadcast %eq3A_1174 : i32 to vector<16xi32>
        %eq3A_1176 = arith.cmpi eq, %iota3A, %eq3A_1175 : vector<16xi32>
        %select_n3A_1177 = arith.select %eq3A_1176, %add3A_1173, %select_n3A_1134 : vector<16xi1>, vector<16xf32>
        %mul3A_1178 = arith.constant 20 : i32
        %mul3A_1179 = arith.muli %scan3A_385, %mul3A_1178 : i32
        %add3A_1180 = arith.constant 18 : i32
        %add3A_1181 = arith.addi %mul3A_1179, %add3A_1180 : i32
        %get3A_1182 = arith.index_cast %add3A_1181 : i32 to index
        %get3A_1183 = arith.constant 0 : index
        %get3A_1184 = tpu.vector_load %arg14[%get3A_1182, %get3A_1183] {strides = array<i32>} : memref<160x128xf32, #tpu.memory_space<vmem>>, vector<16xf32>,
        %get3A_1185 = arith.index_cast %add3A_1181 : i32 to index
        %get3A_1186 = arith.constant 16 : index
        %get3A_1187 = tpu.vector_load %arg14[%get3A_1185, %get3A_1186] {strides = array<i32>} : memref<160x128xf32, #tpu.memory_space<vmem>>, vector<16xf32>,
        %get3A_1188 = arith.index_cast %add3A_1181 : i32 to index
        %get3A_1189 = arith.constant 32 : index
        %get3A_1190 = tpu.vector_load %arg14[%get3A_1188, %get3A_1189] {strides = array<i32>} : memref<160x128xf32, #tpu.memory_space<vmem>>, vector<16xf32>,
        %get3A_1191 = arith.index_cast %add3A_1181 : i32 to index
        %get3A_1192 = arith.constant 48 : index
        %get3A_1193 = tpu.vector_load %arg14[%get3A_1191, %get3A_1192] {strides = array<i32>} : memref<160x128xf32, #tpu.memory_space<vmem>>, vector<16xf32>,
        %mul3A_1194 = arith.mulf %get3A_1184, %get3A_388 : vector<16xf32>
        %mul3A_1195 = arith.mulf %get3A_1187, %get3A_391 : vector<16xf32>
        %add3A_1196 = arith.addf %mul3A_1194, %mul3A_1195 : vector<16xf32>
        %mul3A_1197 = arith.mulf %get3A_1190, %get3A_394 : vector<16xf32>
        %add3A_1198 = arith.addf %add3A_1196, %mul3A_1197 : vector<16xf32>
        %mul3A_1199 = arith.mulf %get3A_1193, %get3A_397 : vector<16xf32>
        %add3A_1200 = arith.addf %add3A_1198, %mul3A_1199 : vector<16xf32>
        %broadcast_in_dim3A_1201 = vector.shape_cast %xor3A_8 : vector<16xi32> to vector<16x1xi32>
        %gather3A_1202 = vector.shape_cast %broadcast_in_dim3A_1201 : vector<16x1xi32> to vector<16xi32>
        %gather3A_1203 = tpu.dynamic_gather %add3A_1200[%gather3A_1202] in [0] : vector<16xf32>, vector<16xi32> -> vector<16xf32>
        %add3A_1204 = arith.addf %add3A_1200, %gather3A_1203 : vector<16xf32>
        %broadcast_in_dim3A_1205 = vector.shape_cast %xor3A_11 : vector<16xi32> to vector<16x1xi32>
        %gather3A_1206 = vector.shape_cast %broadcast_in_dim3A_1205 : vector<16x1xi32> to vector<16xi32>
        %gather3A_1207 = tpu.dynamic_gather %add3A_1204[%gather3A_1206] in [0] : vector<16xf32>, vector<16xi32> -> vector<16xf32>
        %add3A_1208 = arith.addf %add3A_1204, %gather3A_1207 : vector<16xf32>
        %broadcast_in_dim3A_1209 = vector.shape_cast %xor3A_14 : vector<16xi32> to vector<16x1xi32>
        %gather3A_1210 = vector.shape_cast %broadcast_in_dim3A_1209 : vector<16x1xi32> to vector<16xi32>
        %gather3A_1211 = tpu.dynamic_gather %add3A_1208[%gather3A_1210] in [0] : vector<16xf32>, vector<16xi32> -> vector<16xf32>
        %add3A_1212 = arith.addf %add3A_1208, %gather3A_1211 : vector<16xf32>
        %broadcast_in_dim3A_1213 = vector.shape_cast %xor3A_17 : vector<16xi32> to vector<16x1xi32>
        %gather3A_1214 = vector.shape_cast %broadcast_in_dim3A_1213 : vector<16x1xi32> to vector<16xi32>
        %gather3A_1215 = tpu.dynamic_gather %add3A_1212[%gather3A_1214] in [0] : vector<16xf32>, vector<16xi32> -> vector<16xf32>
        %add3A_1216 = arith.addf %add3A_1212, %gather3A_1215 : vector<16xf32>
        %eq3A_1217 = arith.constant 2 : i32
        %eq3A_1218 = vector.broadcast %eq3A_1217 : i32 to vector<16xi32>
        %eq3A_1219 = arith.cmpi eq, %iota3A, %eq3A_1218 : vector<16xi32>
        %select_n3A_1220 = arith.select %eq3A_1219, %add3A_1216, %select_n3A_1177 : vector<16xi1>, vector<16xf32>
        %mul3A_1221 = arith.constant 20 : i32
        %mul3A_1222 = arith.muli %scan3A_385, %mul3A_1221 : i32
        %add3A_1223 = arith.constant 19 : i32
        %add3A_1224 = arith.addi %mul3A_1222, %add3A_1223 : i32
        %get3A_1225 = arith.index_cast %add3A_1224 : i32 to index
        %get3A_1226 = arith.constant 0 : index
        %get3A_1227 = tpu.vector_load %arg14[%get3A_1225, %get3A_1226] {strides = array<i32>} : memref<160x128xf32, #tpu.memory_space<vmem>>, vector<16xf32>,
        %get3A_1228 = arith.index_cast %add3A_1224 : i32 to index
        %get3A_1229 = arith.constant 16 : index
        %get3A_1230 = tpu.vector_load %arg14[%get3A_1228, %get3A_1229] {strides = array<i32>} : memref<160x128xf32, #tpu.memory_space<vmem>>, vector<16xf32>,
        %get3A_1231 = arith.index_cast %add3A_1224 : i32 to index
        %get3A_1232 = arith.constant 32 : index
        %get3A_1233 = tpu.vector_load %arg14[%get3A_1231, %get3A_1232] {strides = array<i32>} : memref<160x128xf32, #tpu.memory_space<vmem>>, vector<16xf32>,
        %get3A_1234 = arith.index_cast %add3A_1224 : i32 to index
        %get3A_1235 = arith.constant 48 : index
        %get3A_1236 = tpu.vector_load %arg14[%get3A_1234, %get3A_1235] {strides = array<i32>} : memref<160x128xf32, #tpu.memory_space<vmem>>, vector<16xf32>,
        %mul3A_1237 = arith.mulf %get3A_1227, %get3A_388 : vector<16xf32>
        %mul3A_1238 = arith.mulf %get3A_1230, %get3A_391 : vector<16xf32>
        %add3A_1239 = arith.addf %mul3A_1237, %mul3A_1238 : vector<16xf32>
        %mul3A_1240 = arith.mulf %get3A_1233, %get3A_394 : vector<16xf32>
        %add3A_1241 = arith.addf %add3A_1239, %mul3A_1240 : vector<16xf32>
        %mul3A_1242 = arith.mulf %get3A_1236, %get3A_397 : vector<16xf32>
        %add3A_1243 = arith.addf %add3A_1241, %mul3A_1242 : vector<16xf32>
        %broadcast_in_dim3A_1244 = vector.shape_cast %xor3A_8 : vector<16xi32> to vector<16x1xi32>
        %gather3A_1245 = vector.shape_cast %broadcast_in_dim3A_1244 : vector<16x1xi32> to vector<16xi32>
        %gather3A_1246 = tpu.dynamic_gather %add3A_1243[%gather3A_1245] in [0] : vector<16xf32>, vector<16xi32> -> vector<16xf32>
        %add3A_1247 = arith.addf %add3A_1243, %gather3A_1246 : vector<16xf32>
        %broadcast_in_dim3A_1248 = vector.shape_cast %xor3A_11 : vector<16xi32> to vector<16x1xi32>
        %gather3A_1249 = vector.shape_cast %broadcast_in_dim3A_1248 : vector<16x1xi32> to vector<16xi32>
        %gather3A_1250 = tpu.dynamic_gather %add3A_1247[%gather3A_1249] in [0] : vector<16xf32>, vector<16xi32> -> vector<16xf32>
        %add3A_1251 = arith.addf %add3A_1247, %gather3A_1250 : vector<16xf32>
        %broadcast_in_dim3A_1252 = vector.shape_cast %xor3A_14 : vector<16xi32> to vector<16x1xi32>
        %gather3A_1253 = vector.shape_cast %broadcast_in_dim3A_1252 : vector<16x1xi32> to vector<16xi32>
        %gather3A_1254 = tpu.dynamic_gather %add3A_1251[%gather3A_1253] in [0] : vector<16xf32>, vector<16xi32> -> vector<16xf32>
        %add3A_1255 = arith.addf %add3A_1251, %gather3A_1254 : vector<16xf32>
        %broadcast_in_dim3A_1256 = vector.shape_cast %xor3A_17 : vector<16xi32> to vector<16x1xi32>
        %gather3A_1257 = vector.shape_cast %broadcast_in_dim3A_1256 : vector<16x1xi32> to vector<16xi32>
        %gather3A_1258 = tpu.dynamic_gather %add3A_1255[%gather3A_1257] in [0] : vector<16xf32>, vector<16xi32> -> vector<16xf32>
        %add3A_1259 = arith.addf %add3A_1255, %gather3A_1258 : vector<16xf32>
        %eq3A_1260 = arith.constant 3 : i32
        %eq3A_1261 = vector.broadcast %eq3A_1260 : i32 to vector<16xi32>
        %eq3A_1262 = arith.cmpi eq, %iota3A, %eq3A_1261 : vector<16xi32>
        %select_n3A_1263 = arith.select %eq3A_1262, %add3A_1259, %select_n3A_1220 : vector<16xi1>, vector<16xf32>
        %add3A_1264 = vector.broadcast %add3A_402 : i32 to vector<16xi32>
        %add3A_1265 = arith.addi %iota3A, %add3A_1264 : vector<16xi32>
        tpu.vector_store_idx %arg18[%add3A_1265], %select_n3A_1091 : memref<10240xf32, #tpu.memory_space<vmem>>[vector<16xi32>], vector<16xf32>,
        %add3A_1266 = arith.constant 16 : i32
        %add3A_1267 = arith.addi %add3A_402, %add3A_1266 : i32
        %add3A_1268 = vector.broadcast %add3A_1267 : i32 to vector<16xi32>
        %add3A_1269 = arith.addi %iota3A, %add3A_1268 : vector<16xi32>
        tpu.vector_store_idx %arg18[%add3A_1269], %select_n3A_1263 masked %lt3A_19 : memref<10240xf32, #tpu.memory_space<vmem>>[vector<16xi32>], vector<16xf32>, vector<16xi1>
      }
      %scan3A_384 = arith.constant 8 : i32
    }
    %scan3A_286 = arith.constant 32 : i32
    "tpu.region"() ({
      %run_scoped3A = tpu.sem_alloc : memref<!tpu.dma_semaphore, #tpu.memory_space<semaphore_mem>>
      %dma_start3A_287 = tpu.memref_slice %arg7[%mul3A_2] : memref<16384xf32, #tpu.memory_space<hbm>> -> memref<512xf32, #tpu.memory_space<hbm>>
      %dma_start3A_288 = tpu.memref_slice %arg7[%mul3A_2] : memref<16384xf32, #tpu.memory_space<hbm>> -> memref<512xf32, #tpu.memory_space<hbm>>
      tpu.enqueue_dma source(%arg17 : memref<512xf32, #tpu.memory_space<vmem>>) target(%dma_start3A_288 : memref<512xf32, #tpu.memory_space<hbm>>) target_semaphore(%run_scoped3A : memref<!tpu.dma_semaphore, #tpu.memory_space<semaphore_mem>>)
      %dma_wait3A_289 = tpu.memref_slice %arg7[%mul3A_2] : memref<16384xf32, #tpu.memory_space<hbm>> -> memref<512xf32, #tpu.memory_space<hbm>>
      %dma_wait3A_290 = tpu.memref_slice %arg7[%mul3A_2] : memref<16384xf32, #tpu.memory_space<hbm>> -> memref<512xf32, #tpu.memory_space<hbm>>
      tpu.wait_dma2 semaphore(%run_scoped3A : memref<!tpu.dma_semaphore, #tpu.memory_space<semaphore_mem>>) src(%arg17 : memref<512xf32, #tpu.memory_space<vmem>>) dst(%dma_wait3A_290 : memref<512xf32, #tpu.memory_space<hbm>>)
      tpu.yield
    }) : () -> ()
    "tpu.region"() ({
      %run_scoped3A = tpu.sem_alloc : memref<!tpu.dma_semaphore, #tpu.memory_space<semaphore_mem>>
      %dma_start3A_287 = tpu.memref_slice %arg8[%mul3A_4] : memref<327680xf32, #tpu.memory_space<hbm>> -> memref<10240xf32, #tpu.memory_space<hbm>>
      %dma_start3A_288 = tpu.memref_slice %arg8[%mul3A_4] : memref<327680xf32, #tpu.memory_space<hbm>> -> memref<10240xf32, #tpu.memory_space<hbm>>
      tpu.enqueue_dma source(%arg18 : memref<10240xf32, #tpu.memory_space<vmem>>) target(%dma_start3A_288 : memref<10240xf32, #tpu.memory_space<hbm>>) target_semaphore(%run_scoped3A : memref<!tpu.dma_semaphore, #tpu.memory_space<semaphore_mem>>)
      %dma_wait3A_289 = tpu.memref_slice %arg8[%mul3A_4] : memref<327680xf32, #tpu.memory_space<hbm>> -> memref<10240xf32, #tpu.memory_space<hbm>>
      %dma_wait3A_290 = tpu.memref_slice %arg8[%mul3A_4] : memref<327680xf32, #tpu.memory_space<hbm>> -> memref<10240xf32, #tpu.memory_space<hbm>>
      tpu.wait_dma2 semaphore(%run_scoped3A : memref<!tpu.dma_semaphore, #tpu.memory_space<semaphore_mem>>) src(%arg18 : memref<10240xf32, #tpu.memory_space<vmem>>) dst(%dma_wait3A_290 : memref<10240xf32, #tpu.memory_space<hbm>>)
      tpu.yield
    }) : () -> ()
    return
  }
}

module attributes {stable_mosaic.version = 14 : i64} {
  func.func @_tc_loss_body(%arg0: memref<128x128xf32, #tpu.memory_space<vmem>>, %arg1: memref<2560x128xf32, #tpu.memory_space<vmem>>, %arg2: memref<1x1xf32, #tpu.memory_space<smem>>) attributes {dimension_semantics = [], scalar_prefetch = 0 : i64, scratch_operands = 0 : i64, tpu.core_type = #tpu.core_type<tc>} {
    %get3A = arith.constant 0 : index
    %get3A_0 = arith.constant 0 : index
    %get3A_1 = vector.load %arg0[%get3A, %get3A_0] : memref<128x128xf32, #tpu.memory_space<vmem>>, vector<128x128xf32>
    %get3A_2 = arith.constant 0 : index
    %get3A_3 = arith.constant 0 : index
    %get3A_4 = vector.load %arg1[%get3A_2, %get3A_3] : memref<2560x128xf32, #tpu.memory_space<vmem>>, vector<2560x128xf32>
    %neg3A = arith.constant 0.000000e+00 : f32
    %neg3A_5 = vector.broadcast %neg3A : f32 to vector<128x128xf32>
    %neg3A_6 = arith.subf %neg3A_5, %get3A_1 : vector<128x128xf32>
    %exp3A = math.exp %neg3A_6 : vector<128x128xf32>
    %add3A = arith.constant 1.000000e+00 : f32
    %add3A_7 = vector.broadcast %add3A : f32 to vector<128x128xf32>
    %add3A_8 = arith.addf %add3A_7, %exp3A : vector<128x128xf32>
    %div3A = arith.constant 1.000000e+00 : f32
    %div3A_9 = vector.broadcast %div3A : f32 to vector<128x128xf32>
    %div3A_10 = arith.divf %div3A_9, %add3A_8 : vector<128x128xf32>
    %add3A_11 = arith.constant 1.000000e-10 : f32
    %add3A_12 = vector.broadcast %add3A_11 : f32 to vector<128x128xf32>
    %add3A_13 = arith.addf %div3A_10, %add3A_12 : vector<128x128xf32>
    %log3A = math.log %add3A_13 : vector<128x128xf32>
    %neg3A_14 = arith.constant 0.000000e+00 : f32
    %neg3A_15 = vector.broadcast %neg3A_14 : f32 to vector<128x128xf32>
    %neg3A_16 = arith.subf %neg3A_15, %log3A : vector<128x128xf32>
    %exp3A_17 = math.exp %get3A_4 : vector<2560x128xf32>
    %add3A_18 = arith.constant 1.000000e+00 : f32
    %add3A_19 = vector.broadcast %add3A_18 : f32 to vector<2560x128xf32>
    %add3A_20 = arith.addf %add3A_19, %exp3A_17 : vector<2560x128xf32>
    %div3A_21 = arith.constant 1.000000e+00 : f32
    %div3A_22 = vector.broadcast %div3A_21 : f32 to vector<2560x128xf32>
    %div3A_23 = arith.divf %div3A_22, %add3A_20 : vector<2560x128xf32>
    %add3A_24 = arith.constant 1.000000e-10 : f32
    %add3A_25 = vector.broadcast %add3A_24 : f32 to vector<2560x128xf32>
    %add3A_26 = arith.addf %div3A_23, %add3A_25 : vector<2560x128xf32>
    %log3A_27 = math.log %add3A_26 : vector<2560x128xf32>
    %neg3A_28 = arith.constant 0.000000e+00 : f32
    %neg3A_29 = vector.broadcast %neg3A_28 : f32 to vector<2560x128xf32>
    %neg3A_30 = arith.subf %neg3A_29, %log3A_27 : vector<2560x128xf32>
    %reduce_sum3A = vector.shape_cast %neg3A_16 : vector<128x128xf32> to vector<1x128x128xf32>
    %reduce_sum3A_31 = arith.constant dense<0.000000e+00> : vector<1xf32>
    %reduce_sum3A_32 = vector.multi_reduction <add>, %reduce_sum3A, %reduce_sum3A_31 [1, 2] : vector<1x128x128xf32> to vector<1xf32>
    %reduce_sum3A_33 = vector.shape_cast %reduce_sum3A_32 : vector<1xf32> to vector<1x1x1xf32>
    %reduce_sum3A_34 = vector.extract %reduce_sum3A_33[0, 0, 0] : f32 from vector<1x1x1xf32>
    %reduce_sum3A_35 = vector.shape_cast %neg3A_30 : vector<2560x128xf32> to vector<1x2560x128xf32>
    %reduce_sum3A_36 = arith.constant dense<0.000000e+00> : vector<1xf32>
    %reduce_sum3A_37 = vector.multi_reduction <add>, %reduce_sum3A_35, %reduce_sum3A_36 [1, 2] : vector<1x2560x128xf32> to vector<1xf32>
    %reduce_sum3A_38 = vector.shape_cast %reduce_sum3A_37 : vector<1xf32> to vector<1x1x1xf32>
    %reduce_sum3A_39 = vector.extract %reduce_sum3A_38[0, 0, 0] : f32 from vector<1x1x1xf32>
    %add3A_40 = arith.addf %reduce_sum3A_34, %reduce_sum3A_39 : f32
    %mul3A = arith.constant 6.10351563E-5 : f32
    %mul3A_41 = arith.mulf %add3A_40, %mul3A : f32
    %swap3A = arith.constant 0 : index
    %swap3A_42 = arith.constant 0 : index
    %swap3A_43 = memref.load %arg2[%swap3A, %swap3A_42] : memref<1x1xf32, #tpu.memory_space<smem>>
    memref.store %mul3A_41, %arg2[%swap3A, %swap3A_42] : memref<1x1xf32, #tpu.memory_space<smem>>
    return
  }
}

</mosaic_0001>

<sc_bundles>
// kernel: kernel.4.cloned.1.call-start
scs
__scs_entry_jumppad:
0x0: {  	(pc) =	sbr.rel $0x88, $3  }
0x1: {  	(tag) =	ssettag $0x0;
	lr =	simm.s32 $0x1  }
0x2: {  	[smem:$0x3F9C] =	sst lr;
	_ =	strace $0xD0000000  }
0x3: {  	_ = 	snop  }
0x4: {  	_ = 	snop  }
0x5: {  	_ = 	snop  }
0x6: {  	_ = 	snop  }
0x7: {  	_ = 	snop  }
__scs_overlays_trampoline_lowered:
0x8: {  	[smem:$0x3FAB] =	sst s0  }
0x9: {  	[smem:$0x3FAC] =	sst s1  }
0xa: {  	[smem:$0x3FAD] =	sst s2  }
0xb: {  	[smem:$0x3FAE] =	sst s3  }
0xc: {  	[smem:$0x3FAF] =	sst s4  }
0xd: {  	[smem:$0x3FB0] =	sst s5  }
0xe: {  	[smem:$0x3FB1] =	sst s6  }
0xf: {  	[smem:$0x3FB2] =	sst s7  }
0x10: {  	[smem:$0x3FB3] =	sst s8  }
0x11: {  	[smem:$0x3FB4] =	sst s9;
	s0 =	simm.s32 @!p0 $0x0  }
0x12: {  	s1 =	sld [smem:$0x3F9A];
	s0 =	simm.s32 @p0 $0x1  }
0x13: {  	[smem:$0x3FB5] =	sst s0;
	s0 =	simm.s32 @!p1 $0x0  }
0x14: {  	s2 =	sld [smem:$0x3F99];
	s0 =	simm.s32 @p1 $0x1  }
0x15: {  	[smem:$0x3FB6] =	sst s0;
	s0 =	simm.s32 @!p2 $0x0  }
0x16: {  	s3 =	sld [smem:$0x3FDB];
	s0 =	simm.s32 @p2 $0x1  }
0x17: {  	s4 =	simm.s32 $0x1BF5;
	[smem:$0x3FB8] =	sst s0  }
0x18: {  	s0 =	sld [smem:$0x3F9B];
	_ =	swait.ge [sflag:s4], $0x0  }
0x19: {  	s7 =	sld [smem:$0x3F9C]  }
0x1a: {  	s8 =	sadd.s32 $0xFFFFE003, lr  }
0x1b: {  	s9 =	sadd.s32 $0xFFFFFEF7, lr;
	s5 =	simm.s32 $0xFFFFFFFF;
	p2 =	slt.u32 s8, $0xFFFFF086  }
0x1c: {  	p1 =	slt.u32 s9, $0xF7A;
	s5 =	simm.s32 @!p2 $0x0  }
0x1d: {  	s5 =	simm.s32 @p1 $0x1;
	p0 =	seq.s32 s7, s2  }
0x1e: {  	s7 =	smul.u32 @!p0 $0xF7A, s2;
	p2 =	seq.s32 @!p0 s5, $0x0  }
0x1f: {  	s9 =	smul.u32 $0xF7A, s1;
	s8 =	simm.s32 @!p0 $0x1BF5;
	p2 =	por !p2, p0  }
0x20: {  	[sflag:s8] =	ssyncset.s32 @!p0 $0xFFFFF086;
	s6 =	sadd.s32 @!p0 s3, s7;
	s7 =	simm.s32 @!p0 $0x108  }
0x21: {  	s3 =	sadd.s32 s3, s9;
	s6 =	sadd.s32 @!p0 $0x88, s6;
	s7 =	simm.s32 @p2 $0x1082  }
0x22: {  	[simem:s7], [sflag:s8] =	dma.local @!p0 [hbm:s6], $0xF7A  }
0x23: {  	s9 =	sor.u32 $0xD0000000, s2;
	s6 =	simm.s32 $0x108;
	_ =	swait.ge @!p0 [sflag:s8], $0x0  }
0x24: {  	s3 =	sadd.s32 $0x88, s3;
	s6 =	simm.s32 @!p1 $0x1082;
	[sflag:s4] =	ssyncset.s32 $0xFFFFF086  }
0x25: {  	[simem:s6], [sflag:s4] =	dma.local [hbm:s3], $0xF7A  }
0x26: {  	[smem:$0x3F9C] =	sst s1;
	(tag) =	ssettag s2;
	_ =	strace s9  }
0x27: {  	s1 =	sld [smem:$0x3FAC]  }
0x28: {  	s2 =	sld [smem:$0x3FAD]  }
0x29: {  	s4 =	sld [smem:$0x3FAF]  }
0x2a: {  	p0 =	seq.s32 s5, $0x0;
	s5 =	sld [smem:$0x3FB0]  }
0x2b: {  	s6 =	sld [smem:$0x3FB1]  }
0x2c: {  	s7 =	sld [smem:$0x3FB2]  }
0x2d: {  	s3 =	simm.s32 $0x108;
	s8 =	sld [smem:$0x3FB3]  }
0x2e: {  	s3 =	simm.s32 @!p0 $0x1082;
	s9 =	sld [smem:$0x3FB4]  }
0x2f: {  	lr =	sadd.s32 s0, s3;
	s0 =	sld [smem:$0x3FAB]  }
0x30: {  	s3 =	sld [smem:$0x3FAE]  }
0x31: {  	[smem:$0x3FB7] =	sst s10  }
0x32: {  	s10 =	sld [smem:$0x3FB5];
	_ =	sdelay $0x3  }
0x33: {  	p0 =	seq.s32 s10, $0x1;
	s10 =	sld [smem:$0x3FB7];
	_ =	sdelay $0x3  }
0x34: {  	[smem:$0x3FB7] =	sst s10  }
0x35: {  	s10 =	sld [smem:$0x3FB6];
	_ =	sdelay $0x3  }
0x36: {  	p1 =	seq.s32 s10, $0x1;
	s10 =	sld [smem:$0x3FB7];
	_ =	sdelay $0x3  }
0x37: {  	[smem:$0x3FB7] =	sst s10  }
0x38: {  	s10 =	sld [smem:$0x3FB8]  }
0x39: {  	_ = 	snop;
	(pc) =	sbr.ind lr, $3  }
0x3a: {  	_ = 	snop  }
0x3b: {  	_ = 	snop  }
0x3c: {  	p2 =	seq.s32 s10, $0x1;
	s10 =	sld [smem:$0x3FB7]  }
0x3d: {  	_ =	shalt  }
0x3e: {  	_ =	shalt  }
0x3f: {  	_ =	shalt  }
0x40: {  	_ =	shalt  }
0x41: {  	_ =	shalt  }
0x42: {  	_ =	shalt  }
0x43: {  	_ =	shalt  }
0x44: {  	_ =	shalt  }
0x45: {  	_ =	shalt  }
0x46: {  	_ =	shalt  }
0x47: {  	_ =	shalt  }
0x48: {  	_ =	shalt  }
0x49: {  	_ =	shalt  }
0x4a: {  	_ =	shalt  }
0x4b: {  	_ =	shalt  }
0x4c: {  	_ =	shalt  }
0x4d: {  	_ =	shalt  }
0x4e: {  	_ =	shalt  }
0x4f: {  	_ =	shalt  }
0x50: {  	_ =	shalt  }
0x51: {  	_ =	shalt  }
0x52: {  	_ =	shalt  }
0x53: {  	_ =	shalt  }
0x54: {  	_ =	shalt  }
0x55: {  	_ =	shalt  }
0x56: {  	_ =	shalt  }
0x57: {  	_ =	shalt  }
0x58: {  	_ =	shalt  }
0x59: {  	_ =	shalt  }
0x5a: {  	_ =	shalt  }
0x5b: {  	_ =	shalt  }
0x5c: {  	_ =	shalt  }
0x5d: {  	_ =	shalt  }
0x5e: {  	_ =	shalt  }
0x5f: {  	_ =	shalt  }
0x60: {  	_ =	shalt  }
0x61: {  	_ =	shalt  }
0x62: {  	_ =	shalt  }
0x63: {  	_ =	shalt  }
0x64: {  	_ =	shalt  }
0x65: {  	_ =	shalt  }
0x66: {  	_ =	shalt  }
0x67: {  	_ =	shalt  }
0x68: {  	_ =	shalt  }
0x69: {  	_ =	shalt  }
0x6a: {  	_ =	shalt  }
0x6b: {  	_ =	shalt  }
0x6c: {  	_ =	shalt  }
0x6d: {  	_ =	shalt  }
0x6e: {  	_ =	shalt  }
0x6f: {  	_ =	shalt  }
0x70: {  	_ =	shalt  }
0x71: {  	_ =	shalt  }
0x72: {  	_ =	shalt  }
0x73: {  	_ =	shalt  }
0x74: {  	_ =	shalt  }
0x75: {  	_ =	shalt  }
0x76: {  	_ =	shalt  }
0x77: {  	_ =	shalt  }
0x78: {  	_ =	shalt  }
0x79: {  	_ =	shalt  }
0x7a: {  	_ =	shalt  }
0x7b: {  	_ =	shalt  }
0x7c: {  	_ =	shalt  }
0x7d: {  	_ =	shalt  }
0x7e: {  	_ =	shalt  }
0x7f: {  	_ =	shalt  }
0x80: {  	_ =	shalt  }
0x81: {  	_ =	shalt  }
0x82: {  	_ =	shalt  }
0x83: {  	_ =	shalt  }
0x84: {  	_ =	shalt  }
0x85: {  	_ =	shalt  }
0x86: {  	_ =	shalt  }
0x87: {  	_ =	shalt  }
.Lfunc_end0:
.L_simem_size_0:
called_computation_lowered:
.L_overlay_start_0:
0x88: {  	s2 =	sld [smem:$0x3FD9]  }
0x89: {  	s3 =	sld [smem:$0x3FFE];
	_ =	sdelay $0x1  }
0x8a: {  	s1 =	srdreg.scid  }
0x8b: {  	s0 =	sand.u32 $0x1, s1  }
0x8c: {  	s17 =	sshll.u32 s0, $0xA;
	s2 =	sadd.s32 s3, s2  }
0x8d: {  	s2 =	sadd.s32 s2, s17  }
0x8e: {  	[smem:$0x3FC3] =	sst s2  }
0x8f: {  	_ = 	snop  }
0x90: {  	s2 =	sld [smem:$0x3FC9]  }
0x91: {  	s18 =	sld [smem:$0x3FC8];
	(tm) =	ssettm $0x1  }
0x92: {  	s4 =	sld [smem:$0x3FFB];
	_ =	sdelay $0x3  }
0x93: {  	_ =	strace s4  }
0x94: {  	s4 =	sld [smem:$0x3FFC];
	_ =	sdelay $0x3  }
0x95: {  	_ =	strace s4  }
0x96: {  	s4 =	sld [smem:$0x3FFD];
	_ =	sdelay $0x3  }
0x97: {  	_ =	strace s4  }
0x98: {  	_ =	strace $0x8FFFFFFF  }
0x99: {  	s19 =	sld [smem:$0x3FDB];
	_ =	sdelay $0x1  }
0x9a: {  	s5 =	simm.s32 $_scs_section_size  }
0x9b: {  	s6 =	simm.s32 $_size__tile_overlayer_lowered;
	s7 =	simm.s32 $_tile_overlayer_lowered  }
0x9c: {  	s22 =	simm.s32 $0x1BFF;
	s21 =	sshll.u32 s7, $0x1;
	s4 =	sadd.s32 s5, s19  }
0x9d: {  	s8 =	simm.s32 $0x0;
	s20 =	sshll.u32 s6, $0x1;
	s6 =	sadd.s32 s21, s4  }
0x9e: {  	[timem:s8], [sflag:s22] =	dma.local [hbm:s6], s20  }
0x9f: {  	_ =	swait.ge [sflag:s22], s20  }
0xa0: {  	s5 =	ssub.s32 $0x0, s20;
	[sflag:s22] =	ssyncset.done $0x0  }
0xa1: {  	[sflag:s22] =	ssyncadd.s32 s5;
	_ =	sdelay $0x1  }
0xa2: {  	s23 =	simm.s32 $0x1B8B  }
0xa3: {  	_ =	swait.ge [sflag:s23], $0x1  }
0xa4: {  	[sflag:s23] =	ssyncset.done $0x0  }
0xa5: {  	s25 =	simm.s32 $0x1B8E;
	s24 =	sld [smem:$0x3FFE];
	[sflag:s23] =	ssyncadd.s32 $0xFFFFFFFF  }
0xa6: {  	s26 =	simm.s32 $execute0_lowered;
	[smem:$0x3FD2] =	sst s25  }
0xa7: {  	s6 =	sshll.u32 s26, $0x1;
	_ =	strace $0x80000046;
	[dreg:$0x1] =	wrdreg $0xFFFFFFFF  }
0xa8: {  	s28 =	simm.s32 $_size_execute0_lowered;
	s4 =	sadd.s32 s4, s6;
	[dreg:$0x0] =	wrdreg $0x0  }
0xa9: {  	s6 =	sshll.u32 s28, $0x1;
	[dreg:$0x2] =	wrdreg s4  }
0xaa: {  	[dreg:$0x3] =	wrdreg s6  }
0xab: {  	[dreg:$0x4] =	wrdreg $0xC0  }
0xac: {  	_ =	task [dreg:s8], $0x5FFFF  }
0xad: {  	[dreg:$0x1] =	wrdreg $0xFFFFFFFF  }
0xae: {  	[dreg:$0x0] =	wrdreg $0x60  }
0xaf: {  	[dreg:$0x2] =	wrdreg s24  }
0xb0: {  	[dreg:$0x3] =	wrdreg s2  }
0xb1: {  	[dreg:$0x4] =	wrdreg s18  }
0xb2: {  	[dreg:$0x5] =	wrdreg $0x9  }
0xb3: {  	_ =	task.clear_ibuf [dreg:s8], $0x6FFFF;
	_ =	strace $0x90000046  }
0xb4: {  	s29 =	simm.s32 $0x9;
	_ =	strace $0x80000048  }
0xb5: {  	_ =	swait.ge [sflag:s29], $0x1  }
0xb6: {  	[sflag:s29] =	ssyncadd.s32 $0xFFFFFFFF  }
0xb7: {  	_ =	strace $0x90000048  }
0xb8: {  	_ =	sfence  }
0xb9: {  	s30 =	sld [smem:$0x0];
	_ =	sdelay $0x2  }
0xba: {  	s31 =	sshll.u32 s1, $0xD;
	s1 =	sshrl.u32 s1, $0x2  }
0xbb: {  	s3 =	sand.u32 $0x4000, s31;
	s1 =	sadd.s32 s1, s30  }
0xbc: {  	s0 =	sor.u32 s3, s0;
	s1 =	sshll.u32 s1, $0x11  }
0xbd: {  	s0 =	sor.u32 s1, s0  }
0xbe: {  	s0 =	sadd.s32 $0x8F2B, s0  }
0xbf: {  	[sflag:s0] =	ssyncadd.remote.s32 $0x1  }
0xc0: {  	_ =	sfence.sel $0xFFFF  }
0xc1: {  	[dreg:$0x0] =	wrdreg $0xFFFFFFFF;
	(pc) =	sbr.abs _section_cstart, $3  }
0xc2: {  	[dreg:$0x1] =	wrdreg $0xFFFFFFFF  }
0xc3: {  	_ =	task.clear_ibuf [dreg:s8], $0x2FFFF;
	_ =	strace $0x9FFFFFFF  }
0xc4: {  	(tm) =	ssettm $0x7FFFFFFF  }
0xc5: {  	_ =	shalt  }
tec
execute0_lowered:
.L_overlay_start_1:
0x0: {  	(tag) =	ssettag $0x1  }
0x1: {  	s0 =	rddreg [dreg:$0x0]  }
0x2: {  	s1 =	rddreg [dreg:$0x1]  }
0x3: {  	s7 =	rddreg [dreg:$0x2];
	v0 =	vimm.s32 $0xEFCDAB89  }
0x4: {  	s2 =	simm.s32 $0x0;
	s3 =	srdreg.scid;
	s4 =	stileid.u32;
	v1 =	vimm.s32 $0x67452301;
	v2 =	vimm.s32 $0xDCFE98BA;
	v3 =	vimm.s32 $0x54761032  }
0x5: {  	v4 =	vimm.s32 $0xBA98FEDC;
	v5 =	vimm.s32 $0x32107654;
	v6 =	vimm.s32 $0xFEDCBA98;
	s15 =	simm.s32 $0x6;
	s16 =	simm.s32 $0x80;
	s28 =	simm.s32 $0x4  }
0x6: {  	v7 =	vimm.s32 $0x76543210;
	vm1 =	vmmov $0x1;
	s30 =	simm.s32 $0x20;
	vm0 =	vmmov $0x3;
	s17 =	simm.s32 $0x10400;
	s19 =	simm.s32 $0x17400  }
0x7: {  	vm4 =	vmmov $0x7;
	vm5 =	vmmov $0xf;
	vm6 =	vmmov $0x1f;
	s20 =	simm.s32 $0x1C540;
	s21 =	simm.s32 $0x5;
	s29 =	simm.s32 $0x1B400  }
0x8: {  	vm7 =	vmmov $0x3f;
	vm8 =	vmmov $0x7f;
	vm9 =	vmmov $0xff;
	s31 =	simm.s32 $0x2;
	s18 =	simm.s32 $0x0;
	[smem:$0x7FF] =	sst s2  }
0x9: {  	vm10 =	vmmov $0x1ff;
	vm11 =	vmmov $0x3ff;
	vm12 =	vmmov $0x7ff;
	s6 =	sand.u32 $0x1, s3;
	s4 =	sshll.u32 s4, $0x1;
	s3 =	sadd.s32 $0x30E400, s0  }
0xa: {  	vm13 =	vmmov $0xfff;
	v0 =	vunpack.c.l.s4.s8 v0;
	s5 =	sadd.s32 $0x187A00, s0;
	v1 =	vunpack.c.l.s4.s8 v1;
	_ =	strace $0x80000047;
	s8 =	sor.u32 s6, s4  }
0xb: {  	v2 =	vunpack.c.l.s4.s8 v2;
	v3 =	vunpack.c.l.s4.s8 v3;
	v4 =	vunpack.c.l.s4.s8 v4;
	s6 =	ssub.s32 $0x2, s6;
	s9 =	smul.u32 $0x2800, s8;
	s8 =	sshll.u32 s8, $0x6  }
0xc: {  	v5 =	vunpack.c.l.s4.s8 v5;
	s4 =	sadd.s32 $0x1000, s0;
	s11 =	sshrl.u32 s6, $0x1;
	v0 =	vunpack.c.0.s8.s32 v0;
	v1 =	vunpack.c.0.s8.s32 v1;
	s1 =	sadd.s32 s1, s8  }
0xd: {  	v6 =	vunpack.c.l.s4.s8 v6;
	v2 =	vunpack.c.0.s8.s32 v2;
	v3 =	vunpack.c.0.s8.s32 v3;
	s12 =	sadd.s32 s8, s0;
	s23 =	sadd.s32 s7, s8;
	[dreg:$0x5] =	wrdreg s1  }
0xe: {  	v4 =	vunpack.c.0.s8.s32 v4;
	v5 =	vunpack.c.0.s8.s32 v5;
	s13 =	ssub.s32 s6, s11;
	s10 =	sshrl.u32 s9, $0x3;
	[dreg:$0x6] =	wrdreg s23;
	v0 =	vcombine.low v1, v0  }
0xf: {  	vm14 =	vmmov $0x1fff;
	v7 =	vunpack.c.l.s4.s8 v7;
	s11 =	sor.u32 $0x1E0, s9;
	s25 =	sadd.s32 $0x19BA00, s12;
	s26 =	smax.u32 s13, $0x1;
	v1 =	vcombine.low v3, v2  }
0x10: {  	v2 =	vunpack.c.0.s8.s32 v6;
	v3 =	vcombine.low v5, v4;
	s1 =	simm.s32 $0x40;
	s0 =	sadd.s32 s10, s0;
	[dreg:$0x8] =	wrdreg s25;
	v56 =	vand.u32 $0xF, v0  }
0x11: {  	v4 =	vunpack.c.0.s8.s32 v7;
	s22 =	sadd.s32 s5, s10;
	s10 =	sor.u32 $0x140, s9;
	[dreg:$0xa] =	wrdreg s26;
	v57 =	vand.u32 $0xF, v1;
	v0 =	vimm.s32 $0x0;
	[tilespmem:$0x1FFD0] =	vst v56  }
0x12: {  	s25 =	simm.s32 $0x1C4A0;
	[dreg:$0x4] =	wrdreg s22;
	s24 =	sadd.s32 $0x14, s22;
	v1 =	vimm.s32 $0x0;
	v0 =	vsel vm0, $0xFFFFFFFF, v0;
	vm0 =	vmmov $0x7fff;
	[tilespmem:$0x1FFE0] =	vst v57  }
0x13: {  	vm15 =	vmmov $0x3fff;
	s26 =	simm.s32 $0x1;
	s0 =	sadd.s32 $0x191A00, s0;
	v5 =	vand.u32 $0xF, v2;
	[dreg:$0x7] =	wrdreg s24;
	[tilespmem:$0x1FFC0] =	vst v0;
	v1 =	vsel vm0, $0xFFFFFFFF, v1  }
0x14: {  	v2 =	vand.u32 $0xF, v3;
	s22 =	simm.s32 $0x1C520;
	[dreg:$0x9] =	wrdreg s0;
	v3 =	vcombine.low v5, v4;
	s0 =	simm.s32 $0x1C740;
	v0 =	vlaneseq.u32;
	[tilespmem:$0x1FFF0] =	vst v1  }
.LBB2_1:
0x15: {  	s6 =	rddreg [dreg:$0x5]  }
0x16: {  	[tilespmem:s2], [sflag:$0x6] =	stream.linear.gather [hbm4b:s6+s2], $0x200, $0x38;
	[tilespmem:$0x1EF40] =	vst v63  }
0x17: {  	_ =	swait.ge [sflag:s15], $0x200  }
0x18: {  	[sflag:s15] =	ssyncset.done $0x0  }
0x19: {  	s8 =	simm.s32 $0x400;
	[sflag:s15] =	ssyncadd.s32 $0xFFFFFE00  }
0x1a: {  	[tilespmem:s8], [sflag:$0x1] =	stream.indirect.gather [hbm4b:s4+s16], $0x80, s2, s16, $0xb8;
	[tilespmem:$0x1EF40] =	vst v63  }
0x1b: {  	s9 =	simm.s32 $0x4400  }
0x1c: {  	[tilespmem:s9], [sflag:$0x1] =	stream.indirect.gather [hbm4b:s4+s16], $0x80, s16, s16, $0xb8;
	[tilespmem:$0x1EF40] =	vst v63  }
0x1d: {  	s12 =	simm.s32 $0x100;
	s7 =	simm.s32 $0x8400  }
0x1e: {  	[tilespmem:s7], [sflag:$0x1] =	stream.indirect.gather [hbm4b:s4+s16], $0x80, s12, s16, $0xb8;
	[tilespmem:$0x1EF40] =	vst v63  }
0x1f: {  	s13 =	simm.s32 $0x180;
	s14 =	simm.s32 $0xC400  }
0x20: {  	[tilespmem:s14], [sflag:$0x1] =	stream.indirect.gather [hbm4b:s4+s16], $0x80, s13, s16, $0xb8;
	[tilespmem:$0x1EF40] =	vst v63  }
0x21: {  	s24 =	simm.s32 $0x200;
	s23 =	rddreg [dreg:$0x6]  }
0x22: {  	[tilespmem:s24], [sflag:$0x6] =	stream.linear.gather [hbm4b:s23+s2], $0x200, $0x38;
	[tilespmem:$0x1EF40] =	vst v63  }
0x23: {  	_ =	swait.ge [sflag:s15], $0x200  }
0x24: {  	[sflag:s15] =	ssyncset.done $0x0  }
0x25: {  	s8 =	simm.s32 $0x1C400;
	s9 =	rddreg [dreg:$0x4];
	[sflag:s15] =	ssyncadd.s32 $0xFFFFFE00  }
0x26: {  	[tilespmem:s8], [sflag:$0x4] =	stream.linear.gather [hbm4b:s9+s2], $0xA0, $0x38;
	[tilespmem:$0x1EF40] =	vst v63  }
0x27: {  	s12 =	rddreg [dreg:$0x7]  }
0x28: {  	[tilespmem:s25], [sflag:$0x5] =	stream.linear.gather [hbm4b:s12+s2], $0xA0, $0x38;
	[tilespmem:$0x1EF40] =	vst v63  }
0x29: {  	_ =	swait.ge [sflag:s26], $0x4000  }
0x2a: {  	[sflag:s26] =	ssyncset.done $0x0  }
0x2b: {  	[sflag:s26] =	ssyncadd.s32 $0xFFFFC000  }
0x2c: {  	_ =	swait.ge [sflag:s26], $0x4000  }
0x2d: {  	[sflag:s26] =	ssyncset.done $0x0  }
0x2e: {  	[sflag:s26] =	ssyncadd.s32 $0xFFFFC000  }
0x2f: {  	_ =	swait.ge [sflag:s26], $0x4000  }
0x30: {  	[sflag:s26] =	ssyncset.done $0x0  }
0x31: {  	[sflag:s26] =	ssyncadd.s32 $0xFFFFC000  }
0x32: {  	_ =	swait.ge [sflag:s26], $0x4000  }
0x33: {  	[sflag:s26] =	ssyncset.done $0x0  }
0x34: {  	[sflag:s26] =	ssyncadd.s32 $0xFFFFC000  }
0x35: {  	_ =	swait.ge [sflag:s28], $0xA0  }
0x36: {  	[sflag:s28] =	ssyncset.done $0x0  }
0x37: {  	s13 =	simm.s32 $0x12400;
	[sflag:s28] =	ssyncadd.s32 $0xFFFFFF60  }
0x38: {  	[tilespmem:s13], [sflag:$0x2] =	stream.indirect.gather [hbm4b:s3+s16], $0x80, s8, s16, $0xb8;
	[tilespmem:$0x1EF40] =	vst v63  }
0x39: {  	s14 =	simm.s32 $0x1C480;
	s23 =	simm.s32 $0x16400  }
0x3a: {  	[tilespmem:s23], [sflag:$0x2] =	stream.indirect.gather [hbm4b:s3+s30], $0x80, s14, s30, $0xb8;
	[tilespmem:$0x1EF40] =	vst v63  }
0x3b: {  	_ = 	snop  }
0x3c: {  	[tilespmem:s17], [sflag:$0x1] =	stream.indirect.gather [hbm4b:s3+s1], $0x80, s24, s1, $0xb8;
	[tilespmem:$0x1EF40] =	vst v63  }
0x3d: {  	s24 =	simm.s32 $0x240  }
0x3e: {  	[tilespmem:s19], [sflag:$0x1] =	stream.indirect.gather [hbm4b:s3+s1], $0x80, s24, s1, $0xb8;
	[tilespmem:$0x1EF40] =	vst v63  }
0x3f: {  	_ =	swait.ge [sflag:s26], $0x2000  }
0x40: {  	[sflag:s26] =	ssyncset.done $0x0  }
0x41: {  	s8 =	simm.s32 $0x10420;
	[sflag:s26] =	ssyncadd.s32 $0xFFFFE000  }
0x42: {  	s9 =	simm.s32 $0x420;
	v5 =	vld [tilespmem:s8+$0xFFFFFFE0]  }
0x43: {  	v6 =	vld [tilespmem:s9+$0xFFFFFFE0]  }
0x44: {  	v7 =	vld [tilespmem:s9+$0xFFFFFFF0]  }
0x45: {  	vm2 =	vcmask $0x3F3C;
	s7 =	simm.s32 $0x0;
	s12 =	simm.s32 $0x1;
	v8 =	vld [tilespmem:s8+$0xFFFFFFF0]  }
.LBB2_2:
0x46: {  	p0 =	sne.s32 s12, $0x3F;
	v9 =	vld [tilespmem:s9+$0x0]  }
0x47: {  	v10 =	vld [tilespmem:s8+$0x0]  }
0x48: {  	v11 =	vld [tilespmem:s9+$0x10]  }
0x49: {  	v12 =	vld [tilespmem:s8+$0x10]  }
0x4a: {  	v5 =	vmul.f32 v5, v6;
	v6 =	vmul.f32 v8, v7;
	_ =	sdelay $0x1  }
0x4b: {  	v5 =	vadd.f32 v6, v5;
	v6 =	vmul.f32 v10, v9;
	_ =	sdelay $0x1  }
0x4c: {  	v5 =	vadd.f32 v6, v5;
	v6 =	vmul.f32 v12, v11;
	_ =	sdelay $0x1  }
0x4d: {  	v5 =	vadd.f32 v6, v5;
	_ =	sdelay $0x1  }
0x4e: {  	(xrf2) =	vadd.scan.msk.f32 $0xffff, v5;
	_ =	sdelay $0x5  }
0x4f: {  	v5 =	vmov s7;
	s7 =	smov.u32 s12;
	_ =	sdelay $0x3  }
0x50: {  	v6, _, _ =	vpop (xrf2)  }
.Ltmp0:
0x51: {  	s8 =	sadd.s32 $0x80, s8;
	[tilespmem:v5+s20+$0x0] =	vst.idx.msk vm2, v6;
	(pc) =	sbr.rel @p0 .LBB2_2-.Ltmp0, $4  }
0x52: {  	s9 =	sadd.s32 $0x80, s9;
	v5 =	vld [tilespmem:s8+$0xFFFFFFE0]  }
0x53: {  	v6 =	vld [tilespmem:s9+$0xFFFFFFE0]  }
0x54: {  	v7 =	vld [tilespmem:s9+$0xFFFFFFF0]  }
0x55: {  	s12 =	sadd.s32 $0x1, s12;
	v8 =	vld [tilespmem:s8+$0xFFFFFFF0]  }
0x56: {  	v9 =	vld [tilespmem:s9+$0x0]  }
0x57: {  	v10 =	vld [tilespmem:s8+$0x0]  }
0x58: {  	v11 =	vld [tilespmem:s9+$0x10]  }
0x59: {  	v12 =	vld [tilespmem:s8+$0x10]  }
0x5a: {  	v5 =	vmul.f32 v5, v6;
	v6 =	vmul.f32 v8, v7;
	_ =	sdelay $0x1  }
0x5b: {  	v5 =	vadd.f32 v6, v5;
	v6 =	vmul.f32 v10, v9;
	_ =	sdelay $0x1  }
0x5c: {  	v5 =	vadd.f32 v6, v5;
	v6 =	vmul.f32 v12, v11;
	_ =	sdelay $0x1  }
0x5d: {  	v5 =	vadd.f32 v6, v5;
	_ =	sdelay $0x1  }
0x5e: {  	(xrf2) =	vadd.scan.msk.f32 $0xffff, v5;
	_ =	sdelay $0x5  }
0x5f: {  	v5 =	vmov s7;
	_ =	sdelay $0x3  }
0x60: {  	v6, _, _ =	vpop (xrf2)  }
0x61: {  	s6 =	simm.s32 $0x280;
	s7 =	simm.s32 $0x40;
	[tilespmem:v5+s20+$0x0] =	vst.idx.msk vm2, v6  }
0x62: {  	[tilespmem:s17], [sflag:$0x1] =	stream.indirect.gather [hbm4b:s3+s7], $0x80, s6, s7, $0xb8;
	[tilespmem:$0x1EF40] =	vst v63  }
0x63: {  	_ =	swait.ge [sflag:s26], $0x2000  }
0x64: {  	[sflag:s26] =	ssyncset.done $0x0  }
0x65: {  	s8 =	simm.s32 $0x17420;
	[sflag:s26] =	ssyncadd.s32 $0xFFFFE000  }
0x66: {  	s9 =	simm.s32 $0x2430;
	v5 =	vld [tilespmem:s8+$0xFFFFFFE0]  }
0x67: {  	v6 =	vld [tilespmem:s9+$0xFFFFFFD0]  }
0x68: {  	v7 =	vld [tilespmem:s9+$0xFFFFFFE0]  }
0x69: {  	s12 =	simm.s32 $0x41;
	v8 =	vld [tilespmem:s8+$0xFFFFFFF0]  }
.LBB2_4:
0x6a: {  	p0 =	sne.s32 s12, $0x7F;
	v9 =	vld [tilespmem:s9+$0xFFFFFFF0]  }
0x6b: {  	v10 =	vld [tilespmem:s8+$0x0]  }
0x6c: {  	v11 =	vld [tilespmem:s9+$0x0]  }
0x6d: {  	v12 =	vld [tilespmem:s8+$0x10]  }
0x6e: {  	v5 =	vmul.f32 v5, v6;
	v6 =	vmul.f32 v8, v7;
	_ =	sdelay $0x1  }
0x6f: {  	v5 =	vadd.f32 v6, v5;
	v6 =	vmul.f32 v10, v9;
	_ =	sdelay $0x1  }
0x70: {  	v5 =	vadd.f32 v6, v5;
	v6 =	vmul.f32 v12, v11;
	_ =	sdelay $0x1  }
0x71: {  	v5 =	vadd.f32 v6, v5;
	_ =	sdelay $0x1  }
0x72: {  	(xrf2) =	vadd.scan.msk.f32 $0xffff, v5;
	_ =	sdelay $0x5  }
0x73: {  	v5 =	vmov s7;
	s7 =	smov.u32 s12;
	_ =	sdelay $0x3  }
0x74: {  	v6, _, _ =	vpop (xrf2)  }
.Ltmp1:
0x75: {  	s8 =	sadd.s32 $0x80, s8;
	[tilespmem:v5+s20+$0x0] =	vst.idx.msk vm2, v6;
	(pc) =	sbr.rel @p0 .LBB2_4-.Ltmp1, $4  }
0x76: {  	s9 =	sadd.s32 $0x80, s9;
	v5 =	vld [tilespmem:s8+$0xFFFFFFE0]  }
0x77: {  	v6 =	vld [tilespmem:s9+$0xFFFFFFD0]  }
0x78: {  	v7 =	vld [tilespmem:s9+$0xFFFFFFE0]  }
0x79: {  	s12 =	sadd.s32 $0x1, s12;
	v8 =	vld [tilespmem:s8+$0xFFFFFFF0]  }
0x7a: {  	v9 =	vld [tilespmem:s9+$0xFFFFFFF0]  }
0x7b: {  	v10 =	vld [tilespmem:s8+$0x0]  }
0x7c: {  	v11 =	vld [tilespmem:s9+$0x0]  }
0x7d: {  	v12 =	vld [tilespmem:s8+$0x10]  }
0x7e: {  	v5 =	vmul.f32 v5, v6;
	v6 =	vmul.f32 v8, v7;
	_ =	sdelay $0x1  }
0x7f: {  	v5 =	vadd.f32 v6, v5;
	v6 =	vmul.f32 v10, v9;
	_ =	sdelay $0x1  }
0x80: {  	v5 =	vadd.f32 v6, v5;
	v6 =	vmul.f32 v12, v11;
	_ =	sdelay $0x1  }
0x81: {  	v5 =	vadd.f32 v6, v5;
	_ =	sdelay $0x1  }
0x82: {  	(xrf2) =	vadd.scan.msk.f32 $0xffff, v5;
	_ =	sdelay $0x5  }
0x83: {  	v5 =	vmov s7;
	_ =	sdelay $0x3  }
0x84: {  	v6, _, _ =	vpop (xrf2)  }
0x85: {  	s6 =	simm.s32 $0x2C0;
	[tilespmem:v5+s20+$0x0] =	vst.idx.msk vm2, v6  }
0x86: {  	[tilespmem:s19], [sflag:$0x1] =	stream.indirect.gather [hbm4b:s3+s1], $0x80, s6, s1, $0xb8;
	[tilespmem:$0x1EF40] =	vst v63  }
0x87: {  	_ =	swait.ge [sflag:s26], $0x2000  }
0x88: {  	[sflag:s26] =	ssyncset.done $0x0  }
0x89: {  	s24 =	simm.s32 $0x0;
	[sflag:s26] =	ssyncadd.s32 $0xFFFFE000  }
0x8a: {  	v5 =	vld [tilespmem:s24+$0x10400]  }
0x8b: {  	v6 =	vld [tilespmem:s24+$0x4400]  }
0x8c: {  	v7 =	vld [tilespmem:s24+$0x4410]  }
0x8d: {  	v8 =	vld [tilespmem:s24+$0x10410]  }
0x8e: {  	v60 =	vld [tilespmem:s24+$0x4420]  }
0x8f: {  	v61 =	vld [tilespmem:s24+$0x10420]  }
0x90: {  	v62 =	vld [tilespmem:s24+$0x4430]  }
0x91: {  	v63 =	vld [tilespmem:s24+$0x10430]  }
0x92: {  	v5 =	vmul.f32 v5, v6;
	v6 =	vmul.f32 v8, v7;
	_ =	sdelay $0x1  }
0x93: {  	v5 =	vadd.f32 v6, v5;
	v6 =	vmul.f32 v61, v60;
	_ =	sdelay $0x1  }
0x94: {  	v5 =	vadd.f32 v6, v5;
	v6 =	vmul.f32 v63, v62;
	_ =	sdelay $0x1  }
0x95: {  	v5 =	vadd.f32 v6, v5;
	_ =	sdelay $0x1  }
0x96: {  	(xrf2) =	vadd.scan.msk.f32 $0xffff, v5;
	_ =	sdelay $0x4  }
0x97: {  	s7 =	simm.s32 $0x80  }
0x98: {  	v5 =	vmov s7;
	_ =	sdelay $0x3  }
0x99: {  	v6, _, _ =	vpop (xrf2)  }
0x9a: {  	s9 =	simm.s32 $0x80;
	[tilespmem:v5+s20+$0x0] =	vst.idx.msk vm2, v6  }
0x9b: {  	v5 =	vld [tilespmem:s9+$0x10400]  }
0x9c: {  	v6 =	vld [tilespmem:s9+$0x4400]  }
0x9d: {  	s8 =	simm.s32 $0x400;
	v7 =	vld [tilespmem:s9+$0x4410]  }
.LBB2_6:
0x9e: {  	p0 =	sne.s32 s8, $0x7E00;
	v8 =	vld [tilespmem:s9+$0x10410]  }
0x9f: {  	v9 =	vld [tilespmem:s9+$0x4420]  }
0xa0: {  	v10 =	vld [tilespmem:s9+$0x10420]  }
0xa1: {  	v11 =	vld [tilespmem:s9+$0x4430]  }
0xa2: {  	v12 =	vld [tilespmem:s9+$0x10430]  }
0xa3: {  	v5 =	vmul.f32 v5, v6;
	v6 =	vmul.f32 v8, v7;
	_ =	sdelay $0x1  }
0xa4: {  	v5 =	vadd.f32 v6, v5;
	v6 =	vmul.f32 v10, v9;
	_ =	sdelay $0x1  }
0xa5: {  	v5 =	vadd.f32 v6, v5;
	v6 =	vmul.f32 v12, v11;
	_ =	sdelay $0x1  }
0xa6: {  	v5 =	vadd.f32 v6, v5;
	_ =	sdelay $0x1  }
0xa7: {  	(xrf2) =	vadd.scan.msk.f32 $0xffff, v5;
	_ =	sdelay $0x4  }
0xa8: {  	s7 =	sadd.s32 $0x1, s7  }
0xa9: {  	v5 =	vmov s7;
	_ =	sdelay $0x3  }
.Ltmp2:
0xaa: {  	v6, _, _ =	vpop (xrf2);
	(pc) =	sbr.rel @p0 .LBB2_6-.Ltmp2, $4  }
0xab: {  	s9 =	sshra.s32 s8, $0x2;
	[tilespmem:v5+s20+$0x0] =	vst.idx.msk vm2, v6  }
0xac: {  	v5 =	vld [tilespmem:s9+$0x10400]  }
0xad: {  	v6 =	vld [tilespmem:s9+$0x4400]  }
0xae: {  	s8 =	sadd.s32 $0x200, s8;
	v7 =	vld [tilespmem:s9+$0x4410]  }
0xaf: {  	v8 =	vld [tilespmem:s9+$0x10410]  }
0xb0: {  	v9 =	vld [tilespmem:s9+$0x4420]  }
0xb1: {  	v10 =	vld [tilespmem:s9+$0x10420]  }
0xb2: {  	v11 =	vld [tilespmem:s9+$0x4430]  }
0xb3: {  	v12 =	vld [tilespmem:s9+$0x10430]  }
0xb4: {  	v5 =	vmul.f32 v5, v6;
	v6 =	vmul.f32 v8, v7;
	_ =	sdelay $0x1  }
0xb5: {  	v5 =	vadd.f32 v6, v5;
	v6 =	vmul.f32 v10, v9;
	_ =	sdelay $0x1  }
0xb6: {  	v5 =	vadd.f32 v6, v5;
	v6 =	vmul.f32 v12, v11;
	_ =	sdelay $0x1  }
0xb7: {  	v5 =	vadd.f32 v6, v5;
	_ =	sdelay $0x1  }
0xb8: {  	(xrf2) =	vadd.scan.msk.f32 $0xffff, v5;
	_ =	sdelay $0x4  }
0xb9: {  	s7 =	sadd.s32 $0x1, s7  }
0xba: {  	v5 =	vmov s7;
	_ =	sdelay $0x3  }
0xbb: {  	v6, _, _ =	vpop (xrf2)  }
0xbc: {  	s6 =	simm.s32 $0x300;
	[tilespmem:v5+s20+$0x0] =	vst.idx.msk vm2, v6  }
0xbd: {  	[tilespmem:s17], [sflag:$0x1] =	stream.indirect.gather [hbm4b:s3+s1], $0x80, s6, s1, $0xb8;
	[tilespmem:$0x1EF40] =	vst v63  }
0xbe: {  	_ =	swait.ge [sflag:s26], $0x2000  }
0xbf: {  	[sflag:s26] =	ssyncset.done $0x0  }
0xc0: {  	s24 =	simm.s32 $0x0;
	[sflag:s26] =	ssyncadd.s32 $0xFFFFE000  }
0xc1: {  	v5 =	vld [tilespmem:s24+$0x17400]  }
0xc2: {  	v6 =	vld [tilespmem:s24+$0x6400]  }
0xc3: {  	v7 =	vld [tilespmem:s24+$0x6410]  }
0xc4: {  	v8 =	vld [tilespmem:s24+$0x17410]  }
0xc5: {  	v60 =	vld [tilespmem:s24+$0x6420]  }
0xc6: {  	v61 =	vld [tilespmem:s24+$0x17420]  }
0xc7: {  	v62 =	vld [tilespmem:s24+$0x6430]  }
0xc8: {  	v63 =	vld [tilespmem:s24+$0x17430]  }
0xc9: {  	v5 =	vmul.f32 v5, v6;
	v6 =	vmul.f32 v8, v7;
	_ =	sdelay $0x1  }
0xca: {  	v5 =	vadd.f32 v6, v5;
	v6 =	vmul.f32 v61, v60;
	_ =	sdelay $0x1  }
0xcb: {  	v5 =	vadd.f32 v6, v5;
	v6 =	vmul.f32 v63, v62;
	_ =	sdelay $0x1  }
0xcc: {  	v5 =	vadd.f32 v6, v5;
	_ =	sdelay $0x1  }
0xcd: {  	(xrf2) =	vadd.scan.msk.f32 $0xffff, v5;
	_ =	sdelay $0x4  }
0xce: {  	s7 =	simm.s32 $0xC0  }
0xcf: {  	v5 =	vmov s7;
	_ =	sdelay $0x2  }
0xd0: {  	v1 =	vld [tilespmem:$0x1FFF0]  }
0xd1: {  	v6, _, _ =	vpop (xrf2)  }
0xd2: {  	s9 =	simm.s32 $0x80;
	[tilespmem:v5+s20+$0x0] =	vst.idx.msk vm2, v6  }
0xd3: {  	v5 =	vld [tilespmem:s9+$0x17400]  }
0xd4: {  	v6 =	vld [tilespmem:s9+$0x6400]  }
0xd5: {  	s8 =	simm.s32 $0x400;
	vm0 =	vnez.u8 v1;
	v7 =	vld [tilespmem:s9+$0x6410]  }
.LBB2_8:
0xd6: {  	p0 =	sne.s32 s8, $0x7E00;
	v8 =	vld [tilespmem:s9+$0x17410]  }
0xd7: {  	v9 =	vld [tilespmem:s9+$0x6420]  }
0xd8: {  	v10 =	vld [tilespmem:s9+$0x17420]  }
0xd9: {  	v11 =	vld [tilespmem:s9+$0x6430]  }
0xda: {  	v12 =	vld [tilespmem:s9+$0x17430]  }
0xdb: {  	v5 =	vmul.f32 v5, v6;
	v6 =	vmul.f32 v8, v7;
	_ =	sdelay $0x1  }
0xdc: {  	v5 =	vadd.f32 v6, v5;
	v6 =	vmul.f32 v10, v9;
	_ =	sdelay $0x1  }
0xdd: {  	v5 =	vadd.f32 v6, v5;
	v6 =	vmul.f32 v12, v11;
	_ =	sdelay $0x1  }
0xde: {  	v5 =	vadd.f32 v6, v5;
	_ =	sdelay $0x1  }
0xdf: {  	(xrf2) =	vadd.scan.msk.f32 $0xffff, v5;
	_ =	sdelay $0x4  }
0xe0: {  	s7 =	sadd.s32 $0x1, s7  }
0xe1: {  	v5 =	vmov s7;
	_ =	sdelay $0x3  }
.Ltmp3:
0xe2: {  	v6, _, _ =	vpop (xrf2);
	(pc) =	sbr.rel @p0 .LBB2_8-.Ltmp3, $4  }
0xe3: {  	s9 =	sshra.s32 s8, $0x2;
	[tilespmem:v5+s20+$0x0] =	vst.idx.msk vm2, v6  }
0xe4: {  	v5 =	vld [tilespmem:s9+$0x17400]  }
0xe5: {  	v6 =	vld [tilespmem:s9+$0x6400]  }
0xe6: {  	s8 =	sadd.s32 $0x200, s8;
	v7 =	vld [tilespmem:s9+$0x6410]  }
0xe7: {  	v8 =	vld [tilespmem:s9+$0x17410]  }
0xe8: {  	v9 =	vld [tilespmem:s9+$0x6420]  }
0xe9: {  	v10 =	vld [tilespmem:s9+$0x17420]  }
0xea: {  	v11 =	vld [tilespmem:s9+$0x6430]  }
0xeb: {  	v12 =	vld [tilespmem:s9+$0x17430]  }
0xec: {  	v5 =	vmul.f32 v5, v6;
	v6 =	vmul.f32 v8, v7;
	_ =	sdelay $0x1  }
0xed: {  	v5 =	vadd.f32 v6, v5;
	v6 =	vmul.f32 v10, v9;
	_ =	sdelay $0x1  }
0xee: {  	v5 =	vadd.f32 v6, v5;
	v6 =	vmul.f32 v12, v11;
	_ =	sdelay $0x1  }
0xef: {  	v5 =	vadd.f32 v6, v5;
	_ =	sdelay $0x1  }
0xf0: {  	(xrf2) =	vadd.scan.msk.f32 $0xffff, v5;
	_ =	sdelay $0x4  }
0xf1: {  	s7 =	sadd.s32 $0x1, s7  }
0xf2: {  	v5 =	vmov s7;
	_ =	sdelay $0x3  }
0xf3: {  	v6, _, _ =	vpop (xrf2)  }
0xf4: {  	s6 =	simm.s32 $0x340;
	[tilespmem:v5+s20+$0x0] =	vst.idx.msk vm2, v6  }
0xf5: {  	[tilespmem:s19], [sflag:$0x1] =	stream.indirect.gather [hbm4b:s3+s1], $0x80, s6, s1, $0xb8;
	[tilespmem:$0x1EF40] =	vst v63  }
0xf6: {  	_ =	swait.ge [sflag:s26], $0x2000  }
0xf7: {  	[sflag:s26] =	ssyncset.done $0x0  }
0xf8: {  	s24 =	simm.s32 $0x0;
	[sflag:s26] =	ssyncadd.s32 $0xFFFFE000  }
0xf9: {  	v5 =	vld [tilespmem:s24+$0x10400]  }
0xfa: {  	v6 =	vld [tilespmem:s24+$0x8400]  }
0xfb: {  	v7 =	vld [tilespmem:s24+$0x8410]  }
0xfc: {  	v8 =	vld [tilespmem:s24+$0x10410]  }
0xfd: {  	v60 =	vld [tilespmem:s24+$0x8420]  }
0xfe: {  	v61 =	vld [tilespmem:s24+$0x10420]  }
0xff: {  	v62 =	vld [tilespmem:s24+$0x8430]  }
0x100: {  	v63 =	vld [tilespmem:s24+$0x10430]  }
0x101: {  	v5 =	vmul.f32 v5, v6;
	v6 =	vmul.f32 v8, v7;
	_ =	sdelay $0x1  }
0x102: {  	v5 =	vadd.f32 v6, v5;
	v6 =	vmul.f32 v61, v60;
	_ =	sdelay $0x1  }
0x103: {  	v5 =	vadd.f32 v6, v5;
	v6 =	vmul.f32 v63, v62;
	_ =	sdelay $0x1  }
0x104: {  	v5 =	vadd.f32 v6, v5;
	_ =	sdelay $0x1  }
0x105: {  	(xrf2) =	vadd.scan.msk.f32 $0xffff, v5;
	_ =	sdelay $0x4  }
0x106: {  	s7 =	simm.s32 $0x100  }
0x107: {  	v5 =	vmov s7;
	_ =	sdelay $0x3  }
0x108: {  	v6, _, _ =	vpop (xrf2)  }
0x109: {  	s9 =	simm.s32 $0x80;
	[tilespmem:v5+s20+$0x0] =	vst.idx.msk vm2, v6  }
0x10a: {  	v5 =	vld [tilespmem:s9+$0x10400]  }
0x10b: {  	v6 =	vld [tilespmem:s9+$0x8400]  }
0x10c: {  	s8 =	simm.s32 $0x400;
	v7 =	vld [tilespmem:s9+$0x8410]  }
.LBB2_10:
0x10d: {  	p0 =	sne.s32 s8, $0x7E00;
	v8 =	vld [tilespmem:s9+$0x10410]  }
0x10e: {  	v9 =	vld [tilespmem:s9+$0x8420]  }
0x10f: {  	v10 =	vld [tilespmem:s9+$0x10420]  }
0x110: {  	v11 =	vld [tilespmem:s9+$0x8430]  }
0x111: {  	v12 =	vld [tilespmem:s9+$0x10430]  }
0x112: {  	v5 =	vmul.f32 v5, v6;
	v6 =	vmul.f32 v8, v7;
	_ =	sdelay $0x1  }
0x113: {  	v5 =	vadd.f32 v6, v5;
	v6 =	vmul.f32 v10, v9;
	_ =	sdelay $0x1  }
0x114: {  	v5 =	vadd.f32 v6, v5;
	v6 =	vmul.f32 v12, v11;
	_ =	sdelay $0x1  }
0x115: {  	v5 =	vadd.f32 v6, v5;
	_ =	sdelay $0x1  }
0x116: {  	(xrf2) =	vadd.scan.msk.f32 $0xffff, v5;
	_ =	sdelay $0x4  }
0x117: {  	s7 =	sadd.s32 $0x1, s7  }
0x118: {  	v5 =	vmov s7;
	_ =	sdelay $0x3  }
.Ltmp4:
0x119: {  	v6, _, _ =	vpop (xrf2);
	(pc) =	sbr.rel @p0 .LBB2_10-.Ltmp4, $4  }
0x11a: {  	s9 =	sshra.s32 s8, $0x2;
	[tilespmem:v5+s20+$0x0] =	vst.idx.msk vm2, v6  }
0x11b: {  	v5 =	vld [tilespmem:s9+$0x10400]  }
0x11c: {  	v6 =	vld [tilespmem:s9+$0x8400]  }
0x11d: {  	s8 =	sadd.s32 $0x200, s8;
	v7 =	vld [tilespmem:s9+$0x8410]  }
0x11e: {  	v8 =	vld [tilespmem:s9+$0x10410]  }
0x11f: {  	v9 =	vld [tilespmem:s9+$0x8420]  }
0x120: {  	v10 =	vld [tilespmem:s9+$0x10420]  }
0x121: {  	v11 =	vld [tilespmem:s9+$0x8430]  }
0x122: {  	v12 =	vld [tilespmem:s9+$0x10430]  }
0x123: {  	v5 =	vmul.f32 v5, v6;
	v6 =	vmul.f32 v8, v7;
	_ =	sdelay $0x1  }
0x124: {  	v5 =	vadd.f32 v6, v5;
	v6 =	vmul.f32 v10, v9;
	_ =	sdelay $0x1  }
0x125: {  	v5 =	vadd.f32 v6, v5;
	v6 =	vmul.f32 v12, v11;
	_ =	sdelay $0x1  }
0x126: {  	v5 =	vadd.f32 v6, v5;
	_ =	sdelay $0x1  }
0x127: {  	(xrf2) =	vadd.scan.msk.f32 $0xffff, v5;
	_ =	sdelay $0x4  }
0x128: {  	s7 =	sadd.s32 $0x1, s7  }
0x129: {  	v5 =	vmov s7;
	_ =	sdelay $0x3  }
0x12a: {  	v6, _, _ =	vpop (xrf2)  }
0x12b: {  	s6 =	simm.s32 $0x380;
	[tilespmem:v5+s20+$0x0] =	vst.idx.msk vm2, v6  }
0x12c: {  	[tilespmem:s17], [sflag:$0x1] =	stream.indirect.gather [hbm4b:s3+s1], $0x80, s6, s1, $0xb8;
	[tilespmem:$0x1EF40] =	vst v63  }
0x12d: {  	_ =	swait.ge [sflag:s26], $0x2000  }
0x12e: {  	[sflag:s26] =	ssyncset.done $0x0  }
0x12f: {  	s24 =	simm.s32 $0x0;
	[sflag:s26] =	ssyncadd.s32 $0xFFFFE000  }
0x130: {  	v5 =	vld [tilespmem:s24+$0x17400]  }
0x131: {  	v6 =	vld [tilespmem:s24+$0xA400]  }
0x132: {  	v7 =	vld [tilespmem:s24+$0xA410]  }
0x133: {  	v8 =	vld [tilespmem:s24+$0x17410]  }
0x134: {  	v60 =	vld [tilespmem:s24+$0xA420]  }
0x135: {  	v61 =	vld [tilespmem:s24+$0x17420]  }
0x136: {  	v62 =	vld [tilespmem:s24+$0xA430]  }
0x137: {  	v63 =	vld [tilespmem:s24+$0x17430]  }
0x138: {  	v5 =	vmul.f32 v5, v6;
	v6 =	vmul.f32 v8, v7;
	_ =	sdelay $0x1  }
0x139: {  	v5 =	vadd.f32 v6, v5;
	v6 =	vmul.f32 v61, v60;
	_ =	sdelay $0x1  }
0x13a: {  	v5 =	vadd.f32 v6, v5;
	v6 =	vmul.f32 v63, v62;
	_ =	sdelay $0x1  }
0x13b: {  	v5 =	vadd.f32 v6, v5;
	_ =	sdelay $0x1  }
0x13c: {  	(xrf2) =	vadd.scan.msk.f32 $0xffff, v5;
	_ =	sdelay $0x4  }
0x13d: {  	s7 =	simm.s32 $0x140  }
0x13e: {  	v5 =	vmov s7;
	_ =	sdelay $0x3  }
0x13f: {  	v6, _, _ =	vpop (xrf2)  }
0x140: {  	s9 =	simm.s32 $0x80;
	[tilespmem:v5+s20+$0x0] =	vst.idx.msk vm2, v6  }
0x141: {  	v5 =	vld [tilespmem:s9+$0x17400]  }
0x142: {  	v6 =	vld [tilespmem:s9+$0xA400]  }
0x143: {  	s8 =	simm.s32 $0x400;
	v7 =	vld [tilespmem:s9+$0xA410]  }
.LBB2_12:
0x144: {  	p0 =	sne.s32 s8, $0x7E00;
	v8 =	vld [tilespmem:s9+$0x17410]  }
0x145: {  	v9 =	vld [tilespmem:s9+$0xA420]  }
0x146: {  	v10 =	vld [tilespmem:s9+$0x17420]  }
0x147: {  	v11 =	vld [tilespmem:s9+$0xA430]  }
0x148: {  	v12 =	vld [tilespmem:s9+$0x17430]  }
0x149: {  	v5 =	vmul.f32 v5, v6;
	v6 =	vmul.f32 v8, v7;
	_ =	sdelay $0x1  }
0x14a: {  	v5 =	vadd.f32 v6, v5;
	v6 =	vmul.f32 v10, v9;
	_ =	sdelay $0x1  }
0x14b: {  	v5 =	vadd.f32 v6, v5;
	v6 =	vmul.f32 v12, v11;
	_ =	sdelay $0x1  }
0x14c: {  	v5 =	vadd.f32 v6, v5;
	_ =	sdelay $0x1  }
0x14d: {  	(xrf2) =	vadd.scan.msk.f32 $0xffff, v5;
	_ =	sdelay $0x4  }
0x14e: {  	s7 =	sadd.s32 $0x1, s7  }
0x14f: {  	v5 =	vmov s7;
	_ =	sdelay $0x3  }
.Ltmp5:
0x150: {  	v6, _, _ =	vpop (xrf2);
	(pc) =	sbr.rel @p0 .LBB2_12-.Ltmp5, $4  }
0x151: {  	s9 =	sshra.s32 s8, $0x2;
	[tilespmem:v5+s20+$0x0] =	vst.idx.msk vm2, v6  }
0x152: {  	v5 =	vld [tilespmem:s9+$0x17400]  }
0x153: {  	v6 =	vld [tilespmem:s9+$0xA400]  }
0x154: {  	s8 =	sadd.s32 $0x200, s8;
	v7 =	vld [tilespmem:s9+$0xA410]  }
0x155: {  	v8 =	vld [tilespmem:s9+$0x17410]  }
0x156: {  	v9 =	vld [tilespmem:s9+$0xA420]  }
0x157: {  	v10 =	vld [tilespmem:s9+$0x17420]  }
0x158: {  	v11 =	vld [tilespmem:s9+$0xA430]  }
0x159: {  	v12 =	vld [tilespmem:s9+$0x17430]  }
0x15a: {  	v5 =	vmul.f32 v5, v6;
	v6 =	vmul.f32 v8, v7;
	_ =	sdelay $0x1  }
0x15b: {  	v5 =	vadd.f32 v6, v5;
	v6 =	vmul.f32 v10, v9;
	_ =	sdelay $0x1  }
0x15c: {  	v5 =	vadd.f32 v6, v5;
	v6 =	vmul.f32 v12, v11;
	_ =	sdelay $0x1  }
0x15d: {  	v5 =	vadd.f32 v6, v5;
	_ =	sdelay $0x1  }
0x15e: {  	(xrf2) =	vadd.scan.msk.f32 $0xffff, v5;
	_ =	sdelay $0x4  }
0x15f: {  	s7 =	sadd.s32 $0x1, s7  }
0x160: {  	v5 =	vmov s7;
	_ =	sdelay $0x3  }
0x161: {  	v6, _, _ =	vpop (xrf2)  }
0x162: {  	s6 =	simm.s32 $0x3C0;
	[tilespmem:v5+s20+$0x0] =	vst.idx.msk vm2, v6  }
0x163: {  	[tilespmem:s19], [sflag:$0x1] =	stream.indirect.gather [hbm4b:s3+s1], $0x80, s6, s1, $0xb8;
	[tilespmem:$0x1EF40] =	vst v63  }
0x164: {  	_ =	swait.ge [sflag:s26], $0x2000  }
0x165: {  	[sflag:s26] =	ssyncset.done $0x0  }
0x166: {  	s24 =	simm.s32 $0x0;
	[sflag:s26] =	ssyncadd.s32 $0xFFFFE000  }
0x167: {  	v5 =	vld [tilespmem:s24+$0x10400]  }
0x168: {  	v6 =	vld [tilespmem:s24+$0xC400]  }
0x169: {  	v7 =	vld [tilespmem:s24+$0xC410]  }
0x16a: {  	v8 =	vld [tilespmem:s24+$0x10410]  }
0x16b: {  	v60 =	vld [tilespmem:s24+$0xC420]  }
0x16c: {  	v61 =	vld [tilespmem:s24+$0x10420]  }
0x16d: {  	v62 =	vld [tilespmem:s24+$0xC430]  }
0x16e: {  	v63 =	vld [tilespmem:s24+$0x10430]  }
0x16f: {  	v5 =	vmul.f32 v5, v6;
	v6 =	vmul.f32 v8, v7;
	_ =	sdelay $0x1  }
0x170: {  	v5 =	vadd.f32 v6, v5;
	v6 =	vmul.f32 v61, v60;
	_ =	sdelay $0x1  }
0x171: {  	v5 =	vadd.f32 v6, v5;
	v6 =	vmul.f32 v63, v62;
	_ =	sdelay $0x1  }
0x172: {  	v5 =	vadd.f32 v6, v5;
	_ =	sdelay $0x1  }
0x173: {  	(xrf2) =	vadd.scan.msk.f32 $0xffff, v5;
	_ =	sdelay $0x4  }
0x174: {  	s7 =	simm.s32 $0x180  }
0x175: {  	v5 =	vmov s7;
	_ =	sdelay $0x3  }
0x176: {  	v6, _, _ =	vpop (xrf2)  }
0x177: {  	s9 =	simm.s32 $0x80;
	[tilespmem:v5+s20+$0x0] =	vst.idx.msk vm2, v6  }
0x178: {  	v5 =	vld [tilespmem:s9+$0x10400]  }
0x179: {  	v6 =	vld [tilespmem:s9+$0xC400]  }
0x17a: {  	s8 =	simm.s32 $0x400;
	v7 =	vld [tilespmem:s9+$0xC410]  }
.LBB2_14:
0x17b: {  	p0 =	sne.s32 s8, $0x7E00;
	v8 =	vld [tilespmem:s9+$0x10410]  }
0x17c: {  	v9 =	vld [tilespmem:s9+$0xC420]  }
0x17d: {  	v10 =	vld [tilespmem:s9+$0x10420]  }
0x17e: {  	v11 =	vld [tilespmem:s9+$0xC430]  }
0x17f: {  	v12 =	vld [tilespmem:s9+$0x10430]  }
0x180: {  	v5 =	vmul.f32 v5, v6;
	v6 =	vmul.f32 v8, v7;
	_ =	sdelay $0x1  }
0x181: {  	v5 =	vadd.f32 v6, v5;
	v6 =	vmul.f32 v10, v9;
	_ =	sdelay $0x1  }
0x182: {  	v5 =	vadd.f32 v6, v5;
	v6 =	vmul.f32 v12, v11;
	_ =	sdelay $0x1  }
0x183: {  	v5 =	vadd.f32 v6, v5;
	_ =	sdelay $0x1  }
0x184: {  	(xrf2) =	vadd.scan.msk.f32 $0xffff, v5;
	_ =	sdelay $0x4  }
0x185: {  	s7 =	sadd.s32 $0x1, s7  }
0x186: {  	v5 =	vmov s7;
	_ =	sdelay $0x3  }
.Ltmp6:
0x187: {  	v6, _, _ =	vpop (xrf2);
	(pc) =	sbr.rel @p0 .LBB2_14-.Ltmp6, $4  }
0x188: {  	s9 =	sshra.s32 s8, $0x2;
	[tilespmem:v5+s20+$0x0] =	vst.idx.msk vm2, v6  }
0x189: {  	v5 =	vld [tilespmem:s9+$0x10400]  }
0x18a: {  	v6 =	vld [tilespmem:s9+$0xC400]  }
0x18b: {  	s8 =	sadd.s32 $0x200, s8;
	v7 =	vld [tilespmem:s9+$0xC410]  }
0x18c: {  	v8 =	vld [tilespmem:s9+$0x10410]  }
0x18d: {  	v9 =	vld [tilespmem:s9+$0xC420]  }
0x18e: {  	v10 =	vld [tilespmem:s9+$0x10420]  }
0x18f: {  	v11 =	vld [tilespmem:s9+$0xC430]  }
0x190: {  	v12 =	vld [tilespmem:s9+$0x10430]  }
0x191: {  	v5 =	vmul.f32 v5, v6;
	v6 =	vmul.f32 v8, v7;
	_ =	sdelay $0x1  }
0x192: {  	v5 =	vadd.f32 v6, v5;
	v6 =	vmul.f32 v10, v9;
	_ =	sdelay $0x1  }
0x193: {  	v5 =	vadd.f32 v6, v5;
	v6 =	vmul.f32 v12, v11;
	_ =	sdelay $0x1  }
0x194: {  	v5 =	vadd.f32 v6, v5;
	_ =	sdelay $0x1  }
0x195: {  	(xrf2) =	vadd.scan.msk.f32 $0xffff, v5;
	_ =	sdelay $0x4  }
0x196: {  	s7 =	sadd.s32 $0x1, s7  }
0x197: {  	v5 =	vmov s7;
	_ =	sdelay $0x3  }
0x198: {  	v6, _, _ =	vpop (xrf2)  }
0x199: {  	[tilespmem:v5+s20+$0x0] =	vst.idx.msk vm2, v6  }
0x19a: {  	_ =	swait.ge [sflag:s26], $0x2000  }
0x19b: {  	[sflag:s26] =	ssyncset.done $0x0  }
0x19c: {  	s24 =	simm.s32 $0x0;
	[sflag:s26] =	ssyncadd.s32 $0xFFFFE000  }
0x19d: {  	v5 =	vld [tilespmem:s24+$0x17400]  }
0x19e: {  	v6 =	vld [tilespmem:s24+$0xE400]  }
0x19f: {  	v7 =	vld [tilespmem:s24+$0xE410]  }
0x1a0: {  	v8 =	vld [tilespmem:s24+$0x17410]  }
0x1a1: {  	v60 =	vld [tilespmem:s24+$0xE420]  }
0x1a2: {  	v61 =	vld [tilespmem:s24+$0x17420]  }
0x1a3: {  	v62 =	vld [tilespmem:s24+$0xE430]  }
0x1a4: {  	v63 =	vld [tilespmem:s24+$0x17430]  }
0x1a5: {  	v5 =	vmul.f32 v5, v6;
	v6 =	vmul.f32 v8, v7;
	_ =	sdelay $0x1  }
0x1a6: {  	v5 =	vadd.f32 v6, v5;
	v6 =	vmul.f32 v61, v60;
	_ =	sdelay $0x1  }
0x1a7: {  	v5 =	vadd.f32 v6, v5;
	v6 =	vmul.f32 v63, v62;
	_ =	sdelay $0x1  }
0x1a8: {  	v5 =	vadd.f32 v6, v5;
	_ =	sdelay $0x1  }
0x1a9: {  	(xrf2) =	vadd.scan.msk.f32 $0xffff, v5;
	_ =	sdelay $0x4  }
0x1aa: {  	s7 =	simm.s32 $0x1C0  }
0x1ab: {  	v5 =	vmov s7;
	_ =	sdelay $0x3  }
0x1ac: {  	v6, _, _ =	vpop (xrf2)  }
0x1ad: {  	s9 =	simm.s32 $0x80;
	[tilespmem:v5+s20+$0x0] =	vst.idx.msk vm2, v6  }
0x1ae: {  	v5 =	vld [tilespmem:s9+$0x17400]  }
0x1af: {  	v6 =	vld [tilespmem:s9+$0xE400]  }
0x1b0: {  	s23 =	simm.s32 $0x0;
	s8 =	simm.s32 $0x400;
	v7 =	vld [tilespmem:s9+$0xE410]  }
.LBB2_16:
0x1b1: {  	p0 =	sne.s32 s8, $0x7E00;
	v8 =	vld [tilespmem:s9+$0x17410]  }
0x1b2: {  	v9 =	vld [tilespmem:s9+$0xE420]  }
0x1b3: {  	v10 =	vld [tilespmem:s9+$0x17420]  }
0x1b4: {  	v11 =	vld [tilespmem:s9+$0xE430]  }
0x1b5: {  	v12 =	vld [tilespmem:s9+$0x17430]  }
0x1b6: {  	v5 =	vmul.f32 v5, v6;
	v6 =	vmul.f32 v8, v7;
	_ =	sdelay $0x1  }
0x1b7: {  	v5 =	vadd.f32 v6, v5;
	v6 =	vmul.f32 v10, v9;
	_ =	sdelay $0x1  }
0x1b8: {  	v5 =	vadd.f32 v6, v5;
	v6 =	vmul.f32 v12, v11;
	_ =	sdelay $0x1  }
0x1b9: {  	v5 =	vadd.f32 v6, v5;
	_ =	sdelay $0x1  }
0x1ba: {  	(xrf2) =	vadd.scan.msk.f32 $0xffff, v5;
	_ =	sdelay $0x4  }
0x1bb: {  	s7 =	sadd.s32 $0x1, s7  }
0x1bc: {  	v5 =	vmov s7;
	_ =	sdelay $0x3  }
.Ltmp7:
0x1bd: {  	v6, _, _ =	vpop (xrf2);
	(pc) =	sbr.rel @p0 .LBB2_16-.Ltmp7, $4  }
0x1be: {  	s9 =	sshra.s32 s8, $0x2;
	[tilespmem:v5+s20+$0x0] =	vst.idx.msk vm2, v6  }
0x1bf: {  	v5 =	vld [tilespmem:s9+$0x17400]  }
0x1c0: {  	v6 =	vld [tilespmem:s9+$0xE400]  }
0x1c1: {  	s8 =	sadd.s32 $0x200, s8;
	v7 =	vld [tilespmem:s9+$0xE410]  }
0x1c2: {  	v8 =	vld [tilespmem:s9+$0x17410]  }
0x1c3: {  	v9 =	vld [tilespmem:s9+$0xE420]  }
0x1c4: {  	v10 =	vld [tilespmem:s9+$0x17420]  }
0x1c5: {  	v11 =	vld [tilespmem:s9+$0xE430]  }
0x1c6: {  	v12 =	vld [tilespmem:s9+$0x17430]  }
0x1c7: {  	v5 =	vmul.f32 v5, v6;
	v60 =	vmul.f32 v8, v7;
	_ =	sdelay $0x1  }
0x1c8: {  	v61 =	vmul.f32 v10, v9;
	v5 =	vadd.f32 v60, v5;
	_ =	sdelay $0x1  }
0x1c9: {  	v62 =	vmul.f32 v12, v11;
	v5 =	vadd.f32 v61, v5;
	_ =	sdelay $0x1  }
0x1ca: {  	v5 =	vadd.f32 v62, v5;
	_ =	sdelay $0x1  }
0x1cb: {  	(xrf2) =	vadd.scan.msk.f32 $0xffff, v5;
	_ =	sdelay $0x4  }
0x1cc: {  	s7 =	sadd.s32 $0x1, s7  }
0x1cd: {  	v5 =	vmov s7;
	_ =	sdelay $0x3  }
0x1ce: {  	v63, _, _ =	vpop (xrf2)  }
0x1cf: {  	s14 =	simm.s32 $0x420;
	s8 =	simm.s32 $0x0;
	s7 =	simm.s32 $0x830;
	[tilespmem:v5+s20+$0x0] =	vst.idx.msk vm2, v63  }
.LBB2_18:
0x1d0: {  	_ =	swait.ge [sflag:s21], $0xA0  }
0x1d1: {  	[sflag:s21] =	ssyncset.done $0x0  }
0x1d2: {  	[sflag:s21] =	ssyncadd.s32 $0xFFFFFF60  }
0x1d3: {  	[tilespmem:s19], [sflag:$0x3] =	stream.indirect.gather [hbm4b:s3+s16], $0x80, s25, s16, $0xb8;
	[tilespmem:$0x1EF40] =	vst v63  }
0x1d4: {  	_ = 	snop  }
0x1d5: {  	[tilespmem:s29], [sflag:$0x3] =	stream.indirect.gather [hbm4b:s3+s30], $0x80, s22, s30, $0xb8;
	[tilespmem:$0x1EF40] =	vst v63  }
0x1d6: {  	p0 =	seq.s32 s8, $0x1F;
	_ =	swait.ge [sflag:s31], $0x4000  }
0x1d7: {  	s9 =	smul.u32 @!p0 $0x140, s8;
	[sflag:s31] =	ssyncset.done $0x0  }
0x1d8: {  	[sflag:s31] =	ssyncadd.s32 $0xFFFFC000  }
0x1d9: {  	s12 =	sadd.s32 @!p0 s9, s10;
	_ =	swait.ge [sflag:s31], $0x1000  }
0x1da: {  	s13 =	simm.s32 @!p0 $0x0;
	s12 =	sshrl.u32 @!p0 s12, $0x3;
	[sflag:s31] =	ssyncset.done $0x0  }
0x1db: {  	s24 =	simm.s32 @!p0 $0x1C400;
	s12 =	sadd.s32 @!p0 s5, s12;
	[sflag:s31] =	ssyncadd.s32 $0xFFFFF000  }
0x1dc: {  	[tilespmem:s24], [sflag:$0x4] =	stream.linear.gather @!p0 [hbm4b:s12+s13], $0xA0, $0x38;
	[tilespmem:$0x1EF40] =	vst v63  }
0x1dd: {  	s12 =	simm.s32 $0x12900  }
0x1de: {  	v5 =	vld [tilespmem:s12+$0x4B0]  }
0x1df: {  	v11 =	vld [tilespmem:s12+$0x2B0]  }
0x1e0: {  	v6 =	vld [tilespmem:s12+$0x430]  }
0x1e1: {  	v13 =	vld [tilespmem:s12+$0x4A0]  }
0x1e2: {  	v10 =	vld [tilespmem:s12+$0x230]  }
0x1e3: {  	v14 =	vld [tilespmem:s12+$0x2A0]  }
0x1e4: {  	v7 =	vld [tilespmem:s12+$0x3B0]  }
0x1e5: {  	v15 =	vld [tilespmem:s12+$0x420]  }
0x1e6: {  	v16 =	vld [tilespmem:s12+$0x480]  }
0x1e7: {  	v17 =	vld [tilespmem:s12+$0x490]  }
0x1e8: {  	v9 =	vld [tilespmem:s12+$0x1B0]  }
0x1e9: {  	v18 =	vld [tilespmem:s12+$0x220]  }
0x1ea: {  	v19 =	vld [tilespmem:s12+$0x280]  }
0x1eb: {  	v20 =	vld [tilespmem:s12+$0x290]  }
0x1ec: {  	v8 =	vld [tilespmem:s12+$0x330]  }
0x1ed: {  	v21 =	vld [tilespmem:s12+$0x3A0]  }
0x1ee: {  	v22 =	vld [tilespmem:s12+$0x400]  }
0x1ef: {  	v23 =	vld [tilespmem:s12+$0x410]  }
0x1f0: {  	v12 =	vld [tilespmem:s12+$0x130]  }
0x1f1: {  	v24 =	vld [tilespmem:s12+$0x1A0]  }
0x1f2: {  	v25 =	vld [tilespmem:s12+$0x200]  }
0x1f3: {  	v26 =	vld [tilespmem:s12+$0x210]  }
0x1f4: {  	v28 =	vld [tilespmem:s12+$0x380]  }
0x1f5: {  	v29 =	vld [tilespmem:s12+$0x390]  }
0x1f6: {  	v31 =	vld [tilespmem:s12+$0x180]  }
0x1f7: {  	v32 =	vld [tilespmem:s12+$0x190]  }
0x1f8: {  	v33 =	vld [tilespmem:s12+$0x300]  }
0x1f9: {  	v34 =	vld [tilespmem:s12+$0x310]  }
0x1fa: {  	v35 =	vld [tilespmem:s12+$0x100]  }
0x1fb: {  	v36 =	vld [tilespmem:s12+$0x80]  }
0x1fc: {  	v37 =	vld [tilespmem:s12+$0x0]  }
0x1fd: {  	v38 =	vld [tilespmem:s12+$0xFFFFFF80]  }
0x1fe: {  	v39 =	vld [tilespmem:s14+$0xFFFFFFE0]  }
0x1ff: {  	v40 =	vld [tilespmem:s12+$0xFFFFFF00]  }
0x200: {  	v41 =	vld [tilespmem:s12+$0xFFFFFE80]  }
0x201: {  	v42 =	vld [tilespmem:s12+$0xFFFFFE00]  }
0x202: {  	v43 =	vld [tilespmem:s12+$0xFFFFFD80]  }
0x203: {  	v44 =	vld [tilespmem:s12+$0xFFFFFD00];
	v19 =	vmul.f32 v19, v39;
	v16 =	vmul.f32 v16, v39  }
0x204: {  	v45 =	vld [tilespmem:s12+$0xFFFFFC80];
	v25 =	vmul.f32 v25, v39;
	v22 =	vmul.f32 v22, v39  }
0x205: {  	v46 =	vld [tilespmem:s12+$0xFFFFFC00];
	v31 =	vmul.f32 v31, v39;
	v28 =	vmul.f32 v28, v39  }
0x206: {  	v47 =	vld [tilespmem:s12+$0xFFFFFB00];
	v35 =	vmul.f32 v35, v39;
	v33 =	vmul.f32 v33, v39  }
0x207: {  	v49 =	vld [tilespmem:s14+$0xFFFFFFF0];
	v37 =	vmul.f32 v37, v39;
	v36 =	vmul.f32 v36, v39  }
0x208: {  	v48 =	vld [tilespmem:s12+$0xFFFFFB80];
	v40 =	vmul.f32 v40, v39;
	v38 =	vmul.f32 v38, v39  }
0x209: {  	v50 =	vld [tilespmem:s12+$0x110];
	v42 =	vmul.f32 v42, v39;
	v41 =	vmul.f32 v41, v39  }
0x20a: {  	v51 =	vld [tilespmem:s12+$0x90];
	v44 =	vmul.f32 v44, v39;
	v43 =	vmul.f32 v43, v39  }
0x20b: {  	v52 =	vld [tilespmem:s12+$0x10];
	v46 =	vmul.f32 v46, v39;
	v45 =	vmul.f32 v45, v39  }
0x20c: {  	v53 =	vld [tilespmem:s12+$0xFFFFFF90];
	v20 =	vmul.f32 v20, v49;
	v47 =	vmul.f32 v47, v39  }
0x20d: {  	v54 =	vld [tilespmem:s12+$0xFFFFFF10];
	v26 =	vmul.f32 v26, v49;
	v39 =	vmul.f32 v48, v39  }
0x20e: {  	v55 =	vld [tilespmem:s12+$0xFFFFFE90];
	v17 =	vmul.f32 v17, v49;
	v23 =	vmul.f32 v23, v49  }
0x20f: {  	v32 =	vmul.f32 v32, v49;
	v29 =	vmul.f32 v29, v49;
	v48 =	vld [tilespmem:s14+$0x0]  }
0x210: {  	vm2 =	vmmov vm0;
	v58 =	vmul.f32 v50, v49;
	v60 =	vmul.f32 v52, v49;
	v52 =	vld [tilespmem:s14+$0x10]  }
0x211: {  	v59 =	vmul.f32 v51, v49;
	v34 =	vmul.f32 v34, v49;
	v19 =	vadd.f32 v20, v19;
	v20 =	vld [tilespmem:s12+$0xFFFFFE10]  }
0x212: {  	v61 =	vmul.f32 v53, v49;
	v62 =	vmul.f32 v54, v49;
	v25 =	vadd.f32 v26, v25;
	v26 =	vld [tilespmem:s12+$0xFFFFFD90]  }
0x213: {  	v63 =	vmul.f32 v55, v49;
	v16 =	vadd.f32 v17, v16;
	v17 =	vld [tilespmem:s12+$0xFFFFFD10];
	v31 =	vadd.f32 v32, v31  }
0x214: {  	v22 =	vadd.f32 v23, v22;
	v23 =	vld [tilespmem:s12+$0xFFFFFC90];
	v14 =	vmul.f32 v14, v48;
	v18 =	vmul.f32 v18, v48  }
0x215: {  	v28 =	vadd.f32 v29, v28;
	v29 =	vld [tilespmem:s12+$0xFFFFFC10];
	v13 =	vmul.f32 v13, v48;
	v15 =	vmul.f32 v15, v48  }
0x216: {  	v32 =	vadd.f32 v59, v36;
	v36 =	vld [tilespmem:s12+$0xFFFFFB10];
	v21 =	vmul.f32 v21, v48;
	v11 =	vmul.f32 v11, v52  }
0x217: {  	v35 =	vadd.f32 v58, v35;
	v58 =	vld [tilespmem:s12+$0xFFFFFB90];
	v10 =	vmul.f32 v10, v52;
	v5 =	vmul.f32 v5, v52  }
0x218: {  	v27 =	vld [tilespmem:s12+$0x320];
	v33 =	vadd.f32 v34, v33;
	v6 =	vmul.f32 v6, v52;
	v9 =	vmul.f32 v9, v52  }
0x219: {  	v30 =	vld [tilespmem:s12+$0x120];
	v38 =	vadd.f32 v61, v38;
	v7 =	vmul.f32 v7, v52;
	v26 =	vmul.f32 v26, v49  }
0x21a: {  	v37 =	vadd.f32 v60, v37;
	v59 =	vld [tilespmem:s12+$0xA0];
	v20 =	vmul.f32 v20, v49;
	v17 =	vmul.f32 v17, v49  }
0x21b: {  	v51 =	vld [tilespmem:s12+$0xFFFFFBA0];
	v41 =	vadd.f32 v63, v41;
	v23 =	vmul.f32 v23, v49;
	v29 =	vmul.f32 v29, v49  }
0x21c: {  	v40 =	vadd.f32 v62, v40;
	v61 =	vld [tilespmem:s12+$0xFFFFFFA0];
	v36 =	vmul.f32 v36, v49;
	v34 =	vmul.f32 v58, v49  }
0x21d: {  	v60 =	vld [tilespmem:s12+$0x20];
	v14 =	vadd.f32 v14, v19;
	v19 =	vmul.f32 v24, v48;
	v18 =	vadd.f32 v18, v25  }
0x21e: {  	v63 =	vld [tilespmem:s12+$0xFFFFFEA0];
	v25 =	vmul.f32 v30, v48;
	v13 =	vadd.f32 v13, v16;
	v15 =	vadd.f32 v15, v22  }
0x21f: {  	v62 =	vld [tilespmem:s12+$0xFFFFFF20];
	v30 =	vmul.f32 v59, v48;
	v21 =	vadd.f32 v21, v28;
	v26 =	vadd.f32 v26, v43  }
0x220: {  	v55 =	vld [tilespmem:s12+$0xB0];
	v22 =	vmul.f32 v27, v48;
	v20 =	vadd.f32 v20, v42;
	v23 =	vadd.f32 v23, v45  }
0x221: {  	v24 =	vld [tilespmem:s12+$0xFFFFFDA0];
	v28 =	vmul.f32 v61, v48;
	v17 =	vadd.f32 v17, v44;
	v36 =	vadd.f32 v36, v47  }
0x222: {  	v16 =	vld [tilespmem:s12+$0xFFFFFD20];
	v49 =	vmul.f32 v60, v48;
	v29 =	vadd.f32 v29, v46;
	v34 =	vadd.f32 v34, v39  }
0x223: {  	v27 =	vld [tilespmem:s12+$0xFFFFFC20];
	v50 =	vmul.f32 v63, v48;
	v19 =	vadd.f32 v19, v31;
	v25 =	vadd.f32 v25, v35  }
0x224: {  	v53 =	vmul.f32 v62, v48;
	v59 =	vld [tilespmem:s12+$0xFFFFFEB0];
	v30 =	vadd.f32 v30, v32;
	v22 =	vadd.f32 v22, v33  }
0x225: {  	v12 =	vmul.f32 v12, v52;
	v60 =	vld [tilespmem:s12+$0xFFFFFE30];
	v28 =	vadd.f32 v28, v38;
	v35 =	vadd.f32 v49, v37  }
0x226: {  	v8 =	vmul.f32 v8, v52;
	v61 =	vld [tilespmem:s12+$0xFFFFFCB0];
	v54 =	vadd.f32 v50, v41;
	v40 =	vadd.f32 v53, v40  }
0x227: {  	s9 =	simm.s32 @p0 $0x26C0;
	v62 =	vmul.f32 v55, v52;
	v63 =	vld [tilespmem:s12+$0xFFFFFB30];
	v11 =	vadd.f32 v11, v14;
	v15 =	vadd.f32 v6, v15  }
0x228: {  	s24 =	sadd.s32 $0x0, s9;
	v46 =	vld [tilespmem:s12+$0xFFFFFE20];
	v33 =	vmul.f32 v51, v48;
	v18 =	vadd.f32 v10, v18;
	v7 =	vadd.f32 v7, v21  }
0x229: {  	v31 =	vld [tilespmem:s12+$0xFFFFFCA0];
	v13 =	vadd.f32 v5, v13;
	v44 =	vadd.s32 s24, v0;
	v49 =	vperm.xlane v15, v56  }
0x22a: {  	v47 =	vld [tilespmem:s12+$0xFFFFFB20];
	v12 =	vadd.f32 v12, v25;
	v51 =	vperm.xlane v7, v56;
	v24 =	vmul.f32 v24, v48  }
0x22b: {  	v14 =	vld [tilespmem:s12+$0xFFFFFDB0];
	v22 =	vadd.f32 v8, v22;
	v16 =	vmul.f32 v16, v48;
	v27 =	vmul.f32 v27, v48  }
0x22c: {  	v10 =	vld [tilespmem:s12+$0xFFFFFD30];
	v30 =	vadd.f32 v62, v30;
	v25 =	vmul.f32 v59, v52;
	v43 =	vmul.f32 v60, v52  }
0x22d: {  	v21 =	vld [tilespmem:s12+$0xFFFFFBB0];
	v9 =	vadd.f32 v9, v19;
	v8 =	vmul.f32 v63, v52;
	v53 =	vperm.xlane v22, v56  }
0x22e: {  	v55 =	vperm.xlane v30, v56;
	v39 =	vmul.f32 v46, v48;
	v24 =	vadd.f32 v24, v26  }
0x22f: {  	v58 =	vld [tilespmem:s12+$0xFFFFFFB0];
	v31 =	vmul.f32 v31, v48;
	v32 =	vmul.f32 v47, v48;
	v16 =	vadd.f32 v16, v17  }
0x230: {  	s13 =	sadd.s32 $0x10, s24;
	v19 =	vld [tilespmem:s12+$0xFFFFFC30];
	v27 =	vadd.f32 v27, v29;
	v29 =	vadd.f32 v33, v34;
	v14 =	vmul.f32 v14, v52  }
0x231: {  	v46 =	vadd.s32 s13, v0;
	v10 =	vmul.f32 v10, v52;
	v47 =	vmul.f32 v61, v52  }
0x232: {  	v21 =	vmul.f32 v21, v52;
	v34 =	vadd.f32 v25, v54;
	v20 =	vadd.f32 v39, v20  }
0x233: {  	v48 =	vperm.xlane v13, v56;
	v23 =	vadd.f32 v31, v23;
	v17 =	vadd.f32 v32, v36  }
0x234: {  	v26 =	vld [tilespmem:s12+$0x30];
	v39 =	vmul.f32 v58, v52;
	v14 =	vadd.f32 v14, v24;
	v50 =	vadd.f32 v10, v16  }
0x235: {  	v19 =	vmul.f32 v19, v52;
	v29 =	vadd.f32 v21, v29;
	v10 =	vadd.f32 v13, v48  }
0x236: {  	v24 =	vperm.xlane v18, v56;
	v13 =	vadd.f32 v15, v49;
	v28 =	vadd.f32 v39, v28  }
0x237: {  	v0 =	vld [tilespmem:$0x1FFC0];
	v16 =	vperm.xlane v9, v56;
	v20 =	vadd.f32 v43, v20;
	v23 =	vadd.f32 v47, v23  }
0x238: {  	v31 =	vld [tilespmem:s12+$0xFFFFFF30];
	v27 =	vadd.f32 v19, v27;
	v41 =	vadd.f32 v8, v17;
	v60 =	vperm.xlane v14, v56  }
0x239: {  	v4 =	vperm.xlane v50, v56;
	v15 =	vadd.f32 v9, v16;
	v26 =	vmul.f32 v26, v52  }
0x23a: {  	v16 =	vadd.f32 v7, v51;
	v58 =	vperm.xlane v28, v56;
	v59 =	vperm.xlane v20, v56  }
0x23b: {  	v19 =	vadd.f32 v22, v53;
	v61 =	vperm.xlane v23, v56;
	v62 =	vperm.xlane v27, v56  }
0x23c: {  	v22 =	vadd.f32 v30, v55;
	v63 =	vperm.xlane v41, v56;
	v36 =	vperm.xlane v16, v57  }
0x23d: {  	vm0 =	vnez.u8 v0;
	v37 =	vperm.xlane v19, v57;
	v31 =	vmul.f32 v31, v52  }
0x23e: {  	v26 =	vadd.f32 v26, v35;
	v52 =	vperm.xlane v12, v56;
	v35 =	vperm.xlane v13, v57  }
0x23f: {  	v7 =	vadd.f32 v20, v59;
	v25 =	vadd.f32 v31, v40;
	v31 =	vperm.xlane v11, v56  }
0x240: {  	v20 =	vadd.f32 v27, v62;
	v27 =	vperm.xlane v22, v57;
	v54 =	vperm.xlane v26, v56  }
0x241: {  	v17 =	vperm.xlane v25, v56;
	v8 =	vadd.f32 v11, v31;
	v11 =	vadd.f32 v18, v24  }
0x242: {  	v31 =	vperm.xlane v34, v56;
	v18 =	vadd.f32 v12, v52;
	v21 =	vadd.f32 v26, v54  }
0x243: {  	v26 =	vperm.xlane v29, v56;
	v12 =	vadd.f32 v14, v60;
	v14 =	vadd.f32 v50, v4  }
0x244: {  	v24 =	vadd.f32 v25, v17;
	v25 =	vadd.f32 v28, v58;
	v33 =	vperm.xlane v8, v57  }
0x245: {  	v9 =	vadd.f32 v34, v31;
	v30 =	vperm.xlane v11, v57;
	v34 =	vperm.xlane v10, v57  }
0x246: {  	v31 =	vperm.xlane v15, v57;
	v17 =	vadd.f32 v23, v61;
	v32 =	vperm.xlane v18, v57  }
0x247: {  	v23 =	vadd.f32 v41, v63;
	v38 =	vperm.xlane v21, v57;
	v28 =	vperm.xlane v25, v57  }
0x248: {  	s24 =	smov.u32 s14;
	s13 =	simm.s32 $0x14;
	v26 =	vadd.f32 v29, v26;
	v29 =	vperm.xlane v9, v57;
	v39 =	vperm.xlane v24, v57  }
.LBB2_19:
0x249: {  	vm3 =	vcmask $0x310;
	v40 =	vperm.xlane v7, v57  }
0x24a: {  	v8 =	vadd.f32 v8, v33;
	v10 =	vadd.f32 v10, v34;
	v42 =	vperm.xlane v12, v57  }
0x24b: {  	v11 =	vadd.f32 v11, v30;
	v13 =	vadd.f32 v13, v35;
	v30 =	vperm.xlane v14, v57  }
0x24c: {  	v15 =	vadd.f32 v15, v31;
	v16 =	vadd.f32 v16, v36;
	v31 =	vperm.xlane v17, v57  }
0x24d: {  	v18 =	vadd.f32 v18, v32;
	v19 =	vadd.f32 v19, v37;
	v43 =	vperm.xlane v20, v57  }
0x24e: {  	v21 =	vadd.f32 v21, v38;
	v22 =	vadd.f32 v22, v27;
	v27 =	vperm.xlane v23, v57  }
0x24f: {  	v24 =	vadd.f32 v24, v39;
	v25 =	vadd.f32 v25, v28;
	v28 =	vperm.xlane v26, v57  }
0x250: {  	v9 =	vadd.f32 v9, v29;
	v7 =	vadd.f32 v7, v40;
	v29 =	vperm.xlane v8, v2  }
0x251: {  	v45 =	vperm.xlane v10, v2;
	v14 =	vadd.f32 v14, v30;
	v30 =	vperm.xlane v11, v2  }
0x252: {  	v47 =	vperm.xlane v13, v2;
	v17 =	vadd.f32 v17, v31;
	v31 =	vperm.xlane v15, v2  }
0x253: {  	v12 =	vadd.f32 v12, v42;
	v48 =	vperm.xlane v16, v2;
	v49 =	vperm.xlane v18, v2  }
0x254: {  	v50 =	vperm.xlane v19, v2;
	v23 =	vadd.f32 v23, v27;
	v27 =	vperm.xlane v21, v2  }
0x255: {  	v51 =	vperm.xlane v22, v2;
	v26 =	vadd.f32 v26, v28;
	v28 =	vperm.xlane v24, v2  }
0x256: {  	v20 =	vadd.f32 v20, v43;
	v52 =	vperm.xlane v25, v2;
	v53 =	vperm.xlane v9, v2  }
0x257: {  	v8 =	vadd.f32 v8, v29;
	v10 =	vadd.f32 v10, v45;
	v29 =	vperm.xlane v7, v2  }
0x258: {  	v11 =	vadd.f32 v11, v30;
	v13 =	vadd.f32 v13, v47;
	v30 =	vperm.xlane v12, v2  }
0x259: {  	v15 =	vadd.f32 v15, v31;
	v16 =	vadd.f32 v16, v48;
	v31 =	vperm.xlane v14, v2  }
0x25a: {  	v18 =	vadd.f32 v18, v49;
	v19 =	vadd.f32 v19, v50;
	v54 =	vperm.xlane v17, v2  }
0x25b: {  	v21 =	vadd.f32 v21, v27;
	v22 =	vadd.f32 v22, v51;
	v27 =	vperm.xlane v23, v2  }
0x25c: {  	v24 =	vadd.f32 v24, v28;
	v25 =	vadd.f32 v25, v52;
	v28 =	vperm.xlane v26, v2  }
0x25d: {  	v7 =	vadd.f32 v7, v29;
	v23 =	vadd.f32 v23, v27;
	v27 =	vperm.xlane v20, v2  }
0x25e: {  	v12 =	vadd.f32 v12, v30;
	v26 =	vadd.f32 v26, v28;
	v28 =	vperm.xlane v8, v3  }
0x25f: {  	v29 =	vperm.xlane v10, v3;
	v30 =	vperm.xlane v13, v3;
	v14 =	vadd.f32 v14, v31  }
0x260: {  	v31 =	vperm.xlane v15, v3;
	v60 =	vperm.xlane v16, v3;
	v20 =	vadd.f32 v20, v27  }
0x261: {  	v17 =	vadd.f32 v17, v54;
	v55 =	vperm.xlane v23, v3;
	v56 =	vperm.xlane v26, v3  }
0x262: {  	v9 =	vadd.f32 v9, v53;
	v27 =	vperm.xlane v11, v3;
	v57 =	vperm.xlane v20, v3  }
0x263: {  	v58 =	vperm.xlane v17, v3;
	v23 =	vadd.f32 v23, v55;
	v26 =	vadd.f32 v26, v56  }
0x264: {  	v59 =	vperm.xlane v14, v3;
	v8 =	vadd.f32 v8, v28;
	v20 =	vadd.f32 v20, v57  }
0x265: {  	v17 =	vadd.f32 v17, v58;
	v23 =	vsel vm1, v23, v26;
	v26 =	vperm.xlane v12, v3  }
0x266: {  	v14 =	vadd.f32 v14, v59;
	v20 =	vsel vm0, v23, v20;
	v23 =	vperm.xlane v7, v3  }
0x267: {  	v12 =	vadd.f32 v12, v26;
	v17 =	vsel vm4, v20, v17;
	v20 =	vperm.xlane v9, v3  }
0x268: {  	v14 =	vsel vm5, v17, v14;
	v7 =	vadd.f32 v7, v23;
	v17 =	vperm.xlane v24, v3  }
0x269: {  	v12 =	vsel vm6, v14, v12;
	v9 =	vadd.f32 v9, v20;
	v14 =	vperm.xlane v25, v3  }
0x26a: {  	v7 =	vsel vm7, v12, v7;
	v12 =	vadd.f32 v24, v17;
	v17 =	vperm.xlane v21, v3  }
0x26b: {  	v7 =	vsel vm8, v7, v9;
	v9 =	vadd.f32 v25, v14;
	v14 =	vperm.xlane v22, v3  }
0x26c: {  	v7 =	vsel vm9, v7, v12;
	v12 =	vadd.f32 v21, v17;
	v17 =	vperm.xlane v18, v3  }
0x26d: {  	v7 =	vsel vm10, v7, v9;
	v9 =	vadd.f32 v22, v14;
	v14 =	vperm.xlane v19, v3  }
0x26e: {  	v13 =	vadd.f32 v13, v30;
	v7 =	vsel vm11, v7, v12;
	v12 =	vadd.f32 v18, v17  }
0x26f: {  	v7 =	vsel vm12, v7, v9;
	v9 =	vadd.f32 v15, v31;
	v14 =	vadd.f32 v19, v14  }
0x270: {  	v11 =	vadd.f32 v11, v27;
	v7 =	vsel vm13, v7, v12;
	v12 =	vadd.f32 v16, v60  }
0x271: {  	v10 =	vadd.f32 v10, v29;
	v7 =	vsel vm14, v7, v9;
	v9 =	vnsel vm1, $0x0, v14  }
0x272: {  	v7 =	vsel vm15, v7, v11;
	v9 =	vsel vm3, v9, v12;
	vm3 =	vcmask $0x710  }
0x273: {  	v7 =	vsel vm2, v7, v8;
	v8 =	vsel vm3, v9, v13;
	vm3 =	vcmask $0xB10  }
0x274: {  	v8 =	vsel vm3, v8, v10;
	[tilespmem:v44+s0+$0x0] =	vst.idx.msk $0xffff, v7  }
0x275: {  	s12 =	sadd.s32 $0xA00, s12;
	[tilespmem:v46+s0+$0x0] =	vst.idx.msk $0xf, v8  }
0x276: {  	v8 =	vld [tilespmem:s12+$0x4B0]  }
0x277: {  	v9 =	vld [tilespmem:s12+$0x2B0]  }
0x278: {  	v10 =	vld [tilespmem:s12+$0x430]  }
0x279: {  	v21 =	vld [tilespmem:s12+$0x4A0]  }
0x27a: {  	v11 =	vld [tilespmem:s12+$0x230]  }
0x27b: {  	v22 =	vld [tilespmem:s12+$0x2A0]  }
0x27c: {  	v14 =	vld [tilespmem:s12+$0x3B0]  }
0x27d: {  	v23 =	vld [tilespmem:s12+$0x420]  }
0x27e: {  	v32 =	vld [tilespmem:s12+$0x480]  }
0x27f: {  	v5 =	vld [tilespmem:s12+$0x490]  }
0x280: {  	v15 =	vld [tilespmem:s12+$0x1B0]  }
0x281: {  	v24 =	vld [tilespmem:s12+$0x220]  }
0x282: {  	v61 =	vld [tilespmem:s12+$0x280]  }
0x283: {  	v6 =	vld [tilespmem:s12+$0x290]  }
0x284: {  	v18 =	vld [tilespmem:s12+$0x330]  }
0x285: {  	v26 =	vld [tilespmem:s12+$0x3A0]  }
0x286: {  	v34 =	vld [tilespmem:s12+$0x400]  }
0x287: {  	v31 =	vld [tilespmem:s12+$0x410]  }
0x288: {  	v19 =	vld [tilespmem:s12+$0x130]  }
0x289: {  	v27 =	vld [tilespmem:s12+$0x1A0]  }
0x28a: {  	v57 =	vld [tilespmem:s12+$0x200]  }
0x28b: {  	v36 =	vld [tilespmem:s12+$0x210]  }
0x28c: {  	v58 =	vld [tilespmem:s12+$0x320]  }
0x28d: {  	v59 =	vld [tilespmem:s12+$0x380]  }
0x28e: {  	v39 =	vld [tilespmem:s12+$0x390]  }
0x28f: {  	v25 =	vld [tilespmem:s12+$0xB0]  }
0x290: {  	v62 =	vld [tilespmem:s12+$0x120]  }
0x291: {  	v41 =	vld [tilespmem:s12+$0x180]  }
0x292: {  	v42 =	vld [tilespmem:s12+$0x190]  }
0x293: {  	s24 =	sadd.s32 $0x80, s24;
	v43 =	vld [tilespmem:s12+$0x300]  }
0x294: {  	v7 =	vld [tilespmem:s24+$0x10]  }
0x295: {  	v28 =	vld [tilespmem:s12+$0x30]  }
0x296: {  	v45 =	vld [tilespmem:s12+$0xA0]  }
0x297: {  	v46 =	vld [tilespmem:s12+$0x100]  }
0x298: {  	v29 =	vld [tilespmem:s12+$0xFFFFFFB0]  }
0x299: {  	v20 =	vld [tilespmem:s24+$0x0];
	v17 =	vmul.f32 v9, v7  }
0x29a: {  	v30 =	vld [tilespmem:s12+$0xFFFFFF30];
	v13 =	vmul.f32 v8, v7;
	v16 =	vmul.f32 v11, v7  }
0x29b: {  	v47 =	vld [tilespmem:s12+$0x20];
	v12 =	vmul.f32 v10, v7;
	v11 =	vmul.f32 v14, v7  }
0x29c: {  	v48 =	vld [tilespmem:s12+$0x80];
	v14 =	vmul.f32 v19, v7;
	v10 =	vmul.f32 v18, v7  }
0x29d: {  	v51 =	vld [tilespmem:s24+$0xFFFFFFE0];
	v0 =	vmul.f32 v28, v7;
	v19 =	vmul.f32 v25, v7  }
0x29e: {  	v49 =	vld [tilespmem:s12+$0x0];
	v9 =	vmul.f32 v29, v7;
	v25 =	vmul.f32 v21, v20  }
0x29f: {  	v50 =	vld [tilespmem:s12+$0xFFFFFF80];
	v29 =	vmul.f32 v24, v20;
	v24 =	vmul.f32 v23, v20  }
0x2a0: {  	v52 =	vld [tilespmem:s12+$0xFFFFFF00];
	v28 =	vmul.f32 v27, v20;
	v23 =	vmul.f32 v26, v20  }
0x2a1: {  	v53 =	vld [tilespmem:s12+$0xFFFFFE80];
	v27 =	vmul.f32 v62, v20;
	v21 =	vmul.f32 v47, v20  }
0x2a2: {  	v54 =	vld [tilespmem:s12+$0xFFFFFE00];
	v26 =	vmul.f32 v45, v20;
	v33 =	vmul.f32 v61, v51  }
0x2a3: {  	v63 =	vld [tilespmem:s12+$0xFFFFFD80];
	v32 =	vmul.f32 v32, v51;
	v35 =	vmul.f32 v57, v51  }
0x2a4: {  	v60 =	vld [tilespmem:s12+$0xFFFFFD00];
	v34 =	vmul.f32 v34, v51;
	v41 =	vmul.f32 v41, v51  }
0x2a5: {  	v55 =	vld [tilespmem:s12+$0xFFFFFB00];
	v38 =	vmul.f32 v59, v51;
	v46 =	vmul.f32 v46, v51  }
0x2a6: {  	v56 =	vld [tilespmem:s12+$0xFFFFFB80];
	v43 =	vmul.f32 v43, v51;
	v49 =	vmul.f32 v49, v51  }
0x2a7: {  	v62 =	vld [tilespmem:s12+$0xFFFFFC00];
	v48 =	vmul.f32 v48, v51;
	v52 =	vmul.f32 v52, v51  }
0x2a8: {  	v61 =	vld [tilespmem:s12+$0xFFFFFC80];
	v50 =	vmul.f32 v50, v51;
	v54 =	vmul.f32 v54, v51  }
0x2a9: {  	v57 =	vld [tilespmem:s24+$0xFFFFFFF0];
	v53 =	vmul.f32 v53, v51;
	v40 =	vmul.f32 v60, v51  }
0x2aa: {  	v44 =	vld [tilespmem:s12+$0x310];
	v37 =	vmul.f32 v63, v51;
	v55 =	vmul.f32 v55, v51  }
0x2ab: {  	v4 =	vld [tilespmem:s12+$0xFFFFFE90];
	[tilespmem:$0x1FFA0] =	vst v0;
	v0 =	vmul.f32 v30, v7;
	v30 =	vmul.f32 v22, v20  }
0x2ac: {  	s6 =	sadd.s32 s13, s9;
	v1 =	vlaneseq.u32;
	v60 =	vld [tilespmem:s12+$0x10];
	v22 =	vmul.f32 v58, v20;
	v47 =	vmul.f32 v62, v51  }
0x2ad: {  	v59 =	vld [tilespmem:s12+$0x90];
	v18 =	vadd.s32 s6, v1;
	s6 =	sadd.s32 $0x10, s6;
	v45 =	vmul.f32 v61, v51;
	v51 =	vmul.f32 v56, v51  }
0x2ae: {  	v8 =	vadd.s32 s6, v1;
	v1 =	vld [tilespmem:s12+$0xFFFFFC90];
	v62 =	vmul.f32 v6, v57;
	v63 =	vmul.f32 v5, v57  }
0x2af: {  	v58 =	vld [tilespmem:s12+$0x110];
	v36 =	vmul.f32 v36, v57;
	v31 =	vmul.f32 v31, v57  }
0x2b0: {  	[tilespmem:$0x1FFB0] =	vst v0;
	v0 =	vld [tilespmem:s12+$0xFFFFFD10];
	v42 =	vmul.f32 v42, v57;
	v39 =	vmul.f32 v39, v57  }
0x2b1: {  	v56 =	vld [tilespmem:s12+$0xFFFFFF90];
	v44 =	vmul.f32 v44, v57;
	v60 =	vmul.f32 v60, v57;
	v33 =	vadd.f32 v62, v33  }
0x2b2: {  	v61 =	vld [tilespmem:s12+$0xFFFFFF10];
	v4 =	vmul.f32 v4, v57;
	v35 =	vadd.f32 v36, v35;
	v32 =	vadd.f32 v63, v32  }
0x2b3: {  	v5 =	vld [tilespmem:s12+$0xFFFFFE10];
	v1 =	vmul.f32 v1, v57;
	v41 =	vadd.f32 v42, v41;
	v31 =	vadd.f32 v31, v34  }
0x2b4: {  	v6 =	vld [tilespmem:s12+$0xFFFFFD90];
	v58 =	vmul.f32 v58, v57;
	v38 =	vadd.f32 v39, v38;
	v43 =	vadd.f32 v44, v43  }
0x2b5: {  	v59 =	vmul.f32 v59, v57;
	v62 =	vld [tilespmem:s12+$0xFFFFFC10];
	v49 =	vadd.f32 v60, v49;
	v4 =	vadd.f32 v4, v53  }
0x2b6: {  	v36 =	vld [tilespmem:s12+$0xFFFFFB10];
	v1 =	vadd.f32 v1, v45;
	v42 =	vadd.f32 v58, v46  }
0x2b7: {  	v34 =	vld [tilespmem:s12+$0xFFFFFB90];
	v46 =	vadd.f32 v59, v48;
	v30 =	vadd.f32 v30, v33  }
0x2b8: {  	v39 =	vld [tilespmem:s12+$0xFFFFFFA0];
	v29 =	vadd.f32 v29, v35;
	v25 =	vadd.f32 v25, v32  }
0x2b9: {  	v44 =	vld [tilespmem:s12+$0xFFFFFF20];
	v0 =	vmul.f32 v0, v57;
	v28 =	vadd.f32 v28, v41;
	v24 =	vadd.f32 v24, v31  }
0x2ba: {  	v60 =	vld [tilespmem:s12+$0xFFFFFDA0];
	v23 =	vadd.f32 v23, v38;
	v22 =	vadd.f32 v22, v43  }
0x2bb: {  	v31 =	vld [tilespmem:s12+$0xFFFFFBA0];
	v21 =	vadd.f32 v21, v49;
	v56 =	vmul.f32 v56, v57;
	v0 =	vadd.f32 v0, v40  }
0x2bc: {  	v49 =	vld [tilespmem:s12+$0xFFFFFC30];
	v6 =	vmul.f32 v6, v57;
	v27 =	vadd.f32 v27, v42;
	v26 =	vadd.f32 v26, v46  }
0x2bd: {  	v61 =	vmul.f32 v61, v57;
	v17 =	vadd.f32 v17, v30;
	v48 =	vadd.f32 v56, v50;
	v56 =	vld [tilespmem:s12+$0xFFFFFEA0]  }
0x2be: {  	v15 =	vmul.f32 v15, v7;
	v16 =	vadd.f32 v16, v29;
	v6 =	vadd.f32 v6, v37;
	v37 =	vld [tilespmem:s12+$0xFFFFFE20]  }
0x2bf: {  	v5 =	vmul.f32 v5, v57;
	v13 =	vadd.f32 v13, v25;
	v52 =	vadd.f32 v61, v52;
	v61 =	vld [tilespmem:s12+$0xFFFFFD20]  }
0x2c0: {  	v15 =	vadd.f32 v15, v28;
	v12 =	vadd.f32 v12, v24;
	v63 =	vmul.f32 v62, v57;
	v62 =	vld [tilespmem:s12+$0xFFFFFCA0]  }
0x2c1: {  	v23 =	vadd.f32 v11, v23;
	v36 =	vmul.f32 v36, v57;
	v5 =	vadd.f32 v5, v54;
	v54 =	vld [tilespmem:s12+$0xFFFFFB20]  }
0x2c2: {  	v34 =	vmul.f32 v34, v57;
	v58 =	vmul.f32 v60, v20;
	v60 =	vld [tilespmem:s12+$0xFFFFFEB0];
	v14 =	vadd.f32 v14, v27  }
0x2c3: {  	v39 =	vmul.f32 v39, v20;
	v46 =	vmovc v8;
	v26 =	vadd.f32 v19, v26;
	v19 =	vadd.f32 v10, v22;
	v8 =	vld [tilespmem:$0x1FFA0]  }
0x2c4: {  	v44 =	vmul.f32 v44, v20;
	v36 =	vadd.f32 v36, v55;
	v45 =	vadd.f32 v63, v47;
	v63 =	vld [tilespmem:s12+$0xFFFFFC20]  }
0x2c5: {  	v34 =	vadd.f32 v34, v51;
	v39 =	vadd.f32 v39, v48;
	v48 =	vld [tilespmem:s12+$0xFFFFFD30];
	v11 =	vmul.f32 v49, v7  }
0x2c6: {  	v44 =	vadd.f32 v44, v52;
	v51 =	vmul.f32 v56, v20;
	v56 =	vld [tilespmem:$0x1FFD0];
	v55 =	vmul.f32 v37, v20  }
0x2c7: {  	v6 =	vadd.f32 v58, v6;
	v59 =	vmul.f32 v61, v20;
	v61 =	vmul.f32 v62, v20;
	v62 =	vld [tilespmem:s12+$0xFFFFFE30]  }
0x2c8: {  	v27 =	vadd.f32 v9, v39;
	v32 =	vmul.f32 v54, v20;
	v50 =	vmul.f32 v60, v7  }
0x2c9: {  	v9 =	vadd.f32 v8, v21;
	v8 =	vld [tilespmem:$0x1FFB0];
	v33 =	vmul.f32 v63, v20;
	v4 =	vadd.f32 v51, v4  }
0x2ca: {  	v63 =	vld [tilespmem:s12+$0xFFFFFDB0];
	v5 =	vadd.f32 v55, v5;
	v20 =	vmul.f32 v31, v20;
	v1 =	vadd.f32 v61, v1  }
0x2cb: {  	v31 =	vld [tilespmem:s12+$0xFFFFFCB0];
	v0 =	vadd.f32 v59, v0;
	v32 =	vadd.f32 v32, v36;
	v25 =	vmul.f32 v48, v7  }
0x2cc: {  	v51 =	vld [tilespmem:s12+$0xFFFFFB30];
	v33 =	vadd.f32 v33, v45;
	v52 =	vmul.f32 v62, v7;
	v21 =	vperm.xlane v16, v56  }
0x2cd: {  	v30 =	vld [tilespmem:s12+$0xFFFFFBB0];
	v0 =	vadd.f32 v25, v0;
	v22 =	vperm.xlane v12, v56;
	v25 =	vperm.xlane v15, v56  }
0x2ce: {  	v20 =	vadd.f32 v20, v34;
	v29 =	vperm.xlane v23, v56;
	v55 =	vperm.xlane v26, v56  }
0x2cf: {  	v60 =	vperm.xlane v27, v56;
	v28 =	vadd.f32 v8, v44;
	v8 =	vperm.xlane v17, v56  }
0x2d0: {  	v4 =	vadd.f32 v50, v4;
	v44 =	vmovc v18;
	v18 =	vperm.xlane v13, v56;
	v53 =	vmul.f32 v63, v7  }
0x2d1: {  	v54 =	vadd.f32 v11, v33;
	v24 =	vmul.f32 v31, v7;
	v10 =	vmul.f32 v51, v7  }
0x2d2: {  	v7 =	vmul.f32 v30, v7;
	v5 =	vadd.f32 v52, v5;
	v30 =	vperm.xlane v19, v56  }
0x2d3: {  	v31 =	vperm.xlane v9, v56;
	v11 =	vadd.f32 v16, v21;
	v15 =	vadd.f32 v15, v25  }
0x2d4: {  	v57 =	vld [tilespmem:$0x1FFE0];
	v16 =	vadd.f32 v23, v29;
	v25 =	vadd.f32 v27, v60;
	v59 =	vperm.xlane v28, v56  }
0x2d5: {  	v8 =	vadd.f32 v17, v8;
	v17 =	vperm.xlane v0, v56;
	v23 =	vperm.xlane v54, v56  }
0x2d6: {  	v6 =	vadd.f32 v53, v6;
	v1 =	vadd.f32 v24, v1;
	v24 =	vperm.xlane v14, v56  }
0x2d7: {  	v58 =	vadd.f32 v10, v32;
	v61 =	vadd.f32 v7, v20;
	v7 =	vperm.xlane v5, v56  }
0x2d8: {  	v20 =	vperm.xlane v4, v56;
	v10 =	vadd.f32 v13, v18;
	v19 =	vadd.f32 v19, v30  }
0x2d9: {  	v21 =	vadd.f32 v9, v31;
	v30 =	vperm.xlane v11, v57;
	v31 =	vperm.xlane v15, v57  }
0x2da: {  	v13 =	vadd.f32 v12, v22;
	v36 =	vperm.xlane v16, v57;
	v33 =	vperm.xlane v8, v57  }
0x2db: {  	v22 =	vadd.f32 v26, v55;
	v62 =	vperm.xlane v6, v56;
	v63 =	vperm.xlane v1, v56  }
0x2dc: {  	v18 =	vadd.f32 v14, v24;
	v29 =	vperm.xlane v58, v56;
	v24 =	vadd.f32 v28, v59  }
0x2dd: {  	p1 =	sne.s32 s13, $0x8C;
	v26 =	vperm.xlane v61, v56;
	v7 =	vadd.f32 v5, v7;
	v9 =	vadd.f32 v4, v20  }
.Ltmp8:
0x2de: {  	v34 =	vperm.xlane v10, v57;
	v14 =	vadd.f32 v0, v17;
	v35 =	vperm.xlane v13, v57;
	(pc) =	sbr.rel @p1 .LBB2_19-.Ltmp8, $4  }
0x2df: {  	v20 =	vadd.f32 v54, v23;
	v27 =	vperm.xlane v22, v57;
	v37 =	vperm.xlane v19, v57  }
0x2e0: {  	v28 =	vperm.xlane v25, v57;
	v38 =	vperm.xlane v21, v57;
	v12 =	vadd.f32 v6, v62  }
0x2e1: {  	v17 =	vadd.f32 v1, v63;
	v32 =	vperm.xlane v18, v57;
	v23 =	vadd.f32 v58, v29  }
0x2e2: {  	s13 =	sadd.s32 $0x14, s13;
	v26 =	vadd.f32 v61, v26;
	v29 =	vperm.xlane v9, v57;
	v39 =	vperm.xlane v24, v57  }
0x2e3: {  	v0 =	vperm.xlane v7, v57;
	v1 =	vadd.f32 v8, v33  }
0x2e4: {  	v4 =	vadd.f32 v10, v34;
	v5 =	vperm.xlane v12, v57;
	v6 =	vadd.f32 v11, v30  }
0x2e5: {  	v8 =	vadd.f32 v13, v35;
	v10 =	vperm.xlane v14, v57;
	v11 =	vadd.f32 v15, v31  }
0x2e6: {  	v13 =	vadd.f32 v16, v36;
	v15 =	vperm.xlane v17, v57;
	v16 =	vadd.f32 v18, v32  }
0x2e7: {  	v18 =	vadd.f32 v19, v37;
	v19 =	vperm.xlane v20, v57;
	v21 =	vadd.f32 v21, v38  }
0x2e8: {  	v22 =	vadd.f32 v22, v27;
	v27 =	vperm.xlane v23, v57;
	v25 =	vadd.f32 v25, v28  }
0x2e9: {  	v24 =	vadd.f32 v24, v39;
	v28 =	vperm.xlane v26, v57;
	v0 =	vadd.f32 v7, v0  }
0x2ea: {  	v7 =	vadd.f32 v9, v29;
	v5 =	vadd.f32 v12, v5;
	v9 =	vperm.xlane v1, v2  }
0x2eb: {  	v12 =	vperm.xlane v4, v2;
	v10 =	vadd.f32 v14, v10;
	v14 =	vperm.xlane v6, v2  }
0x2ec: {  	v29 =	vperm.xlane v8, v2;
	v15 =	vadd.f32 v17, v15;
	v17 =	vperm.xlane v11, v2  }
0x2ed: {  	v30 =	vperm.xlane v13, v2;
	v19 =	vadd.f32 v20, v19;
	v20 =	vperm.xlane v16, v2  }
0x2ee: {  	v31 =	vperm.xlane v18, v2;
	v23 =	vadd.f32 v23, v27;
	v27 =	vperm.xlane v21, v2  }
0x2ef: {  	vm3 =	vcmask $0x310;
	v54 =	vperm.xlane v22, v2;
	v55 =	vperm.xlane v25, v2  }
0x2f0: {  	v26 =	vadd.f32 v26, v28;
	v28 =	vperm.xlane v24, v2;
	v1 =	vadd.f32 v1, v9  }
0x2f1: {  	v58 =	vperm.xlane v7, v2;
	v4 =	vadd.f32 v4, v12;
	v6 =	vadd.f32 v6, v14  }
0x2f2: {  	v9 =	vperm.xlane v0, v2;
	v8 =	vadd.f32 v8, v29;
	v11 =	vadd.f32 v11, v17  }
0x2f3: {  	v12 =	vperm.xlane v5, v2;
	v13 =	vadd.f32 v13, v30;
	v16 =	vadd.f32 v16, v20  }
0x2f4: {  	v14 =	vperm.xlane v10, v2;
	v17 =	vadd.f32 v18, v31;
	v20 =	vadd.f32 v21, v27  }
0x2f5: {  	v21 =	vadd.f32 v22, v54;
	v22 =	vperm.xlane v23, v2;
	v25 =	vadd.f32 v25, v55  }
0x2f6: {  	v18 =	vperm.xlane v15, v2;
	v24 =	vadd.f32 v24, v28;
	v0 =	vadd.f32 v0, v9  }
0x2f7: {  	v27 =	vperm.xlane v26, v2;
	v7 =	vadd.f32 v7, v58;
	v9 =	vadd.f32 v23, v22  }
0x2f8: {  	v22 =	vperm.xlane v19, v2;
	v5 =	vadd.f32 v5, v12;
	v23 =	vperm.xlane v1, v3  }
0x2f9: {  	v10 =	vadd.f32 v10, v14;
	v14 =	vperm.xlane v11, v3;
	v12 =	vadd.f32 v26, v27  }
0x2fa: {  	v26 =	vperm.xlane v4, v3;
	v27 =	vperm.xlane v8, v3;
	v19 =	vadd.f32 v19, v22  }
0x2fb: {  	v15 =	vadd.f32 v15, v18;
	v28 =	vperm.xlane v9, v3;
	v29 =	vperm.xlane v12, v3  }
0x2fc: {  	v22 =	vperm.xlane v6, v3;
	v1 =	vadd.f32 v1, v23;
	v18 =	vperm.xlane v19, v3  }
0x2fd: {  	v9 =	vadd.f32 v9, v28;
	v28 =	vperm.xlane v15, v3;
	v12 =	vadd.f32 v12, v29  }
0x2fe: {  	v8 =	vadd.f32 v8, v27;
	v18 =	vadd.f32 v19, v18;
	v19 =	vperm.xlane v10, v3  }
0x2ff: {  	v9 =	vsel vm1, v9, v12;
	v12 =	vadd.f32 v15, v28;
	v15 =	vperm.xlane v5, v3  }
0x300: {  	v9 =	vsel vm0, v9, v18;
	v10 =	vadd.f32 v10, v19;
	v18 =	vperm.xlane v0, v3  }
0x301: {  	v9 =	vsel vm4, v9, v12;
	v5 =	vadd.f32 v5, v15;
	v12 =	vperm.xlane v7, v3  }
0x302: {  	v9 =	vsel vm5, v9, v10;
	v0 =	vadd.f32 v0, v18;
	v10 =	vperm.xlane v24, v3  }
0x303: {  	v5 =	vsel vm6, v9, v5;
	v7 =	vadd.f32 v7, v12;
	v9 =	vperm.xlane v25, v3  }
0x304: {  	v0 =	vsel vm7, v5, v0;
	v5 =	vadd.f32 v24, v10;
	v10 =	vperm.xlane v20, v3  }
0x305: {  	v0 =	vsel vm8, v0, v7;
	v7 =	vadd.f32 v25, v9;
	v9 =	vperm.xlane v21, v3  }
0x306: {  	v0 =	vsel vm9, v0, v5;
	v5 =	vadd.f32 v20, v10;
	v10 =	vperm.xlane v16, v3  }
0x307: {  	v0 =	vsel vm10, v0, v7;
	v7 =	vadd.f32 v21, v9;
	v9 =	vperm.xlane v17, v3  }
0x308: {  	v29 =	vperm.xlane v13, v3;
	v0 =	vsel vm11, v0, v5;
	v5 =	vadd.f32 v16, v10  }
0x309: {  	v0 =	vsel vm12, v0, v7;
	v7 =	vadd.f32 v11, v14;
	v9 =	vadd.f32 v17, v9  }
0x30a: {  	v0 =	vsel vm13, v0, v5;
	v5 =	vadd.f32 v6, v22;
	v6 =	vadd.f32 v13, v29  }
0x30b: {  	v4 =	vadd.f32 v4, v26;
	v0 =	vsel vm14, v0, v7;
	v7 =	vnsel vm1, $0x0, v9  }
0x30c: {  	v0 =	vsel vm15, v0, v5;
	v5 =	vsel vm3, v7, v6;
	vm3 =	vcmask $0x710  }
0x30d: {  	v0 =	vsel vm2, v0, v1;
	v1 =	vsel vm3, v5, v8;
	vm3 =	vcmask $0xB10  }
0x30e: {  	v1 =	vsel vm3, v1, v4;
	[tilespmem:v44+s0+$0x0] =	vst.idx.msk $0xffff, v0  }
0x30f: {  	s6 =	simm.s32 @p0 $0x3;
	[tilespmem:v46+s0+$0x0] =	vst.idx.msk $0xf, v1  }
0x310: {  	_ =	swait.ge @p0 [sflag:s6], $0x4000  }
0x311: {  	[sflag:s6] =	ssyncset.done @p0 $0x0  }
0x312: {  	[sflag:s6] =	ssyncadd.s32 @p0 $0xFFFFC000  }
0x313: {  	_ =	swait.ge @p0 [sflag:s6], $0x1000  }
0x314: {  	[sflag:s6] =	ssyncset.done @p0 $0x0  }
0x315: {  	[sflag:s6] =	ssyncadd.s32 @p0 $0xFFFFF000;
	s6 =	simm.s32 @!p0 $0x4  }
0x316: {  	_ =	swait.ge @!p0 [sflag:s6], $0xA0  }
0x317: {  	s12 =	simm.s32 @!p0 $0x1C400;
	[sflag:s6] =	ssyncset.done @!p0 $0x0  }
0x318: {  	s13 =	simm.s32 @!p0 $0x12400;
	[sflag:s6] =	ssyncadd.s32 @!p0 $0xFFFFFF60;
	s6 =	simm.s32 @!p0 $0x80  }
0x319: {  	[tilespmem:s13], [sflag:$0x2] =	stream.indirect.gather @!p0 [hbm4b:s3+s6], $0x80, s12, s6, $0xb8;
	[tilespmem:$0x1EF40] =	vst v63  }
0x31a: {  	s6 =	simm.s32 @!p0 $0x20;
	s12 =	simm.s32 @!p0 $0x1C480;
	s13 =	simm.s32 @!p0 $0x16400  }
0x31b: {  	[tilespmem:s13], [sflag:$0x2] =	stream.indirect.gather @!p0 [hbm4b:s3+s6], $0x80, s12, s6, $0xb8;
	[tilespmem:$0x1EF40] =	vst v63  }
0x31c: {  	s6 =	simm.s32 @!p0 $0x3  }
0x31d: {  	_ =	swait.ge @!p0 [sflag:s6], $0x4000  }
0x31e: {  	[sflag:s6] =	ssyncset.done @!p0 $0x0  }
0x31f: {  	[sflag:s6] =	ssyncadd.s32 @!p0 $0xFFFFC000  }
0x320: {  	_ =	swait.ge @!p0 [sflag:s6], $0x1000  }
0x321: {  	s9 =	sadd.s32 @!p0 s9, s11;
	[sflag:s6] =	ssyncset.done @!p0 $0x0  }
0x322: {  	[sflag:s6] =	ssyncadd.s32 @!p0 $0xFFFFF000;
	s6 =	sshrl.u32 @!p0 s9, $0x3  }
0x323: {  	s12 =	simm.s32 @!p0 $0x1C4A0;
	s9 =	simm.s32 @!p0 $0x0;
	s6 =	sadd.s32 @!p0 s5, s6  }
0x324: {  	[tilespmem:s12], [sflag:$0x5] =	stream.linear.gather @!p0 [hbm4b:s6+s9], $0xA0, $0x38;
	[tilespmem:$0x1EF40] =	vst v63  }
0x325: {  	s9 =	simm.s32 $0x17900  }
0x326: {  	v5 =	vld [tilespmem:s9+$0x4B0]  }
0x327: {  	v11 =	vld [tilespmem:s9+$0x2B0]  }
0x328: {  	v6 =	vld [tilespmem:s9+$0x430]  }
0x329: {  	v0 =	vld [tilespmem:s9+$0x4A0]  }
0x32a: {  	v10 =	vld [tilespmem:s9+$0x230]  }
0x32b: {  	v1 =	vld [tilespmem:s9+$0x2A0]  }
0x32c: {  	v7 =	vld [tilespmem:s9+$0x3B0]  }
0x32d: {  	v4 =	vld [tilespmem:s9+$0x420]  }
0x32e: {  	v13 =	vld [tilespmem:s9+$0x480]  }
0x32f: {  	v14 =	vld [tilespmem:s9+$0x490]  }
0x330: {  	v9 =	vld [tilespmem:s9+$0x1B0]  }
0x331: {  	v15 =	vld [tilespmem:s9+$0x220]  }
0x332: {  	v16 =	vld [tilespmem:s9+$0x280]  }
0x333: {  	v17 =	vld [tilespmem:s9+$0x290]  }
0x334: {  	v18 =	vld [tilespmem:s9+$0x3A0]  }
0x335: {  	v19 =	vld [tilespmem:s9+$0x400]  }
0x336: {  	v20 =	vld [tilespmem:s9+$0x410]  }
0x337: {  	v21 =	vld [tilespmem:s9+$0x1A0]  }
0x338: {  	v22 =	vld [tilespmem:s9+$0x200]  }
0x339: {  	v23 =	vld [tilespmem:s9+$0x210]  }
0x33a: {  	v25 =	vld [tilespmem:s9+$0x380]  }
0x33b: {  	v26 =	vld [tilespmem:s9+$0x390]  }
0x33c: {  	v28 =	vld [tilespmem:s9+$0x180]  }
0x33d: {  	v29 =	vld [tilespmem:s9+$0x190]  }
0x33e: {  	v30 =	vld [tilespmem:s9+$0x300]  }
0x33f: {  	v31 =	vld [tilespmem:s9+$0x310]  }
0x340: {  	v59 =	vld [tilespmem:s9+$0x100]  }
0x341: {  	v60 =	vld [tilespmem:s9+$0x80]  }
0x342: {  	v61 =	vld [tilespmem:s9+$0x0]  }
0x343: {  	v62 =	vld [tilespmem:s9+$0xFFFFFF80]  }
0x344: {  	v63 =	vld [tilespmem:s7+$0xFFFFFFD0]  }
0x345: {  	v52 =	vld [tilespmem:s9+$0xFFFFFF00]  }
0x346: {  	v53 =	vld [tilespmem:s9+$0xFFFFFE80]  }
0x347: {  	v54 =	vld [tilespmem:s9+$0xFFFFFE00]  }
0x348: {  	v40 =	vld [tilespmem:s9+$0xFFFFFD80]  }
0x349: {  	v41 =	vld [tilespmem:s9+$0xFFFFFD00]  }
0x34a: {  	v42 =	vld [tilespmem:s9+$0xFFFFFC80];
	v16 =	vmul.f32 v16, v63;
	v13 =	vmul.f32 v13, v63  }
0x34b: {  	v43 =	vld [tilespmem:s9+$0xFFFFFC00];
	v22 =	vmul.f32 v22, v63;
	v19 =	vmul.f32 v19, v63  }
0x34c: {  	v55 =	vld [tilespmem:s9+$0xFFFFFB00];
	v28 =	vmul.f32 v28, v63;
	v25 =	vmul.f32 v25, v63  }
0x34d: {  	v45 =	vld [tilespmem:s9+$0xFFFFFB80];
	v32 =	vmul.f32 v59, v63;
	v30 =	vmul.f32 v30, v63  }
0x34e: {  	v46 =	vld [tilespmem:s7+$0xFFFFFFE0];
	v34 =	vmul.f32 v61, v63;
	v33 =	vmul.f32 v60, v63  }
0x34f: {  	v47 =	vld [tilespmem:s9+$0x110];
	v37 =	vmul.f32 v52, v63;
	v35 =	vmul.f32 v62, v63  }
0x350: {  	v48 =	vld [tilespmem:s9+$0x90];
	v39 =	vmul.f32 v54, v63;
	v38 =	vmul.f32 v53, v63  }
0x351: {  	v50 =	vld [tilespmem:s9+$0xFFFFFF90];
	v41 =	vmul.f32 v41, v63;
	v40 =	vmul.f32 v40, v63  }
0x352: {  	v49 =	vld [tilespmem:s9+$0x10];
	v43 =	vmul.f32 v43, v63;
	v42 =	vmul.f32 v42, v63  }
0x353: {  	v51 =	vld [tilespmem:s9+$0xFFFFFF10];
	v17 =	vmul.f32 v17, v46;
	v44 =	vmul.f32 v55, v63  }
0x354: {  	v52 =	vld [tilespmem:s9+$0xFFFFFE90];
	v23 =	vmul.f32 v23, v46;
	v36 =	vmul.f32 v45, v63  }
0x355: {  	v14 =	vmul.f32 v14, v46;
	v20 =	vmul.f32 v20, v46;
	v61 =	vld [tilespmem:s9+$0xFFFFFB10]  }
0x356: {  	v29 =	vmul.f32 v29, v46;
	v60 =	vmul.f32 v50, v46;
	v50 =	vld [tilespmem:s7+$0xFFFFFFF0]  }
0x357: {  	v26 =	vmul.f32 v26, v46;
	v58 =	vmul.f32 v47, v46;
	v54 =	vld [tilespmem:s9+$0xFFFFFF20]  }
0x358: {  	v31 =	vmul.f32 v31, v46;
	v59 =	vmul.f32 v49, v46;
	v55 =	vld [tilespmem:s9+$0xFFFFFEA0];
	v16 =	vadd.f32 v17, v16  }
0x359: {  	v62 =	vmul.f32 v51, v46;
	v17 =	vld [tilespmem:s9+$0xFFFFFE10];
	v22 =	vadd.f32 v23, v22;
	v13 =	vadd.f32 v14, v13  }
0x35a: {  	v23 =	vld [tilespmem:s9+$0xFFFFFD90];
	v28 =	vadd.f32 v29, v28;
	v29 =	vmul.f32 v48, v46;
	v19 =	vadd.f32 v20, v19  }
0x35b: {  	v14 =	vld [tilespmem:s9+$0xFFFFFD10];
	v32 =	vadd.f32 v58, v32;
	v25 =	vadd.f32 v26, v25;
	v63 =	vmul.f32 v52, v46  }
0x35c: {  	v20 =	vld [tilespmem:s9+$0xFFFFFC90];
	v29 =	vadd.f32 v29, v33;
	v33 =	vmul.f32 v61, v46;
	v1 =	vmul.f32 v1, v50  }
0x35d: {  	v26 =	vld [tilespmem:s9+$0xFFFFFC10];
	v30 =	vadd.f32 v31, v30;
	v15 =	vmul.f32 v15, v50;
	v0 =	vmul.f32 v0, v50  }
0x35e: {  	v31 =	vld [tilespmem:s9+$0xFFFFFB90];
	v35 =	vadd.f32 v60, v35;
	v4 =	vmul.f32 v4, v50;
	v18 =	vmul.f32 v18, v50  }
0x35f: {  	v24 =	vld [tilespmem:s9+$0x320];
	v37 =	vadd.f32 v62, v37;
	v60 =	vmul.f32 v55, v50;
	v62 =	vmul.f32 v54, v50  }
0x360: {  	v27 =	vld [tilespmem:s9+$0x120];
	v34 =	vadd.f32 v59, v34;
	v23 =	vmul.f32 v23, v46;
	v17 =	vmul.f32 v17, v46  }
0x361: {  	v51 =	vld [tilespmem:s9+$0xA0];
	v38 =	vadd.f32 v63, v38;
	v14 =	vmul.f32 v14, v46;
	v20 =	vmul.f32 v20, v46  }
0x362: {  	v53 =	vld [tilespmem:s9+$0xFFFFFFA0];
	v26 =	vmul.f32 v26, v46;
	v33 =	vadd.f32 v33, v44;
	v1 =	vadd.f32 v1, v16  }
0x363: {  	v58 =	vld [tilespmem:s9+$0xFFFFFE20];
	v31 =	vmul.f32 v31, v46;
	v15 =	vadd.f32 v15, v22;
	v0 =	vadd.f32 v0, v13  }
0x364: {  	v52 =	vld [tilespmem:s9+$0x20];
	v16 =	vmul.f32 v21, v50;
	v4 =	vadd.f32 v4, v19;
	v18 =	vadd.f32 v18, v25  }
0x365: {  	v61 =	vld [tilespmem:s7+$0x0];
	v22 =	vmul.f32 v27, v50;
	v37 =	vadd.f32 v62, v37;
	v23 =	vadd.f32 v23, v40  }
0x366: {  	v8 =	vld [tilespmem:s9+$0x330];
	v27 =	vmul.f32 v51, v50;
	v17 =	vadd.f32 v17, v39;
	v20 =	vadd.f32 v20, v42  }
0x367: {  	v12 =	vld [tilespmem:s9+$0x130];
	v19 =	vmul.f32 v24, v50;
	v14 =	vadd.f32 v14, v41;
	v26 =	vadd.f32 v26, v43  }
0x368: {  	v48 =	vld [tilespmem:s9+$0xFFFFFB30];
	v25 =	vmul.f32 v53, v50;
	v31 =	vadd.f32 v31, v36;
	v16 =	vadd.f32 v16, v28  }
0x369: {  	v21 =	vld [tilespmem:s9+$0xFFFFFDA0];
	v22 =	vadd.f32 v22, v32;
	v36 =	vmul.f32 v58, v50;
	v59 =	vmul.f32 v52, v50  }
0x36a: {  	v13 =	vld [tilespmem:s9+$0xFFFFFD20];
	v27 =	vadd.f32 v27, v29;
	v11 =	vmul.f32 v11, v61;
	v10 =	vmul.f32 v10, v61  }
0x36b: {  	v24 =	vld [tilespmem:s9+$0xFFFFFC20];
	v19 =	vadd.f32 v19, v30;
	v5 =	vmul.f32 v5, v61;
	v6 =	vmul.f32 v6, v61  }
0x36c: {  	v28 =	vld [tilespmem:s9+$0xFFFFFCA0];
	v25 =	vadd.f32 v25, v35;
	v9 =	vmul.f32 v9, v61;
	v7 =	vmul.f32 v7, v61  }
0x36d: {  	v29 =	vld [tilespmem:s9+$0xFFFFFB20];
	v63 =	vadd.f32 v60, v38;
	v12 =	vmul.f32 v12, v61;
	v8 =	vmul.f32 v8, v61  }
0x36e: {  	v30 =	vld [tilespmem:s9+$0xFFFFFBA0];
	v17 =	vadd.f32 v36, v17;
	v21 =	vmul.f32 v21, v50;
	v32 =	vadd.f32 v59, v34  }
0x36f: {  	v41 =	vld [tilespmem:s9+$0xB0];
	v13 =	vmul.f32 v13, v50;
	v1 =	vadd.f32 v11, v1;
	v15 =	vadd.f32 v10, v15  }
0x370: {  	v42 =	vld [tilespmem:s9+$0xFFFFFFB0];
	v24 =	vmul.f32 v24, v50;
	v0 =	vadd.f32 v5, v0;
	v9 =	vadd.f32 v9, v16  }
0x371: {  	s13 =	sadd.s32 $0xFFFFFF60, s23;
	v4 =	vadd.f32 v6, v4;
	v12 =	vadd.f32 v12, v22;
	v5 =	vlaneseq.u32  }
0x372: {  	s24 =	sadd.s32 $0x140, s13;
	s6 =	sadd.s32 $0x150, s13;
	v11 =	vld [tilespmem:s9+$0xFFFFFDB0];
	v7 =	vadd.f32 v7, v18;
	v19 =	vadd.f32 v8, v19;
	v8 =	vmul.f32 v48, v61  }
0x373: {  	v10 =	vld [tilespmem:s9+$0xFFFFFD30];
	v45 =	vadd.s32 s24, v5;
	v46 =	vadd.s32 s6, v5;
	v28 =	vmul.f32 v28, v50  }
0x374: {  	v16 =	vld [tilespmem:s9+$0xFFFFFC30];
	v21 =	vadd.f32 v21, v23;
	v29 =	vmul.f32 v29, v50;
	v30 =	vmul.f32 v30, v50  }
0x375: {  	v18 =	vld [tilespmem:s9+$0xFFFFFBB0];
	v13 =	vadd.f32 v13, v14;
	v43 =	vmul.f32 v41, v61;
	v36 =	vmul.f32 v42, v61  }
0x376: {  	v23 =	vld [tilespmem:s9+$0x30];
	v24 =	vadd.f32 v24, v26;
	v51 =	vperm.xlane v9, v56;
	v52 =	vperm.xlane v7, v56  }
0x377: {  	v53 =	vperm.xlane v19, v56;
	v20 =	vadd.f32 v28, v20;
	v14 =	vadd.f32 v29, v33  }
0x378: {  	v28 =	vld [tilespmem:s9+$0xFFFFFF30];
	v26 =	vadd.f32 v30, v31;
	v27 =	vadd.f32 v43, v27;
	v11 =	vmul.f32 v11, v61  }
0x379: {  	v29 =	vld [tilespmem:s9+$0xFFFFFEB0];
	v25 =	vadd.f32 v36, v25;
	v10 =	vmul.f32 v10, v61;
	v16 =	vmul.f32 v16, v61  }
0x37a: {  	v30 =	vld [tilespmem:s9+$0xFFFFFE30];
	v19 =	vadd.f32 v19, v53;
	v18 =	vmul.f32 v18, v61;
	v55 =	vperm.xlane v27, v56  }
0x37b: {  	v31 =	vld [tilespmem:s9+$0xFFFFFCB0];
	v58 =	vadd.f32 v8, v14;
	v59 =	vperm.xlane v25, v56;
	v23 =	vmul.f32 v23, v61  }
0x37c: {  	v49 =	vadd.f32 v11, v21;
	v11 =	vperm.xlane v15, v56;
	v50 =	vadd.f32 v10, v13  }
0x37d: {  	v21 =	vperm.xlane v4, v56;
	v54 =	vadd.f32 v16, v24;
	v26 =	vadd.f32 v18, v26  }
0x37e: {  	v16 =	vadd.f32 v7, v52;
	v62 =	vperm.xlane v58, v56;
	v28 =	vmul.f32 v28, v61  }
0x37f: {  	v25 =	vadd.f32 v25, v59;
	v22 =	vmul.f32 v29, v61;
	v29 =	vmul.f32 v30, v61  }
0x380: {  	v30 =	vmul.f32 v31, v61;
	v23 =	vadd.f32 v23, v32;
	v11 =	vadd.f32 v15, v11  }
0x381: {  	v13 =	vadd.f32 v4, v21;
	v61 =	vperm.xlane v54, v56;
	v36 =	vperm.xlane v16, v57  }
0x382: {  	v31 =	vadd.f32 v22, v63;
	v17 =	vadd.f32 v29, v17;
	v22 =	vperm.xlane v1, v56  }
0x383: {  	v29 =	vperm.xlane v0, v56;
	v20 =	vadd.f32 v30, v20;
	v30 =	vperm.xlane v12, v56  }
0x384: {  	v28 =	vadd.f32 v28, v37;
	v24 =	vperm.xlane v23, v56;
	v63 =	vperm.xlane v26, v56  }
0x385: {  	v15 =	vadd.f32 v9, v51;
	v35 =	vperm.xlane v13, v57;
	v37 =	vperm.xlane v19, v57  }
0x386: {  	v14 =	vperm.xlane v28, v56;
	v60 =	vperm.xlane v17, v56;
	v8 =	vadd.f32 v1, v22  }
0x387: {  	v1 =	vperm.xlane v31, v56;
	v10 =	vadd.f32 v0, v29;
	v0 =	vperm.xlane v49, v56  }
0x388: {  	v29 =	vperm.xlane v50, v56;
	v18 =	vadd.f32 v12, v30;
	v21 =	vadd.f32 v23, v24  }
0x389: {  	v4 =	vperm.xlane v20, v56;
	v22 =	vadd.f32 v27, v55;
	v23 =	vadd.f32 v58, v62  }
0x38a: {  	v30 =	vperm.xlane v11, v57;
	v26 =	vadd.f32 v26, v63;
	v24 =	vadd.f32 v28, v14  }
0x38b: {  	v7 =	vadd.f32 v17, v60;
	v9 =	vadd.f32 v31, v1;
	v33 =	vperm.xlane v8, v57  }
0x38c: {  	v12 =	vadd.f32 v49, v0;
	v34 =	vperm.xlane v10, v57;
	v31 =	vperm.xlane v15, v57  }
0x38d: {  	v14 =	vadd.f32 v50, v29;
	v32 =	vperm.xlane v18, v57;
	v27 =	vperm.xlane v22, v57  }
0x38e: {  	v17 =	vadd.f32 v20, v4;
	v28 =	vperm.xlane v25, v57;
	v38 =	vperm.xlane v21, v57  }
0x38f: {  	s12 =	simm.s32 $0xFFFFFF74;
	s13 =	smov.u32 s7;
	v20 =	vadd.f32 v54, v61;
	v29 =	vperm.xlane v9, v57;
	v39 =	vperm.xlane v24, v57  }
.LBB2_21:
0x390: {  	v0 =	vperm.xlane v7, v57;
	v1 =	vadd.f32 v8, v33  }
0x391: {  	v4 =	vadd.f32 v10, v34;
	v8 =	vperm.xlane v12, v57;
	v10 =	vadd.f32 v11, v30  }
0x392: {  	v11 =	vadd.f32 v13, v35;
	v13 =	vperm.xlane v14, v57;
	v15 =	vadd.f32 v15, v31  }
0x393: {  	v16 =	vadd.f32 v16, v36;
	v30 =	vperm.xlane v17, v57;
	v18 =	vadd.f32 v18, v32  }
0x394: {  	v19 =	vadd.f32 v19, v37;
	v31 =	vperm.xlane v20, v57;
	v21 =	vadd.f32 v21, v38  }
0x395: {  	v22 =	vadd.f32 v22, v27;
	v27 =	vperm.xlane v23, v57;
	v24 =	vadd.f32 v24, v39  }
0x396: {  	v25 =	vadd.f32 v25, v28;
	v28 =	vperm.xlane v26, v57;
	v0 =	vadd.f32 v7, v0  }
0x397: {  	v7 =	vadd.f32 v9, v29;
	v8 =	vadd.f32 v12, v8;
	v9 =	vperm.xlane v1, v2  }
0x398: {  	v12 =	vperm.xlane v4, v2;
	v13 =	vadd.f32 v14, v13;
	v14 =	vperm.xlane v10, v2  }
0x399: {  	v29 =	vperm.xlane v11, v2;
	v17 =	vadd.f32 v17, v30;
	v30 =	vperm.xlane v15, v2  }
0x39a: {  	v58 =	vperm.xlane v16, v2;
	v20 =	vadd.f32 v20, v31;
	v31 =	vperm.xlane v18, v2  }
0x39b: {  	v59 =	vperm.xlane v19, v2;
	v23 =	vadd.f32 v23, v27;
	v27 =	vperm.xlane v21, v2  }
0x39c: {  	v60 =	vperm.xlane v22, v2;
	v26 =	vadd.f32 v26, v28;
	v28 =	vperm.xlane v24, v2  }
0x39d: {  	vm3 =	vcmask $0x310;
	v61 =	vperm.xlane v25, v2;
	v62 =	vperm.xlane v7, v2  }
0x39e: {  	v1 =	vadd.f32 v1, v9;
	v4 =	vadd.f32 v4, v12;
	v9 =	vperm.xlane v0, v2  }
0x39f: {  	v10 =	vadd.f32 v10, v14;
	v11 =	vadd.f32 v11, v29;
	v12 =	vperm.xlane v8, v2  }
0x3a0: {  	v14 =	vadd.f32 v15, v30;
	v15 =	vadd.f32 v16, v58;
	v16 =	vperm.xlane v13, v2  }
0x3a1: {  	v18 =	vadd.f32 v18, v31;
	v19 =	vadd.f32 v19, v59;
	v29 =	vperm.xlane v17, v2  }
0x3a2: {  	v21 =	vadd.f32 v21, v27;
	v22 =	vadd.f32 v22, v60;
	v27 =	vperm.xlane v23, v2  }
0x3a3: {  	v24 =	vadd.f32 v24, v28;
	v25 =	vadd.f32 v25, v61;
	v28 =	vperm.xlane v26, v2  }
0x3a4: {  	v0 =	vadd.f32 v0, v9;
	v9 =	vadd.f32 v23, v27;
	v23 =	vperm.xlane v20, v2  }
0x3a5: {  	v8 =	vadd.f32 v8, v12;
	v12 =	vadd.f32 v26, v28;
	v26 =	vperm.xlane v1, v3  }
0x3a6: {  	v7 =	vadd.f32 v7, v62;
	v27 =	vperm.xlane v4, v3;
	v28 =	vperm.xlane v11, v3  }
0x3a7: {  	v13 =	vadd.f32 v13, v16;
	v16 =	vperm.xlane v14, v3;
	v20 =	vadd.f32 v20, v23  }
0x3a8: {  	v17 =	vadd.f32 v17, v29;
	v30 =	vperm.xlane v9, v3;
	v31 =	vperm.xlane v12, v3  }
0x3a9: {  	v23 =	vperm.xlane v10, v3;
	v1 =	vadd.f32 v1, v26;
	v29 =	vperm.xlane v20, v3  }
0x3aa: {  	v9 =	vadd.f32 v9, v30;
	v12 =	vadd.f32 v12, v31;
	v30 =	vperm.xlane v17, v3  }
0x3ab: {  	v4 =	vadd.f32 v4, v27;
	v20 =	vadd.f32 v20, v29;
	v29 =	vperm.xlane v13, v3  }
0x3ac: {  	v9 =	vsel vm1, v9, v12;
	v12 =	vadd.f32 v17, v30;
	v17 =	vperm.xlane v8, v3  }
0x3ad: {  	v9 =	vsel vm0, v9, v20;
	v13 =	vadd.f32 v13, v29;
	v20 =	vperm.xlane v0, v3  }
0x3ae: {  	v8 =	vadd.f32 v8, v17;
	v9 =	vsel vm4, v9, v12;
	v12 =	vperm.xlane v7, v3  }
0x3af: {  	v9 =	vsel vm5, v9, v13;
	v0 =	vadd.f32 v0, v20;
	v13 =	vperm.xlane v24, v3  }
0x3b0: {  	v8 =	vsel vm6, v9, v8;
	v7 =	vadd.f32 v7, v12;
	v9 =	vperm.xlane v25, v3  }
0x3b1: {  	v12 =	vperm.xlane v21, v3;
	v0 =	vsel vm7, v8, v0;
	v8 =	vadd.f32 v24, v13  }
0x3b2: {  	v0 =	vsel vm8, v0, v7;
	v7 =	vadd.f32 v25, v9;
	v9 =	vperm.xlane v22, v3  }
0x3b3: {  	v0 =	vsel vm9, v0, v8;
	v8 =	vadd.f32 v21, v12;
	v12 =	vperm.xlane v18, v3  }
0x3b4: {  	v0 =	vsel vm10, v0, v7;
	v7 =	vadd.f32 v22, v9;
	v9 =	vperm.xlane v19, v3  }
0x3b5: {  	v31 =	vperm.xlane v15, v3;
	v0 =	vsel vm11, v0, v8;
	v8 =	vadd.f32 v18, v12  }
0x3b6: {  	v0 =	vsel vm12, v0, v7;
	v7 =	vadd.f32 v14, v16;
	v9 =	vadd.f32 v19, v9  }
0x3b7: {  	v0 =	vsel vm13, v0, v8;
	v8 =	vadd.f32 v10, v23;
	v10 =	vadd.f32 v15, v31  }
0x3b8: {  	v0 =	vsel vm14, v0, v7;
	v7 =	vnsel vm1, $0x0, v9;
	v9 =	vadd.f32 v11, v28  }
0x3b9: {  	v0 =	vsel vm15, v0, v8;
	v7 =	vsel vm3, v7, v10;
	vm3 =	vcmask $0x710  }
0x3ba: {  	v0 =	vsel vm2, v0, v1;
	v1 =	vsel vm3, v7, v9;
	vm3 =	vcmask $0xB10  }
0x3bb: {  	v1 =	vsel vm3, v1, v4;
	[tilespmem:v45+s0+$0x0] =	vst.idx.msk $0xffff, v0  }
0x3bc: {  	s9 =	sadd.s32 $0xA00, s9;
	[tilespmem:v46+s0+$0x0] =	vst.idx.msk $0xf, v1  }
0x3bd: {  	v0 =	vld [tilespmem:s9+$0x4B0]  }
0x3be: {  	v1 =	vld [tilespmem:s9+$0x2B0]  }
0x3bf: {  	v4 =	vld [tilespmem:s9+$0x430]  }
0x3c0: {  	v21 =	vld [tilespmem:s9+$0x4A0]  }
0x3c1: {  	v8 =	vld [tilespmem:s9+$0x230]  }
0x3c2: {  	v22 =	vld [tilespmem:s9+$0x2A0]  }
0x3c3: {  	v9 =	vld [tilespmem:s9+$0x3B0]  }
0x3c4: {  	v23 =	vld [tilespmem:s9+$0x420]  }
0x3c5: {  	v63 =	vld [tilespmem:s9+$0x480]  }
0x3c6: {  	v5 =	vld [tilespmem:s9+$0x490]  }
0x3c7: {  	v10 =	vld [tilespmem:s9+$0x1B0]  }
0x3c8: {  	v24 =	vld [tilespmem:s9+$0x220]  }
0x3c9: {  	v54 =	vld [tilespmem:s9+$0x280]  }
0x3ca: {  	v6 =	vld [tilespmem:s9+$0x290]  }
0x3cb: {  	v18 =	vld [tilespmem:s9+$0x330]  }
0x3cc: {  	v26 =	vld [tilespmem:s9+$0x3A0]  }
0x3cd: {  	v55 =	vld [tilespmem:s9+$0x400]  }
0x3ce: {  	v31 =	vld [tilespmem:s9+$0x410]  }
0x3cf: {  	v14 =	vld [tilespmem:s9+$0x130]  }
0x3d0: {  	v27 =	vld [tilespmem:s9+$0x1A0]  }
0x3d1: {  	v56 =	vld [tilespmem:s9+$0x200]  }
0x3d2: {  	v36 =	vld [tilespmem:s9+$0x210]  }
0x3d3: {  	v57 =	vld [tilespmem:s9+$0x320]  }
0x3d4: {  	v58 =	vld [tilespmem:s9+$0x380]  }
0x3d5: {  	v39 =	vld [tilespmem:s9+$0x390]  }
0x3d6: {  	v19 =	vld [tilespmem:s9+$0xB0]  }
0x3d7: {  	v40 =	vld [tilespmem:s9+$0x120]  }
0x3d8: {  	v41 =	vld [tilespmem:s9+$0x180]  }
0x3d9: {  	s13 =	sadd.s32 $0x80, s13;
	v42 =	vld [tilespmem:s9+$0x190]  }
0x3da: {  	v7 =	vld [tilespmem:s13+$0x0]  }
0x3db: {  	v43 =	vld [tilespmem:s9+$0x300]  }
0x3dc: {  	v25 =	vld [tilespmem:s9+$0x30]  }
0x3dd: {  	v45 =	vld [tilespmem:s9+$0xA0]  }
0x3de: {  	v28 =	vld [tilespmem:s9+$0xFFFFFFB0]  }
0x3df: {  	v20 =	vld [tilespmem:s13+$0xFFFFFFF0];
	v17 =	vmul.f32 v1, v7  }
0x3e0: {  	v46 =	vld [tilespmem:s9+$0x100];
	v13 =	vmul.f32 v0, v7;
	v16 =	vmul.f32 v8, v7  }
0x3e1: {  	v48 =	vld [tilespmem:s13+$0xFFFFFFD0];
	v12 =	vmul.f32 v4, v7;
	v15 =	vmul.f32 v10, v7  }
0x3e2: {  	v29 =	vld [tilespmem:s9+$0xFFFFFF30];
	v11 =	vmul.f32 v9, v7;
	v10 =	vmul.f32 v18, v7  }
0x3e3: {  	v49 =	vld [tilespmem:s9+$0xFFFFFF00];
	v8 =	vmul.f32 v25, v7;
	v18 =	vmul.f32 v28, v7  }
0x3e4: {  	v50 =	vld [tilespmem:s9+$0xFFFFFE80];
	v30 =	vmul.f32 v22, v20;
	v25 =	vmul.f32 v21, v20  }
0x3e5: {  	v51 =	vld [tilespmem:s9+$0xFFFFFE00];
	v28 =	vmul.f32 v27, v20;
	v27 =	vmul.f32 v40, v20  }
0x3e6: {  	v59 =	vld [tilespmem:s9+$0xFFFFFD80];
	v22 =	vmul.f32 v57, v20;
	v33 =	vmul.f32 v54, v48  }
0x3e7: {  	v60 =	vld [tilespmem:s9+$0xFFFFFC80];
	v32 =	vmul.f32 v63, v48;
	v35 =	vmul.f32 v56, v48  }
0x3e8: {  	v61 =	vld [tilespmem:s9+$0xFFFFFC00];
	v34 =	vmul.f32 v55, v48;
	v41 =	vmul.f32 v41, v48  }
0x3e9: {  	v0 =	vld [tilespmem:s9+$0x20];
	v38 =	vmul.f32 v58, v48;
	v46 =	vmul.f32 v46, v48  }
0x3ea: {  	v1 =	vld [tilespmem:s9+$0x80];
	v43 =	vmul.f32 v43, v48;
	v49 =	vmul.f32 v49, v48  }
0x3eb: {  	v4 =	vld [tilespmem:s9+$0x0];
	v51 =	vmul.f32 v51, v48;
	v50 =	vmul.f32 v50, v48  }
0x3ec: {  	v54 =	vld [tilespmem:s13+$0xFFFFFFE0];
	v37 =	vmul.f32 v59, v48;
	v40 =	vmul.f32 v60, v48  }
0x3ed: {  	v44 =	vld [tilespmem:s9+$0x310];
	[tilespmem:$0x1FF80] =	vst v8;
	v8 =	vmul.f32 v29, v7;
	v29 =	vmul.f32 v24, v20  }
0x3ee: {  	v55 =	vld [tilespmem:s9+$0x110];
	v24 =	vmul.f32 v23, v20;
	v23 =	vmul.f32 v26, v20  }
0x3ef: {  	v56 =	vld [tilespmem:s9+$0x90];
	v26 =	vmul.f32 v45, v20;
	v45 =	vmul.f32 v61, v48  }
0x3f0: {  	v57 =	vld [tilespmem:s9+$0x10];
	v21 =	vmul.f32 v0, v20;
	v4 =	vmul.f32 v4, v48  }
0x3f1: {  	v58 =	vld [tilespmem:s9+$0xFFFFFF10];
	v1 =	vmul.f32 v1, v48;
	v59 =	vmul.f32 v6, v54  }
0x3f2: {  	v47 =	vld [tilespmem:s9+$0xFFFFFF80];
	v60 =	vmul.f32 v5, v54;
	v36 =	vmul.f32 v36, v54  }
0x3f3: {  	v52 =	vld [tilespmem:s9+$0xFFFFFB00];
	v31 =	vmul.f32 v31, v54;
	v42 =	vmul.f32 v42, v54  }
0x3f4: {  	v61 =	vld [tilespmem:s9+$0xFFFFFE90];
	v39 =	vmul.f32 v39, v54;
	v55 =	vmul.f32 v55, v54  }
0x3f5: {  	s6 =	sadd.s32 s12, s23;
	v63 =	vld [tilespmem:s9+$0xFFFFFD90];
	v44 =	vmul.f32 v44, v54;
	v6 =	vlaneseq.u32;
	v57 =	vmul.f32 v57, v54  }
0x3f6: {  	s24 =	sadd.s32 $0x140, s6;
	v62 =	vld [tilespmem:s9+$0xFFFFFE10];
	v56 =	vmul.f32 v56, v54;
	v58 =	vmul.f32 v58, v54;
	v33 =	vadd.f32 v59, v33  }
0x3f7: {  	s6 =	sadd.s32 $0x150, s6;
	v53 =	vld [tilespmem:s9+$0xFFFFFB80];
	v9 =	vmovc v3;
	v3 =	vadd.s32 s24, v6;
	v35 =	vadd.f32 v36, v35;
	v32 =	vadd.f32 v60, v32  }
0x3f8: {  	[tilespmem:$0x1FF90] =	vst v8;
	v0 =	vld [tilespmem:s9+$0xFFFFFD00];
	v8 =	vmovc v2;
	v2 =	vadd.s32 s6, v6;
	v41 =	vadd.f32 v42, v41;
	v31 =	vadd.f32 v31, v34  }
0x3f9: {  	v5 =	vld [tilespmem:s9+$0xFFFFFD10];
	v61 =	vmul.f32 v61, v54;
	v46 =	vadd.f32 v55, v46;
	v38 =	vadd.f32 v39, v38  }
0x3fa: {  	v6 =	vld [tilespmem:s9+$0xFFFFFC90];
	v42 =	vmul.f32 v63, v54;
	v1 =	vadd.f32 v56, v1;
	v43 =	vadd.f32 v44, v43  }
0x3fb: {  	v59 =	vld [tilespmem:s9+$0xFFFFFC10];
	v60 =	vmul.f32 v62, v54;
	v4 =	vadd.f32 v57, v4;
	v49 =	vadd.f32 v58, v49  }
0x3fc: {  	v36 =	vld [tilespmem:s9+$0xFFFFFB10];
	v50 =	vadd.f32 v61, v50;
	v37 =	vadd.f32 v42, v37  }
0x3fd: {  	v34 =	vld [tilespmem:s9+$0xFFFFFB90];
	v51 =	vadd.f32 v60, v51;
	v30 =	vadd.f32 v30, v33  }
0x3fe: {  	v14 =	vmul.f32 v14, v7;
	v39 =	vld [tilespmem:s9+$0xFFFFFFA0];
	v29 =	vadd.f32 v29, v35;
	v25 =	vadd.f32 v25, v32  }
0x3ff: {  	v19 =	vmul.f32 v19, v7;
	v56 =	vld [tilespmem:$0x1FFD0];
	v28 =	vadd.f32 v28, v41;
	v24 =	vadd.f32 v24, v31  }
0x400: {  	v47 =	vmul.f32 v47, v48;
	v44 =	vld [tilespmem:s9+$0xFFFFFF20];
	v27 =	vadd.f32 v27, v46;
	v23 =	vadd.f32 v23, v38  }
0x401: {  	v52 =	vmul.f32 v52, v48;
	v63 =	vld [tilespmem:s9+$0xFFFFFEA0];
	v1 =	vadd.f32 v26, v1;
	v22 =	vadd.f32 v22, v43  }
0x402: {  	v55 =	vld [tilespmem:s9+$0xFFFFFB20];
	v4 =	vadd.f32 v21, v4;
	v0 =	vmul.f32 v0, v48;
	v17 =	vadd.f32 v17, v30  }
0x403: {  	v60 =	vld [tilespmem:s9+$0xFFFFFD20];
	v48 =	vmul.f32 v53, v48;
	v16 =	vadd.f32 v16, v29;
	v13 =	vadd.f32 v13, v25  }
0x404: {  	v61 =	vld [tilespmem:s9+$0xFFFFFCA0];
	v5 =	vmul.f32 v5, v54;
	v15 =	vadd.f32 v15, v28;
	v12 =	vadd.f32 v12, v24  }
0x405: {  	v31 =	vld [tilespmem:s9+$0xFFFFFBA0];
	v6 =	vmul.f32 v6, v54;
	v14 =	vadd.f32 v14, v27;
	v23 =	vadd.f32 v11, v23  }
0x406: {  	v53 =	vld [tilespmem:s9+$0xFFFFFF90];
	v46 =	vmovc v2;
	v1 =	vadd.f32 v19, v1;
	v62 =	vmul.f32 v59, v54;
	v36 =	vmul.f32 v36, v54  }
0x407: {  	v2 =	vmovc v8;
	v19 =	vadd.f32 v10, v22;
	v8 =	vld [tilespmem:$0x1FF80];
	v34 =	vmul.f32 v34, v54;
	v39 =	vmul.f32 v39, v20  }
0x408: {  	v59 =	vld [tilespmem:s9+$0xFFFFFE20];
	v0 =	vadd.f32 v5, v0;
	v44 =	vmul.f32 v44, v20;
	v63 =	vmul.f32 v63, v20  }
0x409: {  	v5 =	vld [tilespmem:s9+$0xFFFFFDA0];
	v32 =	vmul.f32 v55, v20;
	v6 =	vadd.f32 v6, v40;
	v22 =	vperm.xlane v16, v56  }
0x40a: {  	v36 =	vadd.f32 v36, v52;
	v40 =	vadd.f32 v62, v45;
	v62 =	vld [tilespmem:s9+$0xFFFFFC20];
	v26 =	vmul.f32 v61, v20  }
0x40b: {  	v34 =	vadd.f32 v34, v48;
	v61 =	vld [tilespmem:s9+$0xFFFFFE30];
	v63 =	vadd.f32 v63, v50;
	v53 =	vmul.f32 v53, v54  }
0x40c: {  	v55 =	vperm.xlane v1, v56;
	v44 =	vadd.f32 v44, v49;
	v48 =	vld [tilespmem:s9+$0xFFFFFD30];
	v6 =	vadd.f32 v26, v6  }
0x40d: {  	v49 =	vld [tilespmem:s9+$0xFFFFFC30];
	v26 =	vadd.f32 v32, v36;
	v47 =	vadd.f32 v53, v47;
	v58 =	vmul.f32 v59, v20  }
0x40e: {  	v4 =	vadd.f32 v8, v4;
	v8 =	vld [tilespmem:$0x1FF90];
	v5 =	vmul.f32 v5, v20;
	v59 =	vmul.f32 v60, v20  }
0x40f: {  	v53 =	vperm.xlane v19, v56;
	v39 =	vadd.f32 v39, v47;
	v21 =	vmul.f32 v62, v20  }
0x410: {  	v57 =	vld [tilespmem:$0x1FFE0];
	v5 =	vadd.f32 v5, v37;
	v35 =	vadd.f32 v58, v51;
	v20 =	vmul.f32 v31, v20  }
0x411: {  	v60 =	vld [tilespmem:s9+$0xFFFFFEB0];
	v0 =	vadd.f32 v59, v0;
	v52 =	vmul.f32 v61, v7;
	v19 =	vadd.f32 v19, v53  }
0x412: {  	v30 =	vld [tilespmem:s9+$0xFFFFFBB0];
	v25 =	vmul.f32 v48, v7;
	v21 =	vadd.f32 v21, v40;
	v20 =	vadd.f32 v20, v34  }
0x413: {  	v62 =	vld [tilespmem:s9+$0xFFFFFDB0];
	v11 =	vmul.f32 v49, v7;
	v27 =	vadd.f32 v18, v39;
	v28 =	vadd.f32 v8, v44  }
0x414: {  	v31 =	vld [tilespmem:s9+$0xFFFFFCB0];
	v29 =	vadd.f32 v52, v35;
	v8 =	vperm.xlane v17, v56;
	v18 =	vperm.xlane v13, v56  }
0x415: {  	v51 =	vld [tilespmem:s9+$0xFFFFFB30];
	v0 =	vadd.f32 v25, v0;
	v25 =	vperm.xlane v15, v56;
	v37 =	vperm.xlane v19, v57  }
0x416: {  	v50 =	vmul.f32 v60, v7;
	v54 =	vadd.f32 v11, v21;
	v21 =	vperm.xlane v4, v56  }
0x417: {  	v58 =	vperm.xlane v28, v56;
	v59 =	vperm.xlane v27, v56;
	v8 =	vadd.f32 v17, v8  }
0x418: {  	v17 =	vperm.xlane v0, v56;
	v11 =	vadd.f32 v16, v22;
	v15 =	vadd.f32 v15, v25  }
0x419: {  	v45 =	vmovc v3;
	v22 =	vadd.f32 v1, v55;
	v33 =	vmul.f32 v62, v7;
	v24 =	vmul.f32 v31, v7  }
0x41a: {  	v3 =	vmovc v9;
	v10 =	vmul.f32 v51, v7;
	v7 =	vmul.f32 v30, v7;
	v9 =	vadd.f32 v50, v63  }
0x41b: {  	v30 =	vperm.xlane v12, v56;
	v31 =	vperm.xlane v23, v56;
	v21 =	vadd.f32 v4, v21  }
0x41c: {  	v25 =	vadd.f32 v27, v59;
	v27 =	vperm.xlane v22, v57;
	v5 =	vadd.f32 v33, v5  }
0x41d: {  	v6 =	vadd.f32 v24, v6;
	v24 =	vperm.xlane v14, v56;
	v26 =	vadd.f32 v10, v26  }
0x41e: {  	v60 =	vadd.f32 v7, v20;
	v7 =	vperm.xlane v29, v56;
	v20 =	vperm.xlane v9, v56  }
0x41f: {  	v10 =	vadd.f32 v13, v18;
	v16 =	vadd.f32 v23, v31;
	v23 =	vperm.xlane v54, v56  }
0x420: {  	v13 =	vadd.f32 v12, v30;
	v33 =	vperm.xlane v8, v57;
	v30 =	vperm.xlane v11, v57  }
0x421: {  	v31 =	vperm.xlane v15, v57;
	v38 =	vperm.xlane v21, v57  }
0x422: {  	v61 =	vperm.xlane v5, v56;
	v62 =	vperm.xlane v6, v56;
	v18 =	vadd.f32 v14, v24  }
0x423: {  	p0 =	sne.s32 s12, $0xFFFFFFEC;
	v63 =	vperm.xlane v26, v56;
	v1 =	vperm.xlane v60, v56;
	v24 =	vadd.f32 v28, v58  }
.Ltmp9:
0x424: {  	v7 =	vadd.f32 v29, v7;
	v9 =	vadd.f32 v9, v20;
	v34 =	vperm.xlane v10, v57;
	(pc) =	sbr.rel @p0 .LBB2_21-.Ltmp9, $4  }
0x425: {  	v14 =	vadd.f32 v0, v17;
	v35 =	vperm.xlane v13, v57;
	v36 =	vperm.xlane v16, v57  }
0x426: {  	v20 =	vadd.f32 v54, v23;
	v28 =	vperm.xlane v25, v57;
	v12 =	vadd.f32 v5, v61  }
0x427: {  	v17 =	vadd.f32 v6, v62;
	v32 =	vperm.xlane v18, v57;
	v23 =	vadd.f32 v26, v63  }
0x428: {  	s12 =	sadd.s32 $0x14, s12;
	v26 =	vadd.f32 v60, v1;
	v29 =	vperm.xlane v9, v57;
	v39 =	vperm.xlane v24, v57  }
0x429: {  	v0 =	vperm.xlane v7, v57  }
0x42a: {  	v1 =	vadd.f32 v8, v33;
	v4 =	vadd.f32 v10, v34;
	v5 =	vperm.xlane v12, v57  }
0x42b: {  	v6 =	vadd.f32 v11, v30;
	v55 =	vadd.f32 v13, v35;
	v58 =	vperm.xlane v14, v57  }
0x42c: {  	v59 =	vadd.f32 v15, v31;
	v60 =	vadd.f32 v16, v36;
	v61 =	vperm.xlane v17, v57  }
0x42d: {  	v62 =	vadd.f32 v18, v32;
	v63 =	vadd.f32 v19, v37;
	v34 =	vperm.xlane v20, v57  }
0x42e: {  	v21 =	vadd.f32 v21, v38;
	v22 =	vadd.f32 v22, v27;
	v35 =	vperm.xlane v23, v57  }
0x42f: {  	v25 =	vadd.f32 v25, v28;
	v24 =	vadd.f32 v24, v39;
	v36 =	vperm.xlane v26, v57  }
0x430: {  	v37 =	vadd.f32 v9, v29;
	v0 =	vadd.f32 v7, v0;
	v38 =	vperm.xlane v1, v2  }
0x431: {  	v5 =	vadd.f32 v12, v5;
	v39 =	vperm.xlane v4, v2;
	v40 =	vperm.xlane v6, v2  }
0x432: {  	v10 =	vadd.f32 v14, v58;
	v41 =	vperm.xlane v55, v2;
	v42 =	vperm.xlane v59, v2  }
0x433: {  	v15 =	vadd.f32 v17, v61;
	v43 =	vperm.xlane v60, v2;
	v44 =	vperm.xlane v62, v2  }
0x434: {  	v19 =	vadd.f32 v20, v34;
	v47 =	vperm.xlane v63, v2;
	v48 =	vperm.xlane v21, v2  }
0x435: {  	v23 =	vadd.f32 v23, v35;
	v49 =	vperm.xlane v22, v2;
	v51 =	vperm.xlane v25, v2  }
0x436: {  	v26 =	vadd.f32 v26, v36;
	v50 =	vperm.xlane v24, v2;
	v52 =	vperm.xlane v37, v2  }
0x437: {  	v1 =	vadd.f32 v1, v38;
	v4 =	vadd.f32 v4, v39;
	v53 =	vperm.xlane v0, v2  }
0x438: {  	v6 =	vadd.f32 v6, v40;
	v8 =	vadd.f32 v55, v41;
	v54 =	vperm.xlane v5, v2  }
0x439: {  	v11 =	vadd.f32 v59, v42;
	v13 =	vadd.f32 v60, v43;
	v55 =	vperm.xlane v10, v2  }
0x43a: {  	v16 =	vadd.f32 v62, v44;
	v17 =	vadd.f32 v63, v47;
	v58 =	vperm.xlane v15, v2  }
0x43b: {  	v59 =	vadd.f32 v21, v48;
	v60 =	vadd.f32 v22, v49;
	v61 =	vperm.xlane v23, v2  }
0x43c: {  	v25 =	vadd.f32 v25, v51;
	v32 =	vperm.xlane v19, v2;
	v24 =	vadd.f32 v24, v50  }
0x43d: {  	v62 =	vperm.xlane v26, v2;
	v7 =	vadd.f32 v37, v52;
	v0 =	vadd.f32 v0, v53  }
0x43e: {  	v63 =	vadd.f32 v23, v61;
	v5 =	vadd.f32 v5, v54;
	v34 =	vperm.xlane v1, v3  }
0x43f: {  	v35 =	vperm.xlane v4, v3;
	v36 =	vperm.xlane v6, v3;
	v33 =	vadd.f32 v26, v62  }
0x440: {  	v19 =	vadd.f32 v19, v32;
	v37 =	vperm.xlane v8, v3;
	v41 =	vperm.xlane v11, v3  }
0x441: {  	v15 =	vadd.f32 v15, v58;
	v38 =	vperm.xlane v63, v3;
	v39 =	vperm.xlane v33, v3  }
0x442: {  	v10 =	vadd.f32 v10, v55;
	v44 =	vperm.xlane v13, v3;
	v40 =	vperm.xlane v19, v3  }
0x443: {  	v42 =	vperm.xlane v15, v3;
	v9 =	vadd.f32 v63, v38;
	v12 =	vadd.f32 v33, v39  }
0x444: {  	v52 =	vperm.xlane v25, v3;
	v43 =	vperm.xlane v10, v3;
	v18 =	vadd.f32 v19, v40  }
0x445: {  	v48 =	vperm.xlane v5, v3;
	v47 =	vadd.f32 v15, v42;
	v9 =	vsel vm1, v9, v12  }
0x446: {  	v49 =	vperm.xlane v0, v3;
	v10 =	vadd.f32 v10, v43;
	v9 =	vsel vm0, v9, v18  }
0x447: {  	v50 =	vperm.xlane v7, v3;
	v5 =	vadd.f32 v5, v48;
	v9 =	vsel vm4, v9, v47  }
0x448: {  	v51 =	vperm.xlane v24, v3;
	v0 =	vadd.f32 v0, v49;
	v9 =	vsel vm5, v9, v10  }
0x449: {  	v53 =	vperm.xlane v59, v3;
	v7 =	vadd.f32 v7, v50;
	v5 =	vsel vm6, v9, v5  }
0x44a: {  	v55 =	vperm.xlane v60, v3;
	v0 =	vsel vm7, v5, v0;
	v5 =	vadd.f32 v24, v51  }
0x44b: {  	v58 =	vperm.xlane v16, v3;
	v54 =	vadd.f32 v25, v52;
	v0 =	vsel vm8, v0, v7  }
0x44c: {  	v1 =	vadd.f32 v1, v34;
	v0 =	vsel vm9, v0, v5;
	v5 =	vadd.f32 v59, v53  }
0x44d: {  	v59 =	vadd.f32 v60, v55;
	v60 =	vperm.xlane v17, v3;
	v0 =	vsel vm10, v0, v54  }
0x44e: {  	v61 =	vadd.f32 v11, v41;
	v0 =	vsel vm11, v0, v5;
	v5 =	vadd.f32 v16, v58  }
0x44f: {  	v62 =	vadd.f32 v13, v44;
	v9 =	vadd.f32 v17, v60;
	v0 =	vsel vm12, v0, v59  }
0x450: {  	s8 =	sadd.s32 $0x1, s8;
	v8 =	vadd.f32 v8, v37;
	v0 =	vsel vm13, v0, v5;
	v5 =	vadd.f32 v6, v36  }
0x451: {  	p0 =	sne.s32 s8, $0x20;
	vm0 =	vcmask $0x310;
	v63 =	vnsel vm1, $0x0, v9;
	v0 =	vsel vm14, v0, v61  }
.Ltmp10:
0x452: {  	v4 =	vadd.f32 v4, v35;
	v0 =	vsel vm15, v0, v5;
	v5 =	vsel vm0, v63, v62;
	(pc) =	sbr.rel @p0 .LBB2_18-.Ltmp10, $4  }
0x453: {  	vm0 =	vmmov vm2;
	v0 =	vsel vm2, v0, v1;
	vm2 =	vcmask $0x710  }
0x454: {  	v1 =	vsel vm2, v5, v8;
	vm2 =	vcmask $0xB10  }
0x455: {  	[tilespmem:v45+s0+$0x0] =	vst.idx.msk $0xffff, v0;
	v1 =	vsel vm2, v1, v4  }
0x456: {  	s14 =	sadd.s32 $0x800, s14;
	s23 =	sadd.s32 $0x140, s23;
	s7 =	sadd.s32 $0x800, s7;
	v0 =	vlaneseq.u32;
	[tilespmem:v46+s0+$0x0] =	vst.idx.msk $0xf, v1  }
0x457: {  	s6 =	rddreg [dreg:$0x8]  }
0x458: {  	[hbm4b:s6+s2] =	stream.linear.scatter [tilespmem:s20], [sflag:$0x6], $0x200, $0x38;
	[tilespmem:$0x1EF40] =	vst v63  }
0x459: {  	_ =	swait.ge [sflag:s15], $0x200  }
0x45a: {  	[sflag:s15] =	ssyncset.done $0x0  }
0x45b: {  	s23 =	rddreg [dreg:$0x9];
	[sflag:s15] =	ssyncadd.s32 $0xFFFFFE00  }
0x45c: {  	[hbm4b:s23+s2] =	stream.linear.scatter [tilespmem:s0], [sflag:$0x6], $0x2800, $0x38;
	[tilespmem:$0x1EF40] =	vst v63  }
0x45d: {  	_ =	swait.ge [sflag:s15], $0x2800  }
0x45e: {  	s18 =	sadd.s32 $0x1, s18;
	s24 =	rddreg [dreg:$0xa]  }
0x45f: {  	p0 =	sne.s32 s18, s24  }
.Ltmp11:
0x460: {  	_ = 	snop;
	(pc) =	sbr.rel @p0 .LBB2_1-.Ltmp11, $3  }
0x461: {  	_ =	sdelay $0x1  }
0x462: {  	[sflag:s15] =	ssyncset.done $0x0  }
0x463: {  	[sflag:s15] =	ssyncadd.s32 $0xFFFFD800  }
0x464: {  	_ =	sfence.sel $0x180000  }
0x465: {  	[bflag:$0x0] =	sbarrier.arrive $0xFFFF  }
0x466: {  	_ =	strace $0x90000047  }
0x467: {  	s0 =	stileid.u32;
	[bflag:$0x2] =	sbarrier.arrive $0xFFFF  }
0x468: {  	p0 =	sne.s32 s0, $0x0;
	s0 =	rddreg [dreg:$0x3]  }
0x469: {  	s0 =	sadd.s32 @!p0 $0x100000, s0  }
0x46a: {  	[sflag:s0] =	ssyncadd.tile.s32 @!p0 $0x1;
	_ =	shalt  }
.Lfunc_end2:
_tile_overlayer_lowered:
.L_overlay_start_2:
0x46b: {  	(tag) =	ssettag $0x2  }
0x46c: {  	s0 =	rddreg [dreg:$0x0];
	s2 =	stileid.u32  }
0x46d: {  	s1 =	rddreg [dreg:$0x1];
	p0 =	sne.s32 s2, $0x0  }
0x46e: {  	s3 =	rddreg [dreg:$0x2];
	[bflag:$0x3] =	sbarrier.arrive $0xFFFF;
	s2 =	simm.s32 @!p0 $0x1C06  }
0x46f: {  	[timem:s3], [sflag:s2] =	dma.local @!p0 [hbm:s0], s1  }
0x470: {  	s0 =	simm.s32 @!p0 $0x6  }
0x471: {  	_ =	swait.ge @!p0 [sflag:s0], s1  }
0x472: {  	s1 =	ssub.s32 @!p0 $0x0, s1;
	[sflag:s0] =	ssyncset.done @!p0 $0x0  }
0x473: {  	[sflag:s0] =	ssyncadd.s32 @!p0 s1  }
0x474: {  	[bflag:$0x3] =	sbarrier.arrive $0xFFFF  }
0x475: {  	_ =	shalt  }

</sc_bundles>
